<compile_context>
chip_gen: v7x
topology: tpu7x:2x2x1
jax: 0.10.2.dev20260603
libtpu: 0.0.44.dev20260713+nightly
codegen_flags: <defaults>
</compile_context>

<pallas_src>
import functools

import jax
import jax.numpy as jnp
from jax import lax
from jax.experimental import pallas as pl
from jax.experimental.pallas import tpu as pltpu
from jax.experimental.pallas import tpu_sc as plsc

N = 10000
D = 128
E = 320000

NC = 2
NS = 16
NW = NC * NS
CH = 128
NCHUNK = 80
EPT = NCHUNK * CH
E2 = NW * EPT
NPAD = 10112
ZR = NPAD // NS
ZH = 8


def _agg_body(h_hbm, ed_hbm, w_hbm, out_hbm,
              ed0, ed1, dst_s0, dst_s1, rows0, rows1, w_full, zbuf_v, agg_sh,
              gsem0, gsem1, isem0, isem1, ssem0, ssem1):
    cid = lax.axis_index("c")
    sid = lax.axis_index("s")
    wid = cid * NS + sid
    ed = (ed0, ed1)
    dst_s = (dst_s0, dst_s1)
    rows = (rows0, rows1)
    gsem = (gsem0, gsem1)
    isem = (isem0, isem1)
    ssem = (ssem0, ssem1)

    for r in range(ZH):
        for c in range(D // 16):
            zbuf_v[r, pl.ds(c * 16, 16)] = jnp.zeros((16,), jnp.float32)

    def _zcopy(k, _):
        pltpu.sync_copy(zbuf_v, agg_sh.at[pl.ds(sid * ZR + k * ZH, ZH)])
        return 0
    lax.fori_loop(0, ZR // ZH, _zcopy, 0)

    pltpu.sync_copy(w_hbm.at[wid], w_full)

    def fetch_idx(j, b):
        pltpu.async_copy(ed_hbm.at[wid * NCHUNK + j], ed[b], isem[b])

    def wait_idx(b):
        pltpu.make_async_copy(ed_hbm.at[0], ed[b], isem[b]).wait()

    def start_gather(b):
        pltpu.async_copy(h_hbm.at[ed[b].at[0]], rows[b], gsem[b])

    def wait_gather(b):
        pltpu.make_async_copy(h_hbm.at[ed[b].at[0]], rows[b], gsem[b]).wait()

    def start_scatter(b):
        pltpu.async_copy(rows[b], agg_sh.at[dst_s[b]], ssem[b], add=True)

    def wait_scatter(b):
        pltpu.make_async_copy(rows[b], agg_sh.at[dst_s[b]], ssem[b]).wait()

    plsc.subcore_barrier()

    fetch_idx(0, 0)
    wait_idx(0)
    start_gather(0)
    fetch_idx(1, 1)

    def _pair(i, _):
        for b in (0, 1):
            j = 2 * i + b
            o = 1 - b
            wait_gather(b)

            @pl.when(j < NCHUNK - 1)
            def _():
                wait_idx(o)

                @pl.when(j >= 1)
                def _():
                    wait_scatter(o)
                start_gather(o)

            for c in range(CH // 16):
                sl = pl.ds(c * 16, 16)
                dst_s[b][sl] = ed[b][1, sl]

            def _grp(g, _):
                wvec = w_full[j, pl.ds(g * 16, 16)]
                for e16 in range(16):
                    w = wvec[e16]
                    e = g * 16 + e16
                    for r in range(D // 16):
                        sl = pl.ds(r * 16, 16)
                        rows[b][e, sl] = rows[b][e, sl] * w
                return 0
            lax.fori_loop(0, CH // 16, _grp, 0)

            @pl.when(j < NCHUNK - 2)
            def _():
                fetch_idx(j + 2, b)

            start_scatter(b)
        return 0
    lax.fori_loop(0, NCHUNK // 2, _pair, 0)

    wait_scatter(0)
    wait_scatter(1)

    plsc.subcore_barrier()

    pltpu.sync_copy(agg_sh.at[pl.ds(sid * ZR, ZR)],
                    out_hbm.at[cid, pl.ds(sid * ZR, ZR)])


@jax.jit
def _agg(h, edata, wmat):
    mesh = plsc.VectorSubcoreMesh(core_axis_name="c", subcore_axis_name="s")
    return pl.kernel(
        _agg_body,
        out_type=jax.ShapeDtypeStruct((NC, NPAD, D), jnp.float32),
        mesh=mesh,
        scratch_types=[
            pltpu.VMEM((2, CH), jnp.int32),
            pltpu.VMEM((2, CH), jnp.int32),
            pltpu.VMEM((CH,), jnp.int32),
            pltpu.VMEM((CH,), jnp.int32),
            pltpu.VMEM((CH, D), jnp.float32),
            pltpu.VMEM((CH, D), jnp.float32),
            pltpu.VMEM((NCHUNK, CH), jnp.float32),
            pltpu.VMEM((ZH, D), jnp.float32),
            pltpu.VMEM_SHARED((NPAD, D), jnp.float32),
            pltpu.SemaphoreType.DMA,
            pltpu.SemaphoreType.DMA,
            pltpu.SemaphoreType.DMA,
            pltpu.SemaphoreType.DMA,
            pltpu.SemaphoreType.DMA,
            pltpu.SemaphoreType.DMA,
        ],
    )(h, edata, wmat)


def _mlp_body(h_ref, agg_ref, eps_ref, W1_ref, b1_ref, W2_ref, b2_ref,
              g1_ref, B1_ref, g2_ref, B2_ref, out_ref):
    h = h_ref[...]
    agg = agg_ref[0, :N, :] + agg_ref[1, :N, :]
    hp = (1.0 + eps_ref[0, 0]) * h + agg
    y = jnp.dot(hp, W1_ref[...], preferred_element_type=jnp.float32) + b1_ref[...]
    m = jnp.mean(y, axis=0, keepdims=True)
    v = jnp.mean((y - m) ** 2, axis=0, keepdims=True)
    y = g1_ref[...] * (y - m) * lax.rsqrt(v + 1e-5) + B1_ref[...]
    y = jnp.maximum(y, 0.0)
    y = jnp.dot(y, W2_ref[...], preferred_element_type=jnp.float32) + b2_ref[...]
    m = jnp.mean(y, axis=0, keepdims=True)
    v = jnp.mean((y - m) ** 2, axis=0, keepdims=True)
    y = g2_ref[...] * (y - m) * lax.rsqrt(v + 1e-5) + B2_ref[...]
    out_ref[...] = jnp.maximum(y, 0.0)


@jax.jit
def _mlp(h, agg, eps_l, W1, b1, W2, b2, g1, B1, g2, B2):
    vmem = pl.BlockSpec(memory_space=pltpu.VMEM)
    return pl.pallas_call(
        _mlp_body,
        out_shape=jax.ShapeDtypeStruct((N, D), jnp.float32),
        in_specs=[vmem, vmem, pl.BlockSpec(memory_space=pltpu.SMEM)] + [vmem] * 8,
        out_specs=vmem,
    )(h, agg, eps_l, W1, b1, W2, b2, g1, B1, g2, B2)


def kernel(x, edge_index, edge_weight, eps,
           W1_0, b1_0, W2_0, b2_0, bnm_g_0, bnm_b_0, bn_g_0, bn_b_0,
           W1_1, b1_1, W2_1, b2_1, bnm_g_1, bnm_b_1, bn_g_1, bn_b_1):
    pad = E2 - E
    src = jnp.concatenate([edge_index[0], jnp.zeros((pad,), jnp.int32)])
    dst = jnp.concatenate([edge_index[1], jnp.zeros((pad,), jnp.int32)])
    w = jnp.concatenate([edge_weight, jnp.zeros((pad,), jnp.float32)])
    edata = jnp.stack([src.reshape(NW * NCHUNK, CH),
                       dst.reshape(NW * NCHUNK, CH)], axis=1)
    wmat = w.reshape(NW, NCHUNK, CH)
    layers = [
        (W1_0, b1_0, W2_0, b2_0, bnm_g_0, bnm_b_0, bn_g_0, bn_b_0),
        (W1_1, b1_1, W2_1, b2_1, bnm_g_1, bnm_b_1, bn_g_1, bn_b_1),
    ]
    h = x
    for l in range(2):
        W1, b1, W2, b2, g1, B1, g2, B2 = layers[l]
        agg = _agg(h, edata, wmat)
        h = _mlp(h, agg, eps[l].reshape(1, 1),
                 W1, b1.reshape(1, D), W2, b2.reshape(1, D),
                 g1.reshape(1, D), B1.reshape(1, D),
                 g2.reshape(1, D), B2.reshape(1, D))
    return h

# --- scband reference (transcript-rebuilt; emitter-appended) ---
"""Pipeline reference for scband-gin-2997887173234 (READ-ONLY COPY).

The authoritative reference and input builder live on the scoring server;
editing this copy changes nothing except your own understanding.
"""

import jax, jax.numpy as jnp
import numpy as np

N = 10000
E = 320000
D = 128
H = 128
NUM_GIN_LAYERS = 2  # num_layers - 1


def _bn(h, g, b):
    mean = jnp.mean(h, axis=0)
    var = jnp.var(h, axis=0)
    return g * (h - mean) / jnp.sqrt(var + 1e-5) + b


def setup_inputs(seed: int = 0) -> dict:
    key = jax.random.key(seed)
    ks = jax.random.split(key, 24)
    inp = {}
    inp['x'] = jax.random.normal(ks[0], (N, D), dtype=jnp.float32)
    inp['edge_index'] = jax.random.randint(ks[1], (2, E), 0, N, dtype=jnp.int32)
    inp['edge_weight'] = jax.random.uniform(ks[2], (E,), dtype=jnp.float32)
    inp['eps'] = jnp.zeros((NUM_GIN_LAYERS,), dtype=jnp.float32)
    ki = 3
    for l in range(NUM_GIN_LAYERS):
        in_dim = D if l == 0 else H
        inp[f'W1_{l}'] = jax.random.normal(ks[ki], (in_dim, H), dtype=jnp.float32) * 0.05; ki += 1
        inp[f'b1_{l}'] = jnp.zeros((H,), dtype=jnp.float32)
        inp[f'W2_{l}'] = jax.random.normal(ks[ki], (H, H), dtype=jnp.float32) * 0.05; ki += 1
        inp[f'b2_{l}'] = jnp.zeros((H,), dtype=jnp.float32)
        inp[f'bnm_g_{l}'] = jnp.ones((H,), dtype=jnp.float32)
        inp[f'bnm_b_{l}'] = jnp.zeros((H,), dtype=jnp.float32)
        inp[f'bn_g_{l}'] = jnp.ones((H,), dtype=jnp.float32)
        inp[f'bn_b_{l}'] = jnp.zeros((H,), dtype=jnp.float32)
    return inp


def reference(x, edge_index, edge_weight, eps,
              W1_0, b1_0, W2_0, b2_0, bnm_g_0, bnm_b_0, bn_g_0, bn_b_0,
              W1_1, b1_1, W2_1, b2_1, bnm_g_1, bnm_b_1, bn_g_1, bn_b_1):
    src = edge_index[0]
    dst = edge_index[1]
    layers = [
        (W1_0, b1_0, W2_0, b2_0, bnm_g_0, bnm_b_0, bn_g_0, bn_b_0),
        (W1_1, b1_1, W2_1, b2_1, bnm_g_1, bnm_b_1, bn_g_1, bn_b_1),
    ]
    h = x
    for l in range(NUM_GIN_LAYERS):
        W1, b1, W2, b2, bnm_g, bnm_b, bn_g, bn_b = layers[l]
        # message: w * h_src ; reduce: sum over incoming edges
        msg = h[src] * edge_weight[:, None]
        agg = jax.ops.segment_sum(msg, dst, num_segments=N)
        # self_eps_aggregate (learn_eps=True)
        h = (1.0 + eps[l]) * h + agg
        # MLP (num_mlp_layers=2): Linear -> BN -> ReLU -> Linear
        h = h @ W1 + b1
        h = _bn(h, bnm_g, bnm_b)
        h = jax.nn.relu(h)
        h = h @ W2 + b2
        # outer batch norm + relu
        h = _bn(h, bn_g, bn_b)
        h = jax.nn.relu(h)
    return h

if __name__ == "__main__":
    import jax
    _d = setup_inputs()
    print(jax.jit(kernel)(*tuple(_d.values())))

</pallas_src>

<mosaic_0001>
#map = affine_map<(d0, d1) -> (0, 0)>
#map1 = affine_map<(d0, d1) -> (0, 0, 0)>
module attributes {stable_mosaic.version = 14 : i64} {
  func.func @_agg_body(%arg0: i32, %arg1: i32, %arg2: memref<10000x128xf32, #tpu.memory_space<hbm>>, %arg3: memref<2560x2x128xi32, #tpu.memory_space<hbm>>, %arg4: memref<32x80x128xf32, #tpu.memory_space<hbm>>, %arg5: memref<2x10112x128xf32, #tpu.memory_space<hbm>>, %arg6: memref<2x128xi32, #tpu.memory_space<vmem>>, %arg7: memref<2x128xi32, #tpu.memory_space<vmem>>, %arg8: memref<128xi32, #tpu.memory_space<vmem>>, %arg9: memref<128xi32, #tpu.memory_space<vmem>>, %arg10: memref<128x128xf32, #tpu.memory_space<vmem>>, %arg11: memref<128x128xf32, #tpu.memory_space<vmem>>, %arg12: memref<80x128xf32, #tpu.memory_space<vmem>>, %arg13: memref<8x128xf32, #tpu.memory_space<vmem>>, %arg14: memref<10112x128xf32, #tpu.memory_space<vmem_shared>>, %arg15: memref<!tpu.dma_semaphore, #tpu.memory_space<semaphore_mem>>, %arg16: memref<!tpu.dma_semaphore, #tpu.memory_space<semaphore_mem>>, %arg17: memref<!tpu.dma_semaphore, #tpu.memory_space<semaphore_mem>>, %arg18: memref<!tpu.dma_semaphore, #tpu.memory_space<semaphore_mem>>, %arg19: memref<!tpu.dma_semaphore, #tpu.memory_space<semaphore_mem>>, %arg20: memref<!tpu.dma_semaphore, #tpu.memory_space<semaphore_mem>>) attributes {dimension_semantics = [#tpu.dimension_semantics<core_parallel>, #tpu.dimension_semantics<subcore_parallel>], iteration_bounds = array<i64: 2, 16>, scalar_prefetch = 0 : i64, scratch_operands = 15 : i64, tpu.core_type = #tpu.core_type<sc_vector_subcore>, window_params = [{transform_indices = #map}, {transform_indices = #map1}, {transform_indices = #map1}, {transform_indices = #map1}]} {
    %mul3A = arith.constant 16 : i32
    %mul3A_0 = arith.muli %arg0, %mul3A : i32
    %add3A = arith.addi %mul3A_0, %arg1 : i32
    %broadcast_in_dim3A = arith.constant 0.000000e+00 : f32
    %broadcast_in_dim3A_1 = vector.broadcast %broadcast_in_dim3A : f32 to vector<16xf32>
    %swap3A = arith.constant 0 : i32
    %swap3A_2 = arith.index_cast %swap3A : i32 to index
    %swap3A_3 = arith.constant 0 : index
    %swap3A_4 = tpu.vector_load %arg13[%swap3A_2, %swap3A_3] {strides = array<i32>} : memref<8x128xf32, #tpu.memory_space<vmem>>, vector<1x16xf32>,
    %swap3A_5 = vector.shape_cast %swap3A_4 : vector<1x16xf32> to vector<16xf32>
    %swap3A_6 = vector.shape_cast %broadcast_in_dim3A_1 : vector<16xf32> to vector<1x16xf32>
    tpu.vector_store %arg13[%swap3A_2, %swap3A_3], %swap3A_6 {strides = array<i32>} : memref<8x128xf32, #tpu.memory_space<vmem>>, vector<1x16xf32>,
    %broadcast_in_dim3A_7 = arith.constant 0.000000e+00 : f32
    %broadcast_in_dim3A_8 = vector.broadcast %broadcast_in_dim3A_7 : f32 to vector<16xf32>
    %swap3A_9 = arith.constant 0 : i32
    %swap3A_10 = arith.index_cast %swap3A_9 : i32 to index
    %swap3A_11 = arith.constant 16 : index
    %swap3A_12 = tpu.vector_load %arg13[%swap3A_10, %swap3A_11] {strides = array<i32>} : memref<8x128xf32, #tpu.memory_space<vmem>>, vector<1x16xf32>,
    %swap3A_13 = vector.shape_cast %swap3A_12 : vector<1x16xf32> to vector<16xf32>
    %swap3A_14 = vector.shape_cast %broadcast_in_dim3A_8 : vector<16xf32> to vector<1x16xf32>
    tpu.vector_store %arg13[%swap3A_10, %swap3A_11], %swap3A_14 {strides = array<i32>} : memref<8x128xf32, #tpu.memory_space<vmem>>, vector<1x16xf32>,
    %broadcast_in_dim3A_15 = arith.constant 0.000000e+00 : f32
    %broadcast_in_dim3A_16 = vector.broadcast %broadcast_in_dim3A_15 : f32 to vector<16xf32>
    %swap3A_17 = arith.constant 0 : i32
    %swap3A_18 = arith.index_cast %swap3A_17 : i32 to index
    %swap3A_19 = arith.constant 32 : index
    %swap3A_20 = tpu.vector_load %arg13[%swap3A_18, %swap3A_19] {strides = array<i32>} : memref<8x128xf32, #tpu.memory_space<vmem>>, vector<1x16xf32>,
    %swap3A_21 = vector.shape_cast %swap3A_20 : vector<1x16xf32> to vector<16xf32>
    %swap3A_22 = vector.shape_cast %broadcast_in_dim3A_16 : vector<16xf32> to vector<1x16xf32>
    tpu.vector_store %arg13[%swap3A_18, %swap3A_19], %swap3A_22 {strides = array<i32>} : memref<8x128xf32, #tpu.memory_space<vmem>>, vector<1x16xf32>,
    %broadcast_in_dim3A_23 = arith.constant 0.000000e+00 : f32
    %broadcast_in_dim3A_24 = vector.broadcast %broadcast_in_dim3A_23 : f32 to vector<16xf32>
    %swap3A_25 = arith.constant 0 : i32
    %swap3A_26 = arith.index_cast %swap3A_25 : i32 to index
    %swap3A_27 = arith.constant 48 : index
    %swap3A_28 = tpu.vector_load %arg13[%swap3A_26, %swap3A_27] {strides = array<i32>} : memref<8x128xf32, #tpu.memory_space<vmem>>, vector<1x16xf32>,
    %swap3A_29 = vector.shape_cast %swap3A_28 : vector<1x16xf32> to vector<16xf32>
    %swap3A_30 = vector.shape_cast %broadcast_in_dim3A_24 : vector<16xf32> to vector<1x16xf32>
    tpu.vector_store %arg13[%swap3A_26, %swap3A_27], %swap3A_30 {strides = array<i32>} : memref<8x128xf32, #tpu.memory_space<vmem>>, vector<1x16xf32>,
    %broadcast_in_dim3A_31 = arith.constant 0.000000e+00 : f32
    %broadcast_in_dim3A_32 = vector.broadcast %broadcast_in_dim3A_31 : f32 to vector<16xf32>
    %swap3A_33 = arith.constant 0 : i32
    %swap3A_34 = arith.index_cast %swap3A_33 : i32 to index
    %swap3A_35 = arith.constant 64 : index
    %swap3A_36 = tpu.vector_load %arg13[%swap3A_34, %swap3A_35] {strides = array<i32>} : memref<8x128xf32, #tpu.memory_space<vmem>>, vector<1x16xf32>,
    %swap3A_37 = vector.shape_cast %swap3A_36 : vector<1x16xf32> to vector<16xf32>
    %swap3A_38 = vector.shape_cast %broadcast_in_dim3A_32 : vector<16xf32> to vector<1x16xf32>
    tpu.vector_store %arg13[%swap3A_34, %swap3A_35], %swap3A_38 {strides = array<i32>} : memref<8x128xf32, #tpu.memory_space<vmem>>, vector<1x16xf32>,
    %broadcast_in_dim3A_39 = arith.constant 0.000000e+00 : f32
    %broadcast_in_dim3A_40 = vector.broadcast %broadcast_in_dim3A_39 : f32 to vector<16xf32>
    %swap3A_41 = arith.constant 0 : i32
    %swap3A_42 = arith.index_cast %swap3A_41 : i32 to index
    %swap3A_43 = arith.constant 80 : index
    %swap3A_44 = tpu.vector_load %arg13[%swap3A_42, %swap3A_43] {strides = array<i32>} : memref<8x128xf32, #tpu.memory_space<vmem>>, vector<1x16xf32>,
    %swap3A_45 = vector.shape_cast %swap3A_44 : vector<1x16xf32> to vector<16xf32>
    %swap3A_46 = vector.shape_cast %broadcast_in_dim3A_40 : vector<16xf32> to vector<1x16xf32>
    tpu.vector_store %arg13[%swap3A_42, %swap3A_43], %swap3A_46 {strides = array<i32>} : memref<8x128xf32, #tpu.memory_space<vmem>>, vector<1x16xf32>,
    %broadcast_in_dim3A_47 = arith.constant 0.000000e+00 : f32
    %broadcast_in_dim3A_48 = vector.broadcast %broadcast_in_dim3A_47 : f32 to vector<16xf32>
    %swap3A_49 = arith.constant 0 : i32
    %swap3A_50 = arith.index_cast %swap3A_49 : i32 to index
    %swap3A_51 = arith.constant 96 : index
    %swap3A_52 = tpu.vector_load %arg13[%swap3A_50, %swap3A_51] {strides = array<i32>} : memref<8x128xf32, #tpu.memory_space<vmem>>, vector<1x16xf32>,
    %swap3A_53 = vector.shape_cast %swap3A_52 : vector<1x16xf32> to vector<16xf32>
    %swap3A_54 = vector.shape_cast %broadcast_in_dim3A_48 : vector<16xf32> to vector<1x16xf32>
    tpu.vector_store %arg13[%swap3A_50, %swap3A_51], %swap3A_54 {strides = array<i32>} : memref<8x128xf32, #tpu.memory_space<vmem>>, vector<1x16xf32>,
    %broadcast_in_dim3A_55 = arith.constant 0.000000e+00 : f32
    %broadcast_in_dim3A_56 = vector.broadcast %broadcast_in_dim3A_55 : f32 to vector<16xf32>
    %swap3A_57 = arith.constant 0 : i32
    %swap3A_58 = arith.index_cast %swap3A_57 : i32 to index
    %swap3A_59 = arith.constant 112 : index
    %swap3A_60 = tpu.vector_load %arg13[%swap3A_58, %swap3A_59] {strides = array<i32>} : memref<8x128xf32, #tpu.memory_space<vmem>>, vector<1x16xf32>,
    %swap3A_61 = vector.shape_cast %swap3A_60 : vector<1x16xf32> to vector<16xf32>
    %swap3A_62 = vector.shape_cast %broadcast_in_dim3A_56 : vector<16xf32> to vector<1x16xf32>
    tpu.vector_store %arg13[%swap3A_58, %swap3A_59], %swap3A_62 {strides = array<i32>} : memref<8x128xf32, #tpu.memory_space<vmem>>, vector<1x16xf32>,
    %broadcast_in_dim3A_63 = arith.constant 0.000000e+00 : f32
    %broadcast_in_dim3A_64 = vector.broadcast %broadcast_in_dim3A_63 : f32 to vector<16xf32>
    %swap3A_65 = arith.constant 1 : i32
    %swap3A_66 = arith.index_cast %swap3A_65 : i32 to index
    %swap3A_67 = arith.constant 0 : index
    %swap3A_68 = tpu.vector_load %arg13[%swap3A_66, %swap3A_67] {strides = array<i32>} : memref<8x128xf32, #tpu.memory_space<vmem>>, vector<1x16xf32>,
    %swap3A_69 = vector.shape_cast %swap3A_68 : vector<1x16xf32> to vector<16xf32>
    %swap3A_70 = vector.shape_cast %broadcast_in_dim3A_64 : vector<16xf32> to vector<1x16xf32>
    tpu.vector_store %arg13[%swap3A_66, %swap3A_67], %swap3A_70 {strides = array<i32>} : memref<8x128xf32, #tpu.memory_space<vmem>>, vector<1x16xf32>,
    %broadcast_in_dim3A_71 = arith.constant 0.000000e+00 : f32
    %broadcast_in_dim3A_72 = vector.broadcast %broadcast_in_dim3A_71 : f32 to vector<16xf32>
    %swap3A_73 = arith.constant 1 : i32
    %swap3A_74 = arith.index_cast %swap3A_73 : i32 to index
    %swap3A_75 = arith.constant 16 : index
    %swap3A_76 = tpu.vector_load %arg13[%swap3A_74, %swap3A_75] {strides = array<i32>} : memref<8x128xf32, #tpu.memory_space<vmem>>, vector<1x16xf32>,
    %swap3A_77 = vector.shape_cast %swap3A_76 : vector<1x16xf32> to vector<16xf32>
    %swap3A_78 = vector.shape_cast %broadcast_in_dim3A_72 : vector<16xf32> to vector<1x16xf32>
    tpu.vector_store %arg13[%swap3A_74, %swap3A_75], %swap3A_78 {strides = array<i32>} : memref<8x128xf32, #tpu.memory_space<vmem>>, vector<1x16xf32>,
    %broadcast_in_dim3A_79 = arith.constant 0.000000e+00 : f32
    %broadcast_in_dim3A_80 = vector.broadcast %broadcast_in_dim3A_79 : f32 to vector<16xf32>
    %swap3A_81 = arith.constant 1 : i32
    %swap3A_82 = arith.index_cast %swap3A_81 : i32 to index
    %swap3A_83 = arith.constant 32 : index
    %swap3A_84 = tpu.vector_load %arg13[%swap3A_82, %swap3A_83] {strides = array<i32>} : memref<8x128xf32, #tpu.memory_space<vmem>>, vector<1x16xf32>,
    %swap3A_85 = vector.shape_cast %swap3A_84 : vector<1x16xf32> to vector<16xf32>
    %swap3A_86 = vector.shape_cast %broadcast_in_dim3A_80 : vector<16xf32> to vector<1x16xf32>
    tpu.vector_store %arg13[%swap3A_82, %swap3A_83], %swap3A_86 {strides = array<i32>} : memref<8x128xf32, #tpu.memory_space<vmem>>, vector<1x16xf32>,
    %broadcast_in_dim3A_87 = arith.constant 0.000000e+00 : f32
    %broadcast_in_dim3A_88 = vector.broadcast %broadcast_in_dim3A_87 : f32 to vector<16xf32>
    %swap3A_89 = arith.constant 1 : i32
    %swap3A_90 = arith.index_cast %swap3A_89 : i32 to index
    %swap3A_91 = arith.constant 48 : index
    %swap3A_92 = tpu.vector_load %arg13[%swap3A_90, %swap3A_91] {strides = array<i32>} : memref<8x128xf32, #tpu.memory_space<vmem>>, vector<1x16xf32>,
    %swap3A_93 = vector.shape_cast %swap3A_92 : vector<1x16xf32> to vector<16xf32>
    %swap3A_94 = vector.shape_cast %broadcast_in_dim3A_88 : vector<16xf32> to vector<1x16xf32>
    tpu.vector_store %arg13[%swap3A_90, %swap3A_91], %swap3A_94 {strides = array<i32>} : memref<8x128xf32, #tpu.memory_space<vmem>>, vector<1x16xf32>,
    %broadcast_in_dim3A_95 = arith.constant 0.000000e+00 : f32
    %broadcast_in_dim3A_96 = vector.broadcast %broadcast_in_dim3A_95 : f32 to vector<16xf32>
    %swap3A_97 = arith.constant 1 : i32
    %swap3A_98 = arith.index_cast %swap3A_97 : i32 to index
    %swap3A_99 = arith.constant 64 : index
    %swap3A_100 = tpu.vector_load %arg13[%swap3A_98, %swap3A_99] {strides = array<i32>} : memref<8x128xf32, #tpu.memory_space<vmem>>, vector<1x16xf32>,
    %swap3A_101 = vector.shape_cast %swap3A_100 : vector<1x16xf32> to vector<16xf32>
    %swap3A_102 = vector.shape_cast %broadcast_in_dim3A_96 : vector<16xf32> to vector<1x16xf32>
    tpu.vector_store %arg13[%swap3A_98, %swap3A_99], %swap3A_102 {strides = array<i32>} : memref<8x128xf32, #tpu.memory_space<vmem>>, vector<1x16xf32>,
    %broadcast_in_dim3A_103 = arith.constant 0.000000e+00 : f32
    %broadcast_in_dim3A_104 = vector.broadcast %broadcast_in_dim3A_103 : f32 to vector<16xf32>
    %swap3A_105 = arith.constant 1 : i32
    %swap3A_106 = arith.index_cast %swap3A_105 : i32 to index
    %swap3A_107 = arith.constant 80 : index
    %swap3A_108 = tpu.vector_load %arg13[%swap3A_106, %swap3A_107] {strides = array<i32>} : memref<8x128xf32, #tpu.memory_space<vmem>>, vector<1x16xf32>,
    %swap3A_109 = vector.shape_cast %swap3A_108 : vector<1x16xf32> to vector<16xf32>
    %swap3A_110 = vector.shape_cast %broadcast_in_dim3A_104 : vector<16xf32> to vector<1x16xf32>
    tpu.vector_store %arg13[%swap3A_106, %swap3A_107], %swap3A_110 {strides = array<i32>} : memref<8x128xf32, #tpu.memory_space<vmem>>, vector<1x16xf32>,
    %broadcast_in_dim3A_111 = arith.constant 0.000000e+00 : f32
    %broadcast_in_dim3A_112 = vector.broadcast %broadcast_in_dim3A_111 : f32 to vector<16xf32>
    %swap3A_113 = arith.constant 1 : i32
    %swap3A_114 = arith.index_cast %swap3A_113 : i32 to index
    %swap3A_115 = arith.constant 96 : index
    %swap3A_116 = tpu.vector_load %arg13[%swap3A_114, %swap3A_115] {strides = array<i32>} : memref<8x128xf32, #tpu.memory_space<vmem>>, vector<1x16xf32>,
    %swap3A_117 = vector.shape_cast %swap3A_116 : vector<1x16xf32> to vector<16xf32>
    %swap3A_118 = vector.shape_cast %broadcast_in_dim3A_112 : vector<16xf32> to vector<1x16xf32>
    tpu.vector_store %arg13[%swap3A_114, %swap3A_115], %swap3A_118 {strides = array<i32>} : memref<8x128xf32, #tpu.memory_space<vmem>>, vector<1x16xf32>,
    %broadcast_in_dim3A_119 = arith.constant 0.000000e+00 : f32
    %broadcast_in_dim3A_120 = vector.broadcast %broadcast_in_dim3A_119 : f32 to vector<16xf32>
    %swap3A_121 = arith.constant 1 : i32
    %swap3A_122 = arith.index_cast %swap3A_121 : i32 to index
    %swap3A_123 = arith.constant 112 : index
    %swap3A_124 = tpu.vector_load %arg13[%swap3A_122, %swap3A_123] {strides = array<i32>} : memref<8x128xf32, #tpu.memory_space<vmem>>, vector<1x16xf32>,
    %swap3A_125 = vector.shape_cast %swap3A_124 : vector<1x16xf32> to vector<16xf32>
    %swap3A_126 = vector.shape_cast %broadcast_in_dim3A_120 : vector<16xf32> to vector<1x16xf32>
    tpu.vector_store %arg13[%swap3A_122, %swap3A_123], %swap3A_126 {strides = array<i32>} : memref<8x128xf32, #tpu.memory_space<vmem>>, vector<1x16xf32>,
    %broadcast_in_dim3A_127 = arith.constant 0.000000e+00 : f32
    %broadcast_in_dim3A_128 = vector.broadcast %broadcast_in_dim3A_127 : f32 to vector<16xf32>
    %swap3A_129 = arith.constant 2 : i32
    %swap3A_130 = arith.index_cast %swap3A_129 : i32 to index
    %swap3A_131 = arith.constant 0 : index
    %swap3A_132 = tpu.vector_load %arg13[%swap3A_130, %swap3A_131] {strides = array<i32>} : memref<8x128xf32, #tpu.memory_space<vmem>>, vector<1x16xf32>,
    %swap3A_133 = vector.shape_cast %swap3A_132 : vector<1x16xf32> to vector<16xf32>
    %swap3A_134 = vector.shape_cast %broadcast_in_dim3A_128 : vector<16xf32> to vector<1x16xf32>
    tpu.vector_store %arg13[%swap3A_130, %swap3A_131], %swap3A_134 {strides = array<i32>} : memref<8x128xf32, #tpu.memory_space<vmem>>, vector<1x16xf32>,
    %broadcast_in_dim3A_135 = arith.constant 0.000000e+00 : f32
    %broadcast_in_dim3A_136 = vector.broadcast %broadcast_in_dim3A_135 : f32 to vector<16xf32>
    %swap3A_137 = arith.constant 2 : i32
    %swap3A_138 = arith.index_cast %swap3A_137 : i32 to index
    %swap3A_139 = arith.constant 16 : index
    %swap3A_140 = tpu.vector_load %arg13[%swap3A_138, %swap3A_139] {strides = array<i32>} : memref<8x128xf32, #tpu.memory_space<vmem>>, vector<1x16xf32>,
    %swap3A_141 = vector.shape_cast %swap3A_140 : vector<1x16xf32> to vector<16xf32>
    %swap3A_142 = vector.shape_cast %broadcast_in_dim3A_136 : vector<16xf32> to vector<1x16xf32>
    tpu.vector_store %arg13[%swap3A_138, %swap3A_139], %swap3A_142 {strides = array<i32>} : memref<8x128xf32, #tpu.memory_space<vmem>>, vector<1x16xf32>,
    %broadcast_in_dim3A_143 = arith.constant 0.000000e+00 : f32
    %broadcast_in_dim3A_144 = vector.broadcast %broadcast_in_dim3A_143 : f32 to vector<16xf32>
    %swap3A_145 = arith.constant 2 : i32
    %swap3A_146 = arith.index_cast %swap3A_145 : i32 to index
    %swap3A_147 = arith.constant 32 : index
    %swap3A_148 = tpu.vector_load %arg13[%swap3A_146, %swap3A_147] {strides = array<i32>} : memref<8x128xf32, #tpu.memory_space<vmem>>, vector<1x16xf32>,
    %swap3A_149 = vector.shape_cast %swap3A_148 : vector<1x16xf32> to vector<16xf32>
    %swap3A_150 = vector.shape_cast %broadcast_in_dim3A_144 : vector<16xf32> to vector<1x16xf32>
    tpu.vector_store %arg13[%swap3A_146, %swap3A_147], %swap3A_150 {strides = array<i32>} : memref<8x128xf32, #tpu.memory_space<vmem>>, vector<1x16xf32>,
    %broadcast_in_dim3A_151 = arith.constant 0.000000e+00 : f32
    %broadcast_in_dim3A_152 = vector.broadcast %broadcast_in_dim3A_151 : f32 to vector<16xf32>
    %swap3A_153 = arith.constant 2 : i32
    %swap3A_154 = arith.index_cast %swap3A_153 : i32 to index
    %swap3A_155 = arith.constant 48 : index
    %swap3A_156 = tpu.vector_load %arg13[%swap3A_154, %swap3A_155] {strides = array<i32>} : memref<8x128xf32, #tpu.memory_space<vmem>>, vector<1x16xf32>,
    %swap3A_157 = vector.shape_cast %swap3A_156 : vector<1x16xf32> to vector<16xf32>
    %swap3A_158 = vector.shape_cast %broadcast_in_dim3A_152 : vector<16xf32> to vector<1x16xf32>
    tpu.vector_store %arg13[%swap3A_154, %swap3A_155], %swap3A_158 {strides = array<i32>} : memref<8x128xf32, #tpu.memory_space<vmem>>, vector<1x16xf32>,
    %broadcast_in_dim3A_159 = arith.constant 0.000000e+00 : f32
    %broadcast_in_dim3A_160 = vector.broadcast %broadcast_in_dim3A_159 : f32 to vector<16xf32>
    %swap3A_161 = arith.constant 2 : i32
    %swap3A_162 = arith.index_cast %swap3A_161 : i32 to index
    %swap3A_163 = arith.constant 64 : index
    %swap3A_164 = tpu.vector_load %arg13[%swap3A_162, %swap3A_163] {strides = array<i32>} : memref<8x128xf32, #tpu.memory_space<vmem>>, vector<1x16xf32>,
    %swap3A_165 = vector.shape_cast %swap3A_164 : vector<1x16xf32> to vector<16xf32>
    %swap3A_166 = vector.shape_cast %broadcast_in_dim3A_160 : vector<16xf32> to vector<1x16xf32>
    tpu.vector_store %arg13[%swap3A_162, %swap3A_163], %swap3A_166 {strides = array<i32>} : memref<8x128xf32, #tpu.memory_space<vmem>>, vector<1x16xf32>,
    %broadcast_in_dim3A_167 = arith.constant 0.000000e+00 : f32
    %broadcast_in_dim3A_168 = vector.broadcast %broadcast_in_dim3A_167 : f32 to vector<16xf32>
    %swap3A_169 = arith.constant 2 : i32
    %swap3A_170 = arith.index_cast %swap3A_169 : i32 to index
    %swap3A_171 = arith.constant 80 : index
    %swap3A_172 = tpu.vector_load %arg13[%swap3A_170, %swap3A_171] {strides = array<i32>} : memref<8x128xf32, #tpu.memory_space<vmem>>, vector<1x16xf32>,
    %swap3A_173 = vector.shape_cast %swap3A_172 : vector<1x16xf32> to vector<16xf32>
    %swap3A_174 = vector.shape_cast %broadcast_in_dim3A_168 : vector<16xf32> to vector<1x16xf32>
    tpu.vector_store %arg13[%swap3A_170, %swap3A_171], %swap3A_174 {strides = array<i32>} : memref<8x128xf32, #tpu.memory_space<vmem>>, vector<1x16xf32>,
    %broadcast_in_dim3A_175 = arith.constant 0.000000e+00 : f32
    %broadcast_in_dim3A_176 = vector.broadcast %broadcast_in_dim3A_175 : f32 to vector<16xf32>
    %swap3A_177 = arith.constant 2 : i32
    %swap3A_178 = arith.index_cast %swap3A_177 : i32 to index
    %swap3A_179 = arith.constant 96 : index
    %swap3A_180 = tpu.vector_load %arg13[%swap3A_178, %swap3A_179] {strides = array<i32>} : memref<8x128xf32, #tpu.memory_space<vmem>>, vector<1x16xf32>,
    %swap3A_181 = vector.shape_cast %swap3A_180 : vector<1x16xf32> to vector<16xf32>
    %swap3A_182 = vector.shape_cast %broadcast_in_dim3A_176 : vector<16xf32> to vector<1x16xf32>
    tpu.vector_store %arg13[%swap3A_178, %swap3A_179], %swap3A_182 {strides = array<i32>} : memref<8x128xf32, #tpu.memory_space<vmem>>, vector<1x16xf32>,
    %broadcast_in_dim3A_183 = arith.constant 0.000000e+00 : f32
    %broadcast_in_dim3A_184 = vector.broadcast %broadcast_in_dim3A_183 : f32 to vector<16xf32>
    %swap3A_185 = arith.constant 2 : i32
    %swap3A_186 = arith.index_cast %swap3A_185 : i32 to index
    %swap3A_187 = arith.constant 112 : index
    %swap3A_188 = tpu.vector_load %arg13[%swap3A_186, %swap3A_187] {strides = array<i32>} : memref<8x128xf32, #tpu.memory_space<vmem>>, vector<1x16xf32>,
    %swap3A_189 = vector.shape_cast %swap3A_188 : vector<1x16xf32> to vector<16xf32>
    %swap3A_190 = vector.shape_cast %broadcast_in_dim3A_184 : vector<16xf32> to vector<1x16xf32>
    tpu.vector_store %arg13[%swap3A_186, %swap3A_187], %swap3A_190 {strides = array<i32>} : memref<8x128xf32, #tpu.memory_space<vmem>>, vector<1x16xf32>,
    %broadcast_in_dim3A_191 = arith.constant 0.000000e+00 : f32
    %broadcast_in_dim3A_192 = vector.broadcast %broadcast_in_dim3A_191 : f32 to vector<16xf32>
    %swap3A_193 = arith.constant 3 : i32
    %swap3A_194 = arith.index_cast %swap3A_193 : i32 to index
    %swap3A_195 = arith.constant 0 : index
    %swap3A_196 = tpu.vector_load %arg13[%swap3A_194, %swap3A_195] {strides = array<i32>} : memref<8x128xf32, #tpu.memory_space<vmem>>, vector<1x16xf32>,
    %swap3A_197 = vector.shape_cast %swap3A_196 : vector<1x16xf32> to vector<16xf32>
    %swap3A_198 = vector.shape_cast %broadcast_in_dim3A_192 : vector<16xf32> to vector<1x16xf32>
    tpu.vector_store %arg13[%swap3A_194, %swap3A_195], %swap3A_198 {strides = array<i32>} : memref<8x128xf32, #tpu.memory_space<vmem>>, vector<1x16xf32>,
    %broadcast_in_dim3A_199 = arith.constant 0.000000e+00 : f32
    %broadcast_in_dim3A_200 = vector.broadcast %broadcast_in_dim3A_199 : f32 to vector<16xf32>
    %swap3A_201 = arith.constant 3 : i32
    %swap3A_202 = arith.index_cast %swap3A_201 : i32 to index
    %swap3A_203 = arith.constant 16 : index
    %swap3A_204 = tpu.vector_load %arg13[%swap3A_202, %swap3A_203] {strides = array<i32>} : memref<8x128xf32, #tpu.memory_space<vmem>>, vector<1x16xf32>,
    %swap3A_205 = vector.shape_cast %swap3A_204 : vector<1x16xf32> to vector<16xf32>
    %swap3A_206 = vector.shape_cast %broadcast_in_dim3A_200 : vector<16xf32> to vector<1x16xf32>
    tpu.vector_store %arg13[%swap3A_202, %swap3A_203], %swap3A_206 {strides = array<i32>} : memref<8x128xf32, #tpu.memory_space<vmem>>, vector<1x16xf32>,
    %broadcast_in_dim3A_207 = arith.constant 0.000000e+00 : f32
    %broadcast_in_dim3A_208 = vector.broadcast %broadcast_in_dim3A_207 : f32 to vector<16xf32>
    %swap3A_209 = arith.constant 3 : i32
    %swap3A_210 = arith.index_cast %swap3A_209 : i32 to index
    %swap3A_211 = arith.constant 32 : index
    %swap3A_212 = tpu.vector_load %arg13[%swap3A_210, %swap3A_211] {strides = array<i32>} : memref<8x128xf32, #tpu.memory_space<vmem>>, vector<1x16xf32>,
    %swap3A_213 = vector.shape_cast %swap3A_212 : vector<1x16xf32> to vector<16xf32>
    %swap3A_214 = vector.shape_cast %broadcast_in_dim3A_208 : vector<16xf32> to vector<1x16xf32>
    tpu.vector_store %arg13[%swap3A_210, %swap3A_211], %swap3A_214 {strides = array<i32>} : memref<8x128xf32, #tpu.memory_space<vmem>>, vector<1x16xf32>,
    %broadcast_in_dim3A_215 = arith.constant 0.000000e+00 : f32
    %broadcast_in_dim3A_216 = vector.broadcast %broadcast_in_dim3A_215 : f32 to vector<16xf32>
    %swap3A_217 = arith.constant 3 : i32
    %swap3A_218 = arith.index_cast %swap3A_217 : i32 to index
    %swap3A_219 = arith.constant 48 : index
    %swap3A_220 = tpu.vector_load %arg13[%swap3A_218, %swap3A_219] {strides = array<i32>} : memref<8x128xf32, #tpu.memory_space<vmem>>, vector<1x16xf32>,
    %swap3A_221 = vector.shape_cast %swap3A_220 : vector<1x16xf32> to vector<16xf32>
    %swap3A_222 = vector.shape_cast %broadcast_in_dim3A_216 : vector<16xf32> to vector<1x16xf32>
    tpu.vector_store %arg13[%swap3A_218, %swap3A_219], %swap3A_222 {strides = array<i32>} : memref<8x128xf32, #tpu.memory_space<vmem>>, vector<1x16xf32>,
    %broadcast_in_dim3A_223 = arith.constant 0.000000e+00 : f32
    %broadcast_in_dim3A_224 = vector.broadcast %broadcast_in_dim3A_223 : f32 to vector<16xf32>
    %swap3A_225 = arith.constant 3 : i32
    %swap3A_226 = arith.index_cast %swap3A_225 : i32 to index
    %swap3A_227 = arith.constant 64 : index
    %swap3A_228 = tpu.vector_load %arg13[%swap3A_226, %swap3A_227] {strides = array<i32>} : memref<8x128xf32, #tpu.memory_space<vmem>>, vector<1x16xf32>,
    %swap3A_229 = vector.shape_cast %swap3A_228 : vector<1x16xf32> to vector<16xf32>
    %swap3A_230 = vector.shape_cast %broadcast_in_dim3A_224 : vector<16xf32> to vector<1x16xf32>
    tpu.vector_store %arg13[%swap3A_226, %swap3A_227], %swap3A_230 {strides = array<i32>} : memref<8x128xf32, #tpu.memory_space<vmem>>, vector<1x16xf32>,
    %broadcast_in_dim3A_231 = arith.constant 0.000000e+00 : f32
    %broadcast_in_dim3A_232 = vector.broadcast %broadcast_in_dim3A_231 : f32 to vector<16xf32>
    %swap3A_233 = arith.constant 3 : i32
    %swap3A_234 = arith.index_cast %swap3A_233 : i32 to index
    %swap3A_235 = arith.constant 80 : index
    %swap3A_236 = tpu.vector_load %arg13[%swap3A_234, %swap3A_235] {strides = array<i32>} : memref<8x128xf32, #tpu.memory_space<vmem>>, vector<1x16xf32>,
    %swap3A_237 = vector.shape_cast %swap3A_236 : vector<1x16xf32> to vector<16xf32>
    %swap3A_238 = vector.shape_cast %broadcast_in_dim3A_232 : vector<16xf32> to vector<1x16xf32>
    tpu.vector_store %arg13[%swap3A_234, %swap3A_235], %swap3A_238 {strides = array<i32>} : memref<8x128xf32, #tpu.memory_space<vmem>>, vector<1x16xf32>,
    %broadcast_in_dim3A_239 = arith.constant 0.000000e+00 : f32
    %broadcast_in_dim3A_240 = vector.broadcast %broadcast_in_dim3A_239 : f32 to vector<16xf32>
    %swap3A_241 = arith.constant 3 : i32
    %swap3A_242 = arith.index_cast %swap3A_241 : i32 to index
    %swap3A_243 = arith.constant 96 : index
    %swap3A_244 = tpu.vector_load %arg13[%swap3A_242, %swap3A_243] {strides = array<i32>} : memref<8x128xf32, #tpu.memory_space<vmem>>, vector<1x16xf32>,
    %swap3A_245 = vector.shape_cast %swap3A_244 : vector<1x16xf32> to vector<16xf32>
    %swap3A_246 = vector.shape_cast %broadcast_in_dim3A_240 : vector<16xf32> to vector<1x16xf32>
    tpu.vector_store %arg13[%swap3A_242, %swap3A_243], %swap3A_246 {strides = array<i32>} : memref<8x128xf32, #tpu.memory_space<vmem>>, vector<1x16xf32>,
    %broadcast_in_dim3A_247 = arith.constant 0.000000e+00 : f32
    %broadcast_in_dim3A_248 = vector.broadcast %broadcast_in_dim3A_247 : f32 to vector<16xf32>
    %swap3A_249 = arith.constant 3 : i32
    %swap3A_250 = arith.index_cast %swap3A_249 : i32 to index
    %swap3A_251 = arith.constant 112 : index
    %swap3A_252 = tpu.vector_load %arg13[%swap3A_250, %swap3A_251] {strides = array<i32>} : memref<8x128xf32, #tpu.memory_space<vmem>>, vector<1x16xf32>,
    %swap3A_253 = vector.shape_cast %swap3A_252 : vector<1x16xf32> to vector<16xf32>
    %swap3A_254 = vector.shape_cast %broadcast_in_dim3A_248 : vector<16xf32> to vector<1x16xf32>
    tpu.vector_store %arg13[%swap3A_250, %swap3A_251], %swap3A_254 {strides = array<i32>} : memref<8x128xf32, #tpu.memory_space<vmem>>, vector<1x16xf32>,
    %broadcast_in_dim3A_255 = arith.constant 0.000000e+00 : f32
    %broadcast_in_dim3A_256 = vector.broadcast %broadcast_in_dim3A_255 : f32 to vector<16xf32>
    %swap3A_257 = arith.constant 4 : i32
    %swap3A_258 = arith.index_cast %swap3A_257 : i32 to index
    %swap3A_259 = arith.constant 0 : index
    %swap3A_260 = tpu.vector_load %arg13[%swap3A_258, %swap3A_259] {strides = array<i32>} : memref<8x128xf32, #tpu.memory_space<vmem>>, vector<1x16xf32>,
    %swap3A_261 = vector.shape_cast %swap3A_260 : vector<1x16xf32> to vector<16xf32>
    %swap3A_262 = vector.shape_cast %broadcast_in_dim3A_256 : vector<16xf32> to vector<1x16xf32>
    tpu.vector_store %arg13[%swap3A_258, %swap3A_259], %swap3A_262 {strides = array<i32>} : memref<8x128xf32, #tpu.memory_space<vmem>>, vector<1x16xf32>,
    %broadcast_in_dim3A_263 = arith.constant 0.000000e+00 : f32
    %broadcast_in_dim3A_264 = vector.broadcast %broadcast_in_dim3A_263 : f32 to vector<16xf32>
    %swap3A_265 = arith.constant 4 : i32
    %swap3A_266 = arith.index_cast %swap3A_265 : i32 to index
    %swap3A_267 = arith.constant 16 : index
    %swap3A_268 = tpu.vector_load %arg13[%swap3A_266, %swap3A_267] {strides = array<i32>} : memref<8x128xf32, #tpu.memory_space<vmem>>, vector<1x16xf32>,
    %swap3A_269 = vector.shape_cast %swap3A_268 : vector<1x16xf32> to vector<16xf32>
    %swap3A_270 = vector.shape_cast %broadcast_in_dim3A_264 : vector<16xf32> to vector<1x16xf32>
    tpu.vector_store %arg13[%swap3A_266, %swap3A_267], %swap3A_270 {strides = array<i32>} : memref<8x128xf32, #tpu.memory_space<vmem>>, vector<1x16xf32>,
    %broadcast_in_dim3A_271 = arith.constant 0.000000e+00 : f32
    %broadcast_in_dim3A_272 = vector.broadcast %broadcast_in_dim3A_271 : f32 to vector<16xf32>
    %swap3A_273 = arith.constant 4 : i32
    %swap3A_274 = arith.index_cast %swap3A_273 : i32 to index
    %swap3A_275 = arith.constant 32 : index
    %swap3A_276 = tpu.vector_load %arg13[%swap3A_274, %swap3A_275] {strides = array<i32>} : memref<8x128xf32, #tpu.memory_space<vmem>>, vector<1x16xf32>,
    %swap3A_277 = vector.shape_cast %swap3A_276 : vector<1x16xf32> to vector<16xf32>
    %swap3A_278 = vector.shape_cast %broadcast_in_dim3A_272 : vector<16xf32> to vector<1x16xf32>
    tpu.vector_store %arg13[%swap3A_274, %swap3A_275], %swap3A_278 {strides = array<i32>} : memref<8x128xf32, #tpu.memory_space<vmem>>, vector<1x16xf32>,
    %broadcast_in_dim3A_279 = arith.constant 0.000000e+00 : f32
    %broadcast_in_dim3A_280 = vector.broadcast %broadcast_in_dim3A_279 : f32 to vector<16xf32>
    %swap3A_281 = arith.constant 4 : i32
    %swap3A_282 = arith.index_cast %swap3A_281 : i32 to index
    %swap3A_283 = arith.constant 48 : index
    %swap3A_284 = tpu.vector_load %arg13[%swap3A_282, %swap3A_283] {strides = array<i32>} : memref<8x128xf32, #tpu.memory_space<vmem>>, vector<1x16xf32>,
    %swap3A_285 = vector.shape_cast %swap3A_284 : vector<1x16xf32> to vector<16xf32>
    %swap3A_286 = vector.shape_cast %broadcast_in_dim3A_280 : vector<16xf32> to vector<1x16xf32>
    tpu.vector_store %arg13[%swap3A_282, %swap3A_283], %swap3A_286 {strides = array<i32>} : memref<8x128xf32, #tpu.memory_space<vmem>>, vector<1x16xf32>,
    %broadcast_in_dim3A_287 = arith.constant 0.000000e+00 : f32
    %broadcast_in_dim3A_288 = vector.broadcast %broadcast_in_dim3A_287 : f32 to vector<16xf32>
    %swap3A_289 = arith.constant 4 : i32
    %swap3A_290 = arith.index_cast %swap3A_289 : i32 to index
    %swap3A_291 = arith.constant 64 : index
    %swap3A_292 = tpu.vector_load %arg13[%swap3A_290, %swap3A_291] {strides = array<i32>} : memref<8x128xf32, #tpu.memory_space<vmem>>, vector<1x16xf32>,
    %swap3A_293 = vector.shape_cast %swap3A_292 : vector<1x16xf32> to vector<16xf32>
    %swap3A_294 = vector.shape_cast %broadcast_in_dim3A_288 : vector<16xf32> to vector<1x16xf32>
    tpu.vector_store %arg13[%swap3A_290, %swap3A_291], %swap3A_294 {strides = array<i32>} : memref<8x128xf32, #tpu.memory_space<vmem>>, vector<1x16xf32>,
    %broadcast_in_dim3A_295 = arith.constant 0.000000e+00 : f32
    %broadcast_in_dim3A_296 = vector.broadcast %broadcast_in_dim3A_295 : f32 to vector<16xf32>
    %swap3A_297 = arith.constant 4 : i32
    %swap3A_298 = arith.index_cast %swap3A_297 : i32 to index
    %swap3A_299 = arith.constant 80 : index
    %swap3A_300 = tpu.vector_load %arg13[%swap3A_298, %swap3A_299] {strides = array<i32>} : memref<8x128xf32, #tpu.memory_space<vmem>>, vector<1x16xf32>,
    %swap3A_301 = vector.shape_cast %swap3A_300 : vector<1x16xf32> to vector<16xf32>
    %swap3A_302 = vector.shape_cast %broadcast_in_dim3A_296 : vector<16xf32> to vector<1x16xf32>
    tpu.vector_store %arg13[%swap3A_298, %swap3A_299], %swap3A_302 {strides = array<i32>} : memref<8x128xf32, #tpu.memory_space<vmem>>, vector<1x16xf32>,
    %broadcast_in_dim3A_303 = arith.constant 0.000000e+00 : f32
    %broadcast_in_dim3A_304 = vector.broadcast %broadcast_in_dim3A_303 : f32 to vector<16xf32>
    %swap3A_305 = arith.constant 4 : i32
    %swap3A_306 = arith.index_cast %swap3A_305 : i32 to index
    %swap3A_307 = arith.constant 96 : index
    %swap3A_308 = tpu.vector_load %arg13[%swap3A_306, %swap3A_307] {strides = array<i32>} : memref<8x128xf32, #tpu.memory_space<vmem>>, vector<1x16xf32>,
    %swap3A_309 = vector.shape_cast %swap3A_308 : vector<1x16xf32> to vector<16xf32>
    %swap3A_310 = vector.shape_cast %broadcast_in_dim3A_304 : vector<16xf32> to vector<1x16xf32>
    tpu.vector_store %arg13[%swap3A_306, %swap3A_307], %swap3A_310 {strides = array<i32>} : memref<8x128xf32, #tpu.memory_space<vmem>>, vector<1x16xf32>,
    %broadcast_in_dim3A_311 = arith.constant 0.000000e+00 : f32
    %broadcast_in_dim3A_312 = vector.broadcast %broadcast_in_dim3A_311 : f32 to vector<16xf32>
    %swap3A_313 = arith.constant 4 : i32
    %swap3A_314 = arith.index_cast %swap3A_313 : i32 to index
    %swap3A_315 = arith.constant 112 : index
    %swap3A_316 = tpu.vector_load %arg13[%swap3A_314, %swap3A_315] {strides = array<i32>} : memref<8x128xf32, #tpu.memory_space<vmem>>, vector<1x16xf32>,
    %swap3A_317 = vector.shape_cast %swap3A_316 : vector<1x16xf32> to vector<16xf32>
    %swap3A_318 = vector.shape_cast %broadcast_in_dim3A_312 : vector<16xf32> to vector<1x16xf32>
    tpu.vector_store %arg13[%swap3A_314, %swap3A_315], %swap3A_318 {strides = array<i32>} : memref<8x128xf32, #tpu.memory_space<vmem>>, vector<1x16xf32>,
    %broadcast_in_dim3A_319 = arith.constant 0.000000e+00 : f32
    %broadcast_in_dim3A_320 = vector.broadcast %broadcast_in_dim3A_319 : f32 to vector<16xf32>
    %swap3A_321 = arith.constant 5 : i32
    %swap3A_322 = arith.index_cast %swap3A_321 : i32 to index
    %swap3A_323 = arith.constant 0 : index
    %swap3A_324 = tpu.vector_load %arg13[%swap3A_322, %swap3A_323] {strides = array<i32>} : memref<8x128xf32, #tpu.memory_space<vmem>>, vector<1x16xf32>,
    %swap3A_325 = vector.shape_cast %swap3A_324 : vector<1x16xf32> to vector<16xf32>
    %swap3A_326 = vector.shape_cast %broadcast_in_dim3A_320 : vector<16xf32> to vector<1x16xf32>
    tpu.vector_store %arg13[%swap3A_322, %swap3A_323], %swap3A_326 {strides = array<i32>} : memref<8x128xf32, #tpu.memory_space<vmem>>, vector<1x16xf32>,
    %broadcast_in_dim3A_327 = arith.constant 0.000000e+00 : f32
    %broadcast_in_dim3A_328 = vector.broadcast %broadcast_in_dim3A_327 : f32 to vector<16xf32>
    %swap3A_329 = arith.constant 5 : i32
    %swap3A_330 = arith.index_cast %swap3A_329 : i32 to index
    %swap3A_331 = arith.constant 16 : index
    %swap3A_332 = tpu.vector_load %arg13[%swap3A_330, %swap3A_331] {strides = array<i32>} : memref<8x128xf32, #tpu.memory_space<vmem>>, vector<1x16xf32>,
    %swap3A_333 = vector.shape_cast %swap3A_332 : vector<1x16xf32> to vector<16xf32>
    %swap3A_334 = vector.shape_cast %broadcast_in_dim3A_328 : vector<16xf32> to vector<1x16xf32>
    tpu.vector_store %arg13[%swap3A_330, %swap3A_331], %swap3A_334 {strides = array<i32>} : memref<8x128xf32, #tpu.memory_space<vmem>>, vector<1x16xf32>,
    %broadcast_in_dim3A_335 = arith.constant 0.000000e+00 : f32
    %broadcast_in_dim3A_336 = vector.broadcast %broadcast_in_dim3A_335 : f32 to vector<16xf32>
    %swap3A_337 = arith.constant 5 : i32
    %swap3A_338 = arith.index_cast %swap3A_337 : i32 to index
    %swap3A_339 = arith.constant 32 : index
    %swap3A_340 = tpu.vector_load %arg13[%swap3A_338, %swap3A_339] {strides = array<i32>} : memref<8x128xf32, #tpu.memory_space<vmem>>, vector<1x16xf32>,
    %swap3A_341 = vector.shape_cast %swap3A_340 : vector<1x16xf32> to vector<16xf32>
    %swap3A_342 = vector.shape_cast %broadcast_in_dim3A_336 : vector<16xf32> to vector<1x16xf32>
    tpu.vector_store %arg13[%swap3A_338, %swap3A_339], %swap3A_342 {strides = array<i32>} : memref<8x128xf32, #tpu.memory_space<vmem>>, vector<1x16xf32>,
    %broadcast_in_dim3A_343 = arith.constant 0.000000e+00 : f32
    %broadcast_in_dim3A_344 = vector.broadcast %broadcast_in_dim3A_343 : f32 to vector<16xf32>
    %swap3A_345 = arith.constant 5 : i32
    %swap3A_346 = arith.index_cast %swap3A_345 : i32 to index
    %swap3A_347 = arith.constant 48 : index
    %swap3A_348 = tpu.vector_load %arg13[%swap3A_346, %swap3A_347] {strides = array<i32>} : memref<8x128xf32, #tpu.memory_space<vmem>>, vector<1x16xf32>,
    %swap3A_349 = vector.shape_cast %swap3A_348 : vector<1x16xf32> to vector<16xf32>
    %swap3A_350 = vector.shape_cast %broadcast_in_dim3A_344 : vector<16xf32> to vector<1x16xf32>
    tpu.vector_store %arg13[%swap3A_346, %swap3A_347], %swap3A_350 {strides = array<i32>} : memref<8x128xf32, #tpu.memory_space<vmem>>, vector<1x16xf32>,
    %broadcast_in_dim3A_351 = arith.constant 0.000000e+00 : f32
    %broadcast_in_dim3A_352 = vector.broadcast %broadcast_in_dim3A_351 : f32 to vector<16xf32>
    %swap3A_353 = arith.constant 5 : i32
    %swap3A_354 = arith.index_cast %swap3A_353 : i32 to index
    %swap3A_355 = arith.constant 64 : index
    %swap3A_356 = tpu.vector_load %arg13[%swap3A_354, %swap3A_355] {strides = array<i32>} : memref<8x128xf32, #tpu.memory_space<vmem>>, vector<1x16xf32>,
    %swap3A_357 = vector.shape_cast %swap3A_356 : vector<1x16xf32> to vector<16xf32>
    %swap3A_358 = vector.shape_cast %broadcast_in_dim3A_352 : vector<16xf32> to vector<1x16xf32>
    tpu.vector_store %arg13[%swap3A_354, %swap3A_355], %swap3A_358 {strides = array<i32>} : memref<8x128xf32, #tpu.memory_space<vmem>>, vector<1x16xf32>,
    %broadcast_in_dim3A_359 = arith.constant 0.000000e+00 : f32
    %broadcast_in_dim3A_360 = vector.broadcast %broadcast_in_dim3A_359 : f32 to vector<16xf32>
    %swap3A_361 = arith.constant 5 : i32
    %swap3A_362 = arith.index_cast %swap3A_361 : i32 to index
    %swap3A_363 = arith.constant 80 : index
    %swap3A_364 = tpu.vector_load %arg13[%swap3A_362, %swap3A_363] {strides = array<i32>} : memref<8x128xf32, #tpu.memory_space<vmem>>, vector<1x16xf32>,
    %swap3A_365 = vector.shape_cast %swap3A_364 : vector<1x16xf32> to vector<16xf32>
    %swap3A_366 = vector.shape_cast %broadcast_in_dim3A_360 : vector<16xf32> to vector<1x16xf32>
    tpu.vector_store %arg13[%swap3A_362, %swap3A_363], %swap3A_366 {strides = array<i32>} : memref<8x128xf32, #tpu.memory_space<vmem>>, vector<1x16xf32>,
    %broadcast_in_dim3A_367 = arith.constant 0.000000e+00 : f32
    %broadcast_in_dim3A_368 = vector.broadcast %broadcast_in_dim3A_367 : f32 to vector<16xf32>
    %swap3A_369 = arith.constant 5 : i32
    %swap3A_370 = arith.index_cast %swap3A_369 : i32 to index
    %swap3A_371 = arith.constant 96 : index
    %swap3A_372 = tpu.vector_load %arg13[%swap3A_370, %swap3A_371] {strides = array<i32>} : memref<8x128xf32, #tpu.memory_space<vmem>>, vector<1x16xf32>,
    %swap3A_373 = vector.shape_cast %swap3A_372 : vector<1x16xf32> to vector<16xf32>
    %swap3A_374 = vector.shape_cast %broadcast_in_dim3A_368 : vector<16xf32> to vector<1x16xf32>
    tpu.vector_store %arg13[%swap3A_370, %swap3A_371], %swap3A_374 {strides = array<i32>} : memref<8x128xf32, #tpu.memory_space<vmem>>, vector<1x16xf32>,
    %broadcast_in_dim3A_375 = arith.constant 0.000000e+00 : f32
    %broadcast_in_dim3A_376 = vector.broadcast %broadcast_in_dim3A_375 : f32 to vector<16xf32>
    %swap3A_377 = arith.constant 5 : i32
    %swap3A_378 = arith.index_cast %swap3A_377 : i32 to index
    %swap3A_379 = arith.constant 112 : index
    %swap3A_380 = tpu.vector_load %arg13[%swap3A_378, %swap3A_379] {strides = array<i32>} : memref<8x128xf32, #tpu.memory_space<vmem>>, vector<1x16xf32>,
    %swap3A_381 = vector.shape_cast %swap3A_380 : vector<1x16xf32> to vector<16xf32>
    %swap3A_382 = vector.shape_cast %broadcast_in_dim3A_376 : vector<16xf32> to vector<1x16xf32>
    tpu.vector_store %arg13[%swap3A_378, %swap3A_379], %swap3A_382 {strides = array<i32>} : memref<8x128xf32, #tpu.memory_space<vmem>>, vector<1x16xf32>,
    %broadcast_in_dim3A_383 = arith.constant 0.000000e+00 : f32
    %broadcast_in_dim3A_384 = vector.broadcast %broadcast_in_dim3A_383 : f32 to vector<16xf32>
    %swap3A_385 = arith.constant 6 : i32
    %swap3A_386 = arith.index_cast %swap3A_385 : i32 to index
    %swap3A_387 = arith.constant 0 : index
    %swap3A_388 = tpu.vector_load %arg13[%swap3A_386, %swap3A_387] {strides = array<i32>} : memref<8x128xf32, #tpu.memory_space<vmem>>, vector<1x16xf32>,
    %swap3A_389 = vector.shape_cast %swap3A_388 : vector<1x16xf32> to vector<16xf32>
    %swap3A_390 = vector.shape_cast %broadcast_in_dim3A_384 : vector<16xf32> to vector<1x16xf32>
    tpu.vector_store %arg13[%swap3A_386, %swap3A_387], %swap3A_390 {strides = array<i32>} : memref<8x128xf32, #tpu.memory_space<vmem>>, vector<1x16xf32>,
    %broadcast_in_dim3A_391 = arith.constant 0.000000e+00 : f32
    %broadcast_in_dim3A_392 = vector.broadcast %broadcast_in_dim3A_391 : f32 to vector<16xf32>
    %swap3A_393 = arith.constant 6 : i32
    %swap3A_394 = arith.index_cast %swap3A_393 : i32 to index
    %swap3A_395 = arith.constant 16 : index
    %swap3A_396 = tpu.vector_load %arg13[%swap3A_394, %swap3A_395] {strides = array<i32>} : memref<8x128xf32, #tpu.memory_space<vmem>>, vector<1x16xf32>,
    %swap3A_397 = vector.shape_cast %swap3A_396 : vector<1x16xf32> to vector<16xf32>
    %swap3A_398 = vector.shape_cast %broadcast_in_dim3A_392 : vector<16xf32> to vector<1x16xf32>
    tpu.vector_store %arg13[%swap3A_394, %swap3A_395], %swap3A_398 {strides = array<i32>} : memref<8x128xf32, #tpu.memory_space<vmem>>, vector<1x16xf32>,
    %broadcast_in_dim3A_399 = arith.constant 0.000000e+00 : f32
    %broadcast_in_dim3A_400 = vector.broadcast %broadcast_in_dim3A_399 : f32 to vector<16xf32>
    %swap3A_401 = arith.constant 6 : i32
    %swap3A_402 = arith.index_cast %swap3A_401 : i32 to index
    %swap3A_403 = arith.constant 32 : index
    %swap3A_404 = tpu.vector_load %arg13[%swap3A_402, %swap3A_403] {strides = array<i32>} : memref<8x128xf32, #tpu.memory_space<vmem>>, vector<1x16xf32>,
    %swap3A_405 = vector.shape_cast %swap3A_404 : vector<1x16xf32> to vector<16xf32>
    %swap3A_406 = vector.shape_cast %broadcast_in_dim3A_400 : vector<16xf32> to vector<1x16xf32>
    tpu.vector_store %arg13[%swap3A_402, %swap3A_403], %swap3A_406 {strides = array<i32>} : memref<8x128xf32, #tpu.memory_space<vmem>>, vector<1x16xf32>,
    %broadcast_in_dim3A_407 = arith.constant 0.000000e+00 : f32
    %broadcast_in_dim3A_408 = vector.broadcast %broadcast_in_dim3A_407 : f32 to vector<16xf32>
    %swap3A_409 = arith.constant 6 : i32
    %swap3A_410 = arith.index_cast %swap3A_409 : i32 to index
    %swap3A_411 = arith.constant 48 : index
    %swap3A_412 = tpu.vector_load %arg13[%swap3A_410, %swap3A_411] {strides = array<i32>} : memref<8x128xf32, #tpu.memory_space<vmem>>, vector<1x16xf32>,
    %swap3A_413 = vector.shape_cast %swap3A_412 : vector<1x16xf32> to vector<16xf32>
    %swap3A_414 = vector.shape_cast %broadcast_in_dim3A_408 : vector<16xf32> to vector<1x16xf32>
    tpu.vector_store %arg13[%swap3A_410, %swap3A_411], %swap3A_414 {strides = array<i32>} : memref<8x128xf32, #tpu.memory_space<vmem>>, vector<1x16xf32>,
    %broadcast_in_dim3A_415 = arith.constant 0.000000e+00 : f32
    %broadcast_in_dim3A_416 = vector.broadcast %broadcast_in_dim3A_415 : f32 to vector<16xf32>
    %swap3A_417 = arith.constant 6 : i32
    %swap3A_418 = arith.index_cast %swap3A_417 : i32 to index
    %swap3A_419 = arith.constant 64 : index
    %swap3A_420 = tpu.vector_load %arg13[%swap3A_418, %swap3A_419] {strides = array<i32>} : memref<8x128xf32, #tpu.memory_space<vmem>>, vector<1x16xf32>,
    %swap3A_421 = vector.shape_cast %swap3A_420 : vector<1x16xf32> to vector<16xf32>
    %swap3A_422 = vector.shape_cast %broadcast_in_dim3A_416 : vector<16xf32> to vector<1x16xf32>
    tpu.vector_store %arg13[%swap3A_418, %swap3A_419], %swap3A_422 {strides = array<i32>} : memref<8x128xf32, #tpu.memory_space<vmem>>, vector<1x16xf32>,
    %broadcast_in_dim3A_423 = arith.constant 0.000000e+00 : f32
    %broadcast_in_dim3A_424 = vector.broadcast %broadcast_in_dim3A_423 : f32 to vector<16xf32>
    %swap3A_425 = arith.constant 6 : i32
    %swap3A_426 = arith.index_cast %swap3A_425 : i32 to index
    %swap3A_427 = arith.constant 80 : index
    %swap3A_428 = tpu.vector_load %arg13[%swap3A_426, %swap3A_427] {strides = array<i32>} : memref<8x128xf32, #tpu.memory_space<vmem>>, vector<1x16xf32>,
    %swap3A_429 = vector.shape_cast %swap3A_428 : vector<1x16xf32> to vector<16xf32>
    %swap3A_430 = vector.shape_cast %broadcast_in_dim3A_424 : vector<16xf32> to vector<1x16xf32>
    tpu.vector_store %arg13[%swap3A_426, %swap3A_427], %swap3A_430 {strides = array<i32>} : memref<8x128xf32, #tpu.memory_space<vmem>>, vector<1x16xf32>,
    %broadcast_in_dim3A_431 = arith.constant 0.000000e+00 : f32
    %broadcast_in_dim3A_432 = vector.broadcast %broadcast_in_dim3A_431 : f32 to vector<16xf32>
    %swap3A_433 = arith.constant 6 : i32
    %swap3A_434 = arith.index_cast %swap3A_433 : i32 to index
    %swap3A_435 = arith.constant 96 : index
    %swap3A_436 = tpu.vector_load %arg13[%swap3A_434, %swap3A_435] {strides = array<i32>} : memref<8x128xf32, #tpu.memory_space<vmem>>, vector<1x16xf32>,
    %swap3A_437 = vector.shape_cast %swap3A_436 : vector<1x16xf32> to vector<16xf32>
    %swap3A_438 = vector.shape_cast %broadcast_in_dim3A_432 : vector<16xf32> to vector<1x16xf32>
    tpu.vector_store %arg13[%swap3A_434, %swap3A_435], %swap3A_438 {strides = array<i32>} : memref<8x128xf32, #tpu.memory_space<vmem>>, vector<1x16xf32>,
    %broadcast_in_dim3A_439 = arith.constant 0.000000e+00 : f32
    %broadcast_in_dim3A_440 = vector.broadcast %broadcast_in_dim3A_439 : f32 to vector<16xf32>
    %swap3A_441 = arith.constant 6 : i32
    %swap3A_442 = arith.index_cast %swap3A_441 : i32 to index
    %swap3A_443 = arith.constant 112 : index
    %swap3A_444 = tpu.vector_load %arg13[%swap3A_442, %swap3A_443] {strides = array<i32>} : memref<8x128xf32, #tpu.memory_space<vmem>>, vector<1x16xf32>,
    %swap3A_445 = vector.shape_cast %swap3A_444 : vector<1x16xf32> to vector<16xf32>
    %swap3A_446 = vector.shape_cast %broadcast_in_dim3A_440 : vector<16xf32> to vector<1x16xf32>
    tpu.vector_store %arg13[%swap3A_442, %swap3A_443], %swap3A_446 {strides = array<i32>} : memref<8x128xf32, #tpu.memory_space<vmem>>, vector<1x16xf32>,
    %broadcast_in_dim3A_447 = arith.constant 0.000000e+00 : f32
    %broadcast_in_dim3A_448 = vector.broadcast %broadcast_in_dim3A_447 : f32 to vector<16xf32>
    %swap3A_449 = arith.constant 7 : i32
    %swap3A_450 = arith.index_cast %swap3A_449 : i32 to index
    %swap3A_451 = arith.constant 0 : index
    %swap3A_452 = tpu.vector_load %arg13[%swap3A_450, %swap3A_451] {strides = array<i32>} : memref<8x128xf32, #tpu.memory_space<vmem>>, vector<1x16xf32>,
    %swap3A_453 = vector.shape_cast %swap3A_452 : vector<1x16xf32> to vector<16xf32>
    %swap3A_454 = vector.shape_cast %broadcast_in_dim3A_448 : vector<16xf32> to vector<1x16xf32>
    tpu.vector_store %arg13[%swap3A_450, %swap3A_451], %swap3A_454 {strides = array<i32>} : memref<8x128xf32, #tpu.memory_space<vmem>>, vector<1x16xf32>,
    %broadcast_in_dim3A_455 = arith.constant 0.000000e+00 : f32
    %broadcast_in_dim3A_456 = vector.broadcast %broadcast_in_dim3A_455 : f32 to vector<16xf32>
    %swap3A_457 = arith.constant 7 : i32
    %swap3A_458 = arith.index_cast %swap3A_457 : i32 to index
    %swap3A_459 = arith.constant 16 : index
    %swap3A_460 = tpu.vector_load %arg13[%swap3A_458, %swap3A_459] {strides = array<i32>} : memref<8x128xf32, #tpu.memory_space<vmem>>, vector<1x16xf32>,
    %swap3A_461 = vector.shape_cast %swap3A_460 : vector<1x16xf32> to vector<16xf32>
    %swap3A_462 = vector.shape_cast %broadcast_in_dim3A_456 : vector<16xf32> to vector<1x16xf32>
    tpu.vector_store %arg13[%swap3A_458, %swap3A_459], %swap3A_462 {strides = array<i32>} : memref<8x128xf32, #tpu.memory_space<vmem>>, vector<1x16xf32>,
    %broadcast_in_dim3A_463 = arith.constant 0.000000e+00 : f32
    %broadcast_in_dim3A_464 = vector.broadcast %broadcast_in_dim3A_463 : f32 to vector<16xf32>
    %swap3A_465 = arith.constant 7 : i32
    %swap3A_466 = arith.index_cast %swap3A_465 : i32 to index
    %swap3A_467 = arith.constant 32 : index
    %swap3A_468 = tpu.vector_load %arg13[%swap3A_466, %swap3A_467] {strides = array<i32>} : memref<8x128xf32, #tpu.memory_space<vmem>>, vector<1x16xf32>,
    %swap3A_469 = vector.shape_cast %swap3A_468 : vector<1x16xf32> to vector<16xf32>
    %swap3A_470 = vector.shape_cast %broadcast_in_dim3A_464 : vector<16xf32> to vector<1x16xf32>
    tpu.vector_store %arg13[%swap3A_466, %swap3A_467], %swap3A_470 {strides = array<i32>} : memref<8x128xf32, #tpu.memory_space<vmem>>, vector<1x16xf32>,
    %broadcast_in_dim3A_471 = arith.constant 0.000000e+00 : f32
    %broadcast_in_dim3A_472 = vector.broadcast %broadcast_in_dim3A_471 : f32 to vector<16xf32>
    %swap3A_473 = arith.constant 7 : i32
    %swap3A_474 = arith.index_cast %swap3A_473 : i32 to index
    %swap3A_475 = arith.constant 48 : index
    %swap3A_476 = tpu.vector_load %arg13[%swap3A_474, %swap3A_475] {strides = array<i32>} : memref<8x128xf32, #tpu.memory_space<vmem>>, vector<1x16xf32>,
    %swap3A_477 = vector.shape_cast %swap3A_476 : vector<1x16xf32> to vector<16xf32>
    %swap3A_478 = vector.shape_cast %broadcast_in_dim3A_472 : vector<16xf32> to vector<1x16xf32>
    tpu.vector_store %arg13[%swap3A_474, %swap3A_475], %swap3A_478 {strides = array<i32>} : memref<8x128xf32, #tpu.memory_space<vmem>>, vector<1x16xf32>,
    %broadcast_in_dim3A_479 = arith.constant 0.000000e+00 : f32
    %broadcast_in_dim3A_480 = vector.broadcast %broadcast_in_dim3A_479 : f32 to vector<16xf32>
    %swap3A_481 = arith.constant 7 : i32
    %swap3A_482 = arith.index_cast %swap3A_481 : i32 to index
    %swap3A_483 = arith.constant 64 : index
    %swap3A_484 = tpu.vector_load %arg13[%swap3A_482, %swap3A_483] {strides = array<i32>} : memref<8x128xf32, #tpu.memory_space<vmem>>, vector<1x16xf32>,
    %swap3A_485 = vector.shape_cast %swap3A_484 : vector<1x16xf32> to vector<16xf32>
    %swap3A_486 = vector.shape_cast %broadcast_in_dim3A_480 : vector<16xf32> to vector<1x16xf32>
    tpu.vector_store %arg13[%swap3A_482, %swap3A_483], %swap3A_486 {strides = array<i32>} : memref<8x128xf32, #tpu.memory_space<vmem>>, vector<1x16xf32>,
    %broadcast_in_dim3A_487 = arith.constant 0.000000e+00 : f32
    %broadcast_in_dim3A_488 = vector.broadcast %broadcast_in_dim3A_487 : f32 to vector<16xf32>
    %swap3A_489 = arith.constant 7 : i32
    %swap3A_490 = arith.index_cast %swap3A_489 : i32 to index
    %swap3A_491 = arith.constant 80 : index
    %swap3A_492 = tpu.vector_load %arg13[%swap3A_490, %swap3A_491] {strides = array<i32>} : memref<8x128xf32, #tpu.memory_space<vmem>>, vector<1x16xf32>,
    %swap3A_493 = vector.shape_cast %swap3A_492 : vector<1x16xf32> to vector<16xf32>
    %swap3A_494 = vector.shape_cast %broadcast_in_dim3A_488 : vector<16xf32> to vector<1x16xf32>
    tpu.vector_store %arg13[%swap3A_490, %swap3A_491], %swap3A_494 {strides = array<i32>} : memref<8x128xf32, #tpu.memory_space<vmem>>, vector<1x16xf32>,
    %broadcast_in_dim3A_495 = arith.constant 0.000000e+00 : f32
    %broadcast_in_dim3A_496 = vector.broadcast %broadcast_in_dim3A_495 : f32 to vector<16xf32>
    %swap3A_497 = arith.constant 7 : i32
    %swap3A_498 = arith.index_cast %swap3A_497 : i32 to index
    %swap3A_499 = arith.constant 96 : index
    %swap3A_500 = tpu.vector_load %arg13[%swap3A_498, %swap3A_499] {strides = array<i32>} : memref<8x128xf32, #tpu.memory_space<vmem>>, vector<1x16xf32>,
    %swap3A_501 = vector.shape_cast %swap3A_500 : vector<1x16xf32> to vector<16xf32>
    %swap3A_502 = vector.shape_cast %broadcast_in_dim3A_496 : vector<16xf32> to vector<1x16xf32>
    tpu.vector_store %arg13[%swap3A_498, %swap3A_499], %swap3A_502 {strides = array<i32>} : memref<8x128xf32, #tpu.memory_space<vmem>>, vector<1x16xf32>,
    %broadcast_in_dim3A_503 = arith.constant 0.000000e+00 : f32
    %broadcast_in_dim3A_504 = vector.broadcast %broadcast_in_dim3A_503 : f32 to vector<16xf32>
    %swap3A_505 = arith.constant 7 : i32
    %swap3A_506 = arith.index_cast %swap3A_505 : i32 to index
    %swap3A_507 = arith.constant 112 : index
    %swap3A_508 = tpu.vector_load %arg13[%swap3A_506, %swap3A_507] {strides = array<i32>} : memref<8x128xf32, #tpu.memory_space<vmem>>, vector<1x16xf32>,
    %swap3A_509 = vector.shape_cast %swap3A_508 : vector<1x16xf32> to vector<16xf32>
    %swap3A_510 = vector.shape_cast %broadcast_in_dim3A_504 : vector<16xf32> to vector<1x16xf32>
    tpu.vector_store %arg13[%swap3A_506, %swap3A_507], %swap3A_510 {strides = array<i32>} : memref<8x128xf32, #tpu.memory_space<vmem>>, vector<1x16xf32>,
    %scan3A = arith.constant 0 : i32
    %scan3A_511 = arith.constant 0 : i32
    %scan3A_512 = arith.constant 79 : i32
    %scan3A_513 = arith.addi %scan3A_511, %scan3A_512 : i32
    %scan3A_514 = arith.constant 1 : i32
    %scan3A_515 = scf.for %scan3A_573 = %scan3A_511 to %scan3A_513 step %scan3A_514 iter_args(%scan3A_574 = %scan3A) -> (i32)  : i32 {
      %mul3A_575 = arith.constant 632 : i32
      %mul3A_576 = arith.muli %arg1, %mul3A_575 : i32
      %mul3A_577 = arith.constant 8 : i32
      %mul3A_578 = arith.muli %scan3A_573, %mul3A_577 : i32
      %add3A_579 = arith.addi %mul3A_576, %mul3A_578 : i32
      "tpu.region"() ({
        %run_scoped3A = tpu.sem_alloc : memref<!tpu.dma_semaphore, #tpu.memory_space<semaphore_mem>>
        %dma_start3A_581 = arith.constant 0 : i32
        %dma_start3A_582 = tpu.memref_slice %arg14[%add3A_579, %dma_start3A_581] : memref<10112x128xf32, #tpu.memory_space<vmem_shared>> -> memref<8x128xf32, #tpu.memory_space<vmem_shared>>
        %dma_start3A_583 = arith.constant 0 : i32
        %dma_start3A_584 = tpu.memref_slice %arg14[%add3A_579, %dma_start3A_583] : memref<10112x128xf32, #tpu.memory_space<vmem_shared>> -> memref<8x128xf32, #tpu.memory_space<vmem_shared>>
        tpu.enqueue_dma source(%arg13 : memref<8x128xf32, #tpu.memory_space<vmem>>) target(%dma_start3A_584 : memref<8x128xf32, #tpu.memory_space<vmem_shared>>) target_semaphore(%run_scoped3A : memref<!tpu.dma_semaphore, #tpu.memory_space<semaphore_mem>>)
        %dma_wait3A_585 = arith.constant 0 : i32
        %dma_wait3A_586 = tpu.memref_slice %arg14[%add3A_579, %dma_wait3A_585] : memref<10112x128xf32, #tpu.memory_space<vmem_shared>> -> memref<8x128xf32, #tpu.memory_space<vmem_shared>>
        %dma_wait3A_587 = arith.constant 0 : i32
        %dma_wait3A_588 = tpu.memref_slice %arg14[%add3A_579, %dma_wait3A_587] : memref<10112x128xf32, #tpu.memory_space<vmem_shared>> -> memref<8x128xf32, #tpu.memory_space<vmem_shared>>
        tpu.wait_dma2 semaphore(%run_scoped3A : memref<!tpu.dma_semaphore, #tpu.memory_space<semaphore_mem>>) src(%arg13 : memref<8x128xf32, #tpu.memory_space<vmem>>) dst(%dma_wait3A_588 : memref<8x128xf32, #tpu.memory_space<vmem_shared>>)
        tpu.yield
      }) : () -> ()
      %scan3A_580 = arith.constant 0 : i32
      scf.yield %scan3A_580 : i32
    }
    %scan3A_516 = arith.constant 79 : i32
    "tpu.region"() ({
      %run_scoped3A = tpu.sem_alloc : memref<!tpu.dma_semaphore, #tpu.memory_space<semaphore_mem>>
      %dma_start3A_573 = arith.constant 0 : i32
      %dma_start3A_574 = arith.constant 0 : i32
      %dma_start3A_575 = tpu.memref_slice %arg4[%add3A, %dma_start3A_573, %dma_start3A_574] : memref<32x80x128xf32, #tpu.memory_space<hbm>> -> memref<1x80x128xf32, #tpu.memory_space<hbm>>
      %dma_start3A_576 = tpu.memref_squeeze %dma_start3A_575 : memref<1x80x128xf32, #tpu.memory_space<hbm>> -> memref<80x128xf32, #tpu.memory_space<hbm>>
      %dma_start3A_577 = arith.constant 0 : i32
      %dma_start3A_578 = arith.constant 0 : i32
      %dma_start3A_579 = tpu.memref_slice %arg4[%add3A, %dma_start3A_577, %dma_start3A_578] : memref<32x80x128xf32, #tpu.memory_space<hbm>> -> memref<1x80x128xf32, #tpu.memory_space<hbm>>
      %dma_start3A_580 = tpu.memref_squeeze %dma_start3A_579 : memref<1x80x128xf32, #tpu.memory_space<hbm>> -> memref<80x128xf32, #tpu.memory_space<hbm>>
      tpu.enqueue_dma source(%dma_start3A_580 : memref<80x128xf32, #tpu.memory_space<hbm>>) target(%arg12 : memref<80x128xf32, #tpu.memory_space<vmem>>) target_semaphore(%run_scoped3A : memref<!tpu.dma_semaphore, #tpu.memory_space<semaphore_mem>>)
      %dma_wait3A_581 = arith.constant 0 : i32
      %dma_wait3A_582 = arith.constant 0 : i32
      %dma_wait3A_583 = tpu.memref_slice %arg4[%add3A, %dma_wait3A_581, %dma_wait3A_582] : memref<32x80x128xf32, #tpu.memory_space<hbm>> -> memref<1x80x128xf32, #tpu.memory_space<hbm>>
      %dma_wait3A_584 = tpu.memref_squeeze %dma_wait3A_583 : memref<1x80x128xf32, #tpu.memory_space<hbm>> -> memref<80x128xf32, #tpu.memory_space<hbm>>
      %dma_wait3A_585 = arith.constant 0 : i32
      %dma_wait3A_586 = arith.constant 0 : i32
      %dma_wait3A_587 = tpu.memref_slice %arg4[%add3A, %dma_wait3A_585, %dma_wait3A_586] : memref<32x80x128xf32, #tpu.memory_space<hbm>> -> memref<1x80x128xf32, #tpu.memory_space<hbm>>
      %dma_wait3A_588 = tpu.memref_squeeze %dma_wait3A_587 : memref<1x80x128xf32, #tpu.memory_space<hbm>> -> memref<80x128xf32, #tpu.memory_space<hbm>>
      tpu.wait_dma2 semaphore(%run_scoped3A : memref<!tpu.dma_semaphore, #tpu.memory_space<semaphore_mem>>) src(%dma_wait3A_588 : memref<80x128xf32, #tpu.memory_space<hbm>>) dst(%arg12 : memref<80x128xf32, #tpu.memory_space<vmem>>)
      tpu.yield
    }) : () -> ()
    %barrier3A = arith.constant 0 : index
    tpu.barrier barrier_id(%barrier3A)
    %mul3A_517 = arith.constant 80 : i32
    %mul3A_518 = arith.muli %add3A, %mul3A_517 : i32
    %add3A_519 = arith.constant 0 : i32
    %add3A_520 = arith.addi %mul3A_518, %add3A_519 : i32
    %dma_start3A = arith.constant 0 : i32
    %dma_start3A_521 = arith.constant 0 : i32
    %dma_start3A_522 = tpu.memref_slice %arg3[%add3A_520, %dma_start3A, %dma_start3A_521] : memref<2560x2x128xi32, #tpu.memory_space<hbm>> -> memref<1x2x128xi32, #tpu.memory_space<hbm>>
    %dma_start3A_523 = tpu.memref_squeeze %dma_start3A_522 : memref<1x2x128xi32, #tpu.memory_space<hbm>> -> memref<2x128xi32, #tpu.memory_space<hbm>>
    %dma_start3A_524 = arith.constant 0 : i32
    %dma_start3A_525 = arith.constant 0 : i32
    %dma_start3A_526 = tpu.memref_slice %arg3[%add3A_520, %dma_start3A_524, %dma_start3A_525] : memref<2560x2x128xi32, #tpu.memory_space<hbm>> -> memref<1x2x128xi32, #tpu.memory_space<hbm>>
    %dma_start3A_527 = tpu.memref_squeeze %dma_start3A_526 : memref<1x2x128xi32, #tpu.memory_space<hbm>> -> memref<2x128xi32, #tpu.memory_space<hbm>>
    tpu.enqueue_dma source(%dma_start3A_527 : memref<2x128xi32, #tpu.memory_space<hbm>>) target(%arg6 : memref<2x128xi32, #tpu.memory_space<vmem>>) target_semaphore(%arg17 : memref<!tpu.dma_semaphore, #tpu.memory_space<semaphore_mem>>)
    %dma_wait3A = arith.constant 0 : i32
    %dma_wait3A_528 = arith.constant 0 : i32
    %dma_wait3A_529 = arith.constant 0 : i32
    %dma_wait3A_530 = tpu.memref_slice %arg3[%dma_wait3A, %dma_wait3A_528, %dma_wait3A_529] : memref<2560x2x128xi32, #tpu.memory_space<hbm>> -> memref<1x2x128xi32, #tpu.memory_space<hbm>>
    %dma_wait3A_531 = tpu.memref_squeeze %dma_wait3A_530 : memref<1x2x128xi32, #tpu.memory_space<hbm>> -> memref<2x128xi32, #tpu.memory_space<hbm>>
    %dma_wait3A_532 = arith.constant 0 : i32
    %dma_wait3A_533 = arith.constant 0 : i32
    %dma_wait3A_534 = tpu.memref_slice %arg3[%dma_wait3A, %dma_wait3A_532, %dma_wait3A_533] : memref<2560x2x128xi32, #tpu.memory_space<hbm>> -> memref<1x2x128xi32, #tpu.memory_space<hbm>>
    %dma_wait3A_535 = tpu.memref_squeeze %dma_wait3A_534 : memref<1x2x128xi32, #tpu.memory_space<hbm>> -> memref<2x128xi32, #tpu.memory_space<hbm>>
    tpu.wait_dma2 semaphore(%arg17 : memref<!tpu.dma_semaphore, #tpu.memory_space<semaphore_mem>>) src(%dma_wait3A_535 : memref<2x128xi32, #tpu.memory_space<hbm>>) dst(%arg6 : memref<2x128xi32, #tpu.memory_space<vmem>>)
    %dma_start3A_536 = arith.constant 0 : i32
    %dma_start3A_537 = arith.constant 0 : i32
    %dma_start3A_538 = tpu.memref_slice %arg6[%dma_start3A_536, %dma_start3A_537] : memref<2x128xi32, #tpu.memory_space<vmem>> -> memref<1x128xi32, #tpu.memory_space<vmem>>
    %dma_start3A_539 = tpu.memref_squeeze %dma_start3A_538 : memref<1x128xi32, #tpu.memory_space<vmem>> -> memref<128xi32, #tpu.memory_space<vmem>>
    %dma_start3A_540 = arith.constant 0 : i32
    %dma_start3A_541 = arith.constant 0 : i32
    %dma_start3A_542 = tpu.memref_slice %arg2[%dma_start3A_540, %dma_start3A_541] : memref<10000x128xf32, #tpu.memory_space<hbm>> -> memref<10000x128xf32, #tpu.memory_space<hbm>>
    tpu.enqueue_indirect_dma source(%dma_start3A_542 : memref<10000x128xf32, #tpu.memory_space<hbm>>) target(%arg10 : memref<128x128xf32, #tpu.memory_space<vmem>>) offsets(%dma_start3A_539 : memref<128xi32, #tpu.memory_space<vmem>>) semaphore(%arg15 : memref<!tpu.dma_semaphore, #tpu.memory_space<semaphore_mem>>)
    %mul3A_543 = arith.constant 80 : i32
    %mul3A_544 = arith.muli %add3A, %mul3A_543 : i32
    %add3A_545 = arith.constant 1 : i32
    %add3A_546 = arith.addi %mul3A_544, %add3A_545 : i32
    %dma_start3A_547 = arith.constant 0 : i32
    %dma_start3A_548 = arith.constant 0 : i32
    %dma_start3A_549 = tpu.memref_slice %arg3[%add3A_546, %dma_start3A_547, %dma_start3A_548] : memref<2560x2x128xi32, #tpu.memory_space<hbm>> -> memref<1x2x128xi32, #tpu.memory_space<hbm>>
    %dma_start3A_550 = tpu.memref_squeeze %dma_start3A_549 : memref<1x2x128xi32, #tpu.memory_space<hbm>> -> memref<2x128xi32, #tpu.memory_space<hbm>>
    %dma_start3A_551 = arith.constant 0 : i32
    %dma_start3A_552 = arith.constant 0 : i32
    %dma_start3A_553 = tpu.memref_slice %arg3[%add3A_546, %dma_start3A_551, %dma_start3A_552] : memref<2560x2x128xi32, #tpu.memory_space<hbm>> -> memref<1x2x128xi32, #tpu.memory_space<hbm>>
    %dma_start3A_554 = tpu.memref_squeeze %dma_start3A_553 : memref<1x2x128xi32, #tpu.memory_space<hbm>> -> memref<2x128xi32, #tpu.memory_space<hbm>>
    tpu.enqueue_dma source(%dma_start3A_554 : memref<2x128xi32, #tpu.memory_space<hbm>>) target(%arg7 : memref<2x128xi32, #tpu.memory_space<vmem>>) target_semaphore(%arg18 : memref<!tpu.dma_semaphore, #tpu.memory_space<semaphore_mem>>)
    %scan3A_555 = arith.constant 0 : i32
    %scan3A_556 = arith.constant 0 : i32
    %scan3A_557 = arith.constant 40 : i32
    %scan3A_558 = arith.addi %scan3A_556, %scan3A_557 : i32
    %scan3A_559 = arith.constant 1 : i32
    %scan3A_560 = scf.for %scan3A_573 = %scan3A_556 to %scan3A_558 step %scan3A_559 iter_args(%scan3A_574 = %scan3A_555) -> (i32)  : i32 {
      %mul3A_575 = arith.constant 2 : i32
      %mul3A_576 = arith.muli %mul3A_575, %scan3A_573 : i32
      %add3A_577 = arith.constant 0 : i32
      %add3A_578 = arith.addi %mul3A_576, %add3A_577 : i32
      %dma_wait3A_579 = arith.constant 0 : i32
      %dma_wait3A_580 = arith.constant 0 : i32
      %dma_wait3A_581 = tpu.memref_slice %arg6[%dma_wait3A_579, %dma_wait3A_580] : memref<2x128xi32, #tpu.memory_space<vmem>> -> memref<1x128xi32, #tpu.memory_space<vmem>>
      %dma_wait3A_582 = tpu.memref_squeeze %dma_wait3A_581 : memref<1x128xi32, #tpu.memory_space<vmem>> -> memref<128xi32, #tpu.memory_space<vmem>>
      %dma_wait3A_583 = arith.constant 0 : i32
      %dma_wait3A_584 = arith.constant 0 : i32
      %dma_wait3A_585 = tpu.memref_slice %arg2[%dma_wait3A_583, %dma_wait3A_584] : memref<10000x128xf32, #tpu.memory_space<hbm>> -> memref<10000x128xf32, #tpu.memory_space<hbm>>
      tpu.wait_indirect_dma semaphore(%arg15 : memref<!tpu.dma_semaphore, #tpu.memory_space<semaphore_mem>>) src(%dma_wait3A_585 : memref<10000x128xf32, #tpu.memory_space<hbm>>) dst(%arg10 : memref<128x128xf32, #tpu.memory_space<vmem>>)
      %lt3A = arith.constant 79 : i32
      %lt3A_586 = arith.cmpi slt, %add3A_578, %lt3A : i32
      %convert_element_type3A = arith.extui %lt3A_586 : i1 to i32
      %cond3A = arith.constant 0 : i32
      %cond3A_587 = arith.cmpi ne, %convert_element_type3A, %cond3A : i32
      scf.if %cond3A_587 {
        %dma_wait3A_778 = arith.constant 0 : i32
        %dma_wait3A_779 = arith.constant 0 : i32
        %dma_wait3A_780 = arith.constant 0 : i32
        %dma_wait3A_781 = tpu.memref_slice %arg3[%dma_wait3A_778, %dma_wait3A_779, %dma_wait3A_780] : memref<2560x2x128xi32, #tpu.memory_space<hbm>> -> memref<1x2x128xi32, #tpu.memory_space<hbm>>
        %dma_wait3A_782 = tpu.memref_squeeze %dma_wait3A_781 : memref<1x2x128xi32, #tpu.memory_space<hbm>> -> memref<2x128xi32, #tpu.memory_space<hbm>>
        %dma_wait3A_783 = arith.constant 0 : i32
        %dma_wait3A_784 = arith.constant 0 : i32
        %dma_wait3A_785 = tpu.memref_slice %arg3[%dma_wait3A_778, %dma_wait3A_783, %dma_wait3A_784] : memref<2560x2x128xi32, #tpu.memory_space<hbm>> -> memref<1x2x128xi32, #tpu.memory_space<hbm>>
        %dma_wait3A_786 = tpu.memref_squeeze %dma_wait3A_785 : memref<1x2x128xi32, #tpu.memory_space<hbm>> -> memref<2x128xi32, #tpu.memory_space<hbm>>
        tpu.wait_dma2 semaphore(%arg18 : memref<!tpu.dma_semaphore, #tpu.memory_space<semaphore_mem>>) src(%dma_wait3A_786 : memref<2x128xi32, #tpu.memory_space<hbm>>) dst(%arg7 : memref<2x128xi32, #tpu.memory_space<vmem>>)
        %ge3A = arith.constant 1 : i32
        %ge3A_787 = arith.cmpi sge, %add3A_578, %ge3A : i32
        %convert_element_type3A_788 = arith.extui %ge3A_787 : i1 to i32
        %cond3A_789 = arith.constant 0 : i32
        %cond3A_790 = arith.cmpi ne, %convert_element_type3A_788, %cond3A_789 : i32
        scf.if %cond3A_790 {
          %dma_wait3A_798 = arith.constant 0 : i32
          %dma_wait3A_799 = arith.constant 0 : i32
          %dma_wait3A_800 = tpu.memref_slice %arg14[%dma_wait3A_798, %dma_wait3A_799] : memref<10112x128xf32, #tpu.memory_space<vmem_shared>> -> memref<10112x128xf32, #tpu.memory_space<vmem_shared>>
          tpu.wait_indirect_dma semaphore(%arg20 : memref<!tpu.dma_semaphore, #tpu.memory_space<semaphore_mem>>) src(%arg11 : memref<128x128xf32, #tpu.memory_space<vmem>>) dst(%dma_wait3A_800 : memref<10112x128xf32, #tpu.memory_space<vmem_shared>>)
        } else {
        }
        %dma_start3A_791 = arith.constant 0 : i32
        %dma_start3A_792 = arith.constant 0 : i32
        %dma_start3A_793 = tpu.memref_slice %arg7[%dma_start3A_791, %dma_start3A_792] : memref<2x128xi32, #tpu.memory_space<vmem>> -> memref<1x128xi32, #tpu.memory_space<vmem>>
        %dma_start3A_794 = tpu.memref_squeeze %dma_start3A_793 : memref<1x128xi32, #tpu.memory_space<vmem>> -> memref<128xi32, #tpu.memory_space<vmem>>
        %dma_start3A_795 = arith.constant 0 : i32
        %dma_start3A_796 = arith.constant 0 : i32
        %dma_start3A_797 = tpu.memref_slice %arg2[%dma_start3A_795, %dma_start3A_796] : memref<10000x128xf32, #tpu.memory_space<hbm>> -> memref<10000x128xf32, #tpu.memory_space<hbm>>
        tpu.enqueue_indirect_dma source(%dma_start3A_797 : memref<10000x128xf32, #tpu.memory_space<hbm>>) target(%arg11 : memref<128x128xf32, #tpu.memory_space<vmem>>) offsets(%dma_start3A_794 : memref<128xi32, #tpu.memory_space<vmem>>) semaphore(%arg16 : memref<!tpu.dma_semaphore, #tpu.memory_space<semaphore_mem>>)
      } else {
      }
      %get3A = arith.constant 1 : i32
      %get3A_588 = arith.index_cast %get3A : i32 to index
      %get3A_589 = arith.constant 0 : index
      %get3A_590 = tpu.vector_load %arg6[%get3A_588, %get3A_589] {strides = array<i32>} : memref<2x128xi32, #tpu.memory_space<vmem>>, vector<1x16xi32>,
      %get3A_591 = vector.shape_cast %get3A_590 : vector<1x16xi32> to vector<16xi32>
      %swap3A_592 = arith.constant 0 : index
      %swap3A_593 = tpu.vector_load %arg8[%swap3A_592] {strides = array<i32>} : memref<128xi32, #tpu.memory_space<vmem>>, vector<16xi32>,
      %swap3A_594 = vector.shape_cast %swap3A_593 : vector<16xi32> to vector<16xi32>
      %swap3A_595 = vector.shape_cast %get3A_591 : vector<16xi32> to vector<16xi32>
      tpu.vector_store %arg8[%swap3A_592], %swap3A_595 {strides = array<i32>} : memref<128xi32, #tpu.memory_space<vmem>>, vector<16xi32>,
      %get3A_596 = arith.constant 1 : i32
      %get3A_597 = arith.index_cast %get3A_596 : i32 to index
      %get3A_598 = arith.constant 16 : index
      %get3A_599 = tpu.vector_load %arg6[%get3A_597, %get3A_598] {strides = array<i32>} : memref<2x128xi32, #tpu.memory_space<vmem>>, vector<1x16xi32>,
      %get3A_600 = vector.shape_cast %get3A_599 : vector<1x16xi32> to vector<16xi32>
      %swap3A_601 = arith.constant 16 : index
      %swap3A_602 = tpu.vector_load %arg8[%swap3A_601] {strides = array<i32>} : memref<128xi32, #tpu.memory_space<vmem>>, vector<16xi32>,
      %swap3A_603 = vector.shape_cast %swap3A_602 : vector<16xi32> to vector<16xi32>
      %swap3A_604 = vector.shape_cast %get3A_600 : vector<16xi32> to vector<16xi32>
      tpu.vector_store %arg8[%swap3A_601], %swap3A_604 {strides = array<i32>} : memref<128xi32, #tpu.memory_space<vmem>>, vector<16xi32>,
      %get3A_605 = arith.constant 1 : i32
      %get3A_606 = arith.index_cast %get3A_605 : i32 to index
      %get3A_607 = arith.constant 32 : index
      %get3A_608 = tpu.vector_load %arg6[%get3A_606, %get3A_607] {strides = array<i32>} : memref<2x128xi32, #tpu.memory_space<vmem>>, vector<1x16xi32>,
      %get3A_609 = vector.shape_cast %get3A_608 : vector<1x16xi32> to vector<16xi32>
      %swap3A_610 = arith.constant 32 : index
      %swap3A_611 = tpu.vector_load %arg8[%swap3A_610] {strides = array<i32>} : memref<128xi32, #tpu.memory_space<vmem>>, vector<16xi32>,
      %swap3A_612 = vector.shape_cast %swap3A_611 : vector<16xi32> to vector<16xi32>
      %swap3A_613 = vector.shape_cast %get3A_609 : vector<16xi32> to vector<16xi32>
      tpu.vector_store %arg8[%swap3A_610], %swap3A_613 {strides = array<i32>} : memref<128xi32, #tpu.memory_space<vmem>>, vector<16xi32>,
      %get3A_614 = arith.constant 1 : i32
      %get3A_615 = arith.index_cast %get3A_614 : i32 to index
      %get3A_616 = arith.constant 48 : index
      %get3A_617 = tpu.vector_load %arg6[%get3A_615, %get3A_616] {strides = array<i32>} : memref<2x128xi32, #tpu.memory_space<vmem>>, vector<1x16xi32>,
      %get3A_618 = vector.shape_cast %get3A_617 : vector<1x16xi32> to vector<16xi32>
      %swap3A_619 = arith.constant 48 : index
      %swap3A_620 = tpu.vector_load %arg8[%swap3A_619] {strides = array<i32>} : memref<128xi32, #tpu.memory_space<vmem>>, vector<16xi32>,
      %swap3A_621 = vector.shape_cast %swap3A_620 : vector<16xi32> to vector<16xi32>
      %swap3A_622 = vector.shape_cast %get3A_618 : vector<16xi32> to vector<16xi32>
      tpu.vector_store %arg8[%swap3A_619], %swap3A_622 {strides = array<i32>} : memref<128xi32, #tpu.memory_space<vmem>>, vector<16xi32>,
      %get3A_623 = arith.constant 1 : i32
      %get3A_624 = arith.index_cast %get3A_623 : i32 to index
      %get3A_625 = arith.constant 64 : index
      %get3A_626 = tpu.vector_load %arg6[%get3A_624, %get3A_625] {strides = array<i32>} : memref<2x128xi32, #tpu.memory_space<vmem>>, vector<1x16xi32>,
      %get3A_627 = vector.shape_cast %get3A_626 : vector<1x16xi32> to vector<16xi32>
      %swap3A_628 = arith.constant 64 : index
      %swap3A_629 = tpu.vector_load %arg8[%swap3A_628] {strides = array<i32>} : memref<128xi32, #tpu.memory_space<vmem>>, vector<16xi32>,
      %swap3A_630 = vector.shape_cast %swap3A_629 : vector<16xi32> to vector<16xi32>
      %swap3A_631 = vector.shape_cast %get3A_627 : vector<16xi32> to vector<16xi32>
      tpu.vector_store %arg8[%swap3A_628], %swap3A_631 {strides = array<i32>} : memref<128xi32, #tpu.memory_space<vmem>>, vector<16xi32>,
      %get3A_632 = arith.constant 1 : i32
      %get3A_633 = arith.index_cast %get3A_632 : i32 to index
      %get3A_634 = arith.constant 80 : index
      %get3A_635 = tpu.vector_load %arg6[%get3A_633, %get3A_634] {strides = array<i32>} : memref<2x128xi32, #tpu.memory_space<vmem>>, vector<1x16xi32>,
      %get3A_636 = vector.shape_cast %get3A_635 : vector<1x16xi32> to vector<16xi32>
      %swap3A_637 = arith.constant 80 : index
      %swap3A_638 = tpu.vector_load %arg8[%swap3A_637] {strides = array<i32>} : memref<128xi32, #tpu.memory_space<vmem>>, vector<16xi32>,
      %swap3A_639 = vector.shape_cast %swap3A_638 : vector<16xi32> to vector<16xi32>
      %swap3A_640 = vector.shape_cast %get3A_636 : vector<16xi32> to vector<16xi32>
      tpu.vector_store %arg8[%swap3A_637], %swap3A_640 {strides = array<i32>} : memref<128xi32, #tpu.memory_space<vmem>>, vector<16xi32>,
      %get3A_641 = arith.constant 1 : i32
      %get3A_642 = arith.index_cast %get3A_641 : i32 to index
      %get3A_643 = arith.constant 96 : index
      %get3A_644 = tpu.vector_load %arg6[%get3A_642, %get3A_643] {strides = array<i32>} : memref<2x128xi32, #tpu.memory_space<vmem>>, vector<1x16xi32>,
      %get3A_645 = vector.shape_cast %get3A_644 : vector<1x16xi32> to vector<16xi32>
      %swap3A_646 = arith.constant 96 : index
      %swap3A_647 = tpu.vector_load %arg8[%swap3A_646] {strides = array<i32>} : memref<128xi32, #tpu.memory_space<vmem>>, vector<16xi32>,
      %swap3A_648 = vector.shape_cast %swap3A_647 : vector<16xi32> to vector<16xi32>
      %swap3A_649 = vector.shape_cast %get3A_645 : vector<16xi32> to vector<16xi32>
      tpu.vector_store %arg8[%swap3A_646], %swap3A_649 {strides = array<i32>} : memref<128xi32, #tpu.memory_space<vmem>>, vector<16xi32>,
      %get3A_650 = arith.constant 1 : i32
      %get3A_651 = arith.index_cast %get3A_650 : i32 to index
      %get3A_652 = arith.constant 112 : index
      %get3A_653 = tpu.vector_load %arg6[%get3A_651, %get3A_652] {strides = array<i32>} : memref<2x128xi32, #tpu.memory_space<vmem>>, vector<1x16xi32>,
      %get3A_654 = vector.shape_cast %get3A_653 : vector<1x16xi32> to vector<16xi32>
      %swap3A_655 = arith.constant 112 : index
      %swap3A_656 = tpu.vector_load %arg8[%swap3A_655] {strides = array<i32>} : memref<128xi32, #tpu.memory_space<vmem>>, vector<16xi32>,
      %swap3A_657 = vector.shape_cast %swap3A_656 : vector<16xi32> to vector<16xi32>
      %swap3A_658 = vector.shape_cast %get3A_654 : vector<16xi32> to vector<16xi32>
      tpu.vector_store %arg8[%swap3A_655], %swap3A_658 {strides = array<i32>} : memref<128xi32, #tpu.memory_space<vmem>>, vector<16xi32>,
      %scan3A_659 = arith.constant 0 : i32
      %scan3A_660 = arith.constant 0 : i32
      %scan3A_661 = arith.constant 8 : i32
      %scan3A_662 = arith.addi %scan3A_660, %scan3A_661 : i32
      %scan3A_663 = arith.constant 1 : i32
      %scan3A_664 = scf.for %scan3A_778 = %scan3A_660 to %scan3A_662 step %scan3A_663 iter_args(%scan3A_779 = %scan3A_659) -> (i32)  : i32 {
        %mul3A_780 = arith.constant 16 : i32
        %mul3A_781 = arith.muli %scan3A_778, %mul3A_780 : i32
        %get3A_782 = arith.index_cast %add3A_578 : i32 to index
        %get3A_783 = arith.index_cast %mul3A_781 : i32 to index
        %get3A_784 = tpu.vector_load %arg12[%get3A_782, %get3A_783] {strides = array<i32>} : memref<80x128xf32, #tpu.memory_space<vmem>>, vector<1x16xf32>,
        %get3A_785 = vector.shape_cast %get3A_784 : vector<1x16xf32> to vector<16xf32>
        %slice3A = vector.extract_strided_slice %get3A_785 {offsets = [0], sizes = [1], strides = [1]} : vector<16xf32> to vector<1xf32>
        %squeeze3A = vector.extract %slice3A[0] : f32 from vector<1xf32>
        %mul3A_786 = arith.constant 16 : i32
        %mul3A_787 = arith.muli %scan3A_778, %mul3A_786 : i32
        %add3A_788 = arith.constant 0 : i32
        %add3A_789 = arith.addi %mul3A_787, %add3A_788 : i32
        %get3A_790 = arith.index_cast %add3A_789 : i32 to index
        %get3A_791 = arith.constant 0 : index
        %get3A_792 = tpu.vector_load %arg10[%get3A_790, %get3A_791] {strides = array<i32>} : memref<128x128xf32, #tpu.memory_space<vmem>>, vector<1x16xf32>,
        %get3A_793 = vector.shape_cast %get3A_792 : vector<1x16xf32> to vector<16xf32>
        %mul3A_794 = vector.broadcast %squeeze3A : f32 to vector<16xf32>
        %mul3A_795 = arith.mulf %get3A_793, %mul3A_794 : vector<16xf32>
        %swap3A_796 = arith.index_cast %add3A_789 : i32 to index
        %swap3A_797 = arith.constant 0 : index
        %swap3A_798 = tpu.vector_load %arg10[%swap3A_796, %swap3A_797] {strides = array<i32>} : memref<128x128xf32, #tpu.memory_space<vmem>>, vector<1x16xf32>,
        %swap3A_799 = vector.shape_cast %swap3A_798 : vector<1x16xf32> to vector<16xf32>
        %swap3A_800 = vector.shape_cast %mul3A_795 : vector<16xf32> to vector<1x16xf32>
        tpu.vector_store %arg10[%swap3A_796, %swap3A_797], %swap3A_800 {strides = array<i32>} : memref<128x128xf32, #tpu.memory_space<vmem>>, vector<1x16xf32>,
        %get3A_801 = arith.index_cast %add3A_789 : i32 to index
        %get3A_802 = arith.constant 16 : index
        %get3A_803 = tpu.vector_load %arg10[%get3A_801, %get3A_802] {strides = array<i32>} : memref<128x128xf32, #tpu.memory_space<vmem>>, vector<1x16xf32>,
        %get3A_804 = vector.shape_cast %get3A_803 : vector<1x16xf32> to vector<16xf32>
        %mul3A_805 = vector.broadcast %squeeze3A : f32 to vector<16xf32>
        %mul3A_806 = arith.mulf %get3A_804, %mul3A_805 : vector<16xf32>
        %swap3A_807 = arith.index_cast %add3A_789 : i32 to index
        %swap3A_808 = arith.constant 16 : index
        %swap3A_809 = tpu.vector_load %arg10[%swap3A_807, %swap3A_808] {strides = array<i32>} : memref<128x128xf32, #tpu.memory_space<vmem>>, vector<1x16xf32>,
        %swap3A_810 = vector.shape_cast %swap3A_809 : vector<1x16xf32> to vector<16xf32>
        %swap3A_811 = vector.shape_cast %mul3A_806 : vector<16xf32> to vector<1x16xf32>
        tpu.vector_store %arg10[%swap3A_807, %swap3A_808], %swap3A_811 {strides = array<i32>} : memref<128x128xf32, #tpu.memory_space<vmem>>, vector<1x16xf32>,
        %get3A_812 = arith.index_cast %add3A_789 : i32 to index
        %get3A_813 = arith.constant 32 : index
        %get3A_814 = tpu.vector_load %arg10[%get3A_812, %get3A_813] {strides = array<i32>} : memref<128x128xf32, #tpu.memory_space<vmem>>, vector<1x16xf32>,
        %get3A_815 = vector.shape_cast %get3A_814 : vector<1x16xf32> to vector<16xf32>
        %mul3A_816 = vector.broadcast %squeeze3A : f32 to vector<16xf32>
        %mul3A_817 = arith.mulf %get3A_815, %mul3A_816 : vector<16xf32>
        %swap3A_818 = arith.index_cast %add3A_789 : i32 to index
        %swap3A_819 = arith.constant 32 : index
        %swap3A_820 = tpu.vector_load %arg10[%swap3A_818, %swap3A_819] {strides = array<i32>} : memref<128x128xf32, #tpu.memory_space<vmem>>, vector<1x16xf32>,
        %swap3A_821 = vector.shape_cast %swap3A_820 : vector<1x16xf32> to vector<16xf32>
        %swap3A_822 = vector.shape_cast %mul3A_817 : vector<16xf32> to vector<1x16xf32>
        tpu.vector_store %arg10[%swap3A_818, %swap3A_819], %swap3A_822 {strides = array<i32>} : memref<128x128xf32, #tpu.memory_space<vmem>>, vector<1x16xf32>,
        %get3A_823 = arith.index_cast %add3A_789 : i32 to index
        %get3A_824 = arith.constant 48 : index
        %get3A_825 = tpu.vector_load %arg10[%get3A_823, %get3A_824] {strides = array<i32>} : memref<128x128xf32, #tpu.memory_space<vmem>>, vector<1x16xf32>,
        %get3A_826 = vector.shape_cast %get3A_825 : vector<1x16xf32> to vector<16xf32>
        %mul3A_827 = vector.broadcast %squeeze3A : f32 to vector<16xf32>
        %mul3A_828 = arith.mulf %get3A_826, %mul3A_827 : vector<16xf32>
        %swap3A_829 = arith.index_cast %add3A_789 : i32 to index
        %swap3A_830 = arith.constant 48 : index
        %swap3A_831 = tpu.vector_load %arg10[%swap3A_829, %swap3A_830] {strides = array<i32>} : memref<128x128xf32, #tpu.memory_space<vmem>>, vector<1x16xf32>,
        %swap3A_832 = vector.shape_cast %swap3A_831 : vector<1x16xf32> to vector<16xf32>
        %swap3A_833 = vector.shape_cast %mul3A_828 : vector<16xf32> to vector<1x16xf32>
        tpu.vector_store %arg10[%swap3A_829, %swap3A_830], %swap3A_833 {strides = array<i32>} : memref<128x128xf32, #tpu.memory_space<vmem>>, vector<1x16xf32>,
        %get3A_834 = arith.index_cast %add3A_789 : i32 to index
        %get3A_835 = arith.constant 64 : index
        %get3A_836 = tpu.vector_load %arg10[%get3A_834, %get3A_835] {strides = array<i32>} : memref<128x128xf32, #tpu.memory_space<vmem>>, vector<1x16xf32>,
        %get3A_837 = vector.shape_cast %get3A_836 : vector<1x16xf32> to vector<16xf32>
        %mul3A_838 = vector.broadcast %squeeze3A : f32 to vector<16xf32>
        %mul3A_839 = arith.mulf %get3A_837, %mul3A_838 : vector<16xf32>
        %swap3A_840 = arith.index_cast %add3A_789 : i32 to index
        %swap3A_841 = arith.constant 64 : index
        %swap3A_842 = tpu.vector_load %arg10[%swap3A_840, %swap3A_841] {strides = array<i32>} : memref<128x128xf32, #tpu.memory_space<vmem>>, vector<1x16xf32>,
        %swap3A_843 = vector.shape_cast %swap3A_842 : vector<1x16xf32> to vector<16xf32>
        %swap3A_844 = vector.shape_cast %mul3A_839 : vector<16xf32> to vector<1x16xf32>
        tpu.vector_store %arg10[%swap3A_840, %swap3A_841], %swap3A_844 {strides = array<i32>} : memref<128x128xf32, #tpu.memory_space<vmem>>, vector<1x16xf32>,
        %get3A_845 = arith.index_cast %add3A_789 : i32 to index
        %get3A_846 = arith.constant 80 : index
        %get3A_847 = tpu.vector_load %arg10[%get3A_845, %get3A_846] {strides = array<i32>} : memref<128x128xf32, #tpu.memory_space<vmem>>, vector<1x16xf32>,
        %get3A_848 = vector.shape_cast %get3A_847 : vector<1x16xf32> to vector<16xf32>
        %mul3A_849 = vector.broadcast %squeeze3A : f32 to vector<16xf32>
        %mul3A_850 = arith.mulf %get3A_848, %mul3A_849 : vector<16xf32>
        %swap3A_851 = arith.index_cast %add3A_789 : i32 to index
        %swap3A_852 = arith.constant 80 : index
        %swap3A_853 = tpu.vector_load %arg10[%swap3A_851, %swap3A_852] {strides = array<i32>} : memref<128x128xf32, #tpu.memory_space<vmem>>, vector<1x16xf32>,
        %swap3A_854 = vector.shape_cast %swap3A_853 : vector<1x16xf32> to vector<16xf32>
        %swap3A_855 = vector.shape_cast %mul3A_850 : vector<16xf32> to vector<1x16xf32>
        tpu.vector_store %arg10[%swap3A_851, %swap3A_852], %swap3A_855 {strides = array<i32>} : memref<128x128xf32, #tpu.memory_space<vmem>>, vector<1x16xf32>,
        %get3A_856 = arith.index_cast %add3A_789 : i32 to index
        %get3A_857 = arith.constant 96 : index
        %get3A_858 = tpu.vector_load %arg10[%get3A_856, %get3A_857] {strides = array<i32>} : memref<128x128xf32, #tpu.memory_space<vmem>>, vector<1x16xf32>,
        %get3A_859 = vector.shape_cast %get3A_858 : vector<1x16xf32> to vector<16xf32>
        %mul3A_860 = vector.broadcast %squeeze3A : f32 to vector<16xf32>
        %mul3A_861 = arith.mulf %get3A_859, %mul3A_860 : vector<16xf32>
        %swap3A_862 = arith.index_cast %add3A_789 : i32 to index
        %swap3A_863 = arith.constant 96 : index
        %swap3A_864 = tpu.vector_load %arg10[%swap3A_862, %swap3A_863] {strides = array<i32>} : memref<128x128xf32, #tpu.memory_space<vmem>>, vector<1x16xf32>,
        %swap3A_865 = vector.shape_cast %swap3A_864 : vector<1x16xf32> to vector<16xf32>
        %swap3A_866 = vector.shape_cast %mul3A_861 : vector<16xf32> to vector<1x16xf32>
        tpu.vector_store %arg10[%swap3A_862, %swap3A_863], %swap3A_866 {strides = array<i32>} : memref<128x128xf32, #tpu.memory_space<vmem>>, vector<1x16xf32>,
        %get3A_867 = arith.index_cast %add3A_789 : i32 to index
        %get3A_868 = arith.constant 112 : index
        %get3A_869 = tpu.vector_load %arg10[%get3A_867, %get3A_868] {strides = array<i32>} : memref<128x128xf32, #tpu.memory_space<vmem>>, vector<1x16xf32>,
        %get3A_870 = vector.shape_cast %get3A_869 : vector<1x16xf32> to vector<16xf32>
        %mul3A_871 = vector.broadcast %squeeze3A : f32 to vector<16xf32>
        %mul3A_872 = arith.mulf %get3A_870, %mul3A_871 : vector<16xf32>
        %swap3A_873 = arith.index_cast %add3A_789 : i32 to index
        %swap3A_874 = arith.constant 112 : index
        %swap3A_875 = tpu.vector_load %arg10[%swap3A_873, %swap3A_874] {strides = array<i32>} : memref<128x128xf32, #tpu.memory_space<vmem>>, vector<1x16xf32>,
        %swap3A_876 = vector.shape_cast %swap3A_875 : vector<1x16xf32> to vector<16xf32>
        %swap3A_877 = vector.shape_cast %mul3A_872 : vector<16xf32> to vector<1x16xf32>
        tpu.vector_store %arg10[%swap3A_873, %swap3A_874], %swap3A_877 {strides = array<i32>} : memref<128x128xf32, #tpu.memory_space<vmem>>, vector<1x16xf32>,
        %slice3A_878 = vector.extract_strided_slice %get3A_785 {offsets = [1], sizes = [1], strides = [1]} : vector<16xf32> to vector<1xf32>
        %squeeze3A_879 = vector.extract %slice3A_878[0] : f32 from vector<1xf32>
        %mul3A_880 = arith.constant 16 : i32
        %mul3A_881 = arith.muli %scan3A_778, %mul3A_880 : i32
        %add3A_882 = arith.constant 1 : i32
        %add3A_883 = arith.addi %mul3A_881, %add3A_882 : i32
        %get3A_884 = arith.index_cast %add3A_883 : i32 to index
        %get3A_885 = arith.constant 0 : index
        %get3A_886 = tpu.vector_load %arg10[%get3A_884, %get3A_885] {strides = array<i32>} : memref<128x128xf32, #tpu.memory_space<vmem>>, vector<1x16xf32>,
        %get3A_887 = vector.shape_cast %get3A_886 : vector<1x16xf32> to vector<16xf32>
        %mul3A_888 = vector.broadcast %squeeze3A_879 : f32 to vector<16xf32>
        %mul3A_889 = arith.mulf %get3A_887, %mul3A_888 : vector<16xf32>
        %swap3A_890 = arith.index_cast %add3A_883 : i32 to index
        %swap3A_891 = arith.constant 0 : index
        %swap3A_892 = tpu.vector_load %arg10[%swap3A_890, %swap3A_891] {strides = array<i32>} : memref<128x128xf32, #tpu.memory_space<vmem>>, vector<1x16xf32>,
        %swap3A_893 = vector.shape_cast %swap3A_892 : vector<1x16xf32> to vector<16xf32>
        %swap3A_894 = vector.shape_cast %mul3A_889 : vector<16xf32> to vector<1x16xf32>
        tpu.vector_store %arg10[%swap3A_890, %swap3A_891], %swap3A_894 {strides = array<i32>} : memref<128x128xf32, #tpu.memory_space<vmem>>, vector<1x16xf32>,
        %get3A_895 = arith.index_cast %add3A_883 : i32 to index
        %get3A_896 = arith.constant 16 : index
        %get3A_897 = tpu.vector_load %arg10[%get3A_895, %get3A_896] {strides = array<i32>} : memref<128x128xf32, #tpu.memory_space<vmem>>, vector<1x16xf32>,
        %get3A_898 = vector.shape_cast %get3A_897 : vector<1x16xf32> to vector<16xf32>
        %mul3A_899 = vector.broadcast %squeeze3A_879 : f32 to vector<16xf32>
        %mul3A_900 = arith.mulf %get3A_898, %mul3A_899 : vector<16xf32>
        %swap3A_901 = arith.index_cast %add3A_883 : i32 to index
        %swap3A_902 = arith.constant 16 : index
        %swap3A_903 = tpu.vector_load %arg10[%swap3A_901, %swap3A_902] {strides = array<i32>} : memref<128x128xf32, #tpu.memory_space<vmem>>, vector<1x16xf32>,
        %swap3A_904 = vector.shape_cast %swap3A_903 : vector<1x16xf32> to vector<16xf32>
        %swap3A_905 = vector.shape_cast %mul3A_900 : vector<16xf32> to vector<1x16xf32>
        tpu.vector_store %arg10[%swap3A_901, %swap3A_902], %swap3A_905 {strides = array<i32>} : memref<128x128xf32, #tpu.memory_space<vmem>>, vector<1x16xf32>,
        %get3A_906 = arith.index_cast %add3A_883 : i32 to index
        %get3A_907 = arith.constant 32 : index
        %get3A_908 = tpu.vector_load %arg10[%get3A_906, %get3A_907] {strides = array<i32>} : memref<128x128xf32, #tpu.memory_space<vmem>>, vector<1x16xf32>,
        %get3A_909 = vector.shape_cast %get3A_908 : vector<1x16xf32> to vector<16xf32>
        %mul3A_910 = vector.broadcast %squeeze3A_879 : f32 to vector<16xf32>
        %mul3A_911 = arith.mulf %get3A_909, %mul3A_910 : vector<16xf32>
        %swap3A_912 = arith.index_cast %add3A_883 : i32 to index
        %swap3A_913 = arith.constant 32 : index
        %swap3A_914 = tpu.vector_load %arg10[%swap3A_912, %swap3A_913] {strides = array<i32>} : memref<128x128xf32, #tpu.memory_space<vmem>>, vector<1x16xf32>,
        %swap3A_915 = vector.shape_cast %swap3A_914 : vector<1x16xf32> to vector<16xf32>
        %swap3A_916 = vector.shape_cast %mul3A_911 : vector<16xf32> to vector<1x16xf32>
        tpu.vector_store %arg10[%swap3A_912, %swap3A_913], %swap3A_916 {strides = array<i32>} : memref<128x128xf32, #tpu.memory_space<vmem>>, vector<1x16xf32>,
        %get3A_917 = arith.index_cast %add3A_883 : i32 to index
        %get3A_918 = arith.constant 48 : index
        %get3A_919 = tpu.vector_load %arg10[%get3A_917, %get3A_918] {strides = array<i32>} : memref<128x128xf32, #tpu.memory_space<vmem>>, vector<1x16xf32>,
        %get3A_920 = vector.shape_cast %get3A_919 : vector<1x16xf32> to vector<16xf32>
        %mul3A_921 = vector.broadcast %squeeze3A_879 : f32 to vector<16xf32>
        %mul3A_922 = arith.mulf %get3A_920, %mul3A_921 : vector<16xf32>
        %swap3A_923 = arith.index_cast %add3A_883 : i32 to index
        %swap3A_924 = arith.constant 48 : index
        %swap3A_925 = tpu.vector_load %arg10[%swap3A_923, %swap3A_924] {strides = array<i32>} : memref<128x128xf32, #tpu.memory_space<vmem>>, vector<1x16xf32>,
        %swap3A_926 = vector.shape_cast %swap3A_925 : vector<1x16xf32> to vector<16xf32>
        %swap3A_927 = vector.shape_cast %mul3A_922 : vector<16xf32> to vector<1x16xf32>
        tpu.vector_store %arg10[%swap3A_923, %swap3A_924], %swap3A_927 {strides = array<i32>} : memref<128x128xf32, #tpu.memory_space<vmem>>, vector<1x16xf32>,
        %get3A_928 = arith.index_cast %add3A_883 : i32 to index
        %get3A_929 = arith.constant 64 : index
        %get3A_930 = tpu.vector_load %arg10[%get3A_928, %get3A_929] {strides = array<i32>} : memref<128x128xf32, #tpu.memory_space<vmem>>, vector<1x16xf32>,
        %get3A_931 = vector.shape_cast %get3A_930 : vector<1x16xf32> to vector<16xf32>
        %mul3A_932 = vector.broadcast %squeeze3A_879 : f32 to vector<16xf32>
        %mul3A_933 = arith.mulf %get3A_931, %mul3A_932 : vector<16xf32>
        %swap3A_934 = arith.index_cast %add3A_883 : i32 to index
        %swap3A_935 = arith.constant 64 : index
        %swap3A_936 = tpu.vector_load %arg10[%swap3A_934, %swap3A_935] {strides = array<i32>} : memref<128x128xf32, #tpu.memory_space<vmem>>, vector<1x16xf32>,
        %swap3A_937 = vector.shape_cast %swap3A_936 : vector<1x16xf32> to vector<16xf32>
        %swap3A_938 = vector.shape_cast %mul3A_933 : vector<16xf32> to vector<1x16xf32>
        tpu.vector_store %arg10[%swap3A_934, %swap3A_935], %swap3A_938 {strides = array<i32>} : memref<128x128xf32, #tpu.memory_space<vmem>>, vector<1x16xf32>,
        %get3A_939 = arith.index_cast %add3A_883 : i32 to index
        %get3A_940 = arith.constant 80 : index
        %get3A_941 = tpu.vector_load %arg10[%get3A_939, %get3A_940] {strides = array<i32>} : memref<128x128xf32, #tpu.memory_space<vmem>>, vector<1x16xf32>,
        %get3A_942 = vector.shape_cast %get3A_941 : vector<1x16xf32> to vector<16xf32>
        %mul3A_943 = vector.broadcast %squeeze3A_879 : f32 to vector<16xf32>
        %mul3A_944 = arith.mulf %get3A_942, %mul3A_943 : vector<16xf32>
        %swap3A_945 = arith.index_cast %add3A_883 : i32 to index
        %swap3A_946 = arith.constant 80 : index
        %swap3A_947 = tpu.vector_load %arg10[%swap3A_945, %swap3A_946] {strides = array<i32>} : memref<128x128xf32, #tpu.memory_space<vmem>>, vector<1x16xf32>,
        %swap3A_948 = vector.shape_cast %swap3A_947 : vector<1x16xf32> to vector<16xf32>
        %swap3A_949 = vector.shape_cast %mul3A_944 : vector<16xf32> to vector<1x16xf32>
        tpu.vector_store %arg10[%swap3A_945, %swap3A_946], %swap3A_949 {strides = array<i32>} : memref<128x128xf32, #tpu.memory_space<vmem>>, vector<1x16xf32>,
        %get3A_950 = arith.index_cast %add3A_883 : i32 to index
        %get3A_951 = arith.constant 96 : index
        %get3A_952 = tpu.vector_load %arg10[%get3A_950, %get3A_951] {strides = array<i32>} : memref<128x128xf32, #tpu.memory_space<vmem>>, vector<1x16xf32>,
        %get3A_953 = vector.shape_cast %get3A_952 : vector<1x16xf32> to vector<16xf32>
        %mul3A_954 = vector.broadcast %squeeze3A_879 : f32 to vector<16xf32>
        %mul3A_955 = arith.mulf %get3A_953, %mul3A_954 : vector<16xf32>
        %swap3A_956 = arith.index_cast %add3A_883 : i32 to index
        %swap3A_957 = arith.constant 96 : index
        %swap3A_958 = tpu.vector_load %arg10[%swap3A_956, %swap3A_957] {strides = array<i32>} : memref<128x128xf32, #tpu.memory_space<vmem>>, vector<1x16xf32>,
        %swap3A_959 = vector.shape_cast %swap3A_958 : vector<1x16xf32> to vector<16xf32>
        %swap3A_960 = vector.shape_cast %mul3A_955 : vector<16xf32> to vector<1x16xf32>
        tpu.vector_store %arg10[%swap3A_956, %swap3A_957], %swap3A_960 {strides = array<i32>} : memref<128x128xf32, #tpu.memory_space<vmem>>, vector<1x16xf32>,
        %get3A_961 = arith.index_cast %add3A_883 : i32 to index
        %get3A_962 = arith.constant 112 : index
        %get3A_963 = tpu.vector_load %arg10[%get3A_961, %get3A_962] {strides = array<i32>} : memref<128x128xf32, #tpu.memory_space<vmem>>, vector<1x16xf32>,
        %get3A_964 = vector.shape_cast %get3A_963 : vector<1x16xf32> to vector<16xf32>
        %mul3A_965 = vector.broadcast %squeeze3A_879 : f32 to vector<16xf32>
        %mul3A_966 = arith.mulf %get3A_964, %mul3A_965 : vector<16xf32>
        %swap3A_967 = arith.index_cast %add3A_883 : i32 to index
        %swap3A_968 = arith.constant 112 : index
        %swap3A_969 = tpu.vector_load %arg10[%swap3A_967, %swap3A_968] {strides = array<i32>} : memref<128x128xf32, #tpu.memory_space<vmem>>, vector<1x16xf32>,
        %swap3A_970 = vector.shape_cast %swap3A_969 : vector<1x16xf32> to vector<16xf32>
        %swap3A_971 = vector.shape_cast %mul3A_966 : vector<16xf32> to vector<1x16xf32>
        tpu.vector_store %arg10[%swap3A_967, %swap3A_968], %swap3A_971 {strides = array<i32>} : memref<128x128xf32, #tpu.memory_space<vmem>>, vector<1x16xf32>,
        %slice3A_972 = vector.extract_strided_slice %get3A_785 {offsets = [2], sizes = [1], strides = [1]} : vector<16xf32> to vector<1xf32>
        %squeeze3A_973 = vector.extract %slice3A_972[0] : f32 from vector<1xf32>
        %mul3A_974 = arith.constant 16 : i32
        %mul3A_975 = arith.muli %scan3A_778, %mul3A_974 : i32
        %add3A_976 = arith.constant 2 : i32
        %add3A_977 = arith.addi %mul3A_975, %add3A_976 : i32
        %get3A_978 = arith.index_cast %add3A_977 : i32 to index
        %get3A_979 = arith.constant 0 : index
        %get3A_980 = tpu.vector_load %arg10[%get3A_978, %get3A_979] {strides = array<i32>} : memref<128x128xf32, #tpu.memory_space<vmem>>, vector<1x16xf32>,
        %get3A_981 = vector.shape_cast %get3A_980 : vector<1x16xf32> to vector<16xf32>
        %mul3A_982 = vector.broadcast %squeeze3A_973 : f32 to vector<16xf32>
        %mul3A_983 = arith.mulf %get3A_981, %mul3A_982 : vector<16xf32>
        %swap3A_984 = arith.index_cast %add3A_977 : i32 to index
        %swap3A_985 = arith.constant 0 : index
        %swap3A_986 = tpu.vector_load %arg10[%swap3A_984, %swap3A_985] {strides = array<i32>} : memref<128x128xf32, #tpu.memory_space<vmem>>, vector<1x16xf32>,
        %swap3A_987 = vector.shape_cast %swap3A_986 : vector<1x16xf32> to vector<16xf32>
        %swap3A_988 = vector.shape_cast %mul3A_983 : vector<16xf32> to vector<1x16xf32>
        tpu.vector_store %arg10[%swap3A_984, %swap3A_985], %swap3A_988 {strides = array<i32>} : memref<128x128xf32, #tpu.memory_space<vmem>>, vector<1x16xf32>,
        %get3A_989 = arith.index_cast %add3A_977 : i32 to index
        %get3A_990 = arith.constant 16 : index
        %get3A_991 = tpu.vector_load %arg10[%get3A_989, %get3A_990] {strides = array<i32>} : memref<128x128xf32, #tpu.memory_space<vmem>>, vector<1x16xf32>,
        %get3A_992 = vector.shape_cast %get3A_991 : vector<1x16xf32> to vector<16xf32>
        %mul3A_993 = vector.broadcast %squeeze3A_973 : f32 to vector<16xf32>
        %mul3A_994 = arith.mulf %get3A_992, %mul3A_993 : vector<16xf32>
        %swap3A_995 = arith.index_cast %add3A_977 : i32 to index
        %swap3A_996 = arith.constant 16 : index
        %swap3A_997 = tpu.vector_load %arg10[%swap3A_995, %swap3A_996] {strides = array<i32>} : memref<128x128xf32, #tpu.memory_space<vmem>>, vector<1x16xf32>,
        %swap3A_998 = vector.shape_cast %swap3A_997 : vector<1x16xf32> to vector<16xf32>
        %swap3A_999 = vector.shape_cast %mul3A_994 : vector<16xf32> to vector<1x16xf32>
        tpu.vector_store %arg10[%swap3A_995, %swap3A_996], %swap3A_999 {strides = array<i32>} : memref<128x128xf32, #tpu.memory_space<vmem>>, vector<1x16xf32>,
        %get3A_1000 = arith.index_cast %add3A_977 : i32 to index
        %get3A_1001 = arith.constant 32 : index
        %get3A_1002 = tpu.vector_load %arg10[%get3A_1000, %get3A_1001] {strides = array<i32>} : memref<128x128xf32, #tpu.memory_space<vmem>>, vector<1x16xf32>,
        %get3A_1003 = vector.shape_cast %get3A_1002 : vector<1x16xf32> to vector<16xf32>
        %mul3A_1004 = vector.broadcast %squeeze3A_973 : f32 to vector<16xf32>
        %mul3A_1005 = arith.mulf %get3A_1003, %mul3A_1004 : vector<16xf32>
        %swap3A_1006 = arith.index_cast %add3A_977 : i32 to index
        %swap3A_1007 = arith.constant 32 : index
        %swap3A_1008 = tpu.vector_load %arg10[%swap3A_1006, %swap3A_1007] {strides = array<i32>} : memref<128x128xf32, #tpu.memory_space<vmem>>, vector<1x16xf32>,
        %swap3A_1009 = vector.shape_cast %swap3A_1008 : vector<1x16xf32> to vector<16xf32>
        %swap3A_1010 = vector.shape_cast %mul3A_1005 : vector<16xf32> to vector<1x16xf32>
        tpu.vector_store %arg10[%swap3A_1006, %swap3A_1007], %swap3A_1010 {strides = array<i32>} : memref<128x128xf32, #tpu.memory_space<vmem>>, vector<1x16xf32>,
        %get3A_1011 = arith.index_cast %add3A_977 : i32 to index
        %get3A_1012 = arith.constant 48 : index
        %get3A_1013 = tpu.vector_load %arg10[%get3A_1011, %get3A_1012] {strides = array<i32>} : memref<128x128xf32, #tpu.memory_space<vmem>>, vector<1x16xf32>,
        %get3A_1014 = vector.shape_cast %get3A_1013 : vector<1x16xf32> to vector<16xf32>
        %mul3A_1015 = vector.broadcast %squeeze3A_973 : f32 to vector<16xf32>
        %mul3A_1016 = arith.mulf %get3A_1014, %mul3A_1015 : vector<16xf32>
        %swap3A_1017 = arith.index_cast %add3A_977 : i32 to index
        %swap3A_1018 = arith.constant 48 : index
        %swap3A_1019 = tpu.vector_load %arg10[%swap3A_1017, %swap3A_1018] {strides = array<i32>} : memref<128x128xf32, #tpu.memory_space<vmem>>, vector<1x16xf32>,
        %swap3A_1020 = vector.shape_cast %swap3A_1019 : vector<1x16xf32> to vector<16xf32>
        %swap3A_1021 = vector.shape_cast %mul3A_1016 : vector<16xf32> to vector<1x16xf32>
        tpu.vector_store %arg10[%swap3A_1017, %swap3A_1018], %swap3A_1021 {strides = array<i32>} : memref<128x128xf32, #tpu.memory_space<vmem>>, vector<1x16xf32>,
        %get3A_1022 = arith.index_cast %add3A_977 : i32 to index
        %get3A_1023 = arith.constant 64 : index
        %get3A_1024 = tpu.vector_load %arg10[%get3A_1022, %get3A_1023] {strides = array<i32>} : memref<128x128xf32, #tpu.memory_space<vmem>>, vector<1x16xf32>,
        %get3A_1025 = vector.shape_cast %get3A_1024 : vector<1x16xf32> to vector<16xf32>
        %mul3A_1026 = vector.broadcast %squeeze3A_973 : f32 to vector<16xf32>
        %mul3A_1027 = arith.mulf %get3A_1025, %mul3A_1026 : vector<16xf32>
        %swap3A_1028 = arith.index_cast %add3A_977 : i32 to index
        %swap3A_1029 = arith.constant 64 : index
        %swap3A_1030 = tpu.vector_load %arg10[%swap3A_1028, %swap3A_1029] {strides = array<i32>} : memref<128x128xf32, #tpu.memory_space<vmem>>, vector<1x16xf32>,
        %swap3A_1031 = vector.shape_cast %swap3A_1030 : vector<1x16xf32> to vector<16xf32>
        %swap3A_1032 = vector.shape_cast %mul3A_1027 : vector<16xf32> to vector<1x16xf32>
        tpu.vector_store %arg10[%swap3A_1028, %swap3A_1029], %swap3A_1032 {strides = array<i32>} : memref<128x128xf32, #tpu.memory_space<vmem>>, vector<1x16xf32>,
        %get3A_1033 = arith.index_cast %add3A_977 : i32 to index
        %get3A_1034 = arith.constant 80 : index
        %get3A_1035 = tpu.vector_load %arg10[%get3A_1033, %get3A_1034] {strides = array<i32>} : memref<128x128xf32, #tpu.memory_space<vmem>>, vector<1x16xf32>,
        %get3A_1036 = vector.shape_cast %get3A_1035 : vector<1x16xf32> to vector<16xf32>
        %mul3A_1037 = vector.broadcast %squeeze3A_973 : f32 to vector<16xf32>
        %mul3A_1038 = arith.mulf %get3A_1036, %mul3A_1037 : vector<16xf32>
        %swap3A_1039 = arith.index_cast %add3A_977 : i32 to index
        %swap3A_1040 = arith.constant 80 : index
        %swap3A_1041 = tpu.vector_load %arg10[%swap3A_1039, %swap3A_1040] {strides = array<i32>} : memref<128x128xf32, #tpu.memory_space<vmem>>, vector<1x16xf32>,
        %swap3A_1042 = vector.shape_cast %swap3A_1041 : vector<1x16xf32> to vector<16xf32>
        %swap3A_1043 = vector.shape_cast %mul3A_1038 : vector<16xf32> to vector<1x16xf32>
        tpu.vector_store %arg10[%swap3A_1039, %swap3A_1040], %swap3A_1043 {strides = array<i32>} : memref<128x128xf32, #tpu.memory_space<vmem>>, vector<1x16xf32>,
        %get3A_1044 = arith.index_cast %add3A_977 : i32 to index
        %get3A_1045 = arith.constant 96 : index
        %get3A_1046 = tpu.vector_load %arg10[%get3A_1044, %get3A_1045] {strides = array<i32>} : memref<128x128xf32, #tpu.memory_space<vmem>>, vector<1x16xf32>,
        %get3A_1047 = vector.shape_cast %get3A_1046 : vector<1x16xf32> to vector<16xf32>
        %mul3A_1048 = vector.broadcast %squeeze3A_973 : f32 to vector<16xf32>
        %mul3A_1049 = arith.mulf %get3A_1047, %mul3A_1048 : vector<16xf32>
        %swap3A_1050 = arith.index_cast %add3A_977 : i32 to index
        %swap3A_1051 = arith.constant 96 : index
        %swap3A_1052 = tpu.vector_load %arg10[%swap3A_1050, %swap3A_1051] {strides = array<i32>} : memref<128x128xf32, #tpu.memory_space<vmem>>, vector<1x16xf32>,
        %swap3A_1053 = vector.shape_cast %swap3A_1052 : vector<1x16xf32> to vector<16xf32>
        %swap3A_1054 = vector.shape_cast %mul3A_1049 : vector<16xf32> to vector<1x16xf32>
        tpu.vector_store %arg10[%swap3A_1050, %swap3A_1051], %swap3A_1054 {strides = array<i32>} : memref<128x128xf32, #tpu.memory_space<vmem>>, vector<1x16xf32>,
        %get3A_1055 = arith.index_cast %add3A_977 : i32 to index
        %get3A_1056 = arith.constant 112 : index
        %get3A_1057 = tpu.vector_load %arg10[%get3A_1055, %get3A_1056] {strides = array<i32>} : memref<128x128xf32, #tpu.memory_space<vmem>>, vector<1x16xf32>,
        %get3A_1058 = vector.shape_cast %get3A_1057 : vector<1x16xf32> to vector<16xf32>
        %mul3A_1059 = vector.broadcast %squeeze3A_973 : f32 to vector<16xf32>
        %mul3A_1060 = arith.mulf %get3A_1058, %mul3A_1059 : vector<16xf32>
        %swap3A_1061 = arith.index_cast %add3A_977 : i32 to index
        %swap3A_1062 = arith.constant 112 : index
        %swap3A_1063 = tpu.vector_load %arg10[%swap3A_1061, %swap3A_1062] {strides = array<i32>} : memref<128x128xf32, #tpu.memory_space<vmem>>, vector<1x16xf32>,
        %swap3A_1064 = vector.shape_cast %swap3A_1063 : vector<1x16xf32> to vector<16xf32>
        %swap3A_1065 = vector.shape_cast %mul3A_1060 : vector<16xf32> to vector<1x16xf32>
        tpu.vector_store %arg10[%swap3A_1061, %swap3A_1062], %swap3A_1065 {strides = array<i32>} : memref<128x128xf32, #tpu.memory_space<vmem>>, vector<1x16xf32>,
        %slice3A_1066 = vector.extract_strided_slice %get3A_785 {offsets = [3], sizes = [1], strides = [1]} : vector<16xf32> to vector<1xf32>
        %squeeze3A_1067 = vector.extract %slice3A_1066[0] : f32 from vector<1xf32>
        %mul3A_1068 = arith.constant 16 : i32
        %mul3A_1069 = arith.muli %scan3A_778, %mul3A_1068 : i32
        %add3A_1070 = arith.constant 3 : i32
        %add3A_1071 = arith.addi %mul3A_1069, %add3A_1070 : i32
        %get3A_1072 = arith.index_cast %add3A_1071 : i32 to index
        %get3A_1073 = arith.constant 0 : index
        %get3A_1074 = tpu.vector_load %arg10[%get3A_1072, %get3A_1073] {strides = array<i32>} : memref<128x128xf32, #tpu.memory_space<vmem>>, vector<1x16xf32>,
        %get3A_1075 = vector.shape_cast %get3A_1074 : vector<1x16xf32> to vector<16xf32>
        %mul3A_1076 = vector.broadcast %squeeze3A_1067 : f32 to vector<16xf32>
        %mul3A_1077 = arith.mulf %get3A_1075, %mul3A_1076 : vector<16xf32>
        %swap3A_1078 = arith.index_cast %add3A_1071 : i32 to index
        %swap3A_1079 = arith.constant 0 : index
        %swap3A_1080 = tpu.vector_load %arg10[%swap3A_1078, %swap3A_1079] {strides = array<i32>} : memref<128x128xf32, #tpu.memory_space<vmem>>, vector<1x16xf32>,
        %swap3A_1081 = vector.shape_cast %swap3A_1080 : vector<1x16xf32> to vector<16xf32>
        %swap3A_1082 = vector.shape_cast %mul3A_1077 : vector<16xf32> to vector<1x16xf32>
        tpu.vector_store %arg10[%swap3A_1078, %swap3A_1079], %swap3A_1082 {strides = array<i32>} : memref<128x128xf32, #tpu.memory_space<vmem>>, vector<1x16xf32>,
        %get3A_1083 = arith.index_cast %add3A_1071 : i32 to index
        %get3A_1084 = arith.constant 16 : index
        %get3A_1085 = tpu.vector_load %arg10[%get3A_1083, %get3A_1084] {strides = array<i32>} : memref<128x128xf32, #tpu.memory_space<vmem>>, vector<1x16xf32>,
        %get3A_1086 = vector.shape_cast %get3A_1085 : vector<1x16xf32> to vector<16xf32>
        %mul3A_1087 = vector.broadcast %squeeze3A_1067 : f32 to vector<16xf32>
        %mul3A_1088 = arith.mulf %get3A_1086, %mul3A_1087 : vector<16xf32>
        %swap3A_1089 = arith.index_cast %add3A_1071 : i32 to index
        %swap3A_1090 = arith.constant 16 : index
        %swap3A_1091 = tpu.vector_load %arg10[%swap3A_1089, %swap3A_1090] {strides = array<i32>} : memref<128x128xf32, #tpu.memory_space<vmem>>, vector<1x16xf32>,
        %swap3A_1092 = vector.shape_cast %swap3A_1091 : vector<1x16xf32> to vector<16xf32>
        %swap3A_1093 = vector.shape_cast %mul3A_1088 : vector<16xf32> to vector<1x16xf32>
        tpu.vector_store %arg10[%swap3A_1089, %swap3A_1090], %swap3A_1093 {strides = array<i32>} : memref<128x128xf32, #tpu.memory_space<vmem>>, vector<1x16xf32>,
        %get3A_1094 = arith.index_cast %add3A_1071 : i32 to index
        %get3A_1095 = arith.constant 32 : index
        %get3A_1096 = tpu.vector_load %arg10[%get3A_1094, %get3A_1095] {strides = array<i32>} : memref<128x128xf32, #tpu.memory_space<vmem>>, vector<1x16xf32>,
        %get3A_1097 = vector.shape_cast %get3A_1096 : vector<1x16xf32> to vector<16xf32>
        %mul3A_1098 = vector.broadcast %squeeze3A_1067 : f32 to vector<16xf32>
        %mul3A_1099 = arith.mulf %get3A_1097, %mul3A_1098 : vector<16xf32>
        %swap3A_1100 = arith.index_cast %add3A_1071 : i32 to index
        %swap3A_1101 = arith.constant 32 : index
        %swap3A_1102 = tpu.vector_load %arg10[%swap3A_1100, %swap3A_1101] {strides = array<i32>} : memref<128x128xf32, #tpu.memory_space<vmem>>, vector<1x16xf32>,
        %swap3A_1103 = vector.shape_cast %swap3A_1102 : vector<1x16xf32> to vector<16xf32>
        %swap3A_1104 = vector.shape_cast %mul3A_1099 : vector<16xf32> to vector<1x16xf32>
        tpu.vector_store %arg10[%swap3A_1100, %swap3A_1101], %swap3A_1104 {strides = array<i32>} : memref<128x128xf32, #tpu.memory_space<vmem>>, vector<1x16xf32>,
        %get3A_1105 = arith.index_cast %add3A_1071 : i32 to index
        %get3A_1106 = arith.constant 48 : index
        %get3A_1107 = tpu.vector_load %arg10[%get3A_1105, %get3A_1106] {strides = array<i32>} : memref<128x128xf32, #tpu.memory_space<vmem>>, vector<1x16xf32>,
        %get3A_1108 = vector.shape_cast %get3A_1107 : vector<1x16xf32> to vector<16xf32>
        %mul3A_1109 = vector.broadcast %squeeze3A_1067 : f32 to vector<16xf32>
        %mul3A_1110 = arith.mulf %get3A_1108, %mul3A_1109 : vector<16xf32>
        %swap3A_1111 = arith.index_cast %add3A_1071 : i32 to index
        %swap3A_1112 = arith.constant 48 : index
        %swap3A_1113 = tpu.vector_load %arg10[%swap3A_1111, %swap3A_1112] {strides = array<i32>} : memref<128x128xf32, #tpu.memory_space<vmem>>, vector<1x16xf32>,
        %swap3A_1114 = vector.shape_cast %swap3A_1113 : vector<1x16xf32> to vector<16xf32>
        %swap3A_1115 = vector.shape_cast %mul3A_1110 : vector<16xf32> to vector<1x16xf32>
        tpu.vector_store %arg10[%swap3A_1111, %swap3A_1112], %swap3A_1115 {strides = array<i32>} : memref<128x128xf32, #tpu.memory_space<vmem>>, vector<1x16xf32>,
        %get3A_1116 = arith.index_cast %add3A_1071 : i32 to index
        %get3A_1117 = arith.constant 64 : index
        %get3A_1118 = tpu.vector_load %arg10[%get3A_1116, %get3A_1117] {strides = array<i32>} : memref<128x128xf32, #tpu.memory_space<vmem>>, vector<1x16xf32>,
        %get3A_1119 = vector.shape_cast %get3A_1118 : vector<1x16xf32> to vector<16xf32>
        %mul3A_1120 = vector.broadcast %squeeze3A_1067 : f32 to vector<16xf32>
        %mul3A_1121 = arith.mulf %get3A_1119, %mul3A_1120 : vector<16xf32>
        %swap3A_1122 = arith.index_cast %add3A_1071 : i32 to index
        %swap3A_1123 = arith.constant 64 : index
        %swap3A_1124 = tpu.vector_load %arg10[%swap3A_1122, %swap3A_1123] {strides = array<i32>} : memref<128x128xf32, #tpu.memory_space<vmem>>, vector<1x16xf32>,
        %swap3A_1125 = vector.shape_cast %swap3A_1124 : vector<1x16xf32> to vector<16xf32>
        %swap3A_1126 = vector.shape_cast %mul3A_1121 : vector<16xf32> to vector<1x16xf32>
        tpu.vector_store %arg10[%swap3A_1122, %swap3A_1123], %swap3A_1126 {strides = array<i32>} : memref<128x128xf32, #tpu.memory_space<vmem>>, vector<1x16xf32>,
        %get3A_1127 = arith.index_cast %add3A_1071 : i32 to index
        %get3A_1128 = arith.constant 80 : index
        %get3A_1129 = tpu.vector_load %arg10[%get3A_1127, %get3A_1128] {strides = array<i32>} : memref<128x128xf32, #tpu.memory_space<vmem>>, vector<1x16xf32>,
        %get3A_1130 = vector.shape_cast %get3A_1129 : vector<1x16xf32> to vector<16xf32>
        %mul3A_1131 = vector.broadcast %squeeze3A_1067 : f32 to vector<16xf32>
        %mul3A_1132 = arith.mulf %get3A_1130, %mul3A_1131 : vector<16xf32>
        %swap3A_1133 = arith.index_cast %add3A_1071 : i32 to index
        %swap3A_1134 = arith.constant 80 : index
        %swap3A_1135 = tpu.vector_load %arg10[%swap3A_1133, %swap3A_1134] {strides = array<i32>} : memref<128x128xf32, #tpu.memory_space<vmem>>, vector<1x16xf32>,
        %swap3A_1136 = vector.shape_cast %swap3A_1135 : vector<1x16xf32> to vector<16xf32>
        %swap3A_1137 = vector.shape_cast %mul3A_1132 : vector<16xf32> to vector<1x16xf32>
        tpu.vector_store %arg10[%swap3A_1133, %swap3A_1134], %swap3A_1137 {strides = array<i32>} : memref<128x128xf32, #tpu.memory_space<vmem>>, vector<1x16xf32>,
        %get3A_1138 = arith.index_cast %add3A_1071 : i32 to index
        %get3A_1139 = arith.constant 96 : index
        %get3A_1140 = tpu.vector_load %arg10[%get3A_1138, %get3A_1139] {strides = array<i32>} : memref<128x128xf32, #tpu.memory_space<vmem>>, vector<1x16xf32>,
        %get3A_1141 = vector.shape_cast %get3A_1140 : vector<1x16xf32> to vector<16xf32>
        %mul3A_1142 = vector.broadcast %squeeze3A_1067 : f32 to vector<16xf32>
        %mul3A_1143 = arith.mulf %get3A_1141, %mul3A_1142 : vector<16xf32>
        %swap3A_1144 = arith.index_cast %add3A_1071 : i32 to index
        %swap3A_1145 = arith.constant 96 : index
        %swap3A_1146 = tpu.vector_load %arg10[%swap3A_1144, %swap3A_1145] {strides = array<i32>} : memref<128x128xf32, #tpu.memory_space<vmem>>, vector<1x16xf32>,
        %swap3A_1147 = vector.shape_cast %swap3A_1146 : vector<1x16xf32> to vector<16xf32>
        %swap3A_1148 = vector.shape_cast %mul3A_1143 : vector<16xf32> to vector<1x16xf32>
        tpu.vector_store %arg10[%swap3A_1144, %swap3A_1145], %swap3A_1148 {strides = array<i32>} : memref<128x128xf32, #tpu.memory_space<vmem>>, vector<1x16xf32>,
        %get3A_1149 = arith.index_cast %add3A_1071 : i32 to index
        %get3A_1150 = arith.constant 112 : index
        %get3A_1151 = tpu.vector_load %arg10[%get3A_1149, %get3A_1150] {strides = array<i32>} : memref<128x128xf32, #tpu.memory_space<vmem>>, vector<1x16xf32>,
        %get3A_1152 = vector.shape_cast %get3A_1151 : vector<1x16xf32> to vector<16xf32>
        %mul3A_1153 = vector.broadcast %squeeze3A_1067 : f32 to vector<16xf32>
        %mul3A_1154 = arith.mulf %get3A_1152, %mul3A_1153 : vector<16xf32>
        %swap3A_1155 = arith.index_cast %add3A_1071 : i32 to index
        %swap3A_1156 = arith.constant 112 : index
        %swap3A_1157 = tpu.vector_load %arg10[%swap3A_1155, %swap3A_1156] {strides = array<i32>} : memref<128x128xf32, #tpu.memory_space<vmem>>, vector<1x16xf32>,
        %swap3A_1158 = vector.shape_cast %swap3A_1157 : vector<1x16xf32> to vector<16xf32>
        %swap3A_1159 = vector.shape_cast %mul3A_1154 : vector<16xf32> to vector<1x16xf32>
        tpu.vector_store %arg10[%swap3A_1155, %swap3A_1156], %swap3A_1159 {strides = array<i32>} : memref<128x128xf32, #tpu.memory_space<vmem>>, vector<1x16xf32>,
        %slice3A_1160 = vector.extract_strided_slice %get3A_785 {offsets = [4], sizes = [1], strides = [1]} : vector<16xf32> to vector<1xf32>
        %squeeze3A_1161 = vector.extract %slice3A_1160[0] : f32 from vector<1xf32>
        %mul3A_1162 = arith.constant 16 : i32
        %mul3A_1163 = arith.muli %scan3A_778, %mul3A_1162 : i32
        %add3A_1164 = arith.constant 4 : i32
        %add3A_1165 = arith.addi %mul3A_1163, %add3A_1164 : i32
        %get3A_1166 = arith.index_cast %add3A_1165 : i32 to index
        %get3A_1167 = arith.constant 0 : index
        %get3A_1168 = tpu.vector_load %arg10[%get3A_1166, %get3A_1167] {strides = array<i32>} : memref<128x128xf32, #tpu.memory_space<vmem>>, vector<1x16xf32>,
        %get3A_1169 = vector.shape_cast %get3A_1168 : vector<1x16xf32> to vector<16xf32>
        %mul3A_1170 = vector.broadcast %squeeze3A_1161 : f32 to vector<16xf32>
        %mul3A_1171 = arith.mulf %get3A_1169, %mul3A_1170 : vector<16xf32>
        %swap3A_1172 = arith.index_cast %add3A_1165 : i32 to index
        %swap3A_1173 = arith.constant 0 : index
        %swap3A_1174 = tpu.vector_load %arg10[%swap3A_1172, %swap3A_1173] {strides = array<i32>} : memref<128x128xf32, #tpu.memory_space<vmem>>, vector<1x16xf32>,
        %swap3A_1175 = vector.shape_cast %swap3A_1174 : vector<1x16xf32> to vector<16xf32>
        %swap3A_1176 = vector.shape_cast %mul3A_1171 : vector<16xf32> to vector<1x16xf32>
        tpu.vector_store %arg10[%swap3A_1172, %swap3A_1173], %swap3A_1176 {strides = array<i32>} : memref<128x128xf32, #tpu.memory_space<vmem>>, vector<1x16xf32>,
        %get3A_1177 = arith.index_cast %add3A_1165 : i32 to index
        %get3A_1178 = arith.constant 16 : index
        %get3A_1179 = tpu.vector_load %arg10[%get3A_1177, %get3A_1178] {strides = array<i32>} : memref<128x128xf32, #tpu.memory_space<vmem>>, vector<1x16xf32>,
        %get3A_1180 = vector.shape_cast %get3A_1179 : vector<1x16xf32> to vector<16xf32>
        %mul3A_1181 = vector.broadcast %squeeze3A_1161 : f32 to vector<16xf32>
        %mul3A_1182 = arith.mulf %get3A_1180, %mul3A_1181 : vector<16xf32>
        %swap3A_1183 = arith.index_cast %add3A_1165 : i32 to index
        %swap3A_1184 = arith.constant 16 : index
        %swap3A_1185 = tpu.vector_load %arg10[%swap3A_1183, %swap3A_1184] {strides = array<i32>} : memref<128x128xf32, #tpu.memory_space<vmem>>, vector<1x16xf32>,
        %swap3A_1186 = vector.shape_cast %swap3A_1185 : vector<1x16xf32> to vector<16xf32>
        %swap3A_1187 = vector.shape_cast %mul3A_1182 : vector<16xf32> to vector<1x16xf32>
        tpu.vector_store %arg10[%swap3A_1183, %swap3A_1184], %swap3A_1187 {strides = array<i32>} : memref<128x128xf32, #tpu.memory_space<vmem>>, vector<1x16xf32>,
        %get3A_1188 = arith.index_cast %add3A_1165 : i32 to index
        %get3A_1189 = arith.constant 32 : index
        %get3A_1190 = tpu.vector_load %arg10[%get3A_1188, %get3A_1189] {strides = array<i32>} : memref<128x128xf32, #tpu.memory_space<vmem>>, vector<1x16xf32>,
        %get3A_1191 = vector.shape_cast %get3A_1190 : vector<1x16xf32> to vector<16xf32>
        %mul3A_1192 = vector.broadcast %squeeze3A_1161 : f32 to vector<16xf32>
        %mul3A_1193 = arith.mulf %get3A_1191, %mul3A_1192 : vector<16xf32>
        %swap3A_1194 = arith.index_cast %add3A_1165 : i32 to index
        %swap3A_1195 = arith.constant 32 : index
        %swap3A_1196 = tpu.vector_load %arg10[%swap3A_1194, %swap3A_1195] {strides = array<i32>} : memref<128x128xf32, #tpu.memory_space<vmem>>, vector<1x16xf32>,
        %swap3A_1197 = vector.shape_cast %swap3A_1196 : vector<1x16xf32> to vector<16xf32>
        %swap3A_1198 = vector.shape_cast %mul3A_1193 : vector<16xf32> to vector<1x16xf32>
        tpu.vector_store %arg10[%swap3A_1194, %swap3A_1195], %swap3A_1198 {strides = array<i32>} : memref<128x128xf32, #tpu.memory_space<vmem>>, vector<1x16xf32>,
        %get3A_1199 = arith.index_cast %add3A_1165 : i32 to index
        %get3A_1200 = arith.constant 48 : index
        %get3A_1201 = tpu.vector_load %arg10[%get3A_1199, %get3A_1200] {strides = array<i32>} : memref<128x128xf32, #tpu.memory_space<vmem>>, vector<1x16xf32>,
        %get3A_1202 = vector.shape_cast %get3A_1201 : vector<1x16xf32> to vector<16xf32>
        %mul3A_1203 = vector.broadcast %squeeze3A_1161 : f32 to vector<16xf32>
        %mul3A_1204 = arith.mulf %get3A_1202, %mul3A_1203 : vector<16xf32>
        %swap3A_1205 = arith.index_cast %add3A_1165 : i32 to index
        %swap3A_1206 = arith.constant 48 : index
        %swap3A_1207 = tpu.vector_load %arg10[%swap3A_1205, %swap3A_1206] {strides = array<i32>} : memref<128x128xf32, #tpu.memory_space<vmem>>, vector<1x16xf32>,
        %swap3A_1208 = vector.shape_cast %swap3A_1207 : vector<1x16xf32> to vector<16xf32>
        %swap3A_1209 = vector.shape_cast %mul3A_1204 : vector<16xf32> to vector<1x16xf32>
        tpu.vector_store %arg10[%swap3A_1205, %swap3A_1206], %swap3A_1209 {strides = array<i32>} : memref<128x128xf32, #tpu.memory_space<vmem>>, vector<1x16xf32>,
        %get3A_1210 = arith.index_cast %add3A_1165 : i32 to index
        %get3A_1211 = arith.constant 64 : index
        %get3A_1212 = tpu.vector_load %arg10[%get3A_1210, %get3A_1211] {strides = array<i32>} : memref<128x128xf32, #tpu.memory_space<vmem>>, vector<1x16xf32>,
        %get3A_1213 = vector.shape_cast %get3A_1212 : vector<1x16xf32> to vector<16xf32>
        %mul3A_1214 = vector.broadcast %squeeze3A_1161 : f32 to vector<16xf32>
        %mul3A_1215 = arith.mulf %get3A_1213, %mul3A_1214 : vector<16xf32>
        %swap3A_1216 = arith.index_cast %add3A_1165 : i32 to index
        %swap3A_1217 = arith.constant 64 : index
        %swap3A_1218 = tpu.vector_load %arg10[%swap3A_1216, %swap3A_1217] {strides = array<i32>} : memref<128x128xf32, #tpu.memory_space<vmem>>, vector<1x16xf32>,
        %swap3A_1219 = vector.shape_cast %swap3A_1218 : vector<1x16xf32> to vector<16xf32>
        %swap3A_1220 = vector.shape_cast %mul3A_1215 : vector<16xf32> to vector<1x16xf32>
        tpu.vector_store %arg10[%swap3A_1216, %swap3A_1217], %swap3A_1220 {strides = array<i32>} : memref<128x128xf32, #tpu.memory_space<vmem>>, vector<1x16xf32>,
        %get3A_1221 = arith.index_cast %add3A_1165 : i32 to index
        %get3A_1222 = arith.constant 80 : index
        %get3A_1223 = tpu.vector_load %arg10[%get3A_1221, %get3A_1222] {strides = array<i32>} : memref<128x128xf32, #tpu.memory_space<vmem>>, vector<1x16xf32>,
        %get3A_1224 = vector.shape_cast %get3A_1223 : vector<1x16xf32> to vector<16xf32>
        %mul3A_1225 = vector.broadcast %squeeze3A_1161 : f32 to vector<16xf32>
        %mul3A_1226 = arith.mulf %get3A_1224, %mul3A_1225 : vector<16xf32>
        %swap3A_1227 = arith.index_cast %add3A_1165 : i32 to index
        %swap3A_1228 = arith.constant 80 : index
        %swap3A_1229 = tpu.vector_load %arg10[%swap3A_1227, %swap3A_1228] {strides = array<i32>} : memref<128x128xf32, #tpu.memory_space<vmem>>, vector<1x16xf32>,
        %swap3A_1230 = vector.shape_cast %swap3A_1229 : vector<1x16xf32> to vector<16xf32>
        %swap3A_1231 = vector.shape_cast %mul3A_1226 : vector<16xf32> to vector<1x16xf32>
        tpu.vector_store %arg10[%swap3A_1227, %swap3A_1228], %swap3A_1231 {strides = array<i32>} : memref<128x128xf32, #tpu.memory_space<vmem>>, vector<1x16xf32>,
        %get3A_1232 = arith.index_cast %add3A_1165 : i32 to index
        %get3A_1233 = arith.constant 96 : index
        %get3A_1234 = tpu.vector_load %arg10[%get3A_1232, %get3A_1233] {strides = array<i32>} : memref<128x128xf32, #tpu.memory_space<vmem>>, vector<1x16xf32>,
        %get3A_1235 = vector.shape_cast %get3A_1234 : vector<1x16xf32> to vector<16xf32>
        %mul3A_1236 = vector.broadcast %squeeze3A_1161 : f32 to vector<16xf32>
        %mul3A_1237 = arith.mulf %get3A_1235, %mul3A_1236 : vector<16xf32>
        %swap3A_1238 = arith.index_cast %add3A_1165 : i32 to index
        %swap3A_1239 = arith.constant 96 : index
        %swap3A_1240 = tpu.vector_load %arg10[%swap3A_1238, %swap3A_1239] {strides = array<i32>} : memref<128x128xf32, #tpu.memory_space<vmem>>, vector<1x16xf32>,
        %swap3A_1241 = vector.shape_cast %swap3A_1240 : vector<1x16xf32> to vector<16xf32>
        %swap3A_1242 = vector.shape_cast %mul3A_1237 : vector<16xf32> to vector<1x16xf32>
        tpu.vector_store %arg10[%swap3A_1238, %swap3A_1239], %swap3A_1242 {strides = array<i32>} : memref<128x128xf32, #tpu.memory_space<vmem>>, vector<1x16xf32>,
        %get3A_1243 = arith.index_cast %add3A_1165 : i32 to index
        %get3A_1244 = arith.constant 112 : index
        %get3A_1245 = tpu.vector_load %arg10[%get3A_1243, %get3A_1244] {strides = array<i32>} : memref<128x128xf32, #tpu.memory_space<vmem>>, vector<1x16xf32>,
        %get3A_1246 = vector.shape_cast %get3A_1245 : vector<1x16xf32> to vector<16xf32>
        %mul3A_1247 = vector.broadcast %squeeze3A_1161 : f32 to vector<16xf32>
        %mul3A_1248 = arith.mulf %get3A_1246, %mul3A_1247 : vector<16xf32>
        %swap3A_1249 = arith.index_cast %add3A_1165 : i32 to index
        %swap3A_1250 = arith.constant 112 : index
        %swap3A_1251 = tpu.vector_load %arg10[%swap3A_1249, %swap3A_1250] {strides = array<i32>} : memref<128x128xf32, #tpu.memory_space<vmem>>, vector<1x16xf32>,
        %swap3A_1252 = vector.shape_cast %swap3A_1251 : vector<1x16xf32> to vector<16xf32>
        %swap3A_1253 = vector.shape_cast %mul3A_1248 : vector<16xf32> to vector<1x16xf32>
        tpu.vector_store %arg10[%swap3A_1249, %swap3A_1250], %swap3A_1253 {strides = array<i32>} : memref<128x128xf32, #tpu.memory_space<vmem>>, vector<1x16xf32>,
        %slice3A_1254 = vector.extract_strided_slice %get3A_785 {offsets = [5], sizes = [1], strides = [1]} : vector<16xf32> to vector<1xf32>
        %squeeze3A_1255 = vector.extract %slice3A_1254[0] : f32 from vector<1xf32>
        %mul3A_1256 = arith.constant 16 : i32
        %mul3A_1257 = arith.muli %scan3A_778, %mul3A_1256 : i32
        %add3A_1258 = arith.constant 5 : i32
        %add3A_1259 = arith.addi %mul3A_1257, %add3A_1258 : i32
        %get3A_1260 = arith.index_cast %add3A_1259 : i32 to index
        %get3A_1261 = arith.constant 0 : index
        %get3A_1262 = tpu.vector_load %arg10[%get3A_1260, %get3A_1261] {strides = array<i32>} : memref<128x128xf32, #tpu.memory_space<vmem>>, vector<1x16xf32>,
        %get3A_1263 = vector.shape_cast %get3A_1262 : vector<1x16xf32> to vector<16xf32>
        %mul3A_1264 = vector.broadcast %squeeze3A_1255 : f32 to vector<16xf32>
        %mul3A_1265 = arith.mulf %get3A_1263, %mul3A_1264 : vector<16xf32>
        %swap3A_1266 = arith.index_cast %add3A_1259 : i32 to index
        %swap3A_1267 = arith.constant 0 : index
        %swap3A_1268 = tpu.vector_load %arg10[%swap3A_1266, %swap3A_1267] {strides = array<i32>} : memref<128x128xf32, #tpu.memory_space<vmem>>, vector<1x16xf32>,
        %swap3A_1269 = vector.shape_cast %swap3A_1268 : vector<1x16xf32> to vector<16xf32>
        %swap3A_1270 = vector.shape_cast %mul3A_1265 : vector<16xf32> to vector<1x16xf32>
        tpu.vector_store %arg10[%swap3A_1266, %swap3A_1267], %swap3A_1270 {strides = array<i32>} : memref<128x128xf32, #tpu.memory_space<vmem>>, vector<1x16xf32>,
        %get3A_1271 = arith.index_cast %add3A_1259 : i32 to index
        %get3A_1272 = arith.constant 16 : index
        %get3A_1273 = tpu.vector_load %arg10[%get3A_1271, %get3A_1272] {strides = array<i32>} : memref<128x128xf32, #tpu.memory_space<vmem>>, vector<1x16xf32>,
        %get3A_1274 = vector.shape_cast %get3A_1273 : vector<1x16xf32> to vector<16xf32>
        %mul3A_1275 = vector.broadcast %squeeze3A_1255 : f32 to vector<16xf32>
        %mul3A_1276 = arith.mulf %get3A_1274, %mul3A_1275 : vector<16xf32>
        %swap3A_1277 = arith.index_cast %add3A_1259 : i32 to index
        %swap3A_1278 = arith.constant 16 : index
        %swap3A_1279 = tpu.vector_load %arg10[%swap3A_1277, %swap3A_1278] {strides = array<i32>} : memref<128x128xf32, #tpu.memory_space<vmem>>, vector<1x16xf32>,
        %swap3A_1280 = vector.shape_cast %swap3A_1279 : vector<1x16xf32> to vector<16xf32>
        %swap3A_1281 = vector.shape_cast %mul3A_1276 : vector<16xf32> to vector<1x16xf32>
        tpu.vector_store %arg10[%swap3A_1277, %swap3A_1278], %swap3A_1281 {strides = array<i32>} : memref<128x128xf32, #tpu.memory_space<vmem>>, vector<1x16xf32>,
        %get3A_1282 = arith.index_cast %add3A_1259 : i32 to index
        %get3A_1283 = arith.constant 32 : index
        %get3A_1284 = tpu.vector_load %arg10[%get3A_1282, %get3A_1283] {strides = array<i32>} : memref<128x128xf32, #tpu.memory_space<vmem>>, vector<1x16xf32>,
        %get3A_1285 = vector.shape_cast %get3A_1284 : vector<1x16xf32> to vector<16xf32>
        %mul3A_1286 = vector.broadcast %squeeze3A_1255 : f32 to vector<16xf32>
        %mul3A_1287 = arith.mulf %get3A_1285, %mul3A_1286 : vector<16xf32>
        %swap3A_1288 = arith.index_cast %add3A_1259 : i32 to index
        %swap3A_1289 = arith.constant 32 : index
        %swap3A_1290 = tpu.vector_load %arg10[%swap3A_1288, %swap3A_1289] {strides = array<i32>} : memref<128x128xf32, #tpu.memory_space<vmem>>, vector<1x16xf32>,
        %swap3A_1291 = vector.shape_cast %swap3A_1290 : vector<1x16xf32> to vector<16xf32>
        %swap3A_1292 = vector.shape_cast %mul3A_1287 : vector<16xf32> to vector<1x16xf32>
        tpu.vector_store %arg10[%swap3A_1288, %swap3A_1289], %swap3A_1292 {strides = array<i32>} : memref<128x128xf32, #tpu.memory_space<vmem>>, vector<1x16xf32>,
        %get3A_1293 = arith.index_cast %add3A_1259 : i32 to index
        %get3A_1294 = arith.constant 48 : index
        %get3A_1295 = tpu.vector_load %arg10[%get3A_1293, %get3A_1294] {strides = array<i32>} : memref<128x128xf32, #tpu.memory_space<vmem>>, vector<1x16xf32>,
        %get3A_1296 = vector.shape_cast %get3A_1295 : vector<1x16xf32> to vector<16xf32>
        %mul3A_1297 = vector.broadcast %squeeze3A_1255 : f32 to vector<16xf32>
        %mul3A_1298 = arith.mulf %get3A_1296, %mul3A_1297 : vector<16xf32>
        %swap3A_1299 = arith.index_cast %add3A_1259 : i32 to index
        %swap3A_1300 = arith.constant 48 : index
        %swap3A_1301 = tpu.vector_load %arg10[%swap3A_1299, %swap3A_1300] {strides = array<i32>} : memref<128x128xf32, #tpu.memory_space<vmem>>, vector<1x16xf32>,
        %swap3A_1302 = vector.shape_cast %swap3A_1301 : vector<1x16xf32> to vector<16xf32>
        %swap3A_1303 = vector.shape_cast %mul3A_1298 : vector<16xf32> to vector<1x16xf32>
        tpu.vector_store %arg10[%swap3A_1299, %swap3A_1300], %swap3A_1303 {strides = array<i32>} : memref<128x128xf32, #tpu.memory_space<vmem>>, vector<1x16xf32>,
        %get3A_1304 = arith.index_cast %add3A_1259 : i32 to index
        %get3A_1305 = arith.constant 64 : index
        %get3A_1306 = tpu.vector_load %arg10[%get3A_1304, %get3A_1305] {strides = array<i32>} : memref<128x128xf32, #tpu.memory_space<vmem>>, vector<1x16xf32>,
        %get3A_1307 = vector.shape_cast %get3A_1306 : vector<1x16xf32> to vector<16xf32>
        %mul3A_1308 = vector.broadcast %squeeze3A_1255 : f32 to vector<16xf32>
        %mul3A_1309 = arith.mulf %get3A_1307, %mul3A_1308 : vector<16xf32>
        %swap3A_1310 = arith.index_cast %add3A_1259 : i32 to index
        %swap3A_1311 = arith.constant 64 : index
        %swap3A_1312 = tpu.vector_load %arg10[%swap3A_1310, %swap3A_1311] {strides = array<i32>} : memref<128x128xf32, #tpu.memory_space<vmem>>, vector<1x16xf32>,
        %swap3A_1313 = vector.shape_cast %swap3A_1312 : vector<1x16xf32> to vector<16xf32>
        %swap3A_1314 = vector.shape_cast %mul3A_1309 : vector<16xf32> to vector<1x16xf32>
        tpu.vector_store %arg10[%swap3A_1310, %swap3A_1311], %swap3A_1314 {strides = array<i32>} : memref<128x128xf32, #tpu.memory_space<vmem>>, vector<1x16xf32>,
        %get3A_1315 = arith.index_cast %add3A_1259 : i32 to index
        %get3A_1316 = arith.constant 80 : index
        %get3A_1317 = tpu.vector_load %arg10[%get3A_1315, %get3A_1316] {strides = array<i32>} : memref<128x128xf32, #tpu.memory_space<vmem>>, vector<1x16xf32>,
        %get3A_1318 = vector.shape_cast %get3A_1317 : vector<1x16xf32> to vector<16xf32>
        %mul3A_1319 = vector.broadcast %squeeze3A_1255 : f32 to vector<16xf32>
        %mul3A_1320 = arith.mulf %get3A_1318, %mul3A_1319 : vector<16xf32>
        %swap3A_1321 = arith.index_cast %add3A_1259 : i32 to index
        %swap3A_1322 = arith.constant 80 : index
        %swap3A_1323 = tpu.vector_load %arg10[%swap3A_1321, %swap3A_1322] {strides = array<i32>} : memref<128x128xf32, #tpu.memory_space<vmem>>, vector<1x16xf32>,
        %swap3A_1324 = vector.shape_cast %swap3A_1323 : vector<1x16xf32> to vector<16xf32>
        %swap3A_1325 = vector.shape_cast %mul3A_1320 : vector<16xf32> to vector<1x16xf32>
        tpu.vector_store %arg10[%swap3A_1321, %swap3A_1322], %swap3A_1325 {strides = array<i32>} : memref<128x128xf32, #tpu.memory_space<vmem>>, vector<1x16xf32>,
        %get3A_1326 = arith.index_cast %add3A_1259 : i32 to index
        %get3A_1327 = arith.constant 96 : index
        %get3A_1328 = tpu.vector_load %arg10[%get3A_1326, %get3A_1327] {strides = array<i32>} : memref<128x128xf32, #tpu.memory_space<vmem>>, vector<1x16xf32>,
        %get3A_1329 = vector.shape_cast %get3A_1328 : vector<1x16xf32> to vector<16xf32>
        %mul3A_1330 = vector.broadcast %squeeze3A_1255 : f32 to vector<16xf32>
        %mul3A_1331 = arith.mulf %get3A_1329, %mul3A_1330 : vector<16xf32>
        %swap3A_1332 = arith.index_cast %add3A_1259 : i32 to index
        %swap3A_1333 = arith.constant 96 : index
        %swap3A_1334 = tpu.vector_load %arg10[%swap3A_1332, %swap3A_1333] {strides = array<i32>} : memref<128x128xf32, #tpu.memory_space<vmem>>, vector<1x16xf32>,
        %swap3A_1335 = vector.shape_cast %swap3A_1334 : vector<1x16xf32> to vector<16xf32>
        %swap3A_1336 = vector.shape_cast %mul3A_1331 : vector<16xf32> to vector<1x16xf32>
        tpu.vector_store %arg10[%swap3A_1332, %swap3A_1333], %swap3A_1336 {strides = array<i32>} : memref<128x128xf32, #tpu.memory_space<vmem>>, vector<1x16xf32>,
        %get3A_1337 = arith.index_cast %add3A_1259 : i32 to index
        %get3A_1338 = arith.constant 112 : index
        %get3A_1339 = tpu.vector_load %arg10[%get3A_1337, %get3A_1338] {strides = array<i32>} : memref<128x128xf32, #tpu.memory_space<vmem>>, vector<1x16xf32>,
        %get3A_1340 = vector.shape_cast %get3A_1339 : vector<1x16xf32> to vector<16xf32>
        %mul3A_1341 = vector.broadcast %squeeze3A_1255 : f32 to vector<16xf32>
        %mul3A_1342 = arith.mulf %get3A_1340, %mul3A_1341 : vector<16xf32>
        %swap3A_1343 = arith.index_cast %add3A_1259 : i32 to index
        %swap3A_1344 = arith.constant 112 : index
        %swap3A_1345 = tpu.vector_load %arg10[%swap3A_1343, %swap3A_1344] {strides = array<i32>} : memref<128x128xf32, #tpu.memory_space<vmem>>, vector<1x16xf32>,
        %swap3A_1346 = vector.shape_cast %swap3A_1345 : vector<1x16xf32> to vector<16xf32>
        %swap3A_1347 = vector.shape_cast %mul3A_1342 : vector<16xf32> to vector<1x16xf32>
        tpu.vector_store %arg10[%swap3A_1343, %swap3A_1344], %swap3A_1347 {strides = array<i32>} : memref<128x128xf32, #tpu.memory_space<vmem>>, vector<1x16xf32>,
        %slice3A_1348 = vector.extract_strided_slice %get3A_785 {offsets = [6], sizes = [1], strides = [1]} : vector<16xf32> to vector<1xf32>
        %squeeze3A_1349 = vector.extract %slice3A_1348[0] : f32 from vector<1xf32>
        %mul3A_1350 = arith.constant 16 : i32
        %mul3A_1351 = arith.muli %scan3A_778, %mul3A_1350 : i32
        %add3A_1352 = arith.constant 6 : i32
        %add3A_1353 = arith.addi %mul3A_1351, %add3A_1352 : i32
        %get3A_1354 = arith.index_cast %add3A_1353 : i32 to index
        %get3A_1355 = arith.constant 0 : index
        %get3A_1356 = tpu.vector_load %arg10[%get3A_1354, %get3A_1355] {strides = array<i32>} : memref<128x128xf32, #tpu.memory_space<vmem>>, vector<1x16xf32>,
        %get3A_1357 = vector.shape_cast %get3A_1356 : vector<1x16xf32> to vector<16xf32>
        %mul3A_1358 = vector.broadcast %squeeze3A_1349 : f32 to vector<16xf32>
        %mul3A_1359 = arith.mulf %get3A_1357, %mul3A_1358 : vector<16xf32>
        %swap3A_1360 = arith.index_cast %add3A_1353 : i32 to index
        %swap3A_1361 = arith.constant 0 : index
        %swap3A_1362 = tpu.vector_load %arg10[%swap3A_1360, %swap3A_1361] {strides = array<i32>} : memref<128x128xf32, #tpu.memory_space<vmem>>, vector<1x16xf32>,
        %swap3A_1363 = vector.shape_cast %swap3A_1362 : vector<1x16xf32> to vector<16xf32>
        %swap3A_1364 = vector.shape_cast %mul3A_1359 : vector<16xf32> to vector<1x16xf32>
        tpu.vector_store %arg10[%swap3A_1360, %swap3A_1361], %swap3A_1364 {strides = array<i32>} : memref<128x128xf32, #tpu.memory_space<vmem>>, vector<1x16xf32>,
        %get3A_1365 = arith.index_cast %add3A_1353 : i32 to index
        %get3A_1366 = arith.constant 16 : index
        %get3A_1367 = tpu.vector_load %arg10[%get3A_1365, %get3A_1366] {strides = array<i32>} : memref<128x128xf32, #tpu.memory_space<vmem>>, vector<1x16xf32>,
        %get3A_1368 = vector.shape_cast %get3A_1367 : vector<1x16xf32> to vector<16xf32>
        %mul3A_1369 = vector.broadcast %squeeze3A_1349 : f32 to vector<16xf32>
        %mul3A_1370 = arith.mulf %get3A_1368, %mul3A_1369 : vector<16xf32>
        %swap3A_1371 = arith.index_cast %add3A_1353 : i32 to index
        %swap3A_1372 = arith.constant 16 : index
        %swap3A_1373 = tpu.vector_load %arg10[%swap3A_1371, %swap3A_1372] {strides = array<i32>} : memref<128x128xf32, #tpu.memory_space<vmem>>, vector<1x16xf32>,
        %swap3A_1374 = vector.shape_cast %swap3A_1373 : vector<1x16xf32> to vector<16xf32>
        %swap3A_1375 = vector.shape_cast %mul3A_1370 : vector<16xf32> to vector<1x16xf32>
        tpu.vector_store %arg10[%swap3A_1371, %swap3A_1372], %swap3A_1375 {strides = array<i32>} : memref<128x128xf32, #tpu.memory_space<vmem>>, vector<1x16xf32>,
        %get3A_1376 = arith.index_cast %add3A_1353 : i32 to index
        %get3A_1377 = arith.constant 32 : index
        %get3A_1378 = tpu.vector_load %arg10[%get3A_1376, %get3A_1377] {strides = array<i32>} : memref<128x128xf32, #tpu.memory_space<vmem>>, vector<1x16xf32>,
        %get3A_1379 = vector.shape_cast %get3A_1378 : vector<1x16xf32> to vector<16xf32>
        %mul3A_1380 = vector.broadcast %squeeze3A_1349 : f32 to vector<16xf32>
        %mul3A_1381 = arith.mulf %get3A_1379, %mul3A_1380 : vector<16xf32>
        %swap3A_1382 = arith.index_cast %add3A_1353 : i32 to index
        %swap3A_1383 = arith.constant 32 : index
        %swap3A_1384 = tpu.vector_load %arg10[%swap3A_1382, %swap3A_1383] {strides = array<i32>} : memref<128x128xf32, #tpu.memory_space<vmem>>, vector<1x16xf32>,
        %swap3A_1385 = vector.shape_cast %swap3A_1384 : vector<1x16xf32> to vector<16xf32>
        %swap3A_1386 = vector.shape_cast %mul3A_1381 : vector<16xf32> to vector<1x16xf32>
        tpu.vector_store %arg10[%swap3A_1382, %swap3A_1383], %swap3A_1386 {strides = array<i32>} : memref<128x128xf32, #tpu.memory_space<vmem>>, vector<1x16xf32>,
        %get3A_1387 = arith.index_cast %add3A_1353 : i32 to index
        %get3A_1388 = arith.constant 48 : index
        %get3A_1389 = tpu.vector_load %arg10[%get3A_1387, %get3A_1388] {strides = array<i32>} : memref<128x128xf32, #tpu.memory_space<vmem>>, vector<1x16xf32>,
        %get3A_1390 = vector.shape_cast %get3A_1389 : vector<1x16xf32> to vector<16xf32>
        %mul3A_1391 = vector.broadcast %squeeze3A_1349 : f32 to vector<16xf32>
        %mul3A_1392 = arith.mulf %get3A_1390, %mul3A_1391 : vector<16xf32>
        %swap3A_1393 = arith.index_cast %add3A_1353 : i32 to index
        %swap3A_1394 = arith.constant 48 : index
        %swap3A_1395 = tpu.vector_load %arg10[%swap3A_1393, %swap3A_1394] {strides = array<i32>} : memref<128x128xf32, #tpu.memory_space<vmem>>, vector<1x16xf32>,
        %swap3A_1396 = vector.shape_cast %swap3A_1395 : vector<1x16xf32> to vector<16xf32>
        %swap3A_1397 = vector.shape_cast %mul3A_1392 : vector<16xf32> to vector<1x16xf32>
        tpu.vector_store %arg10[%swap3A_1393, %swap3A_1394], %swap3A_1397 {strides = array<i32>} : memref<128x128xf32, #tpu.memory_space<vmem>>, vector<1x16xf32>,
        %get3A_1398 = arith.index_cast %add3A_1353 : i32 to index
        %get3A_1399 = arith.constant 64 : index
        %get3A_1400 = tpu.vector_load %arg10[%get3A_1398, %get3A_1399] {strides = array<i32>} : memref<128x128xf32, #tpu.memory_space<vmem>>, vector<1x16xf32>,
        %get3A_1401 = vector.shape_cast %get3A_1400 : vector<1x16xf32> to vector<16xf32>
        %mul3A_1402 = vector.broadcast %squeeze3A_1349 : f32 to vector<16xf32>
        %mul3A_1403 = arith.mulf %get3A_1401, %mul3A_1402 : vector<16xf32>
        %swap3A_1404 = arith.index_cast %add3A_1353 : i32 to index
        %swap3A_1405 = arith.constant 64 : index
        %swap3A_1406 = tpu.vector_load %arg10[%swap3A_1404, %swap3A_1405] {strides = array<i32>} : memref<128x128xf32, #tpu.memory_space<vmem>>, vector<1x16xf32>,
        %swap3A_1407 = vector.shape_cast %swap3A_1406 : vector<1x16xf32> to vector<16xf32>
        %swap3A_1408 = vector.shape_cast %mul3A_1403 : vector<16xf32> to vector<1x16xf32>
        tpu.vector_store %arg10[%swap3A_1404, %swap3A_1405], %swap3A_1408 {strides = array<i32>} : memref<128x128xf32, #tpu.memory_space<vmem>>, vector<1x16xf32>,
        %get3A_1409 = arith.index_cast %add3A_1353 : i32 to index
        %get3A_1410 = arith.constant 80 : index
        %get3A_1411 = tpu.vector_load %arg10[%get3A_1409, %get3A_1410] {strides = array<i32>} : memref<128x128xf32, #tpu.memory_space<vmem>>, vector<1x16xf32>,
        %get3A_1412 = vector.shape_cast %get3A_1411 : vector<1x16xf32> to vector<16xf32>
        %mul3A_1413 = vector.broadcast %squeeze3A_1349 : f32 to vector<16xf32>
        %mul3A_1414 = arith.mulf %get3A_1412, %mul3A_1413 : vector<16xf32>
        %swap3A_1415 = arith.index_cast %add3A_1353 : i32 to index
        %swap3A_1416 = arith.constant 80 : index
        %swap3A_1417 = tpu.vector_load %arg10[%swap3A_1415, %swap3A_1416] {strides = array<i32>} : memref<128x128xf32, #tpu.memory_space<vmem>>, vector<1x16xf32>,
        %swap3A_1418 = vector.shape_cast %swap3A_1417 : vector<1x16xf32> to vector<16xf32>
        %swap3A_1419 = vector.shape_cast %mul3A_1414 : vector<16xf32> to vector<1x16xf32>
        tpu.vector_store %arg10[%swap3A_1415, %swap3A_1416], %swap3A_1419 {strides = array<i32>} : memref<128x128xf32, #tpu.memory_space<vmem>>, vector<1x16xf32>,
        %get3A_1420 = arith.index_cast %add3A_1353 : i32 to index
        %get3A_1421 = arith.constant 96 : index
        %get3A_1422 = tpu.vector_load %arg10[%get3A_1420, %get3A_1421] {strides = array<i32>} : memref<128x128xf32, #tpu.memory_space<vmem>>, vector<1x16xf32>,
        %get3A_1423 = vector.shape_cast %get3A_1422 : vector<1x16xf32> to vector<16xf32>
        %mul3A_1424 = vector.broadcast %squeeze3A_1349 : f32 to vector<16xf32>
        %mul3A_1425 = arith.mulf %get3A_1423, %mul3A_1424 : vector<16xf32>
        %swap3A_1426 = arith.index_cast %add3A_1353 : i32 to index
        %swap3A_1427 = arith.constant 96 : index
        %swap3A_1428 = tpu.vector_load %arg10[%swap3A_1426, %swap3A_1427] {strides = array<i32>} : memref<128x128xf32, #tpu.memory_space<vmem>>, vector<1x16xf32>,
        %swap3A_1429 = vector.shape_cast %swap3A_1428 : vector<1x16xf32> to vector<16xf32>
        %swap3A_1430 = vector.shape_cast %mul3A_1425 : vector<16xf32> to vector<1x16xf32>
        tpu.vector_store %arg10[%swap3A_1426, %swap3A_1427], %swap3A_1430 {strides = array<i32>} : memref<128x128xf32, #tpu.memory_space<vmem>>, vector<1x16xf32>,
        %get3A_1431 = arith.index_cast %add3A_1353 : i32 to index
        %get3A_1432 = arith.constant 112 : index
        %get3A_1433 = tpu.vector_load %arg10[%get3A_1431, %get3A_1432] {strides = array<i32>} : memref<128x128xf32, #tpu.memory_space<vmem>>, vector<1x16xf32>,
        %get3A_1434 = vector.shape_cast %get3A_1433 : vector<1x16xf32> to vector<16xf32>
        %mul3A_1435 = vector.broadcast %squeeze3A_1349 : f32 to vector<16xf32>
        %mul3A_1436 = arith.mulf %get3A_1434, %mul3A_1435 : vector<16xf32>
        %swap3A_1437 = arith.index_cast %add3A_1353 : i32 to index
        %swap3A_1438 = arith.constant 112 : index
        %swap3A_1439 = tpu.vector_load %arg10[%swap3A_1437, %swap3A_1438] {strides = array<i32>} : memref<128x128xf32, #tpu.memory_space<vmem>>, vector<1x16xf32>,
        %swap3A_1440 = vector.shape_cast %swap3A_1439 : vector<1x16xf32> to vector<16xf32>
        %swap3A_1441 = vector.shape_cast %mul3A_1436 : vector<16xf32> to vector<1x16xf32>
        tpu.vector_store %arg10[%swap3A_1437, %swap3A_1438], %swap3A_1441 {strides = array<i32>} : memref<128x128xf32, #tpu.memory_space<vmem>>, vector<1x16xf32>,
        %slice3A_1442 = vector.extract_strided_slice %get3A_785 {offsets = [7], sizes = [1], strides = [1]} : vector<16xf32> to vector<1xf32>
        %squeeze3A_1443 = vector.extract %slice3A_1442[0] : f32 from vector<1xf32>
        %mul3A_1444 = arith.constant 16 : i32
        %mul3A_1445 = arith.muli %scan3A_778, %mul3A_1444 : i32
        %add3A_1446 = arith.constant 7 : i32
        %add3A_1447 = arith.addi %mul3A_1445, %add3A_1446 : i32
        %get3A_1448 = arith.index_cast %add3A_1447 : i32 to index
        %get3A_1449 = arith.constant 0 : index
        %get3A_1450 = tpu.vector_load %arg10[%get3A_1448, %get3A_1449] {strides = array<i32>} : memref<128x128xf32, #tpu.memory_space<vmem>>, vector<1x16xf32>,
        %get3A_1451 = vector.shape_cast %get3A_1450 : vector<1x16xf32> to vector<16xf32>
        %mul3A_1452 = vector.broadcast %squeeze3A_1443 : f32 to vector<16xf32>
        %mul3A_1453 = arith.mulf %get3A_1451, %mul3A_1452 : vector<16xf32>
        %swap3A_1454 = arith.index_cast %add3A_1447 : i32 to index
        %swap3A_1455 = arith.constant 0 : index
        %swap3A_1456 = tpu.vector_load %arg10[%swap3A_1454, %swap3A_1455] {strides = array<i32>} : memref<128x128xf32, #tpu.memory_space<vmem>>, vector<1x16xf32>,
        %swap3A_1457 = vector.shape_cast %swap3A_1456 : vector<1x16xf32> to vector<16xf32>
        %swap3A_1458 = vector.shape_cast %mul3A_1453 : vector<16xf32> to vector<1x16xf32>
        tpu.vector_store %arg10[%swap3A_1454, %swap3A_1455], %swap3A_1458 {strides = array<i32>} : memref<128x128xf32, #tpu.memory_space<vmem>>, vector<1x16xf32>,
        %get3A_1459 = arith.index_cast %add3A_1447 : i32 to index
        %get3A_1460 = arith.constant 16 : index
        %get3A_1461 = tpu.vector_load %arg10[%get3A_1459, %get3A_1460] {strides = array<i32>} : memref<128x128xf32, #tpu.memory_space<vmem>>, vector<1x16xf32>,
        %get3A_1462 = vector.shape_cast %get3A_1461 : vector<1x16xf32> to vector<16xf32>
        %mul3A_1463 = vector.broadcast %squeeze3A_1443 : f32 to vector<16xf32>
        %mul3A_1464 = arith.mulf %get3A_1462, %mul3A_1463 : vector<16xf32>
        %swap3A_1465 = arith.index_cast %add3A_1447 : i32 to index
        %swap3A_1466 = arith.constant 16 : index
        %swap3A_1467 = tpu.vector_load %arg10[%swap3A_1465, %swap3A_1466] {strides = array<i32>} : memref<128x128xf32, #tpu.memory_space<vmem>>, vector<1x16xf32>,
        %swap3A_1468 = vector.shape_cast %swap3A_1467 : vector<1x16xf32> to vector<16xf32>
        %swap3A_1469 = vector.shape_cast %mul3A_1464 : vector<16xf32> to vector<1x16xf32>
        tpu.vector_store %arg10[%swap3A_1465, %swap3A_1466], %swap3A_1469 {strides = array<i32>} : memref<128x128xf32, #tpu.memory_space<vmem>>, vector<1x16xf32>,
        %get3A_1470 = arith.index_cast %add3A_1447 : i32 to index
        %get3A_1471 = arith.constant 32 : index
        %get3A_1472 = tpu.vector_load %arg10[%get3A_1470, %get3A_1471] {strides = array<i32>} : memref<128x128xf32, #tpu.memory_space<vmem>>, vector<1x16xf32>,
        %get3A_1473 = vector.shape_cast %get3A_1472 : vector<1x16xf32> to vector<16xf32>
        %mul3A_1474 = vector.broadcast %squeeze3A_1443 : f32 to vector<16xf32>
        %mul3A_1475 = arith.mulf %get3A_1473, %mul3A_1474 : vector<16xf32>
        %swap3A_1476 = arith.index_cast %add3A_1447 : i32 to index
        %swap3A_1477 = arith.constant 32 : index
        %swap3A_1478 = tpu.vector_load %arg10[%swap3A_1476, %swap3A_1477] {strides = array<i32>} : memref<128x128xf32, #tpu.memory_space<vmem>>, vector<1x16xf32>,
        %swap3A_1479 = vector.shape_cast %swap3A_1478 : vector<1x16xf32> to vector<16xf32>
        %swap3A_1480 = vector.shape_cast %mul3A_1475 : vector<16xf32> to vector<1x16xf32>
        tpu.vector_store %arg10[%swap3A_1476, %swap3A_1477], %swap3A_1480 {strides = array<i32>} : memref<128x128xf32, #tpu.memory_space<vmem>>, vector<1x16xf32>,
        %get3A_1481 = arith.index_cast %add3A_1447 : i32 to index
        %get3A_1482 = arith.constant 48 : index
        %get3A_1483 = tpu.vector_load %arg10[%get3A_1481, %get3A_1482] {strides = array<i32>} : memref<128x128xf32, #tpu.memory_space<vmem>>, vector<1x16xf32>,
        %get3A_1484 = vector.shape_cast %get3A_1483 : vector<1x16xf32> to vector<16xf32>
        %mul3A_1485 = vector.broadcast %squeeze3A_1443 : f32 to vector<16xf32>
        %mul3A_1486 = arith.mulf %get3A_1484, %mul3A_1485 : vector<16xf32>
        %swap3A_1487 = arith.index_cast %add3A_1447 : i32 to index
        %swap3A_1488 = arith.constant 48 : index
        %swap3A_1489 = tpu.vector_load %arg10[%swap3A_1487, %swap3A_1488] {strides = array<i32>} : memref<128x128xf32, #tpu.memory_space<vmem>>, vector<1x16xf32>,
        %swap3A_1490 = vector.shape_cast %swap3A_1489 : vector<1x16xf32> to vector<16xf32>
        %swap3A_1491 = vector.shape_cast %mul3A_1486 : vector<16xf32> to vector<1x16xf32>
        tpu.vector_store %arg10[%swap3A_1487, %swap3A_1488], %swap3A_1491 {strides = array<i32>} : memref<128x128xf32, #tpu.memory_space<vmem>>, vector<1x16xf32>,
        %get3A_1492 = arith.index_cast %add3A_1447 : i32 to index
        %get3A_1493 = arith.constant 64 : index
        %get3A_1494 = tpu.vector_load %arg10[%get3A_1492, %get3A_1493] {strides = array<i32>} : memref<128x128xf32, #tpu.memory_space<vmem>>, vector<1x16xf32>,
        %get3A_1495 = vector.shape_cast %get3A_1494 : vector<1x16xf32> to vector<16xf32>
        %mul3A_1496 = vector.broadcast %squeeze3A_1443 : f32 to vector<16xf32>
        %mul3A_1497 = arith.mulf %get3A_1495, %mul3A_1496 : vector<16xf32>
        %swap3A_1498 = arith.index_cast %add3A_1447 : i32 to index
        %swap3A_1499 = arith.constant 64 : index
        %swap3A_1500 = tpu.vector_load %arg10[%swap3A_1498, %swap3A_1499] {strides = array<i32>} : memref<128x128xf32, #tpu.memory_space<vmem>>, vector<1x16xf32>,
        %swap3A_1501 = vector.shape_cast %swap3A_1500 : vector<1x16xf32> to vector<16xf32>
        %swap3A_1502 = vector.shape_cast %mul3A_1497 : vector<16xf32> to vector<1x16xf32>
        tpu.vector_store %arg10[%swap3A_1498, %swap3A_1499], %swap3A_1502 {strides = array<i32>} : memref<128x128xf32, #tpu.memory_space<vmem>>, vector<1x16xf32>,
        %get3A_1503 = arith.index_cast %add3A_1447 : i32 to index
        %get3A_1504 = arith.constant 80 : index
        %get3A_1505 = tpu.vector_load %arg10[%get3A_1503, %get3A_1504] {strides = array<i32>} : memref<128x128xf32, #tpu.memory_space<vmem>>, vector<1x16xf32>,
        %get3A_1506 = vector.shape_cast %get3A_1505 : vector<1x16xf32> to vector<16xf32>
        %mul3A_1507 = vector.broadcast %squeeze3A_1443 : f32 to vector<16xf32>
        %mul3A_1508 = arith.mulf %get3A_1506, %mul3A_1507 : vector<16xf32>
        %swap3A_1509 = arith.index_cast %add3A_1447 : i32 to index
        %swap3A_1510 = arith.constant 80 : index
        %swap3A_1511 = tpu.vector_load %arg10[%swap3A_1509, %swap3A_1510] {strides = array<i32>} : memref<128x128xf32, #tpu.memory_space<vmem>>, vector<1x16xf32>,
        %swap3A_1512 = vector.shape_cast %swap3A_1511 : vector<1x16xf32> to vector<16xf32>
        %swap3A_1513 = vector.shape_cast %mul3A_1508 : vector<16xf32> to vector<1x16xf32>
        tpu.vector_store %arg10[%swap3A_1509, %swap3A_1510], %swap3A_1513 {strides = array<i32>} : memref<128x128xf32, #tpu.memory_space<vmem>>, vector<1x16xf32>,
        %get3A_1514 = arith.index_cast %add3A_1447 : i32 to index
        %get3A_1515 = arith.constant 96 : index
        %get3A_1516 = tpu.vector_load %arg10[%get3A_1514, %get3A_1515] {strides = array<i32>} : memref<128x128xf32, #tpu.memory_space<vmem>>, vector<1x16xf32>,
        %get3A_1517 = vector.shape_cast %get3A_1516 : vector<1x16xf32> to vector<16xf32>
        %mul3A_1518 = vector.broadcast %squeeze3A_1443 : f32 to vector<16xf32>
        %mul3A_1519 = arith.mulf %get3A_1517, %mul3A_1518 : vector<16xf32>
        %swap3A_1520 = arith.index_cast %add3A_1447 : i32 to index
        %swap3A_1521 = arith.constant 96 : index
        %swap3A_1522 = tpu.vector_load %arg10[%swap3A_1520, %swap3A_1521] {strides = array<i32>} : memref<128x128xf32, #tpu.memory_space<vmem>>, vector<1x16xf32>,
        %swap3A_1523 = vector.shape_cast %swap3A_1522 : vector<1x16xf32> to vector<16xf32>
        %swap3A_1524 = vector.shape_cast %mul3A_1519 : vector<16xf32> to vector<1x16xf32>
        tpu.vector_store %arg10[%swap3A_1520, %swap3A_1521], %swap3A_1524 {strides = array<i32>} : memref<128x128xf32, #tpu.memory_space<vmem>>, vector<1x16xf32>,
        %get3A_1525 = arith.index_cast %add3A_1447 : i32 to index
        %get3A_1526 = arith.constant 112 : index
        %get3A_1527 = tpu.vector_load %arg10[%get3A_1525, %get3A_1526] {strides = array<i32>} : memref<128x128xf32, #tpu.memory_space<vmem>>, vector<1x16xf32>,
        %get3A_1528 = vector.shape_cast %get3A_1527 : vector<1x16xf32> to vector<16xf32>
        %mul3A_1529 = vector.broadcast %squeeze3A_1443 : f32 to vector<16xf32>
        %mul3A_1530 = arith.mulf %get3A_1528, %mul3A_1529 : vector<16xf32>
        %swap3A_1531 = arith.index_cast %add3A_1447 : i32 to index
        %swap3A_1532 = arith.constant 112 : index
        %swap3A_1533 = tpu.vector_load %arg10[%swap3A_1531, %swap3A_1532] {strides = array<i32>} : memref<128x128xf32, #tpu.memory_space<vmem>>, vector<1x16xf32>,
        %swap3A_1534 = vector.shape_cast %swap3A_1533 : vector<1x16xf32> to vector<16xf32>
        %swap3A_1535 = vector.shape_cast %mul3A_1530 : vector<16xf32> to vector<1x16xf32>
        tpu.vector_store %arg10[%swap3A_1531, %swap3A_1532], %swap3A_1535 {strides = array<i32>} : memref<128x128xf32, #tpu.memory_space<vmem>>, vector<1x16xf32>,
        %slice3A_1536 = vector.extract_strided_slice %get3A_785 {offsets = [8], sizes = [1], strides = [1]} : vector<16xf32> to vector<1xf32>
        %squeeze3A_1537 = vector.extract %slice3A_1536[0] : f32 from vector<1xf32>
        %mul3A_1538 = arith.constant 16 : i32
        %mul3A_1539 = arith.muli %scan3A_778, %mul3A_1538 : i32
        %add3A_1540 = arith.constant 8 : i32
        %add3A_1541 = arith.addi %mul3A_1539, %add3A_1540 : i32
        %get3A_1542 = arith.index_cast %add3A_1541 : i32 to index
        %get3A_1543 = arith.constant 0 : index
        %get3A_1544 = tpu.vector_load %arg10[%get3A_1542, %get3A_1543] {strides = array<i32>} : memref<128x128xf32, #tpu.memory_space<vmem>>, vector<1x16xf32>,
        %get3A_1545 = vector.shape_cast %get3A_1544 : vector<1x16xf32> to vector<16xf32>
        %mul3A_1546 = vector.broadcast %squeeze3A_1537 : f32 to vector<16xf32>
        %mul3A_1547 = arith.mulf %get3A_1545, %mul3A_1546 : vector<16xf32>
        %swap3A_1548 = arith.index_cast %add3A_1541 : i32 to index
        %swap3A_1549 = arith.constant 0 : index
        %swap3A_1550 = tpu.vector_load %arg10[%swap3A_1548, %swap3A_1549] {strides = array<i32>} : memref<128x128xf32, #tpu.memory_space<vmem>>, vector<1x16xf32>,
        %swap3A_1551 = vector.shape_cast %swap3A_1550 : vector<1x16xf32> to vector<16xf32>
        %swap3A_1552 = vector.shape_cast %mul3A_1547 : vector<16xf32> to vector<1x16xf32>
        tpu.vector_store %arg10[%swap3A_1548, %swap3A_1549], %swap3A_1552 {strides = array<i32>} : memref<128x128xf32, #tpu.memory_space<vmem>>, vector<1x16xf32>,
        %get3A_1553 = arith.index_cast %add3A_1541 : i32 to index
        %get3A_1554 = arith.constant 16 : index
        %get3A_1555 = tpu.vector_load %arg10[%get3A_1553, %get3A_1554] {strides = array<i32>} : memref<128x128xf32, #tpu.memory_space<vmem>>, vector<1x16xf32>,
        %get3A_1556 = vector.shape_cast %get3A_1555 : vector<1x16xf32> to vector<16xf32>
        %mul3A_1557 = vector.broadcast %squeeze3A_1537 : f32 to vector<16xf32>
        %mul3A_1558 = arith.mulf %get3A_1556, %mul3A_1557 : vector<16xf32>
        %swap3A_1559 = arith.index_cast %add3A_1541 : i32 to index
        %swap3A_1560 = arith.constant 16 : index
        %swap3A_1561 = tpu.vector_load %arg10[%swap3A_1559, %swap3A_1560] {strides = array<i32>} : memref<128x128xf32, #tpu.memory_space<vmem>>, vector<1x16xf32>,
        %swap3A_1562 = vector.shape_cast %swap3A_1561 : vector<1x16xf32> to vector<16xf32>
        %swap3A_1563 = vector.shape_cast %mul3A_1558 : vector<16xf32> to vector<1x16xf32>
        tpu.vector_store %arg10[%swap3A_1559, %swap3A_1560], %swap3A_1563 {strides = array<i32>} : memref<128x128xf32, #tpu.memory_space<vmem>>, vector<1x16xf32>,
        %get3A_1564 = arith.index_cast %add3A_1541 : i32 to index
        %get3A_1565 = arith.constant 32 : index
        %get3A_1566 = tpu.vector_load %arg10[%get3A_1564, %get3A_1565] {strides = array<i32>} : memref<128x128xf32, #tpu.memory_space<vmem>>, vector<1x16xf32>,
        %get3A_1567 = vector.shape_cast %get3A_1566 : vector<1x16xf32> to vector<16xf32>
        %mul3A_1568 = vector.broadcast %squeeze3A_1537 : f32 to vector<16xf32>
        %mul3A_1569 = arith.mulf %get3A_1567, %mul3A_1568 : vector<16xf32>
        %swap3A_1570 = arith.index_cast %add3A_1541 : i32 to index
        %swap3A_1571 = arith.constant 32 : index
        %swap3A_1572 = tpu.vector_load %arg10[%swap3A_1570, %swap3A_1571] {strides = array<i32>} : memref<128x128xf32, #tpu.memory_space<vmem>>, vector<1x16xf32>,
        %swap3A_1573 = vector.shape_cast %swap3A_1572 : vector<1x16xf32> to vector<16xf32>
        %swap3A_1574 = vector.shape_cast %mul3A_1569 : vector<16xf32> to vector<1x16xf32>
        tpu.vector_store %arg10[%swap3A_1570, %swap3A_1571], %swap3A_1574 {strides = array<i32>} : memref<128x128xf32, #tpu.memory_space<vmem>>, vector<1x16xf32>,
        %get3A_1575 = arith.index_cast %add3A_1541 : i32 to index
        %get3A_1576 = arith.constant 48 : index
        %get3A_1577 = tpu.vector_load %arg10[%get3A_1575, %get3A_1576] {strides = array<i32>} : memref<128x128xf32, #tpu.memory_space<vmem>>, vector<1x16xf32>,
        %get3A_1578 = vector.shape_cast %get3A_1577 : vector<1x16xf32> to vector<16xf32>
        %mul3A_1579 = vector.broadcast %squeeze3A_1537 : f32 to vector<16xf32>
        %mul3A_1580 = arith.mulf %get3A_1578, %mul3A_1579 : vector<16xf32>
        %swap3A_1581 = arith.index_cast %add3A_1541 : i32 to index
        %swap3A_1582 = arith.constant 48 : index
        %swap3A_1583 = tpu.vector_load %arg10[%swap3A_1581, %swap3A_1582] {strides = array<i32>} : memref<128x128xf32, #tpu.memory_space<vmem>>, vector<1x16xf32>,
        %swap3A_1584 = vector.shape_cast %swap3A_1583 : vector<1x16xf32> to vector<16xf32>
        %swap3A_1585 = vector.shape_cast %mul3A_1580 : vector<16xf32> to vector<1x16xf32>
        tpu.vector_store %arg10[%swap3A_1581, %swap3A_1582], %swap3A_1585 {strides = array<i32>} : memref<128x128xf32, #tpu.memory_space<vmem>>, vector<1x16xf32>,
        %get3A_1586 = arith.index_cast %add3A_1541 : i32 to index
        %get3A_1587 = arith.constant 64 : index
        %get3A_1588 = tpu.vector_load %arg10[%get3A_1586, %get3A_1587] {strides = array<i32>} : memref<128x128xf32, #tpu.memory_space<vmem>>, vector<1x16xf32>,
        %get3A_1589 = vector.shape_cast %get3A_1588 : vector<1x16xf32> to vector<16xf32>
        %mul3A_1590 = vector.broadcast %squeeze3A_1537 : f32 to vector<16xf32>
        %mul3A_1591 = arith.mulf %get3A_1589, %mul3A_1590 : vector<16xf32>
        %swap3A_1592 = arith.index_cast %add3A_1541 : i32 to index
        %swap3A_1593 = arith.constant 64 : index
        %swap3A_1594 = tpu.vector_load %arg10[%swap3A_1592, %swap3A_1593] {strides = array<i32>} : memref<128x128xf32, #tpu.memory_space<vmem>>, vector<1x16xf32>,
        %swap3A_1595 = vector.shape_cast %swap3A_1594 : vector<1x16xf32> to vector<16xf32>
        %swap3A_1596 = vector.shape_cast %mul3A_1591 : vector<16xf32> to vector<1x16xf32>
        tpu.vector_store %arg10[%swap3A_1592, %swap3A_1593], %swap3A_1596 {strides = array<i32>} : memref<128x128xf32, #tpu.memory_space<vmem>>, vector<1x16xf32>,
        %get3A_1597 = arith.index_cast %add3A_1541 : i32 to index
        %get3A_1598 = arith.constant 80 : index
        %get3A_1599 = tpu.vector_load %arg10[%get3A_1597, %get3A_1598] {strides = array<i32>} : memref<128x128xf32, #tpu.memory_space<vmem>>, vector<1x16xf32>,
        %get3A_1600 = vector.shape_cast %get3A_1599 : vector<1x16xf32> to vector<16xf32>
        %mul3A_1601 = vector.broadcast %squeeze3A_1537 : f32 to vector<16xf32>
        %mul3A_1602 = arith.mulf %get3A_1600, %mul3A_1601 : vector<16xf32>
        %swap3A_1603 = arith.index_cast %add3A_1541 : i32 to index
        %swap3A_1604 = arith.constant 80 : index
        %swap3A_1605 = tpu.vector_load %arg10[%swap3A_1603, %swap3A_1604] {strides = array<i32>} : memref<128x128xf32, #tpu.memory_space<vmem>>, vector<1x16xf32>,
        %swap3A_1606 = vector.shape_cast %swap3A_1605 : vector<1x16xf32> to vector<16xf32>
        %swap3A_1607 = vector.shape_cast %mul3A_1602 : vector<16xf32> to vector<1x16xf32>
        tpu.vector_store %arg10[%swap3A_1603, %swap3A_1604], %swap3A_1607 {strides = array<i32>} : memref<128x128xf32, #tpu.memory_space<vmem>>, vector<1x16xf32>,
        %get3A_1608 = arith.index_cast %add3A_1541 : i32 to index
        %get3A_1609 = arith.constant 96 : index
        %get3A_1610 = tpu.vector_load %arg10[%get3A_1608, %get3A_1609] {strides = array<i32>} : memref<128x128xf32, #tpu.memory_space<vmem>>, vector<1x16xf32>,
        %get3A_1611 = vector.shape_cast %get3A_1610 : vector<1x16xf32> to vector<16xf32>
        %mul3A_1612 = vector.broadcast %squeeze3A_1537 : f32 to vector<16xf32>
        %mul3A_1613 = arith.mulf %get3A_1611, %mul3A_1612 : vector<16xf32>
        %swap3A_1614 = arith.index_cast %add3A_1541 : i32 to index
        %swap3A_1615 = arith.constant 96 : index
        %swap3A_1616 = tpu.vector_load %arg10[%swap3A_1614, %swap3A_1615] {strides = array<i32>} : memref<128x128xf32, #tpu.memory_space<vmem>>, vector<1x16xf32>,
        %swap3A_1617 = vector.shape_cast %swap3A_1616 : vector<1x16xf32> to vector<16xf32>
        %swap3A_1618 = vector.shape_cast %mul3A_1613 : vector<16xf32> to vector<1x16xf32>
        tpu.vector_store %arg10[%swap3A_1614, %swap3A_1615], %swap3A_1618 {strides = array<i32>} : memref<128x128xf32, #tpu.memory_space<vmem>>, vector<1x16xf32>,
        %get3A_1619 = arith.index_cast %add3A_1541 : i32 to index
        %get3A_1620 = arith.constant 112 : index
        %get3A_1621 = tpu.vector_load %arg10[%get3A_1619, %get3A_1620] {strides = array<i32>} : memref<128x128xf32, #tpu.memory_space<vmem>>, vector<1x16xf32>,
        %get3A_1622 = vector.shape_cast %get3A_1621 : vector<1x16xf32> to vector<16xf32>
        %mul3A_1623 = vector.broadcast %squeeze3A_1537 : f32 to vector<16xf32>
        %mul3A_1624 = arith.mulf %get3A_1622, %mul3A_1623 : vector<16xf32>
        %swap3A_1625 = arith.index_cast %add3A_1541 : i32 to index
        %swap3A_1626 = arith.constant 112 : index
        %swap3A_1627 = tpu.vector_load %arg10[%swap3A_1625, %swap3A_1626] {strides = array<i32>} : memref<128x128xf32, #tpu.memory_space<vmem>>, vector<1x16xf32>,
        %swap3A_1628 = vector.shape_cast %swap3A_1627 : vector<1x16xf32> to vector<16xf32>
        %swap3A_1629 = vector.shape_cast %mul3A_1624 : vector<16xf32> to vector<1x16xf32>
        tpu.vector_store %arg10[%swap3A_1625, %swap3A_1626], %swap3A_1629 {strides = array<i32>} : memref<128x128xf32, #tpu.memory_space<vmem>>, vector<1x16xf32>,
        %slice3A_1630 = vector.extract_strided_slice %get3A_785 {offsets = [9], sizes = [1], strides = [1]} : vector<16xf32> to vector<1xf32>
        %squeeze3A_1631 = vector.extract %slice3A_1630[0] : f32 from vector<1xf32>
        %mul3A_1632 = arith.constant 16 : i32
        %mul3A_1633 = arith.muli %scan3A_778, %mul3A_1632 : i32
        %add3A_1634 = arith.constant 9 : i32
        %add3A_1635 = arith.addi %mul3A_1633, %add3A_1634 : i32
        %get3A_1636 = arith.index_cast %add3A_1635 : i32 to index
        %get3A_1637 = arith.constant 0 : index
        %get3A_1638 = tpu.vector_load %arg10[%get3A_1636, %get3A_1637] {strides = array<i32>} : memref<128x128xf32, #tpu.memory_space<vmem>>, vector<1x16xf32>,
        %get3A_1639 = vector.shape_cast %get3A_1638 : vector<1x16xf32> to vector<16xf32>
        %mul3A_1640 = vector.broadcast %squeeze3A_1631 : f32 to vector<16xf32>
        %mul3A_1641 = arith.mulf %get3A_1639, %mul3A_1640 : vector<16xf32>
        %swap3A_1642 = arith.index_cast %add3A_1635 : i32 to index
        %swap3A_1643 = arith.constant 0 : index
        %swap3A_1644 = tpu.vector_load %arg10[%swap3A_1642, %swap3A_1643] {strides = array<i32>} : memref<128x128xf32, #tpu.memory_space<vmem>>, vector<1x16xf32>,
        %swap3A_1645 = vector.shape_cast %swap3A_1644 : vector<1x16xf32> to vector<16xf32>
        %swap3A_1646 = vector.shape_cast %mul3A_1641 : vector<16xf32> to vector<1x16xf32>
        tpu.vector_store %arg10[%swap3A_1642, %swap3A_1643], %swap3A_1646 {strides = array<i32>} : memref<128x128xf32, #tpu.memory_space<vmem>>, vector<1x16xf32>,
        %get3A_1647 = arith.index_cast %add3A_1635 : i32 to index
        %get3A_1648 = arith.constant 16 : index
        %get3A_1649 = tpu.vector_load %arg10[%get3A_1647, %get3A_1648] {strides = array<i32>} : memref<128x128xf32, #tpu.memory_space<vmem>>, vector<1x16xf32>,
        %get3A_1650 = vector.shape_cast %get3A_1649 : vector<1x16xf32> to vector<16xf32>
        %mul3A_1651 = vector.broadcast %squeeze3A_1631 : f32 to vector<16xf32>
        %mul3A_1652 = arith.mulf %get3A_1650, %mul3A_1651 : vector<16xf32>
        %swap3A_1653 = arith.index_cast %add3A_1635 : i32 to index
        %swap3A_1654 = arith.constant 16 : index
        %swap3A_1655 = tpu.vector_load %arg10[%swap3A_1653, %swap3A_1654] {strides = array<i32>} : memref<128x128xf32, #tpu.memory_space<vmem>>, vector<1x16xf32>,
        %swap3A_1656 = vector.shape_cast %swap3A_1655 : vector<1x16xf32> to vector<16xf32>
        %swap3A_1657 = vector.shape_cast %mul3A_1652 : vector<16xf32> to vector<1x16xf32>
        tpu.vector_store %arg10[%swap3A_1653, %swap3A_1654], %swap3A_1657 {strides = array<i32>} : memref<128x128xf32, #tpu.memory_space<vmem>>, vector<1x16xf32>,
        %get3A_1658 = arith.index_cast %add3A_1635 : i32 to index
        %get3A_1659 = arith.constant 32 : index
        %get3A_1660 = tpu.vector_load %arg10[%get3A_1658, %get3A_1659] {strides = array<i32>} : memref<128x128xf32, #tpu.memory_space<vmem>>, vector<1x16xf32>,
        %get3A_1661 = vector.shape_cast %get3A_1660 : vector<1x16xf32> to vector<16xf32>
        %mul3A_1662 = vector.broadcast %squeeze3A_1631 : f32 to vector<16xf32>
        %mul3A_1663 = arith.mulf %get3A_1661, %mul3A_1662 : vector<16xf32>
        %swap3A_1664 = arith.index_cast %add3A_1635 : i32 to index
        %swap3A_1665 = arith.constant 32 : index
        %swap3A_1666 = tpu.vector_load %arg10[%swap3A_1664, %swap3A_1665] {strides = array<i32>} : memref<128x128xf32, #tpu.memory_space<vmem>>, vector<1x16xf32>,
        %swap3A_1667 = vector.shape_cast %swap3A_1666 : vector<1x16xf32> to vector<16xf32>
        %swap3A_1668 = vector.shape_cast %mul3A_1663 : vector<16xf32> to vector<1x16xf32>
        tpu.vector_store %arg10[%swap3A_1664, %swap3A_1665], %swap3A_1668 {strides = array<i32>} : memref<128x128xf32, #tpu.memory_space<vmem>>, vector<1x16xf32>,
        %get3A_1669 = arith.index_cast %add3A_1635 : i32 to index
        %get3A_1670 = arith.constant 48 : index
        %get3A_1671 = tpu.vector_load %arg10[%get3A_1669, %get3A_1670] {strides = array<i32>} : memref<128x128xf32, #tpu.memory_space<vmem>>, vector<1x16xf32>,
        %get3A_1672 = vector.shape_cast %get3A_1671 : vector<1x16xf32> to vector<16xf32>
        %mul3A_1673 = vector.broadcast %squeeze3A_1631 : f32 to vector<16xf32>
        %mul3A_1674 = arith.mulf %get3A_1672, %mul3A_1673 : vector<16xf32>
        %swap3A_1675 = arith.index_cast %add3A_1635 : i32 to index
        %swap3A_1676 = arith.constant 48 : index
        %swap3A_1677 = tpu.vector_load %arg10[%swap3A_1675, %swap3A_1676] {strides = array<i32>} : memref<128x128xf32, #tpu.memory_space<vmem>>, vector<1x16xf32>,
        %swap3A_1678 = vector.shape_cast %swap3A_1677 : vector<1x16xf32> to vector<16xf32>
        %swap3A_1679 = vector.shape_cast %mul3A_1674 : vector<16xf32> to vector<1x16xf32>
        tpu.vector_store %arg10[%swap3A_1675, %swap3A_1676], %swap3A_1679 {strides = array<i32>} : memref<128x128xf32, #tpu.memory_space<vmem>>, vector<1x16xf32>,
        %get3A_1680 = arith.index_cast %add3A_1635 : i32 to index
        %get3A_1681 = arith.constant 64 : index
        %get3A_1682 = tpu.vector_load %arg10[%get3A_1680, %get3A_1681] {strides = array<i32>} : memref<128x128xf32, #tpu.memory_space<vmem>>, vector<1x16xf32>,
        %get3A_1683 = vector.shape_cast %get3A_1682 : vector<1x16xf32> to vector<16xf32>
        %mul3A_1684 = vector.broadcast %squeeze3A_1631 : f32 to vector<16xf32>
        %mul3A_1685 = arith.mulf %get3A_1683, %mul3A_1684 : vector<16xf32>
        %swap3A_1686 = arith.index_cast %add3A_1635 : i32 to index
        %swap3A_1687 = arith.constant 64 : index
        %swap3A_1688 = tpu.vector_load %arg10[%swap3A_1686, %swap3A_1687] {strides = array<i32>} : memref<128x128xf32, #tpu.memory_space<vmem>>, vector<1x16xf32>,
        %swap3A_1689 = vector.shape_cast %swap3A_1688 : vector<1x16xf32> to vector<16xf32>
        %swap3A_1690 = vector.shape_cast %mul3A_1685 : vector<16xf32> to vector<1x16xf32>
        tpu.vector_store %arg10[%swap3A_1686, %swap3A_1687], %swap3A_1690 {strides = array<i32>} : memref<128x128xf32, #tpu.memory_space<vmem>>, vector<1x16xf32>,
        %get3A_1691 = arith.index_cast %add3A_1635 : i32 to index
        %get3A_1692 = arith.constant 80 : index
        %get3A_1693 = tpu.vector_load %arg10[%get3A_1691, %get3A_1692] {strides = array<i32>} : memref<128x128xf32, #tpu.memory_space<vmem>>, vector<1x16xf32>,
        %get3A_1694 = vector.shape_cast %get3A_1693 : vector<1x16xf32> to vector<16xf32>
        %mul3A_1695 = vector.broadcast %squeeze3A_1631 : f32 to vector<16xf32>
        %mul3A_1696 = arith.mulf %get3A_1694, %mul3A_1695 : vector<16xf32>
        %swap3A_1697 = arith.index_cast %add3A_1635 : i32 to index
        %swap3A_1698 = arith.constant 80 : index
        %swap3A_1699 = tpu.vector_load %arg10[%swap3A_1697, %swap3A_1698] {strides = array<i32>} : memref<128x128xf32, #tpu.memory_space<vmem>>, vector<1x16xf32>,
        %swap3A_1700 = vector.shape_cast %swap3A_1699 : vector<1x16xf32> to vector<16xf32>
        %swap3A_1701 = vector.shape_cast %mul3A_1696 : vector<16xf32> to vector<1x16xf32>
        tpu.vector_store %arg10[%swap3A_1697, %swap3A_1698], %swap3A_1701 {strides = array<i32>} : memref<128x128xf32, #tpu.memory_space<vmem>>, vector<1x16xf32>,
        %get3A_1702 = arith.index_cast %add3A_1635 : i32 to index
        %get3A_1703 = arith.constant 96 : index
        %get3A_1704 = tpu.vector_load %arg10[%get3A_1702, %get3A_1703] {strides = array<i32>} : memref<128x128xf32, #tpu.memory_space<vmem>>, vector<1x16xf32>,
        %get3A_1705 = vector.shape_cast %get3A_1704 : vector<1x16xf32> to vector<16xf32>
        %mul3A_1706 = vector.broadcast %squeeze3A_1631 : f32 to vector<16xf32>
        %mul3A_1707 = arith.mulf %get3A_1705, %mul3A_1706 : vector<16xf32>
        %swap3A_1708 = arith.index_cast %add3A_1635 : i32 to index
        %swap3A_1709 = arith.constant 96 : index
        %swap3A_1710 = tpu.vector_load %arg10[%swap3A_1708, %swap3A_1709] {strides = array<i32>} : memref<128x128xf32, #tpu.memory_space<vmem>>, vector<1x16xf32>,
        %swap3A_1711 = vector.shape_cast %swap3A_1710 : vector<1x16xf32> to vector<16xf32>
        %swap3A_1712 = vector.shape_cast %mul3A_1707 : vector<16xf32> to vector<1x16xf32>
        tpu.vector_store %arg10[%swap3A_1708, %swap3A_1709], %swap3A_1712 {strides = array<i32>} : memref<128x128xf32, #tpu.memory_space<vmem>>, vector<1x16xf32>,
        %get3A_1713 = arith.index_cast %add3A_1635 : i32 to index
        %get3A_1714 = arith.constant 112 : index
        %get3A_1715 = tpu.vector_load %arg10[%get3A_1713, %get3A_1714] {strides = array<i32>} : memref<128x128xf32, #tpu.memory_space<vmem>>, vector<1x16xf32>,
        %get3A_1716 = vector.shape_cast %get3A_1715 : vector<1x16xf32> to vector<16xf32>
        %mul3A_1717 = vector.broadcast %squeeze3A_1631 : f32 to vector<16xf32>
        %mul3A_1718 = arith.mulf %get3A_1716, %mul3A_1717 : vector<16xf32>
        %swap3A_1719 = arith.index_cast %add3A_1635 : i32 to index
        %swap3A_1720 = arith.constant 112 : index
        %swap3A_1721 = tpu.vector_load %arg10[%swap3A_1719, %swap3A_1720] {strides = array<i32>} : memref<128x128xf32, #tpu.memory_space<vmem>>, vector<1x16xf32>,
        %swap3A_1722 = vector.shape_cast %swap3A_1721 : vector<1x16xf32> to vector<16xf32>
        %swap3A_1723 = vector.shape_cast %mul3A_1718 : vector<16xf32> to vector<1x16xf32>
        tpu.vector_store %arg10[%swap3A_1719, %swap3A_1720], %swap3A_1723 {strides = array<i32>} : memref<128x128xf32, #tpu.memory_space<vmem>>, vector<1x16xf32>,
        %slice3A_1724 = vector.extract_strided_slice %get3A_785 {offsets = [10], sizes = [1], strides = [1]} : vector<16xf32> to vector<1xf32>
        %squeeze3A_1725 = vector.extract %slice3A_1724[0] : f32 from vector<1xf32>
        %mul3A_1726 = arith.constant 16 : i32
        %mul3A_1727 = arith.muli %scan3A_778, %mul3A_1726 : i32
        %add3A_1728 = arith.constant 10 : i32
        %add3A_1729 = arith.addi %mul3A_1727, %add3A_1728 : i32
        %get3A_1730 = arith.index_cast %add3A_1729 : i32 to index
        %get3A_1731 = arith.constant 0 : index
        %get3A_1732 = tpu.vector_load %arg10[%get3A_1730, %get3A_1731] {strides = array<i32>} : memref<128x128xf32, #tpu.memory_space<vmem>>, vector<1x16xf32>,
        %get3A_1733 = vector.shape_cast %get3A_1732 : vector<1x16xf32> to vector<16xf32>
        %mul3A_1734 = vector.broadcast %squeeze3A_1725 : f32 to vector<16xf32>
        %mul3A_1735 = arith.mulf %get3A_1733, %mul3A_1734 : vector<16xf32>
        %swap3A_1736 = arith.index_cast %add3A_1729 : i32 to index
        %swap3A_1737 = arith.constant 0 : index
        %swap3A_1738 = tpu.vector_load %arg10[%swap3A_1736, %swap3A_1737] {strides = array<i32>} : memref<128x128xf32, #tpu.memory_space<vmem>>, vector<1x16xf32>,
        %swap3A_1739 = vector.shape_cast %swap3A_1738 : vector<1x16xf32> to vector<16xf32>
        %swap3A_1740 = vector.shape_cast %mul3A_1735 : vector<16xf32> to vector<1x16xf32>
        tpu.vector_store %arg10[%swap3A_1736, %swap3A_1737], %swap3A_1740 {strides = array<i32>} : memref<128x128xf32, #tpu.memory_space<vmem>>, vector<1x16xf32>,
        %get3A_1741 = arith.index_cast %add3A_1729 : i32 to index
        %get3A_1742 = arith.constant 16 : index
        %get3A_1743 = tpu.vector_load %arg10[%get3A_1741, %get3A_1742] {strides = array<i32>} : memref<128x128xf32, #tpu.memory_space<vmem>>, vector<1x16xf32>,
        %get3A_1744 = vector.shape_cast %get3A_1743 : vector<1x16xf32> to vector<16xf32>
        %mul3A_1745 = vector.broadcast %squeeze3A_1725 : f32 to vector<16xf32>
        %mul3A_1746 = arith.mulf %get3A_1744, %mul3A_1745 : vector<16xf32>
        %swap3A_1747 = arith.index_cast %add3A_1729 : i32 to index
        %swap3A_1748 = arith.constant 16 : index
        %swap3A_1749 = tpu.vector_load %arg10[%swap3A_1747, %swap3A_1748] {strides = array<i32>} : memref<128x128xf32, #tpu.memory_space<vmem>>, vector<1x16xf32>,
        %swap3A_1750 = vector.shape_cast %swap3A_1749 : vector<1x16xf32> to vector<16xf32>
        %swap3A_1751 = vector.shape_cast %mul3A_1746 : vector<16xf32> to vector<1x16xf32>
        tpu.vector_store %arg10[%swap3A_1747, %swap3A_1748], %swap3A_1751 {strides = array<i32>} : memref<128x128xf32, #tpu.memory_space<vmem>>, vector<1x16xf32>,
        %get3A_1752 = arith.index_cast %add3A_1729 : i32 to index
        %get3A_1753 = arith.constant 32 : index
        %get3A_1754 = tpu.vector_load %arg10[%get3A_1752, %get3A_1753] {strides = array<i32>} : memref<128x128xf32, #tpu.memory_space<vmem>>, vector<1x16xf32>,
        %get3A_1755 = vector.shape_cast %get3A_1754 : vector<1x16xf32> to vector<16xf32>
        %mul3A_1756 = vector.broadcast %squeeze3A_1725 : f32 to vector<16xf32>
        %mul3A_1757 = arith.mulf %get3A_1755, %mul3A_1756 : vector<16xf32>
        %swap3A_1758 = arith.index_cast %add3A_1729 : i32 to index
        %swap3A_1759 = arith.constant 32 : index
        %swap3A_1760 = tpu.vector_load %arg10[%swap3A_1758, %swap3A_1759] {strides = array<i32>} : memref<128x128xf32, #tpu.memory_space<vmem>>, vector<1x16xf32>,
        %swap3A_1761 = vector.shape_cast %swap3A_1760 : vector<1x16xf32> to vector<16xf32>
        %swap3A_1762 = vector.shape_cast %mul3A_1757 : vector<16xf32> to vector<1x16xf32>
        tpu.vector_store %arg10[%swap3A_1758, %swap3A_1759], %swap3A_1762 {strides = array<i32>} : memref<128x128xf32, #tpu.memory_space<vmem>>, vector<1x16xf32>,
        %get3A_1763 = arith.index_cast %add3A_1729 : i32 to index
        %get3A_1764 = arith.constant 48 : index
        %get3A_1765 = tpu.vector_load %arg10[%get3A_1763, %get3A_1764] {strides = array<i32>} : memref<128x128xf32, #tpu.memory_space<vmem>>, vector<1x16xf32>,
        %get3A_1766 = vector.shape_cast %get3A_1765 : vector<1x16xf32> to vector<16xf32>
        %mul3A_1767 = vector.broadcast %squeeze3A_1725 : f32 to vector<16xf32>
        %mul3A_1768 = arith.mulf %get3A_1766, %mul3A_1767 : vector<16xf32>
        %swap3A_1769 = arith.index_cast %add3A_1729 : i32 to index
        %swap3A_1770 = arith.constant 48 : index
        %swap3A_1771 = tpu.vector_load %arg10[%swap3A_1769, %swap3A_1770] {strides = array<i32>} : memref<128x128xf32, #tpu.memory_space<vmem>>, vector<1x16xf32>,
        %swap3A_1772 = vector.shape_cast %swap3A_1771 : vector<1x16xf32> to vector<16xf32>
        %swap3A_1773 = vector.shape_cast %mul3A_1768 : vector<16xf32> to vector<1x16xf32>
        tpu.vector_store %arg10[%swap3A_1769, %swap3A_1770], %swap3A_1773 {strides = array<i32>} : memref<128x128xf32, #tpu.memory_space<vmem>>, vector<1x16xf32>,
        %get3A_1774 = arith.index_cast %add3A_1729 : i32 to index
        %get3A_1775 = arith.constant 64 : index
        %get3A_1776 = tpu.vector_load %arg10[%get3A_1774, %get3A_1775] {strides = array<i32>} : memref<128x128xf32, #tpu.memory_space<vmem>>, vector<1x16xf32>,
        %get3A_1777 = vector.shape_cast %get3A_1776 : vector<1x16xf32> to vector<16xf32>
        %mul3A_1778 = vector.broadcast %squeeze3A_1725 : f32 to vector<16xf32>
        %mul3A_1779 = arith.mulf %get3A_1777, %mul3A_1778 : vector<16xf32>
        %swap3A_1780 = arith.index_cast %add3A_1729 : i32 to index
        %swap3A_1781 = arith.constant 64 : index
        %swap3A_1782 = tpu.vector_load %arg10[%swap3A_1780, %swap3A_1781] {strides = array<i32>} : memref<128x128xf32, #tpu.memory_space<vmem>>, vector<1x16xf32>,
        %swap3A_1783 = vector.shape_cast %swap3A_1782 : vector<1x16xf32> to vector<16xf32>
        %swap3A_1784 = vector.shape_cast %mul3A_1779 : vector<16xf32> to vector<1x16xf32>
        tpu.vector_store %arg10[%swap3A_1780, %swap3A_1781], %swap3A_1784 {strides = array<i32>} : memref<128x128xf32, #tpu.memory_space<vmem>>, vector<1x16xf32>,
        %get3A_1785 = arith.index_cast %add3A_1729 : i32 to index
        %get3A_1786 = arith.constant 80 : index
        %get3A_1787 = tpu.vector_load %arg10[%get3A_1785, %get3A_1786] {strides = array<i32>} : memref<128x128xf32, #tpu.memory_space<vmem>>, vector<1x16xf32>,
        %get3A_1788 = vector.shape_cast %get3A_1787 : vector<1x16xf32> to vector<16xf32>
        %mul3A_1789 = vector.broadcast %squeeze3A_1725 : f32 to vector<16xf32>
        %mul3A_1790 = arith.mulf %get3A_1788, %mul3A_1789 : vector<16xf32>
        %swap3A_1791 = arith.index_cast %add3A_1729 : i32 to index
        %swap3A_1792 = arith.constant 80 : index
        %swap3A_1793 = tpu.vector_load %arg10[%swap3A_1791, %swap3A_1792] {strides = array<i32>} : memref<128x128xf32, #tpu.memory_space<vmem>>, vector<1x16xf32>,
        %swap3A_1794 = vector.shape_cast %swap3A_1793 : vector<1x16xf32> to vector<16xf32>
        %swap3A_1795 = vector.shape_cast %mul3A_1790 : vector<16xf32> to vector<1x16xf32>
        tpu.vector_store %arg10[%swap3A_1791, %swap3A_1792], %swap3A_1795 {strides = array<i32>} : memref<128x128xf32, #tpu.memory_space<vmem>>, vector<1x16xf32>,
        %get3A_1796 = arith.index_cast %add3A_1729 : i32 to index
        %get3A_1797 = arith.constant 96 : index
        %get3A_1798 = tpu.vector_load %arg10[%get3A_1796, %get3A_1797] {strides = array<i32>} : memref<128x128xf32, #tpu.memory_space<vmem>>, vector<1x16xf32>,
        %get3A_1799 = vector.shape_cast %get3A_1798 : vector<1x16xf32> to vector<16xf32>
        %mul3A_1800 = vector.broadcast %squeeze3A_1725 : f32 to vector<16xf32>
        %mul3A_1801 = arith.mulf %get3A_1799, %mul3A_1800 : vector<16xf32>
        %swap3A_1802 = arith.index_cast %add3A_1729 : i32 to index
        %swap3A_1803 = arith.constant 96 : index
        %swap3A_1804 = tpu.vector_load %arg10[%swap3A_1802, %swap3A_1803] {strides = array<i32>} : memref<128x128xf32, #tpu.memory_space<vmem>>, vector<1x16xf32>,
        %swap3A_1805 = vector.shape_cast %swap3A_1804 : vector<1x16xf32> to vector<16xf32>
        %swap3A_1806 = vector.shape_cast %mul3A_1801 : vector<16xf32> to vector<1x16xf32>
        tpu.vector_store %arg10[%swap3A_1802, %swap3A_1803], %swap3A_1806 {strides = array<i32>} : memref<128x128xf32, #tpu.memory_space<vmem>>, vector<1x16xf32>,
        %get3A_1807 = arith.index_cast %add3A_1729 : i32 to index
        %get3A_1808 = arith.constant 112 : index
        %get3A_1809 = tpu.vector_load %arg10[%get3A_1807, %get3A_1808] {strides = array<i32>} : memref<128x128xf32, #tpu.memory_space<vmem>>, vector<1x16xf32>,
        %get3A_1810 = vector.shape_cast %get3A_1809 : vector<1x16xf32> to vector<16xf32>
        %mul3A_1811 = vector.broadcast %squeeze3A_1725 : f32 to vector<16xf32>
        %mul3A_1812 = arith.mulf %get3A_1810, %mul3A_1811 : vector<16xf32>
        %swap3A_1813 = arith.index_cast %add3A_1729 : i32 to index
        %swap3A_1814 = arith.constant 112 : index
        %swap3A_1815 = tpu.vector_load %arg10[%swap3A_1813, %swap3A_1814] {strides = array<i32>} : memref<128x128xf32, #tpu.memory_space<vmem>>, vector<1x16xf32>,
        %swap3A_1816 = vector.shape_cast %swap3A_1815 : vector<1x16xf32> to vector<16xf32>
        %swap3A_1817 = vector.shape_cast %mul3A_1812 : vector<16xf32> to vector<1x16xf32>
        tpu.vector_store %arg10[%swap3A_1813, %swap3A_1814], %swap3A_1817 {strides = array<i32>} : memref<128x128xf32, #tpu.memory_space<vmem>>, vector<1x16xf32>,
        %slice3A_1818 = vector.extract_strided_slice %get3A_785 {offsets = [11], sizes = [1], strides = [1]} : vector<16xf32> to vector<1xf32>
        %squeeze3A_1819 = vector.extract %slice3A_1818[0] : f32 from vector<1xf32>
        %mul3A_1820 = arith.constant 16 : i32
        %mul3A_1821 = arith.muli %scan3A_778, %mul3A_1820 : i32
        %add3A_1822 = arith.constant 11 : i32
        %add3A_1823 = arith.addi %mul3A_1821, %add3A_1822 : i32
        %get3A_1824 = arith.index_cast %add3A_1823 : i32 to index
        %get3A_1825 = arith.constant 0 : index
        %get3A_1826 = tpu.vector_load %arg10[%get3A_1824, %get3A_1825] {strides = array<i32>} : memref<128x128xf32, #tpu.memory_space<vmem>>, vector<1x16xf32>,
        %get3A_1827 = vector.shape_cast %get3A_1826 : vector<1x16xf32> to vector<16xf32>
        %mul3A_1828 = vector.broadcast %squeeze3A_1819 : f32 to vector<16xf32>
        %mul3A_1829 = arith.mulf %get3A_1827, %mul3A_1828 : vector<16xf32>
        %swap3A_1830 = arith.index_cast %add3A_1823 : i32 to index
        %swap3A_1831 = arith.constant 0 : index
        %swap3A_1832 = tpu.vector_load %arg10[%swap3A_1830, %swap3A_1831] {strides = array<i32>} : memref<128x128xf32, #tpu.memory_space<vmem>>, vector<1x16xf32>,
        %swap3A_1833 = vector.shape_cast %swap3A_1832 : vector<1x16xf32> to vector<16xf32>
        %swap3A_1834 = vector.shape_cast %mul3A_1829 : vector<16xf32> to vector<1x16xf32>
        tpu.vector_store %arg10[%swap3A_1830, %swap3A_1831], %swap3A_1834 {strides = array<i32>} : memref<128x128xf32, #tpu.memory_space<vmem>>, vector<1x16xf32>,
        %get3A_1835 = arith.index_cast %add3A_1823 : i32 to index
        %get3A_1836 = arith.constant 16 : index
        %get3A_1837 = tpu.vector_load %arg10[%get3A_1835, %get3A_1836] {strides = array<i32>} : memref<128x128xf32, #tpu.memory_space<vmem>>, vector<1x16xf32>,
        %get3A_1838 = vector.shape_cast %get3A_1837 : vector<1x16xf32> to vector<16xf32>
        %mul3A_1839 = vector.broadcast %squeeze3A_1819 : f32 to vector<16xf32>
        %mul3A_1840 = arith.mulf %get3A_1838, %mul3A_1839 : vector<16xf32>
        %swap3A_1841 = arith.index_cast %add3A_1823 : i32 to index
        %swap3A_1842 = arith.constant 16 : index
        %swap3A_1843 = tpu.vector_load %arg10[%swap3A_1841, %swap3A_1842] {strides = array<i32>} : memref<128x128xf32, #tpu.memory_space<vmem>>, vector<1x16xf32>,
        %swap3A_1844 = vector.shape_cast %swap3A_1843 : vector<1x16xf32> to vector<16xf32>
        %swap3A_1845 = vector.shape_cast %mul3A_1840 : vector<16xf32> to vector<1x16xf32>
        tpu.vector_store %arg10[%swap3A_1841, %swap3A_1842], %swap3A_1845 {strides = array<i32>} : memref<128x128xf32, #tpu.memory_space<vmem>>, vector<1x16xf32>,
        %get3A_1846 = arith.index_cast %add3A_1823 : i32 to index
        %get3A_1847 = arith.constant 32 : index
        %get3A_1848 = tpu.vector_load %arg10[%get3A_1846, %get3A_1847] {strides = array<i32>} : memref<128x128xf32, #tpu.memory_space<vmem>>, vector<1x16xf32>,
        %get3A_1849 = vector.shape_cast %get3A_1848 : vector<1x16xf32> to vector<16xf32>
        %mul3A_1850 = vector.broadcast %squeeze3A_1819 : f32 to vector<16xf32>
        %mul3A_1851 = arith.mulf %get3A_1849, %mul3A_1850 : vector<16xf32>
        %swap3A_1852 = arith.index_cast %add3A_1823 : i32 to index
        %swap3A_1853 = arith.constant 32 : index
        %swap3A_1854 = tpu.vector_load %arg10[%swap3A_1852, %swap3A_1853] {strides = array<i32>} : memref<128x128xf32, #tpu.memory_space<vmem>>, vector<1x16xf32>,
        %swap3A_1855 = vector.shape_cast %swap3A_1854 : vector<1x16xf32> to vector<16xf32>
        %swap3A_1856 = vector.shape_cast %mul3A_1851 : vector<16xf32> to vector<1x16xf32>
        tpu.vector_store %arg10[%swap3A_1852, %swap3A_1853], %swap3A_1856 {strides = array<i32>} : memref<128x128xf32, #tpu.memory_space<vmem>>, vector<1x16xf32>,
        %get3A_1857 = arith.index_cast %add3A_1823 : i32 to index
        %get3A_1858 = arith.constant 48 : index
        %get3A_1859 = tpu.vector_load %arg10[%get3A_1857, %get3A_1858] {strides = array<i32>} : memref<128x128xf32, #tpu.memory_space<vmem>>, vector<1x16xf32>,
        %get3A_1860 = vector.shape_cast %get3A_1859 : vector<1x16xf32> to vector<16xf32>
        %mul3A_1861 = vector.broadcast %squeeze3A_1819 : f32 to vector<16xf32>
        %mul3A_1862 = arith.mulf %get3A_1860, %mul3A_1861 : vector<16xf32>
        %swap3A_1863 = arith.index_cast %add3A_1823 : i32 to index
        %swap3A_1864 = arith.constant 48 : index
        %swap3A_1865 = tpu.vector_load %arg10[%swap3A_1863, %swap3A_1864] {strides = array<i32>} : memref<128x128xf32, #tpu.memory_space<vmem>>, vector<1x16xf32>,
        %swap3A_1866 = vector.shape_cast %swap3A_1865 : vector<1x16xf32> to vector<16xf32>
        %swap3A_1867 = vector.shape_cast %mul3A_1862 : vector<16xf32> to vector<1x16xf32>
        tpu.vector_store %arg10[%swap3A_1863, %swap3A_1864], %swap3A_1867 {strides = array<i32>} : memref<128x128xf32, #tpu.memory_space<vmem>>, vector<1x16xf32>,
        %get3A_1868 = arith.index_cast %add3A_1823 : i32 to index
        %get3A_1869 = arith.constant 64 : index
        %get3A_1870 = tpu.vector_load %arg10[%get3A_1868, %get3A_1869] {strides = array<i32>} : memref<128x128xf32, #tpu.memory_space<vmem>>, vector<1x16xf32>,
        %get3A_1871 = vector.shape_cast %get3A_1870 : vector<1x16xf32> to vector<16xf32>
        %mul3A_1872 = vector.broadcast %squeeze3A_1819 : f32 to vector<16xf32>
        %mul3A_1873 = arith.mulf %get3A_1871, %mul3A_1872 : vector<16xf32>
        %swap3A_1874 = arith.index_cast %add3A_1823 : i32 to index
        %swap3A_1875 = arith.constant 64 : index
        %swap3A_1876 = tpu.vector_load %arg10[%swap3A_1874, %swap3A_1875] {strides = array<i32>} : memref<128x128xf32, #tpu.memory_space<vmem>>, vector<1x16xf32>,
        %swap3A_1877 = vector.shape_cast %swap3A_1876 : vector<1x16xf32> to vector<16xf32>
        %swap3A_1878 = vector.shape_cast %mul3A_1873 : vector<16xf32> to vector<1x16xf32>
        tpu.vector_store %arg10[%swap3A_1874, %swap3A_1875], %swap3A_1878 {strides = array<i32>} : memref<128x128xf32, #tpu.memory_space<vmem>>, vector<1x16xf32>,
        %get3A_1879 = arith.index_cast %add3A_1823 : i32 to index
        %get3A_1880 = arith.constant 80 : index
        %get3A_1881 = tpu.vector_load %arg10[%get3A_1879, %get3A_1880] {strides = array<i32>} : memref<128x128xf32, #tpu.memory_space<vmem>>, vector<1x16xf32>,
        %get3A_1882 = vector.shape_cast %get3A_1881 : vector<1x16xf32> to vector<16xf32>
        %mul3A_1883 = vector.broadcast %squeeze3A_1819 : f32 to vector<16xf32>
        %mul3A_1884 = arith.mulf %get3A_1882, %mul3A_1883 : vector<16xf32>
        %swap3A_1885 = arith.index_cast %add3A_1823 : i32 to index
        %swap3A_1886 = arith.constant 80 : index
        %swap3A_1887 = tpu.vector_load %arg10[%swap3A_1885, %swap3A_1886] {strides = array<i32>} : memref<128x128xf32, #tpu.memory_space<vmem>>, vector<1x16xf32>,
        %swap3A_1888 = vector.shape_cast %swap3A_1887 : vector<1x16xf32> to vector<16xf32>
        %swap3A_1889 = vector.shape_cast %mul3A_1884 : vector<16xf32> to vector<1x16xf32>
        tpu.vector_store %arg10[%swap3A_1885, %swap3A_1886], %swap3A_1889 {strides = array<i32>} : memref<128x128xf32, #tpu.memory_space<vmem>>, vector<1x16xf32>,
        %get3A_1890 = arith.index_cast %add3A_1823 : i32 to index
        %get3A_1891 = arith.constant 96 : index
        %get3A_1892 = tpu.vector_load %arg10[%get3A_1890, %get3A_1891] {strides = array<i32>} : memref<128x128xf32, #tpu.memory_space<vmem>>, vector<1x16xf32>,
        %get3A_1893 = vector.shape_cast %get3A_1892 : vector<1x16xf32> to vector<16xf32>
        %mul3A_1894 = vector.broadcast %squeeze3A_1819 : f32 to vector<16xf32>
        %mul3A_1895 = arith.mulf %get3A_1893, %mul3A_1894 : vector<16xf32>
        %swap3A_1896 = arith.index_cast %add3A_1823 : i32 to index
        %swap3A_1897 = arith.constant 96 : index
        %swap3A_1898 = tpu.vector_load %arg10[%swap3A_1896, %swap3A_1897] {strides = array<i32>} : memref<128x128xf32, #tpu.memory_space<vmem>>, vector<1x16xf32>,
        %swap3A_1899 = vector.shape_cast %swap3A_1898 : vector<1x16xf32> to vector<16xf32>
        %swap3A_1900 = vector.shape_cast %mul3A_1895 : vector<16xf32> to vector<1x16xf32>
        tpu.vector_store %arg10[%swap3A_1896, %swap3A_1897], %swap3A_1900 {strides = array<i32>} : memref<128x128xf32, #tpu.memory_space<vmem>>, vector<1x16xf32>,
        %get3A_1901 = arith.index_cast %add3A_1823 : i32 to index
        %get3A_1902 = arith.constant 112 : index
        %get3A_1903 = tpu.vector_load %arg10[%get3A_1901, %get3A_1902] {strides = array<i32>} : memref<128x128xf32, #tpu.memory_space<vmem>>, vector<1x16xf32>,
        %get3A_1904 = vector.shape_cast %get3A_1903 : vector<1x16xf32> to vector<16xf32>
        %mul3A_1905 = vector.broadcast %squeeze3A_1819 : f32 to vector<16xf32>
        %mul3A_1906 = arith.mulf %get3A_1904, %mul3A_1905 : vector<16xf32>
        %swap3A_1907 = arith.index_cast %add3A_1823 : i32 to index
        %swap3A_1908 = arith.constant 112 : index
        %swap3A_1909 = tpu.vector_load %arg10[%swap3A_1907, %swap3A_1908] {strides = array<i32>} : memref<128x128xf32, #tpu.memory_space<vmem>>, vector<1x16xf32>,
        %swap3A_1910 = vector.shape_cast %swap3A_1909 : vector<1x16xf32> to vector<16xf32>
        %swap3A_1911 = vector.shape_cast %mul3A_1906 : vector<16xf32> to vector<1x16xf32>
        tpu.vector_store %arg10[%swap3A_1907, %swap3A_1908], %swap3A_1911 {strides = array<i32>} : memref<128x128xf32, #tpu.memory_space<vmem>>, vector<1x16xf32>,
        %slice3A_1912 = vector.extract_strided_slice %get3A_785 {offsets = [12], sizes = [1], strides = [1]} : vector<16xf32> to vector<1xf32>
        %squeeze3A_1913 = vector.extract %slice3A_1912[0] : f32 from vector<1xf32>
        %mul3A_1914 = arith.constant 16 : i32
        %mul3A_1915 = arith.muli %scan3A_778, %mul3A_1914 : i32
        %add3A_1916 = arith.constant 12 : i32
        %add3A_1917 = arith.addi %mul3A_1915, %add3A_1916 : i32
        %get3A_1918 = arith.index_cast %add3A_1917 : i32 to index
        %get3A_1919 = arith.constant 0 : index
        %get3A_1920 = tpu.vector_load %arg10[%get3A_1918, %get3A_1919] {strides = array<i32>} : memref<128x128xf32, #tpu.memory_space<vmem>>, vector<1x16xf32>,
        %get3A_1921 = vector.shape_cast %get3A_1920 : vector<1x16xf32> to vector<16xf32>
        %mul3A_1922 = vector.broadcast %squeeze3A_1913 : f32 to vector<16xf32>
        %mul3A_1923 = arith.mulf %get3A_1921, %mul3A_1922 : vector<16xf32>
        %swap3A_1924 = arith.index_cast %add3A_1917 : i32 to index
        %swap3A_1925 = arith.constant 0 : index
        %swap3A_1926 = tpu.vector_load %arg10[%swap3A_1924, %swap3A_1925] {strides = array<i32>} : memref<128x128xf32, #tpu.memory_space<vmem>>, vector<1x16xf32>,
        %swap3A_1927 = vector.shape_cast %swap3A_1926 : vector<1x16xf32> to vector<16xf32>
        %swap3A_1928 = vector.shape_cast %mul3A_1923 : vector<16xf32> to vector<1x16xf32>
        tpu.vector_store %arg10[%swap3A_1924, %swap3A_1925], %swap3A_1928 {strides = array<i32>} : memref<128x128xf32, #tpu.memory_space<vmem>>, vector<1x16xf32>,
        %get3A_1929 = arith.index_cast %add3A_1917 : i32 to index
        %get3A_1930 = arith.constant 16 : index
        %get3A_1931 = tpu.vector_load %arg10[%get3A_1929, %get3A_1930] {strides = array<i32>} : memref<128x128xf32, #tpu.memory_space<vmem>>, vector<1x16xf32>,
        %get3A_1932 = vector.shape_cast %get3A_1931 : vector<1x16xf32> to vector<16xf32>
        %mul3A_1933 = vector.broadcast %squeeze3A_1913 : f32 to vector<16xf32>
        %mul3A_1934 = arith.mulf %get3A_1932, %mul3A_1933 : vector<16xf32>
        %swap3A_1935 = arith.index_cast %add3A_1917 : i32 to index
        %swap3A_1936 = arith.constant 16 : index
        %swap3A_1937 = tpu.vector_load %arg10[%swap3A_1935, %swap3A_1936] {strides = array<i32>} : memref<128x128xf32, #tpu.memory_space<vmem>>, vector<1x16xf32>,
        %swap3A_1938 = vector.shape_cast %swap3A_1937 : vector<1x16xf32> to vector<16xf32>
        %swap3A_1939 = vector.shape_cast %mul3A_1934 : vector<16xf32> to vector<1x16xf32>
        tpu.vector_store %arg10[%swap3A_1935, %swap3A_1936], %swap3A_1939 {strides = array<i32>} : memref<128x128xf32, #tpu.memory_space<vmem>>, vector<1x16xf32>,
        %get3A_1940 = arith.index_cast %add3A_1917 : i32 to index
        %get3A_1941 = arith.constant 32 : index
        %get3A_1942 = tpu.vector_load %arg10[%get3A_1940, %get3A_1941] {strides = array<i32>} : memref<128x128xf32, #tpu.memory_space<vmem>>, vector<1x16xf32>,
        %get3A_1943 = vector.shape_cast %get3A_1942 : vector<1x16xf32> to vector<16xf32>
        %mul3A_1944 = vector.broadcast %squeeze3A_1913 : f32 to vector<16xf32>
        %mul3A_1945 = arith.mulf %get3A_1943, %mul3A_1944 : vector<16xf32>
        %swap3A_1946 = arith.index_cast %add3A_1917 : i32 to index
        %swap3A_1947 = arith.constant 32 : index
        %swap3A_1948 = tpu.vector_load %arg10[%swap3A_1946, %swap3A_1947] {strides = array<i32>} : memref<128x128xf32, #tpu.memory_space<vmem>>, vector<1x16xf32>,
        %swap3A_1949 = vector.shape_cast %swap3A_1948 : vector<1x16xf32> to vector<16xf32>
        %swap3A_1950 = vector.shape_cast %mul3A_1945 : vector<16xf32> to vector<1x16xf32>
        tpu.vector_store %arg10[%swap3A_1946, %swap3A_1947], %swap3A_1950 {strides = array<i32>} : memref<128x128xf32, #tpu.memory_space<vmem>>, vector<1x16xf32>,
        %get3A_1951 = arith.index_cast %add3A_1917 : i32 to index
        %get3A_1952 = arith.constant 48 : index
        %get3A_1953 = tpu.vector_load %arg10[%get3A_1951, %get3A_1952] {strides = array<i32>} : memref<128x128xf32, #tpu.memory_space<vmem>>, vector<1x16xf32>,
        %get3A_1954 = vector.shape_cast %get3A_1953 : vector<1x16xf32> to vector<16xf32>
        %mul3A_1955 = vector.broadcast %squeeze3A_1913 : f32 to vector<16xf32>
        %mul3A_1956 = arith.mulf %get3A_1954, %mul3A_1955 : vector<16xf32>
        %swap3A_1957 = arith.index_cast %add3A_1917 : i32 to index
        %swap3A_1958 = arith.constant 48 : index
        %swap3A_1959 = tpu.vector_load %arg10[%swap3A_1957, %swap3A_1958] {strides = array<i32>} : memref<128x128xf32, #tpu.memory_space<vmem>>, vector<1x16xf32>,
        %swap3A_1960 = vector.shape_cast %swap3A_1959 : vector<1x16xf32> to vector<16xf32>
        %swap3A_1961 = vector.shape_cast %mul3A_1956 : vector<16xf32> to vector<1x16xf32>
        tpu.vector_store %arg10[%swap3A_1957, %swap3A_1958], %swap3A_1961 {strides = array<i32>} : memref<128x128xf32, #tpu.memory_space<vmem>>, vector<1x16xf32>,
        %get3A_1962 = arith.index_cast %add3A_1917 : i32 to index
        %get3A_1963 = arith.constant 64 : index
        %get3A_1964 = tpu.vector_load %arg10[%get3A_1962, %get3A_1963] {strides = array<i32>} : memref<128x128xf32, #tpu.memory_space<vmem>>, vector<1x16xf32>,
        %get3A_1965 = vector.shape_cast %get3A_1964 : vector<1x16xf32> to vector<16xf32>
        %mul3A_1966 = vector.broadcast %squeeze3A_1913 : f32 to vector<16xf32>
        %mul3A_1967 = arith.mulf %get3A_1965, %mul3A_1966 : vector<16xf32>
        %swap3A_1968 = arith.index_cast %add3A_1917 : i32 to index
        %swap3A_1969 = arith.constant 64 : index
        %swap3A_1970 = tpu.vector_load %arg10[%swap3A_1968, %swap3A_1969] {strides = array<i32>} : memref<128x128xf32, #tpu.memory_space<vmem>>, vector<1x16xf32>,
        %swap3A_1971 = vector.shape_cast %swap3A_1970 : vector<1x16xf32> to vector<16xf32>
        %swap3A_1972 = vector.shape_cast %mul3A_1967 : vector<16xf32> to vector<1x16xf32>
        tpu.vector_store %arg10[%swap3A_1968, %swap3A_1969], %swap3A_1972 {strides = array<i32>} : memref<128x128xf32, #tpu.memory_space<vmem>>, vector<1x16xf32>,
        %get3A_1973 = arith.index_cast %add3A_1917 : i32 to index
        %get3A_1974 = arith.constant 80 : index
        %get3A_1975 = tpu.vector_load %arg10[%get3A_1973, %get3A_1974] {strides = array<i32>} : memref<128x128xf32, #tpu.memory_space<vmem>>, vector<1x16xf32>,
        %get3A_1976 = vector.shape_cast %get3A_1975 : vector<1x16xf32> to vector<16xf32>
        %mul3A_1977 = vector.broadcast %squeeze3A_1913 : f32 to vector<16xf32>
        %mul3A_1978 = arith.mulf %get3A_1976, %mul3A_1977 : vector<16xf32>
        %swap3A_1979 = arith.index_cast %add3A_1917 : i32 to index
        %swap3A_1980 = arith.constant 80 : index
        %swap3A_1981 = tpu.vector_load %arg10[%swap3A_1979, %swap3A_1980] {strides = array<i32>} : memref<128x128xf32, #tpu.memory_space<vmem>>, vector<1x16xf32>,
        %swap3A_1982 = vector.shape_cast %swap3A_1981 : vector<1x16xf32> to vector<16xf32>
        %swap3A_1983 = vector.shape_cast %mul3A_1978 : vector<16xf32> to vector<1x16xf32>
        tpu.vector_store %arg10[%swap3A_1979, %swap3A_1980], %swap3A_1983 {strides = array<i32>} : memref<128x128xf32, #tpu.memory_space<vmem>>, vector<1x16xf32>,
        %get3A_1984 = arith.index_cast %add3A_1917 : i32 to index
        %get3A_1985 = arith.constant 96 : index
        %get3A_1986 = tpu.vector_load %arg10[%get3A_1984, %get3A_1985] {strides = array<i32>} : memref<128x128xf32, #tpu.memory_space<vmem>>, vector<1x16xf32>,
        %get3A_1987 = vector.shape_cast %get3A_1986 : vector<1x16xf32> to vector<16xf32>
        %mul3A_1988 = vector.broadcast %squeeze3A_1913 : f32 to vector<16xf32>
        %mul3A_1989 = arith.mulf %get3A_1987, %mul3A_1988 : vector<16xf32>
        %swap3A_1990 = arith.index_cast %add3A_1917 : i32 to index
        %swap3A_1991 = arith.constant 96 : index
        %swap3A_1992 = tpu.vector_load %arg10[%swap3A_1990, %swap3A_1991] {strides = array<i32>} : memref<128x128xf32, #tpu.memory_space<vmem>>, vector<1x16xf32>,
        %swap3A_1993 = vector.shape_cast %swap3A_1992 : vector<1x16xf32> to vector<16xf32>
        %swap3A_1994 = vector.shape_cast %mul3A_1989 : vector<16xf32> to vector<1x16xf32>
        tpu.vector_store %arg10[%swap3A_1990, %swap3A_1991], %swap3A_1994 {strides = array<i32>} : memref<128x128xf32, #tpu.memory_space<vmem>>, vector<1x16xf32>,
        %get3A_1995 = arith.index_cast %add3A_1917 : i32 to index
        %get3A_1996 = arith.constant 112 : index
        %get3A_1997 = tpu.vector_load %arg10[%get3A_1995, %get3A_1996] {strides = array<i32>} : memref<128x128xf32, #tpu.memory_space<vmem>>, vector<1x16xf32>,
        %get3A_1998 = vector.shape_cast %get3A_1997 : vector<1x16xf32> to vector<16xf32>
        %mul3A_1999 = vector.broadcast %squeeze3A_1913 : f32 to vector<16xf32>
        %mul3A_2000 = arith.mulf %get3A_1998, %mul3A_1999 : vector<16xf32>
        %swap3A_2001 = arith.index_cast %add3A_1917 : i32 to index
        %swap3A_2002 = arith.constant 112 : index
        %swap3A_2003 = tpu.vector_load %arg10[%swap3A_2001, %swap3A_2002] {strides = array<i32>} : memref<128x128xf32, #tpu.memory_space<vmem>>, vector<1x16xf32>,
        %swap3A_2004 = vector.shape_cast %swap3A_2003 : vector<1x16xf32> to vector<16xf32>
        %swap3A_2005 = vector.shape_cast %mul3A_2000 : vector<16xf32> to vector<1x16xf32>
        tpu.vector_store %arg10[%swap3A_2001, %swap3A_2002], %swap3A_2005 {strides = array<i32>} : memref<128x128xf32, #tpu.memory_space<vmem>>, vector<1x16xf32>,
        %slice3A_2006 = vector.extract_strided_slice %get3A_785 {offsets = [13], sizes = [1], strides = [1]} : vector<16xf32> to vector<1xf32>
        %squeeze3A_2007 = vector.extract %slice3A_2006[0] : f32 from vector<1xf32>
        %mul3A_2008 = arith.constant 16 : i32
        %mul3A_2009 = arith.muli %scan3A_778, %mul3A_2008 : i32
        %add3A_2010 = arith.constant 13 : i32
        %add3A_2011 = arith.addi %mul3A_2009, %add3A_2010 : i32
        %get3A_2012 = arith.index_cast %add3A_2011 : i32 to index
        %get3A_2013 = arith.constant 0 : index
        %get3A_2014 = tpu.vector_load %arg10[%get3A_2012, %get3A_2013] {strides = array<i32>} : memref<128x128xf32, #tpu.memory_space<vmem>>, vector<1x16xf32>,
        %get3A_2015 = vector.shape_cast %get3A_2014 : vector<1x16xf32> to vector<16xf32>
        %mul3A_2016 = vector.broadcast %squeeze3A_2007 : f32 to vector<16xf32>
        %mul3A_2017 = arith.mulf %get3A_2015, %mul3A_2016 : vector<16xf32>
        %swap3A_2018 = arith.index_cast %add3A_2011 : i32 to index
        %swap3A_2019 = arith.constant 0 : index
        %swap3A_2020 = tpu.vector_load %arg10[%swap3A_2018, %swap3A_2019] {strides = array<i32>} : memref<128x128xf32, #tpu.memory_space<vmem>>, vector<1x16xf32>,
        %swap3A_2021 = vector.shape_cast %swap3A_2020 : vector<1x16xf32> to vector<16xf32>
        %swap3A_2022 = vector.shape_cast %mul3A_2017 : vector<16xf32> to vector<1x16xf32>
        tpu.vector_store %arg10[%swap3A_2018, %swap3A_2019], %swap3A_2022 {strides = array<i32>} : memref<128x128xf32, #tpu.memory_space<vmem>>, vector<1x16xf32>,
        %get3A_2023 = arith.index_cast %add3A_2011 : i32 to index
        %get3A_2024 = arith.constant 16 : index
        %get3A_2025 = tpu.vector_load %arg10[%get3A_2023, %get3A_2024] {strides = array<i32>} : memref<128x128xf32, #tpu.memory_space<vmem>>, vector<1x16xf32>,
        %get3A_2026 = vector.shape_cast %get3A_2025 : vector<1x16xf32> to vector<16xf32>
        %mul3A_2027 = vector.broadcast %squeeze3A_2007 : f32 to vector<16xf32>
        %mul3A_2028 = arith.mulf %get3A_2026, %mul3A_2027 : vector<16xf32>
        %swap3A_2029 = arith.index_cast %add3A_2011 : i32 to index
        %swap3A_2030 = arith.constant 16 : index
        %swap3A_2031 = tpu.vector_load %arg10[%swap3A_2029, %swap3A_2030] {strides = array<i32>} : memref<128x128xf32, #tpu.memory_space<vmem>>, vector<1x16xf32>,
        %swap3A_2032 = vector.shape_cast %swap3A_2031 : vector<1x16xf32> to vector<16xf32>
        %swap3A_2033 = vector.shape_cast %mul3A_2028 : vector<16xf32> to vector<1x16xf32>
        tpu.vector_store %arg10[%swap3A_2029, %swap3A_2030], %swap3A_2033 {strides = array<i32>} : memref<128x128xf32, #tpu.memory_space<vmem>>, vector<1x16xf32>,
        %get3A_2034 = arith.index_cast %add3A_2011 : i32 to index
        %get3A_2035 = arith.constant 32 : index
        %get3A_2036 = tpu.vector_load %arg10[%get3A_2034, %get3A_2035] {strides = array<i32>} : memref<128x128xf32, #tpu.memory_space<vmem>>, vector<1x16xf32>,
        %get3A_2037 = vector.shape_cast %get3A_2036 : vector<1x16xf32> to vector<16xf32>
        %mul3A_2038 = vector.broadcast %squeeze3A_2007 : f32 to vector<16xf32>
        %mul3A_2039 = arith.mulf %get3A_2037, %mul3A_2038 : vector<16xf32>
        %swap3A_2040 = arith.index_cast %add3A_2011 : i32 to index
        %swap3A_2041 = arith.constant 32 : index
        %swap3A_2042 = tpu.vector_load %arg10[%swap3A_2040, %swap3A_2041] {strides = array<i32>} : memref<128x128xf32, #tpu.memory_space<vmem>>, vector<1x16xf32>,
        %swap3A_2043 = vector.shape_cast %swap3A_2042 : vector<1x16xf32> to vector<16xf32>
        %swap3A_2044 = vector.shape_cast %mul3A_2039 : vector<16xf32> to vector<1x16xf32>
        tpu.vector_store %arg10[%swap3A_2040, %swap3A_2041], %swap3A_2044 {strides = array<i32>} : memref<128x128xf32, #tpu.memory_space<vmem>>, vector<1x16xf32>,
        %get3A_2045 = arith.index_cast %add3A_2011 : i32 to index
        %get3A_2046 = arith.constant 48 : index
        %get3A_2047 = tpu.vector_load %arg10[%get3A_2045, %get3A_2046] {strides = array<i32>} : memref<128x128xf32, #tpu.memory_space<vmem>>, vector<1x16xf32>,
        %get3A_2048 = vector.shape_cast %get3A_2047 : vector<1x16xf32> to vector<16xf32>
        %mul3A_2049 = vector.broadcast %squeeze3A_2007 : f32 to vector<16xf32>
        %mul3A_2050 = arith.mulf %get3A_2048, %mul3A_2049 : vector<16xf32>
        %swap3A_2051 = arith.index_cast %add3A_2011 : i32 to index
        %swap3A_2052 = arith.constant 48 : index
        %swap3A_2053 = tpu.vector_load %arg10[%swap3A_2051, %swap3A_2052] {strides = array<i32>} : memref<128x128xf32, #tpu.memory_space<vmem>>, vector<1x16xf32>,
        %swap3A_2054 = vector.shape_cast %swap3A_2053 : vector<1x16xf32> to vector<16xf32>
        %swap3A_2055 = vector.shape_cast %mul3A_2050 : vector<16xf32> to vector<1x16xf32>
        tpu.vector_store %arg10[%swap3A_2051, %swap3A_2052], %swap3A_2055 {strides = array<i32>} : memref<128x128xf32, #tpu.memory_space<vmem>>, vector<1x16xf32>,
        %get3A_2056 = arith.index_cast %add3A_2011 : i32 to index
        %get3A_2057 = arith.constant 64 : index
        %get3A_2058 = tpu.vector_load %arg10[%get3A_2056, %get3A_2057] {strides = array<i32>} : memref<128x128xf32, #tpu.memory_space<vmem>>, vector<1x16xf32>,
        %get3A_2059 = vector.shape_cast %get3A_2058 : vector<1x16xf32> to vector<16xf32>
        %mul3A_2060 = vector.broadcast %squeeze3A_2007 : f32 to vector<16xf32>
        %mul3A_2061 = arith.mulf %get3A_2059, %mul3A_2060 : vector<16xf32>
        %swap3A_2062 = arith.index_cast %add3A_2011 : i32 to index
        %swap3A_2063 = arith.constant 64 : index
        %swap3A_2064 = tpu.vector_load %arg10[%swap3A_2062, %swap3A_2063] {strides = array<i32>} : memref<128x128xf32, #tpu.memory_space<vmem>>, vector<1x16xf32>,
        %swap3A_2065 = vector.shape_cast %swap3A_2064 : vector<1x16xf32> to vector<16xf32>
        %swap3A_2066 = vector.shape_cast %mul3A_2061 : vector<16xf32> to vector<1x16xf32>
        tpu.vector_store %arg10[%swap3A_2062, %swap3A_2063], %swap3A_2066 {strides = array<i32>} : memref<128x128xf32, #tpu.memory_space<vmem>>, vector<1x16xf32>,
        %get3A_2067 = arith.index_cast %add3A_2011 : i32 to index
        %get3A_2068 = arith.constant 80 : index
        %get3A_2069 = tpu.vector_load %arg10[%get3A_2067, %get3A_2068] {strides = array<i32>} : memref<128x128xf32, #tpu.memory_space<vmem>>, vector<1x16xf32>,
        %get3A_2070 = vector.shape_cast %get3A_2069 : vector<1x16xf32> to vector<16xf32>
        %mul3A_2071 = vector.broadcast %squeeze3A_2007 : f32 to vector<16xf32>
        %mul3A_2072 = arith.mulf %get3A_2070, %mul3A_2071 : vector<16xf32>
        %swap3A_2073 = arith.index_cast %add3A_2011 : i32 to index
        %swap3A_2074 = arith.constant 80 : index
        %swap3A_2075 = tpu.vector_load %arg10[%swap3A_2073, %swap3A_2074] {strides = array<i32>} : memref<128x128xf32, #tpu.memory_space<vmem>>, vector<1x16xf32>,
        %swap3A_2076 = vector.shape_cast %swap3A_2075 : vector<1x16xf32> to vector<16xf32>
        %swap3A_2077 = vector.shape_cast %mul3A_2072 : vector<16xf32> to vector<1x16xf32>
        tpu.vector_store %arg10[%swap3A_2073, %swap3A_2074], %swap3A_2077 {strides = array<i32>} : memref<128x128xf32, #tpu.memory_space<vmem>>, vector<1x16xf32>,
        %get3A_2078 = arith.index_cast %add3A_2011 : i32 to index
        %get3A_2079 = arith.constant 96 : index
        %get3A_2080 = tpu.vector_load %arg10[%get3A_2078, %get3A_2079] {strides = array<i32>} : memref<128x128xf32, #tpu.memory_space<vmem>>, vector<1x16xf32>,
        %get3A_2081 = vector.shape_cast %get3A_2080 : vector<1x16xf32> to vector<16xf32>
        %mul3A_2082 = vector.broadcast %squeeze3A_2007 : f32 to vector<16xf32>
        %mul3A_2083 = arith.mulf %get3A_2081, %mul3A_2082 : vector<16xf32>
        %swap3A_2084 = arith.index_cast %add3A_2011 : i32 to index
        %swap3A_2085 = arith.constant 96 : index
        %swap3A_2086 = tpu.vector_load %arg10[%swap3A_2084, %swap3A_2085] {strides = array<i32>} : memref<128x128xf32, #tpu.memory_space<vmem>>, vector<1x16xf32>,
        %swap3A_2087 = vector.shape_cast %swap3A_2086 : vector<1x16xf32> to vector<16xf32>
        %swap3A_2088 = vector.shape_cast %mul3A_2083 : vector<16xf32> to vector<1x16xf32>
        tpu.vector_store %arg10[%swap3A_2084, %swap3A_2085], %swap3A_2088 {strides = array<i32>} : memref<128x128xf32, #tpu.memory_space<vmem>>, vector<1x16xf32>,
        %get3A_2089 = arith.index_cast %add3A_2011 : i32 to index
        %get3A_2090 = arith.constant 112 : index
        %get3A_2091 = tpu.vector_load %arg10[%get3A_2089, %get3A_2090] {strides = array<i32>} : memref<128x128xf32, #tpu.memory_space<vmem>>, vector<1x16xf32>,
        %get3A_2092 = vector.shape_cast %get3A_2091 : vector<1x16xf32> to vector<16xf32>
        %mul3A_2093 = vector.broadcast %squeeze3A_2007 : f32 to vector<16xf32>
        %mul3A_2094 = arith.mulf %get3A_2092, %mul3A_2093 : vector<16xf32>
        %swap3A_2095 = arith.index_cast %add3A_2011 : i32 to index
        %swap3A_2096 = arith.constant 112 : index
        %swap3A_2097 = tpu.vector_load %arg10[%swap3A_2095, %swap3A_2096] {strides = array<i32>} : memref<128x128xf32, #tpu.memory_space<vmem>>, vector<1x16xf32>,
        %swap3A_2098 = vector.shape_cast %swap3A_2097 : vector<1x16xf32> to vector<16xf32>
        %swap3A_2099 = vector.shape_cast %mul3A_2094 : vector<16xf32> to vector<1x16xf32>
        tpu.vector_store %arg10[%swap3A_2095, %swap3A_2096], %swap3A_2099 {strides = array<i32>} : memref<128x128xf32, #tpu.memory_space<vmem>>, vector<1x16xf32>,
        %slice3A_2100 = vector.extract_strided_slice %get3A_785 {offsets = [14], sizes = [1], strides = [1]} : vector<16xf32> to vector<1xf32>
        %squeeze3A_2101 = vector.extract %slice3A_2100[0] : f32 from vector<1xf32>
        %mul3A_2102 = arith.constant 16 : i32
        %mul3A_2103 = arith.muli %scan3A_778, %mul3A_2102 : i32
        %add3A_2104 = arith.constant 14 : i32
        %add3A_2105 = arith.addi %mul3A_2103, %add3A_2104 : i32
        %get3A_2106 = arith.index_cast %add3A_2105 : i32 to index
        %get3A_2107 = arith.constant 0 : index
        %get3A_2108 = tpu.vector_load %arg10[%get3A_2106, %get3A_2107] {strides = array<i32>} : memref<128x128xf32, #tpu.memory_space<vmem>>, vector<1x16xf32>,
        %get3A_2109 = vector.shape_cast %get3A_2108 : vector<1x16xf32> to vector<16xf32>
        %mul3A_2110 = vector.broadcast %squeeze3A_2101 : f32 to vector<16xf32>
        %mul3A_2111 = arith.mulf %get3A_2109, %mul3A_2110 : vector<16xf32>
        %swap3A_2112 = arith.index_cast %add3A_2105 : i32 to index
        %swap3A_2113 = arith.constant 0 : index
        %swap3A_2114 = tpu.vector_load %arg10[%swap3A_2112, %swap3A_2113] {strides = array<i32>} : memref<128x128xf32, #tpu.memory_space<vmem>>, vector<1x16xf32>,
        %swap3A_2115 = vector.shape_cast %swap3A_2114 : vector<1x16xf32> to vector<16xf32>
        %swap3A_2116 = vector.shape_cast %mul3A_2111 : vector<16xf32> to vector<1x16xf32>
        tpu.vector_store %arg10[%swap3A_2112, %swap3A_2113], %swap3A_2116 {strides = array<i32>} : memref<128x128xf32, #tpu.memory_space<vmem>>, vector<1x16xf32>,
        %get3A_2117 = arith.index_cast %add3A_2105 : i32 to index
        %get3A_2118 = arith.constant 16 : index
        %get3A_2119 = tpu.vector_load %arg10[%get3A_2117, %get3A_2118] {strides = array<i32>} : memref<128x128xf32, #tpu.memory_space<vmem>>, vector<1x16xf32>,
        %get3A_2120 = vector.shape_cast %get3A_2119 : vector<1x16xf32> to vector<16xf32>
        %mul3A_2121 = vector.broadcast %squeeze3A_2101 : f32 to vector<16xf32>
        %mul3A_2122 = arith.mulf %get3A_2120, %mul3A_2121 : vector<16xf32>
        %swap3A_2123 = arith.index_cast %add3A_2105 : i32 to index
        %swap3A_2124 = arith.constant 16 : index
        %swap3A_2125 = tpu.vector_load %arg10[%swap3A_2123, %swap3A_2124] {strides = array<i32>} : memref<128x128xf32, #tpu.memory_space<vmem>>, vector<1x16xf32>,
        %swap3A_2126 = vector.shape_cast %swap3A_2125 : vector<1x16xf32> to vector<16xf32>
        %swap3A_2127 = vector.shape_cast %mul3A_2122 : vector<16xf32> to vector<1x16xf32>
        tpu.vector_store %arg10[%swap3A_2123, %swap3A_2124], %swap3A_2127 {strides = array<i32>} : memref<128x128xf32, #tpu.memory_space<vmem>>, vector<1x16xf32>,
        %get3A_2128 = arith.index_cast %add3A_2105 : i32 to index
        %get3A_2129 = arith.constant 32 : index
        %get3A_2130 = tpu.vector_load %arg10[%get3A_2128, %get3A_2129] {strides = array<i32>} : memref<128x128xf32, #tpu.memory_space<vmem>>, vector<1x16xf32>,
        %get3A_2131 = vector.shape_cast %get3A_2130 : vector<1x16xf32> to vector<16xf32>
        %mul3A_2132 = vector.broadcast %squeeze3A_2101 : f32 to vector<16xf32>
        %mul3A_2133 = arith.mulf %get3A_2131, %mul3A_2132 : vector<16xf32>
        %swap3A_2134 = arith.index_cast %add3A_2105 : i32 to index
        %swap3A_2135 = arith.constant 32 : index
        %swap3A_2136 = tpu.vector_load %arg10[%swap3A_2134, %swap3A_2135] {strides = array<i32>} : memref<128x128xf32, #tpu.memory_space<vmem>>, vector<1x16xf32>,
        %swap3A_2137 = vector.shape_cast %swap3A_2136 : vector<1x16xf32> to vector<16xf32>
        %swap3A_2138 = vector.shape_cast %mul3A_2133 : vector<16xf32> to vector<1x16xf32>
        tpu.vector_store %arg10[%swap3A_2134, %swap3A_2135], %swap3A_2138 {strides = array<i32>} : memref<128x128xf32, #tpu.memory_space<vmem>>, vector<1x16xf32>,
        %get3A_2139 = arith.index_cast %add3A_2105 : i32 to index
        %get3A_2140 = arith.constant 48 : index
        %get3A_2141 = tpu.vector_load %arg10[%get3A_2139, %get3A_2140] {strides = array<i32>} : memref<128x128xf32, #tpu.memory_space<vmem>>, vector<1x16xf32>,
        %get3A_2142 = vector.shape_cast %get3A_2141 : vector<1x16xf32> to vector<16xf32>
        %mul3A_2143 = vector.broadcast %squeeze3A_2101 : f32 to vector<16xf32>
        %mul3A_2144 = arith.mulf %get3A_2142, %mul3A_2143 : vector<16xf32>
        %swap3A_2145 = arith.index_cast %add3A_2105 : i32 to index
        %swap3A_2146 = arith.constant 48 : index
        %swap3A_2147 = tpu.vector_load %arg10[%swap3A_2145, %swap3A_2146] {strides = array<i32>} : memref<128x128xf32, #tpu.memory_space<vmem>>, vector<1x16xf32>,
        %swap3A_2148 = vector.shape_cast %swap3A_2147 : vector<1x16xf32> to vector<16xf32>
        %swap3A_2149 = vector.shape_cast %mul3A_2144 : vector<16xf32> to vector<1x16xf32>
        tpu.vector_store %arg10[%swap3A_2145, %swap3A_2146], %swap3A_2149 {strides = array<i32>} : memref<128x128xf32, #tpu.memory_space<vmem>>, vector<1x16xf32>,
        %get3A_2150 = arith.index_cast %add3A_2105 : i32 to index
        %get3A_2151 = arith.constant 64 : index
        %get3A_2152 = tpu.vector_load %arg10[%get3A_2150, %get3A_2151] {strides = array<i32>} : memref<128x128xf32, #tpu.memory_space<vmem>>, vector<1x16xf32>,
        %get3A_2153 = vector.shape_cast %get3A_2152 : vector<1x16xf32> to vector<16xf32>
        %mul3A_2154 = vector.broadcast %squeeze3A_2101 : f32 to vector<16xf32>
        %mul3A_2155 = arith.mulf %get3A_2153, %mul3A_2154 : vector<16xf32>
        %swap3A_2156 = arith.index_cast %add3A_2105 : i32 to index
        %swap3A_2157 = arith.constant 64 : index
        %swap3A_2158 = tpu.vector_load %arg10[%swap3A_2156, %swap3A_2157] {strides = array<i32>} : memref<128x128xf32, #tpu.memory_space<vmem>>, vector<1x16xf32>,
        %swap3A_2159 = vector.shape_cast %swap3A_2158 : vector<1x16xf32> to vector<16xf32>
        %swap3A_2160 = vector.shape_cast %mul3A_2155 : vector<16xf32> to vector<1x16xf32>
        tpu.vector_store %arg10[%swap3A_2156, %swap3A_2157], %swap3A_2160 {strides = array<i32>} : memref<128x128xf32, #tpu.memory_space<vmem>>, vector<1x16xf32>,
        %get3A_2161 = arith.index_cast %add3A_2105 : i32 to index
        %get3A_2162 = arith.constant 80 : index
        %get3A_2163 = tpu.vector_load %arg10[%get3A_2161, %get3A_2162] {strides = array<i32>} : memref<128x128xf32, #tpu.memory_space<vmem>>, vector<1x16xf32>,
        %get3A_2164 = vector.shape_cast %get3A_2163 : vector<1x16xf32> to vector<16xf32>
        %mul3A_2165 = vector.broadcast %squeeze3A_2101 : f32 to vector<16xf32>
        %mul3A_2166 = arith.mulf %get3A_2164, %mul3A_2165 : vector<16xf32>
        %swap3A_2167 = arith.index_cast %add3A_2105 : i32 to index
        %swap3A_2168 = arith.constant 80 : index
        %swap3A_2169 = tpu.vector_load %arg10[%swap3A_2167, %swap3A_2168] {strides = array<i32>} : memref<128x128xf32, #tpu.memory_space<vmem>>, vector<1x16xf32>,
        %swap3A_2170 = vector.shape_cast %swap3A_2169 : vector<1x16xf32> to vector<16xf32>
        %swap3A_2171 = vector.shape_cast %mul3A_2166 : vector<16xf32> to vector<1x16xf32>
        tpu.vector_store %arg10[%swap3A_2167, %swap3A_2168], %swap3A_2171 {strides = array<i32>} : memref<128x128xf32, #tpu.memory_space<vmem>>, vector<1x16xf32>,
        %get3A_2172 = arith.index_cast %add3A_2105 : i32 to index
        %get3A_2173 = arith.constant 96 : index
        %get3A_2174 = tpu.vector_load %arg10[%get3A_2172, %get3A_2173] {strides = array<i32>} : memref<128x128xf32, #tpu.memory_space<vmem>>, vector<1x16xf32>,
        %get3A_2175 = vector.shape_cast %get3A_2174 : vector<1x16xf32> to vector<16xf32>
        %mul3A_2176 = vector.broadcast %squeeze3A_2101 : f32 to vector<16xf32>
        %mul3A_2177 = arith.mulf %get3A_2175, %mul3A_2176 : vector<16xf32>
        %swap3A_2178 = arith.index_cast %add3A_2105 : i32 to index
        %swap3A_2179 = arith.constant 96 : index
        %swap3A_2180 = tpu.vector_load %arg10[%swap3A_2178, %swap3A_2179] {strides = array<i32>} : memref<128x128xf32, #tpu.memory_space<vmem>>, vector<1x16xf32>,
        %swap3A_2181 = vector.shape_cast %swap3A_2180 : vector<1x16xf32> to vector<16xf32>
        %swap3A_2182 = vector.shape_cast %mul3A_2177 : vector<16xf32> to vector<1x16xf32>
        tpu.vector_store %arg10[%swap3A_2178, %swap3A_2179], %swap3A_2182 {strides = array<i32>} : memref<128x128xf32, #tpu.memory_space<vmem>>, vector<1x16xf32>,
        %get3A_2183 = arith.index_cast %add3A_2105 : i32 to index
        %get3A_2184 = arith.constant 112 : index
        %get3A_2185 = tpu.vector_load %arg10[%get3A_2183, %get3A_2184] {strides = array<i32>} : memref<128x128xf32, #tpu.memory_space<vmem>>, vector<1x16xf32>,
        %get3A_2186 = vector.shape_cast %get3A_2185 : vector<1x16xf32> to vector<16xf32>
        %mul3A_2187 = vector.broadcast %squeeze3A_2101 : f32 to vector<16xf32>
        %mul3A_2188 = arith.mulf %get3A_2186, %mul3A_2187 : vector<16xf32>
        %swap3A_2189 = arith.index_cast %add3A_2105 : i32 to index
        %swap3A_2190 = arith.constant 112 : index
        %swap3A_2191 = tpu.vector_load %arg10[%swap3A_2189, %swap3A_2190] {strides = array<i32>} : memref<128x128xf32, #tpu.memory_space<vmem>>, vector<1x16xf32>,
        %swap3A_2192 = vector.shape_cast %swap3A_2191 : vector<1x16xf32> to vector<16xf32>
        %swap3A_2193 = vector.shape_cast %mul3A_2188 : vector<16xf32> to vector<1x16xf32>
        tpu.vector_store %arg10[%swap3A_2189, %swap3A_2190], %swap3A_2193 {strides = array<i32>} : memref<128x128xf32, #tpu.memory_space<vmem>>, vector<1x16xf32>,
        %slice3A_2194 = vector.extract_strided_slice %get3A_785 {offsets = [15], sizes = [1], strides = [1]} : vector<16xf32> to vector<1xf32>
        %squeeze3A_2195 = vector.extract %slice3A_2194[0] : f32 from vector<1xf32>
        %mul3A_2196 = arith.constant 16 : i32
        %mul3A_2197 = arith.muli %scan3A_778, %mul3A_2196 : i32
        %add3A_2198 = arith.constant 15 : i32
        %add3A_2199 = arith.addi %mul3A_2197, %add3A_2198 : i32
        %get3A_2200 = arith.index_cast %add3A_2199 : i32 to index
        %get3A_2201 = arith.constant 0 : index
        %get3A_2202 = tpu.vector_load %arg10[%get3A_2200, %get3A_2201] {strides = array<i32>} : memref<128x128xf32, #tpu.memory_space<vmem>>, vector<1x16xf32>,
        %get3A_2203 = vector.shape_cast %get3A_2202 : vector<1x16xf32> to vector<16xf32>
        %mul3A_2204 = vector.broadcast %squeeze3A_2195 : f32 to vector<16xf32>
        %mul3A_2205 = arith.mulf %get3A_2203, %mul3A_2204 : vector<16xf32>
        %swap3A_2206 = arith.index_cast %add3A_2199 : i32 to index
        %swap3A_2207 = arith.constant 0 : index
        %swap3A_2208 = tpu.vector_load %arg10[%swap3A_2206, %swap3A_2207] {strides = array<i32>} : memref<128x128xf32, #tpu.memory_space<vmem>>, vector<1x16xf32>,
        %swap3A_2209 = vector.shape_cast %swap3A_2208 : vector<1x16xf32> to vector<16xf32>
        %swap3A_2210 = vector.shape_cast %mul3A_2205 : vector<16xf32> to vector<1x16xf32>
        tpu.vector_store %arg10[%swap3A_2206, %swap3A_2207], %swap3A_2210 {strides = array<i32>} : memref<128x128xf32, #tpu.memory_space<vmem>>, vector<1x16xf32>,
        %get3A_2211 = arith.index_cast %add3A_2199 : i32 to index
        %get3A_2212 = arith.constant 16 : index
        %get3A_2213 = tpu.vector_load %arg10[%get3A_2211, %get3A_2212] {strides = array<i32>} : memref<128x128xf32, #tpu.memory_space<vmem>>, vector<1x16xf32>,
        %get3A_2214 = vector.shape_cast %get3A_2213 : vector<1x16xf32> to vector<16xf32>
        %mul3A_2215 = vector.broadcast %squeeze3A_2195 : f32 to vector<16xf32>
        %mul3A_2216 = arith.mulf %get3A_2214, %mul3A_2215 : vector<16xf32>
        %swap3A_2217 = arith.index_cast %add3A_2199 : i32 to index
        %swap3A_2218 = arith.constant 16 : index
        %swap3A_2219 = tpu.vector_load %arg10[%swap3A_2217, %swap3A_2218] {strides = array<i32>} : memref<128x128xf32, #tpu.memory_space<vmem>>, vector<1x16xf32>,
        %swap3A_2220 = vector.shape_cast %swap3A_2219 : vector<1x16xf32> to vector<16xf32>
        %swap3A_2221 = vector.shape_cast %mul3A_2216 : vector<16xf32> to vector<1x16xf32>
        tpu.vector_store %arg10[%swap3A_2217, %swap3A_2218], %swap3A_2221 {strides = array<i32>} : memref<128x128xf32, #tpu.memory_space<vmem>>, vector<1x16xf32>,
        %get3A_2222 = arith.index_cast %add3A_2199 : i32 to index
        %get3A_2223 = arith.constant 32 : index
        %get3A_2224 = tpu.vector_load %arg10[%get3A_2222, %get3A_2223] {strides = array<i32>} : memref<128x128xf32, #tpu.memory_space<vmem>>, vector<1x16xf32>,
        %get3A_2225 = vector.shape_cast %get3A_2224 : vector<1x16xf32> to vector<16xf32>
        %mul3A_2226 = vector.broadcast %squeeze3A_2195 : f32 to vector<16xf32>
        %mul3A_2227 = arith.mulf %get3A_2225, %mul3A_2226 : vector<16xf32>
        %swap3A_2228 = arith.index_cast %add3A_2199 : i32 to index
        %swap3A_2229 = arith.constant 32 : index
        %swap3A_2230 = tpu.vector_load %arg10[%swap3A_2228, %swap3A_2229] {strides = array<i32>} : memref<128x128xf32, #tpu.memory_space<vmem>>, vector<1x16xf32>,
        %swap3A_2231 = vector.shape_cast %swap3A_2230 : vector<1x16xf32> to vector<16xf32>
        %swap3A_2232 = vector.shape_cast %mul3A_2227 : vector<16xf32> to vector<1x16xf32>
        tpu.vector_store %arg10[%swap3A_2228, %swap3A_2229], %swap3A_2232 {strides = array<i32>} : memref<128x128xf32, #tpu.memory_space<vmem>>, vector<1x16xf32>,
        %get3A_2233 = arith.index_cast %add3A_2199 : i32 to index
        %get3A_2234 = arith.constant 48 : index
        %get3A_2235 = tpu.vector_load %arg10[%get3A_2233, %get3A_2234] {strides = array<i32>} : memref<128x128xf32, #tpu.memory_space<vmem>>, vector<1x16xf32>,
        %get3A_2236 = vector.shape_cast %get3A_2235 : vector<1x16xf32> to vector<16xf32>
        %mul3A_2237 = vector.broadcast %squeeze3A_2195 : f32 to vector<16xf32>
        %mul3A_2238 = arith.mulf %get3A_2236, %mul3A_2237 : vector<16xf32>
        %swap3A_2239 = arith.index_cast %add3A_2199 : i32 to index
        %swap3A_2240 = arith.constant 48 : index
        %swap3A_2241 = tpu.vector_load %arg10[%swap3A_2239, %swap3A_2240] {strides = array<i32>} : memref<128x128xf32, #tpu.memory_space<vmem>>, vector<1x16xf32>,
        %swap3A_2242 = vector.shape_cast %swap3A_2241 : vector<1x16xf32> to vector<16xf32>
        %swap3A_2243 = vector.shape_cast %mul3A_2238 : vector<16xf32> to vector<1x16xf32>
        tpu.vector_store %arg10[%swap3A_2239, %swap3A_2240], %swap3A_2243 {strides = array<i32>} : memref<128x128xf32, #tpu.memory_space<vmem>>, vector<1x16xf32>,
        %get3A_2244 = arith.index_cast %add3A_2199 : i32 to index
        %get3A_2245 = arith.constant 64 : index
        %get3A_2246 = tpu.vector_load %arg10[%get3A_2244, %get3A_2245] {strides = array<i32>} : memref<128x128xf32, #tpu.memory_space<vmem>>, vector<1x16xf32>,
        %get3A_2247 = vector.shape_cast %get3A_2246 : vector<1x16xf32> to vector<16xf32>
        %mul3A_2248 = vector.broadcast %squeeze3A_2195 : f32 to vector<16xf32>
        %mul3A_2249 = arith.mulf %get3A_2247, %mul3A_2248 : vector<16xf32>
        %swap3A_2250 = arith.index_cast %add3A_2199 : i32 to index
        %swap3A_2251 = arith.constant 64 : index
        %swap3A_2252 = tpu.vector_load %arg10[%swap3A_2250, %swap3A_2251] {strides = array<i32>} : memref<128x128xf32, #tpu.memory_space<vmem>>, vector<1x16xf32>,
        %swap3A_2253 = vector.shape_cast %swap3A_2252 : vector<1x16xf32> to vector<16xf32>
        %swap3A_2254 = vector.shape_cast %mul3A_2249 : vector<16xf32> to vector<1x16xf32>
        tpu.vector_store %arg10[%swap3A_2250, %swap3A_2251], %swap3A_2254 {strides = array<i32>} : memref<128x128xf32, #tpu.memory_space<vmem>>, vector<1x16xf32>,
        %get3A_2255 = arith.index_cast %add3A_2199 : i32 to index
        %get3A_2256 = arith.constant 80 : index
        %get3A_2257 = tpu.vector_load %arg10[%get3A_2255, %get3A_2256] {strides = array<i32>} : memref<128x128xf32, #tpu.memory_space<vmem>>, vector<1x16xf32>,
        %get3A_2258 = vector.shape_cast %get3A_2257 : vector<1x16xf32> to vector<16xf32>
        %mul3A_2259 = vector.broadcast %squeeze3A_2195 : f32 to vector<16xf32>
        %mul3A_2260 = arith.mulf %get3A_2258, %mul3A_2259 : vector<16xf32>
        %swap3A_2261 = arith.index_cast %add3A_2199 : i32 to index
        %swap3A_2262 = arith.constant 80 : index
        %swap3A_2263 = tpu.vector_load %arg10[%swap3A_2261, %swap3A_2262] {strides = array<i32>} : memref<128x128xf32, #tpu.memory_space<vmem>>, vector<1x16xf32>,
        %swap3A_2264 = vector.shape_cast %swap3A_2263 : vector<1x16xf32> to vector<16xf32>
        %swap3A_2265 = vector.shape_cast %mul3A_2260 : vector<16xf32> to vector<1x16xf32>
        tpu.vector_store %arg10[%swap3A_2261, %swap3A_2262], %swap3A_2265 {strides = array<i32>} : memref<128x128xf32, #tpu.memory_space<vmem>>, vector<1x16xf32>,
        %get3A_2266 = arith.index_cast %add3A_2199 : i32 to index
        %get3A_2267 = arith.constant 96 : index
        %get3A_2268 = tpu.vector_load %arg10[%get3A_2266, %get3A_2267] {strides = array<i32>} : memref<128x128xf32, #tpu.memory_space<vmem>>, vector<1x16xf32>,
        %get3A_2269 = vector.shape_cast %get3A_2268 : vector<1x16xf32> to vector<16xf32>
        %mul3A_2270 = vector.broadcast %squeeze3A_2195 : f32 to vector<16xf32>
        %mul3A_2271 = arith.mulf %get3A_2269, %mul3A_2270 : vector<16xf32>
        %swap3A_2272 = arith.index_cast %add3A_2199 : i32 to index
        %swap3A_2273 = arith.constant 96 : index
        %swap3A_2274 = tpu.vector_load %arg10[%swap3A_2272, %swap3A_2273] {strides = array<i32>} : memref<128x128xf32, #tpu.memory_space<vmem>>, vector<1x16xf32>,
        %swap3A_2275 = vector.shape_cast %swap3A_2274 : vector<1x16xf32> to vector<16xf32>
        %swap3A_2276 = vector.shape_cast %mul3A_2271 : vector<16xf32> to vector<1x16xf32>
        tpu.vector_store %arg10[%swap3A_2272, %swap3A_2273], %swap3A_2276 {strides = array<i32>} : memref<128x128xf32, #tpu.memory_space<vmem>>, vector<1x16xf32>,
        %get3A_2277 = arith.index_cast %add3A_2199 : i32 to index
        %get3A_2278 = arith.constant 112 : index
        %get3A_2279 = tpu.vector_load %arg10[%get3A_2277, %get3A_2278] {strides = array<i32>} : memref<128x128xf32, #tpu.memory_space<vmem>>, vector<1x16xf32>,
        %get3A_2280 = vector.shape_cast %get3A_2279 : vector<1x16xf32> to vector<16xf32>
        %mul3A_2281 = vector.broadcast %squeeze3A_2195 : f32 to vector<16xf32>
        %mul3A_2282 = arith.mulf %get3A_2280, %mul3A_2281 : vector<16xf32>
        %swap3A_2283 = arith.index_cast %add3A_2199 : i32 to index
        %swap3A_2284 = arith.constant 112 : index
        %swap3A_2285 = tpu.vector_load %arg10[%swap3A_2283, %swap3A_2284] {strides = array<i32>} : memref<128x128xf32, #tpu.memory_space<vmem>>, vector<1x16xf32>,
        %swap3A_2286 = vector.shape_cast %swap3A_2285 : vector<1x16xf32> to vector<16xf32>
        %swap3A_2287 = vector.shape_cast %mul3A_2282 : vector<16xf32> to vector<1x16xf32>
        tpu.vector_store %arg10[%swap3A_2283, %swap3A_2284], %swap3A_2287 {strides = array<i32>} : memref<128x128xf32, #tpu.memory_space<vmem>>, vector<1x16xf32>,
        %scan3A_2288 = arith.constant 0 : i32
        scf.yield %scan3A_2288 : i32
      }
      %scan3A_665 = arith.constant 8 : i32
      %lt3A_666 = arith.constant 78 : i32
      %lt3A_667 = arith.cmpi slt, %add3A_578, %lt3A_666 : i32
      %convert_element_type3A_668 = arith.extui %lt3A_667 : i1 to i32
      %cond3A_669 = arith.constant 0 : i32
      %cond3A_670 = arith.cmpi ne, %convert_element_type3A_668, %cond3A_669 : i32
      scf.if %cond3A_670 {
        %add3A_778 = arith.constant 2 : i32
        %add3A_779 = arith.addi %add3A_578, %add3A_778 : i32
        %mul3A_780 = arith.constant 80 : i32
        %mul3A_781 = arith.muli %add3A, %mul3A_780 : i32
        %add3A_782 = arith.addi %mul3A_781, %add3A_779 : i32
        %dma_start3A_783 = arith.constant 0 : i32
        %dma_start3A_784 = arith.constant 0 : i32
        %dma_start3A_785 = tpu.memref_slice %arg3[%add3A_782, %dma_start3A_783, %dma_start3A_784] : memref<2560x2x128xi32, #tpu.memory_space<hbm>> -> memref<1x2x128xi32, #tpu.memory_space<hbm>>
        %dma_start3A_786 = tpu.memref_squeeze %dma_start3A_785 : memref<1x2x128xi32, #tpu.memory_space<hbm>> -> memref<2x128xi32, #tpu.memory_space<hbm>>
        %dma_start3A_787 = arith.constant 0 : i32
        %dma_start3A_788 = arith.constant 0 : i32
        %dma_start3A_789 = tpu.memref_slice %arg3[%add3A_782, %dma_start3A_787, %dma_start3A_788] : memref<2560x2x128xi32, #tpu.memory_space<hbm>> -> memref<1x2x128xi32, #tpu.memory_space<hbm>>
        %dma_start3A_790 = tpu.memref_squeeze %dma_start3A_789 : memref<1x2x128xi32, #tpu.memory_space<hbm>> -> memref<2x128xi32, #tpu.memory_space<hbm>>
        tpu.enqueue_dma source(%dma_start3A_790 : memref<2x128xi32, #tpu.memory_space<hbm>>) target(%arg6 : memref<2x128xi32, #tpu.memory_space<vmem>>) target_semaphore(%arg17 : memref<!tpu.dma_semaphore, #tpu.memory_space<semaphore_mem>>)
      } else {
      }
      %dma_start3A_671 = arith.constant 0 : i32
      %dma_start3A_672 = arith.constant 0 : i32
      %dma_start3A_673 = tpu.memref_slice %arg14[%dma_start3A_671, %dma_start3A_672] : memref<10112x128xf32, #tpu.memory_space<vmem_shared>> -> memref<10112x128xf32, #tpu.memory_space<vmem_shared>>
      tpu.enqueue_indirect_dma source(%arg10 : memref<128x128xf32, #tpu.memory_space<vmem>>) target(%dma_start3A_673 : memref<10112x128xf32, #tpu.memory_space<vmem_shared>>) offsets(%arg8 : memref<128xi32, #tpu.memory_space<vmem>>) semaphore(%arg19 : memref<!tpu.dma_semaphore, #tpu.memory_space<semaphore_mem>>) {add = true}
      %mul3A_674 = arith.constant 2 : i32
      %mul3A_675 = arith.muli %mul3A_674, %scan3A_573 : i32
      %add3A_676 = arith.constant 1 : i32
      %add3A_677 = arith.addi %mul3A_675, %add3A_676 : i32
      %dma_wait3A_678 = arith.constant 0 : i32
      %dma_wait3A_679 = arith.constant 0 : i32
      %dma_wait3A_680 = tpu.memref_slice %arg7[%dma_wait3A_678, %dma_wait3A_679] : memref<2x128xi32, #tpu.memory_space<vmem>> -> memref<1x128xi32, #tpu.memory_space<vmem>>
      %dma_wait3A_681 = tpu.memref_squeeze %dma_wait3A_680 : memref<1x128xi32, #tpu.memory_space<vmem>> -> memref<128xi32, #tpu.memory_space<vmem>>
      %dma_wait3A_682 = arith.constant 0 : i32
      %dma_wait3A_683 = arith.constant 0 : i32
      %dma_wait3A_684 = tpu.memref_slice %arg2[%dma_wait3A_682, %dma_wait3A_683] : memref<10000x128xf32, #tpu.memory_space<hbm>> -> memref<10000x128xf32, #tpu.memory_space<hbm>>
      tpu.wait_indirect_dma semaphore(%arg16 : memref<!tpu.dma_semaphore, #tpu.memory_space<semaphore_mem>>) src(%dma_wait3A_684 : memref<10000x128xf32, #tpu.memory_space<hbm>>) dst(%arg11 : memref<128x128xf32, #tpu.memory_space<vmem>>)
      %lt3A_685 = arith.constant 79 : i32
      %lt3A_686 = arith.cmpi slt, %add3A_677, %lt3A_685 : i32
      %convert_element_type3A_687 = arith.extui %lt3A_686 : i1 to i32
      %cond3A_688 = arith.constant 0 : i32
      %cond3A_689 = arith.cmpi ne, %convert_element_type3A_687, %cond3A_688 : i32
      scf.if %cond3A_689 {
        %dma_wait3A_778 = arith.constant 0 : i32
        %dma_wait3A_779 = arith.constant 0 : i32
        %dma_wait3A_780 = arith.constant 0 : i32
        %dma_wait3A_781 = tpu.memref_slice %arg3[%dma_wait3A_778, %dma_wait3A_779, %dma_wait3A_780] : memref<2560x2x128xi32, #tpu.memory_space<hbm>> -> memref<1x2x128xi32, #tpu.memory_space<hbm>>
        %dma_wait3A_782 = tpu.memref_squeeze %dma_wait3A_781 : memref<1x2x128xi32, #tpu.memory_space<hbm>> -> memref<2x128xi32, #tpu.memory_space<hbm>>
        %dma_wait3A_783 = arith.constant 0 : i32
        %dma_wait3A_784 = arith.constant 0 : i32
        %dma_wait3A_785 = tpu.memref_slice %arg3[%dma_wait3A_778, %dma_wait3A_783, %dma_wait3A_784] : memref<2560x2x128xi32, #tpu.memory_space<hbm>> -> memref<1x2x128xi32, #tpu.memory_space<hbm>>
        %dma_wait3A_786 = tpu.memref_squeeze %dma_wait3A_785 : memref<1x2x128xi32, #tpu.memory_space<hbm>> -> memref<2x128xi32, #tpu.memory_space<hbm>>
        tpu.wait_dma2 semaphore(%arg17 : memref<!tpu.dma_semaphore, #tpu.memory_space<semaphore_mem>>) src(%dma_wait3A_786 : memref<2x128xi32, #tpu.memory_space<hbm>>) dst(%arg6 : memref<2x128xi32, #tpu.memory_space<vmem>>)
        %ge3A = arith.constant 1 : i32
        %ge3A_787 = arith.cmpi sge, %add3A_677, %ge3A : i32
        %convert_element_type3A_788 = arith.extui %ge3A_787 : i1 to i32
        %cond3A_789 = arith.constant 0 : i32
        %cond3A_790 = arith.cmpi ne, %convert_element_type3A_788, %cond3A_789 : i32
        scf.if %cond3A_790 {
          %dma_wait3A_798 = arith.constant 0 : i32
          %dma_wait3A_799 = arith.constant 0 : i32
          %dma_wait3A_800 = tpu.memref_slice %arg14[%dma_wait3A_798, %dma_wait3A_799] : memref<10112x128xf32, #tpu.memory_space<vmem_shared>> -> memref<10112x128xf32, #tpu.memory_space<vmem_shared>>
          tpu.wait_indirect_dma semaphore(%arg19 : memref<!tpu.dma_semaphore, #tpu.memory_space<semaphore_mem>>) src(%arg10 : memref<128x128xf32, #tpu.memory_space<vmem>>) dst(%dma_wait3A_800 : memref<10112x128xf32, #tpu.memory_space<vmem_shared>>)
        } else {
        }
        %dma_start3A_791 = arith.constant 0 : i32
        %dma_start3A_792 = arith.constant 0 : i32
        %dma_start3A_793 = tpu.memref_slice %arg6[%dma_start3A_791, %dma_start3A_792] : memref<2x128xi32, #tpu.memory_space<vmem>> -> memref<1x128xi32, #tpu.memory_space<vmem>>
        %dma_start3A_794 = tpu.memref_squeeze %dma_start3A_793 : memref<1x128xi32, #tpu.memory_space<vmem>> -> memref<128xi32, #tpu.memory_space<vmem>>
        %dma_start3A_795 = arith.constant 0 : i32
        %dma_start3A_796 = arith.constant 0 : i32
        %dma_start3A_797 = tpu.memref_slice %arg2[%dma_start3A_795, %dma_start3A_796] : memref<10000x128xf32, #tpu.memory_space<hbm>> -> memref<10000x128xf32, #tpu.memory_space<hbm>>
        tpu.enqueue_indirect_dma source(%dma_start3A_797 : memref<10000x128xf32, #tpu.memory_space<hbm>>) target(%arg10 : memref<128x128xf32, #tpu.memory_space<vmem>>) offsets(%dma_start3A_794 : memref<128xi32, #tpu.memory_space<vmem>>) semaphore(%arg15 : memref<!tpu.dma_semaphore, #tpu.memory_space<semaphore_mem>>)
      } else {
      }
      %get3A_690 = arith.constant 1 : i32
      %get3A_691 = arith.index_cast %get3A_690 : i32 to index
      %get3A_692 = arith.constant 0 : index
      %get3A_693 = tpu.vector_load %arg7[%get3A_691, %get3A_692] {strides = array<i32>} : memref<2x128xi32, #tpu.memory_space<vmem>>, vector<1x16xi32>,
      %get3A_694 = vector.shape_cast %get3A_693 : vector<1x16xi32> to vector<16xi32>
      %swap3A_695 = arith.constant 0 : index
      %swap3A_696 = tpu.vector_load %arg9[%swap3A_695] {strides = array<i32>} : memref<128xi32, #tpu.memory_space<vmem>>, vector<16xi32>,
      %swap3A_697 = vector.shape_cast %swap3A_696 : vector<16xi32> to vector<16xi32>
      %swap3A_698 = vector.shape_cast %get3A_694 : vector<16xi32> to vector<16xi32>
      tpu.vector_store %arg9[%swap3A_695], %swap3A_698 {strides = array<i32>} : memref<128xi32, #tpu.memory_space<vmem>>, vector<16xi32>,
      %get3A_699 = arith.constant 1 : i32
      %get3A_700 = arith.index_cast %get3A_699 : i32 to index
      %get3A_701 = arith.constant 16 : index
      %get3A_702 = tpu.vector_load %arg7[%get3A_700, %get3A_701] {strides = array<i32>} : memref<2x128xi32, #tpu.memory_space<vmem>>, vector<1x16xi32>,
      %get3A_703 = vector.shape_cast %get3A_702 : vector<1x16xi32> to vector<16xi32>
      %swap3A_704 = arith.constant 16 : index
      %swap3A_705 = tpu.vector_load %arg9[%swap3A_704] {strides = array<i32>} : memref<128xi32, #tpu.memory_space<vmem>>, vector<16xi32>,
      %swap3A_706 = vector.shape_cast %swap3A_705 : vector<16xi32> to vector<16xi32>
      %swap3A_707 = vector.shape_cast %get3A_703 : vector<16xi32> to vector<16xi32>
      tpu.vector_store %arg9[%swap3A_704], %swap3A_707 {strides = array<i32>} : memref<128xi32, #tpu.memory_space<vmem>>, vector<16xi32>,
      %get3A_708 = arith.constant 1 : i32
      %get3A_709 = arith.index_cast %get3A_708 : i32 to index
      %get3A_710 = arith.constant 32 : index
      %get3A_711 = tpu.vector_load %arg7[%get3A_709, %get3A_710] {strides = array<i32>} : memref<2x128xi32, #tpu.memory_space<vmem>>, vector<1x16xi32>,
      %get3A_712 = vector.shape_cast %get3A_711 : vector<1x16xi32> to vector<16xi32>
      %swap3A_713 = arith.constant 32 : index
      %swap3A_714 = tpu.vector_load %arg9[%swap3A_713] {strides = array<i32>} : memref<128xi32, #tpu.memory_space<vmem>>, vector<16xi32>,
      %swap3A_715 = vector.shape_cast %swap3A_714 : vector<16xi32> to vector<16xi32>
      %swap3A_716 = vector.shape_cast %get3A_712 : vector<16xi32> to vector<16xi32>
      tpu.vector_store %arg9[%swap3A_713], %swap3A_716 {strides = array<i32>} : memref<128xi32, #tpu.memory_space<vmem>>, vector<16xi32>,
      %get3A_717 = arith.constant 1 : i32
      %get3A_718 = arith.index_cast %get3A_717 : i32 to index
      %get3A_719 = arith.constant 48 : index
      %get3A_720 = tpu.vector_load %arg7[%get3A_718, %get3A_719] {strides = array<i32>} : memref<2x128xi32, #tpu.memory_space<vmem>>, vector<1x16xi32>,
      %get3A_721 = vector.shape_cast %get3A_720 : vector<1x16xi32> to vector<16xi32>
      %swap3A_722 = arith.constant 48 : index
      %swap3A_723 = tpu.vector_load %arg9[%swap3A_722] {strides = array<i32>} : memref<128xi32, #tpu.memory_space<vmem>>, vector<16xi32>,
      %swap3A_724 = vector.shape_cast %swap3A_723 : vector<16xi32> to vector<16xi32>
      %swap3A_725 = vector.shape_cast %get3A_721 : vector<16xi32> to vector<16xi32>
      tpu.vector_store %arg9[%swap3A_722], %swap3A_725 {strides = array<i32>} : memref<128xi32, #tpu.memory_space<vmem>>, vector<16xi32>,
      %get3A_726 = arith.constant 1 : i32
      %get3A_727 = arith.index_cast %get3A_726 : i32 to index
      %get3A_728 = arith.constant 64 : index
      %get3A_729 = tpu.vector_load %arg7[%get3A_727, %get3A_728] {strides = array<i32>} : memref<2x128xi32, #tpu.memory_space<vmem>>, vector<1x16xi32>,
      %get3A_730 = vector.shape_cast %get3A_729 : vector<1x16xi32> to vector<16xi32>
      %swap3A_731 = arith.constant 64 : index
      %swap3A_732 = tpu.vector_load %arg9[%swap3A_731] {strides = array<i32>} : memref<128xi32, #tpu.memory_space<vmem>>, vector<16xi32>,
      %swap3A_733 = vector.shape_cast %swap3A_732 : vector<16xi32> to vector<16xi32>
      %swap3A_734 = vector.shape_cast %get3A_730 : vector<16xi32> to vector<16xi32>
      tpu.vector_store %arg9[%swap3A_731], %swap3A_734 {strides = array<i32>} : memref<128xi32, #tpu.memory_space<vmem>>, vector<16xi32>,
      %get3A_735 = arith.constant 1 : i32
      %get3A_736 = arith.index_cast %get3A_735 : i32 to index
      %get3A_737 = arith.constant 80 : index
      %get3A_738 = tpu.vector_load %arg7[%get3A_736, %get3A_737] {strides = array<i32>} : memref<2x128xi32, #tpu.memory_space<vmem>>, vector<1x16xi32>,
      %get3A_739 = vector.shape_cast %get3A_738 : vector<1x16xi32> to vector<16xi32>
      %swap3A_740 = arith.constant 80 : index
      %swap3A_741 = tpu.vector_load %arg9[%swap3A_740] {strides = array<i32>} : memref<128xi32, #tpu.memory_space<vmem>>, vector<16xi32>,
      %swap3A_742 = vector.shape_cast %swap3A_741 : vector<16xi32> to vector<16xi32>
      %swap3A_743 = vector.shape_cast %get3A_739 : vector<16xi32> to vector<16xi32>
      tpu.vector_store %arg9[%swap3A_740], %swap3A_743 {strides = array<i32>} : memref<128xi32, #tpu.memory_space<vmem>>, vector<16xi32>,
      %get3A_744 = arith.constant 1 : i32
      %get3A_745 = arith.index_cast %get3A_744 : i32 to index
      %get3A_746 = arith.constant 96 : index
      %get3A_747 = tpu.vector_load %arg7[%get3A_745, %get3A_746] {strides = array<i32>} : memref<2x128xi32, #tpu.memory_space<vmem>>, vector<1x16xi32>,
      %get3A_748 = vector.shape_cast %get3A_747 : vector<1x16xi32> to vector<16xi32>
      %swap3A_749 = arith.constant 96 : index
      %swap3A_750 = tpu.vector_load %arg9[%swap3A_749] {strides = array<i32>} : memref<128xi32, #tpu.memory_space<vmem>>, vector<16xi32>,
      %swap3A_751 = vector.shape_cast %swap3A_750 : vector<16xi32> to vector<16xi32>
      %swap3A_752 = vector.shape_cast %get3A_748 : vector<16xi32> to vector<16xi32>
      tpu.vector_store %arg9[%swap3A_749], %swap3A_752 {strides = array<i32>} : memref<128xi32, #tpu.memory_space<vmem>>, vector<16xi32>,
      %get3A_753 = arith.constant 1 : i32
      %get3A_754 = arith.index_cast %get3A_753 : i32 to index
      %get3A_755 = arith.constant 112 : index
      %get3A_756 = tpu.vector_load %arg7[%get3A_754, %get3A_755] {strides = array<i32>} : memref<2x128xi32, #tpu.memory_space<vmem>>, vector<1x16xi32>,
      %get3A_757 = vector.shape_cast %get3A_756 : vector<1x16xi32> to vector<16xi32>
      %swap3A_758 = arith.constant 112 : index
      %swap3A_759 = tpu.vector_load %arg9[%swap3A_758] {strides = array<i32>} : memref<128xi32, #tpu.memory_space<vmem>>, vector<16xi32>,
      %swap3A_760 = vector.shape_cast %swap3A_759 : vector<16xi32> to vector<16xi32>
      %swap3A_761 = vector.shape_cast %get3A_757 : vector<16xi32> to vector<16xi32>
      tpu.vector_store %arg9[%swap3A_758], %swap3A_761 {strides = array<i32>} : memref<128xi32, #tpu.memory_space<vmem>>, vector<16xi32>,
      %scan3A_762 = arith.constant 0 : i32
      %scan3A_763 = arith.constant 0 : i32
      %scan3A_764 = arith.constant 8 : i32
      %scan3A_765 = arith.addi %scan3A_763, %scan3A_764 : i32
      %scan3A_766 = arith.constant 1 : i32
      %scan3A_767 = scf.for %scan3A_778 = %scan3A_763 to %scan3A_765 step %scan3A_766 iter_args(%scan3A_779 = %scan3A_762) -> (i32)  : i32 {
        %mul3A_780 = arith.constant 16 : i32
        %mul3A_781 = arith.muli %scan3A_778, %mul3A_780 : i32
        %get3A_782 = arith.index_cast %add3A_677 : i32 to index
        %get3A_783 = arith.index_cast %mul3A_781 : i32 to index
        %get3A_784 = tpu.vector_load %arg12[%get3A_782, %get3A_783] {strides = array<i32>} : memref<80x128xf32, #tpu.memory_space<vmem>>, vector<1x16xf32>,
        %get3A_785 = vector.shape_cast %get3A_784 : vector<1x16xf32> to vector<16xf32>
        %slice3A = vector.extract_strided_slice %get3A_785 {offsets = [0], sizes = [1], strides = [1]} : vector<16xf32> to vector<1xf32>
        %squeeze3A = vector.extract %slice3A[0] : f32 from vector<1xf32>
        %mul3A_786 = arith.constant 16 : i32
        %mul3A_787 = arith.muli %scan3A_778, %mul3A_786 : i32
        %add3A_788 = arith.constant 0 : i32
        %add3A_789 = arith.addi %mul3A_787, %add3A_788 : i32
        %get3A_790 = arith.index_cast %add3A_789 : i32 to index
        %get3A_791 = arith.constant 0 : index
        %get3A_792 = tpu.vector_load %arg11[%get3A_790, %get3A_791] {strides = array<i32>} : memref<128x128xf32, #tpu.memory_space<vmem>>, vector<1x16xf32>,
        %get3A_793 = vector.shape_cast %get3A_792 : vector<1x16xf32> to vector<16xf32>
        %mul3A_794 = vector.broadcast %squeeze3A : f32 to vector<16xf32>
        %mul3A_795 = arith.mulf %get3A_793, %mul3A_794 : vector<16xf32>
        %swap3A_796 = arith.index_cast %add3A_789 : i32 to index
        %swap3A_797 = arith.constant 0 : index
        %swap3A_798 = tpu.vector_load %arg11[%swap3A_796, %swap3A_797] {strides = array<i32>} : memref<128x128xf32, #tpu.memory_space<vmem>>, vector<1x16xf32>,
        %swap3A_799 = vector.shape_cast %swap3A_798 : vector<1x16xf32> to vector<16xf32>
        %swap3A_800 = vector.shape_cast %mul3A_795 : vector<16xf32> to vector<1x16xf32>
        tpu.vector_store %arg11[%swap3A_796, %swap3A_797], %swap3A_800 {strides = array<i32>} : memref<128x128xf32, #tpu.memory_space<vmem>>, vector<1x16xf32>,
        %get3A_801 = arith.index_cast %add3A_789 : i32 to index
        %get3A_802 = arith.constant 16 : index
        %get3A_803 = tpu.vector_load %arg11[%get3A_801, %get3A_802] {strides = array<i32>} : memref<128x128xf32, #tpu.memory_space<vmem>>, vector<1x16xf32>,
        %get3A_804 = vector.shape_cast %get3A_803 : vector<1x16xf32> to vector<16xf32>
        %mul3A_805 = vector.broadcast %squeeze3A : f32 to vector<16xf32>
        %mul3A_806 = arith.mulf %get3A_804, %mul3A_805 : vector<16xf32>
        %swap3A_807 = arith.index_cast %add3A_789 : i32 to index
        %swap3A_808 = arith.constant 16 : index
        %swap3A_809 = tpu.vector_load %arg11[%swap3A_807, %swap3A_808] {strides = array<i32>} : memref<128x128xf32, #tpu.memory_space<vmem>>, vector<1x16xf32>,
        %swap3A_810 = vector.shape_cast %swap3A_809 : vector<1x16xf32> to vector<16xf32>
        %swap3A_811 = vector.shape_cast %mul3A_806 : vector<16xf32> to vector<1x16xf32>
        tpu.vector_store %arg11[%swap3A_807, %swap3A_808], %swap3A_811 {strides = array<i32>} : memref<128x128xf32, #tpu.memory_space<vmem>>, vector<1x16xf32>,
        %get3A_812 = arith.index_cast %add3A_789 : i32 to index
        %get3A_813 = arith.constant 32 : index
        %get3A_814 = tpu.vector_load %arg11[%get3A_812, %get3A_813] {strides = array<i32>} : memref<128x128xf32, #tpu.memory_space<vmem>>, vector<1x16xf32>,
        %get3A_815 = vector.shape_cast %get3A_814 : vector<1x16xf32> to vector<16xf32>
        %mul3A_816 = vector.broadcast %squeeze3A : f32 to vector<16xf32>
        %mul3A_817 = arith.mulf %get3A_815, %mul3A_816 : vector<16xf32>
        %swap3A_818 = arith.index_cast %add3A_789 : i32 to index
        %swap3A_819 = arith.constant 32 : index
        %swap3A_820 = tpu.vector_load %arg11[%swap3A_818, %swap3A_819] {strides = array<i32>} : memref<128x128xf32, #tpu.memory_space<vmem>>, vector<1x16xf32>,
        %swap3A_821 = vector.shape_cast %swap3A_820 : vector<1x16xf32> to vector<16xf32>
        %swap3A_822 = vector.shape_cast %mul3A_817 : vector<16xf32> to vector<1x16xf32>
        tpu.vector_store %arg11[%swap3A_818, %swap3A_819], %swap3A_822 {strides = array<i32>} : memref<128x128xf32, #tpu.memory_space<vmem>>, vector<1x16xf32>,
        %get3A_823 = arith.index_cast %add3A_789 : i32 to index
        %get3A_824 = arith.constant 48 : index
        %get3A_825 = tpu.vector_load %arg11[%get3A_823, %get3A_824] {strides = array<i32>} : memref<128x128xf32, #tpu.memory_space<vmem>>, vector<1x16xf32>,
        %get3A_826 = vector.shape_cast %get3A_825 : vector<1x16xf32> to vector<16xf32>
        %mul3A_827 = vector.broadcast %squeeze3A : f32 to vector<16xf32>
        %mul3A_828 = arith.mulf %get3A_826, %mul3A_827 : vector<16xf32>
        %swap3A_829 = arith.index_cast %add3A_789 : i32 to index
        %swap3A_830 = arith.constant 48 : index
        %swap3A_831 = tpu.vector_load %arg11[%swap3A_829, %swap3A_830] {strides = array<i32>} : memref<128x128xf32, #tpu.memory_space<vmem>>, vector<1x16xf32>,
        %swap3A_832 = vector.shape_cast %swap3A_831 : vector<1x16xf32> to vector<16xf32>
        %swap3A_833 = vector.shape_cast %mul3A_828 : vector<16xf32> to vector<1x16xf32>
        tpu.vector_store %arg11[%swap3A_829, %swap3A_830], %swap3A_833 {strides = array<i32>} : memref<128x128xf32, #tpu.memory_space<vmem>>, vector<1x16xf32>,
        %get3A_834 = arith.index_cast %add3A_789 : i32 to index
        %get3A_835 = arith.constant 64 : index
        %get3A_836 = tpu.vector_load %arg11[%get3A_834, %get3A_835] {strides = array<i32>} : memref<128x128xf32, #tpu.memory_space<vmem>>, vector<1x16xf32>,
        %get3A_837 = vector.shape_cast %get3A_836 : vector<1x16xf32> to vector<16xf32>
        %mul3A_838 = vector.broadcast %squeeze3A : f32 to vector<16xf32>
        %mul3A_839 = arith.mulf %get3A_837, %mul3A_838 : vector<16xf32>
        %swap3A_840 = arith.index_cast %add3A_789 : i32 to index
        %swap3A_841 = arith.constant 64 : index
        %swap3A_842 = tpu.vector_load %arg11[%swap3A_840, %swap3A_841] {strides = array<i32>} : memref<128x128xf32, #tpu.memory_space<vmem>>, vector<1x16xf32>,
        %swap3A_843 = vector.shape_cast %swap3A_842 : vector<1x16xf32> to vector<16xf32>
        %swap3A_844 = vector.shape_cast %mul3A_839 : vector<16xf32> to vector<1x16xf32>
        tpu.vector_store %arg11[%swap3A_840, %swap3A_841], %swap3A_844 {strides = array<i32>} : memref<128x128xf32, #tpu.memory_space<vmem>>, vector<1x16xf32>,
        %get3A_845 = arith.index_cast %add3A_789 : i32 to index
        %get3A_846 = arith.constant 80 : index
        %get3A_847 = tpu.vector_load %arg11[%get3A_845, %get3A_846] {strides = array<i32>} : memref<128x128xf32, #tpu.memory_space<vmem>>, vector<1x16xf32>,
        %get3A_848 = vector.shape_cast %get3A_847 : vector<1x16xf32> to vector<16xf32>
        %mul3A_849 = vector.broadcast %squeeze3A : f32 to vector<16xf32>
        %mul3A_850 = arith.mulf %get3A_848, %mul3A_849 : vector<16xf32>
        %swap3A_851 = arith.index_cast %add3A_789 : i32 to index
        %swap3A_852 = arith.constant 80 : index
        %swap3A_853 = tpu.vector_load %arg11[%swap3A_851, %swap3A_852] {strides = array<i32>} : memref<128x128xf32, #tpu.memory_space<vmem>>, vector<1x16xf32>,
        %swap3A_854 = vector.shape_cast %swap3A_853 : vector<1x16xf32> to vector<16xf32>
        %swap3A_855 = vector.shape_cast %mul3A_850 : vector<16xf32> to vector<1x16xf32>
        tpu.vector_store %arg11[%swap3A_851, %swap3A_852], %swap3A_855 {strides = array<i32>} : memref<128x128xf32, #tpu.memory_space<vmem>>, vector<1x16xf32>,
        %get3A_856 = arith.index_cast %add3A_789 : i32 to index
        %get3A_857 = arith.constant 96 : index
        %get3A_858 = tpu.vector_load %arg11[%get3A_856, %get3A_857] {strides = array<i32>} : memref<128x128xf32, #tpu.memory_space<vmem>>, vector<1x16xf32>,
        %get3A_859 = vector.shape_cast %get3A_858 : vector<1x16xf32> to vector<16xf32>
        %mul3A_860 = vector.broadcast %squeeze3A : f32 to vector<16xf32>
        %mul3A_861 = arith.mulf %get3A_859, %mul3A_860 : vector<16xf32>
        %swap3A_862 = arith.index_cast %add3A_789 : i32 to index
        %swap3A_863 = arith.constant 96 : index
        %swap3A_864 = tpu.vector_load %arg11[%swap3A_862, %swap3A_863] {strides = array<i32>} : memref<128x128xf32, #tpu.memory_space<vmem>>, vector<1x16xf32>,
        %swap3A_865 = vector.shape_cast %swap3A_864 : vector<1x16xf32> to vector<16xf32>
        %swap3A_866 = vector.shape_cast %mul3A_861 : vector<16xf32> to vector<1x16xf32>
        tpu.vector_store %arg11[%swap3A_862, %swap3A_863], %swap3A_866 {strides = array<i32>} : memref<128x128xf32, #tpu.memory_space<vmem>>, vector<1x16xf32>,
        %get3A_867 = arith.index_cast %add3A_789 : i32 to index
        %get3A_868 = arith.constant 112 : index
        %get3A_869 = tpu.vector_load %arg11[%get3A_867, %get3A_868] {strides = array<i32>} : memref<128x128xf32, #tpu.memory_space<vmem>>, vector<1x16xf32>,
        %get3A_870 = vector.shape_cast %get3A_869 : vector<1x16xf32> to vector<16xf32>
        %mul3A_871 = vector.broadcast %squeeze3A : f32 to vector<16xf32>
        %mul3A_872 = arith.mulf %get3A_870, %mul3A_871 : vector<16xf32>
        %swap3A_873 = arith.index_cast %add3A_789 : i32 to index
        %swap3A_874 = arith.constant 112 : index
        %swap3A_875 = tpu.vector_load %arg11[%swap3A_873, %swap3A_874] {strides = array<i32>} : memref<128x128xf32, #tpu.memory_space<vmem>>, vector<1x16xf32>,
        %swap3A_876 = vector.shape_cast %swap3A_875 : vector<1x16xf32> to vector<16xf32>
        %swap3A_877 = vector.shape_cast %mul3A_872 : vector<16xf32> to vector<1x16xf32>
        tpu.vector_store %arg11[%swap3A_873, %swap3A_874], %swap3A_877 {strides = array<i32>} : memref<128x128xf32, #tpu.memory_space<vmem>>, vector<1x16xf32>,
        %slice3A_878 = vector.extract_strided_slice %get3A_785 {offsets = [1], sizes = [1], strides = [1]} : vector<16xf32> to vector<1xf32>
        %squeeze3A_879 = vector.extract %slice3A_878[0] : f32 from vector<1xf32>
        %mul3A_880 = arith.constant 16 : i32
        %mul3A_881 = arith.muli %scan3A_778, %mul3A_880 : i32
        %add3A_882 = arith.constant 1 : i32
        %add3A_883 = arith.addi %mul3A_881, %add3A_882 : i32
        %get3A_884 = arith.index_cast %add3A_883 : i32 to index
        %get3A_885 = arith.constant 0 : index
        %get3A_886 = tpu.vector_load %arg11[%get3A_884, %get3A_885] {strides = array<i32>} : memref<128x128xf32, #tpu.memory_space<vmem>>, vector<1x16xf32>,
        %get3A_887 = vector.shape_cast %get3A_886 : vector<1x16xf32> to vector<16xf32>
        %mul3A_888 = vector.broadcast %squeeze3A_879 : f32 to vector<16xf32>
        %mul3A_889 = arith.mulf %get3A_887, %mul3A_888 : vector<16xf32>
        %swap3A_890 = arith.index_cast %add3A_883 : i32 to index
        %swap3A_891 = arith.constant 0 : index
        %swap3A_892 = tpu.vector_load %arg11[%swap3A_890, %swap3A_891] {strides = array<i32>} : memref<128x128xf32, #tpu.memory_space<vmem>>, vector<1x16xf32>,
        %swap3A_893 = vector.shape_cast %swap3A_892 : vector<1x16xf32> to vector<16xf32>
        %swap3A_894 = vector.shape_cast %mul3A_889 : vector<16xf32> to vector<1x16xf32>
        tpu.vector_store %arg11[%swap3A_890, %swap3A_891], %swap3A_894 {strides = array<i32>} : memref<128x128xf32, #tpu.memory_space<vmem>>, vector<1x16xf32>,
        %get3A_895 = arith.index_cast %add3A_883 : i32 to index
        %get3A_896 = arith.constant 16 : index
        %get3A_897 = tpu.vector_load %arg11[%get3A_895, %get3A_896] {strides = array<i32>} : memref<128x128xf32, #tpu.memory_space<vmem>>, vector<1x16xf32>,
        %get3A_898 = vector.shape_cast %get3A_897 : vector<1x16xf32> to vector<16xf32>
        %mul3A_899 = vector.broadcast %squeeze3A_879 : f32 to vector<16xf32>
        %mul3A_900 = arith.mulf %get3A_898, %mul3A_899 : vector<16xf32>
        %swap3A_901 = arith.index_cast %add3A_883 : i32 to index
        %swap3A_902 = arith.constant 16 : index
        %swap3A_903 = tpu.vector_load %arg11[%swap3A_901, %swap3A_902] {strides = array<i32>} : memref<128x128xf32, #tpu.memory_space<vmem>>, vector<1x16xf32>,
        %swap3A_904 = vector.shape_cast %swap3A_903 : vector<1x16xf32> to vector<16xf32>
        %swap3A_905 = vector.shape_cast %mul3A_900 : vector<16xf32> to vector<1x16xf32>
        tpu.vector_store %arg11[%swap3A_901, %swap3A_902], %swap3A_905 {strides = array<i32>} : memref<128x128xf32, #tpu.memory_space<vmem>>, vector<1x16xf32>,
        %get3A_906 = arith.index_cast %add3A_883 : i32 to index
        %get3A_907 = arith.constant 32 : index
        %get3A_908 = tpu.vector_load %arg11[%get3A_906, %get3A_907] {strides = array<i32>} : memref<128x128xf32, #tpu.memory_space<vmem>>, vector<1x16xf32>,
        %get3A_909 = vector.shape_cast %get3A_908 : vector<1x16xf32> to vector<16xf32>
        %mul3A_910 = vector.broadcast %squeeze3A_879 : f32 to vector<16xf32>
        %mul3A_911 = arith.mulf %get3A_909, %mul3A_910 : vector<16xf32>
        %swap3A_912 = arith.index_cast %add3A_883 : i32 to index
        %swap3A_913 = arith.constant 32 : index
        %swap3A_914 = tpu.vector_load %arg11[%swap3A_912, %swap3A_913] {strides = array<i32>} : memref<128x128xf32, #tpu.memory_space<vmem>>, vector<1x16xf32>,
        %swap3A_915 = vector.shape_cast %swap3A_914 : vector<1x16xf32> to vector<16xf32>
        %swap3A_916 = vector.shape_cast %mul3A_911 : vector<16xf32> to vector<1x16xf32>
        tpu.vector_store %arg11[%swap3A_912, %swap3A_913], %swap3A_916 {strides = array<i32>} : memref<128x128xf32, #tpu.memory_space<vmem>>, vector<1x16xf32>,
        %get3A_917 = arith.index_cast %add3A_883 : i32 to index
        %get3A_918 = arith.constant 48 : index
        %get3A_919 = tpu.vector_load %arg11[%get3A_917, %get3A_918] {strides = array<i32>} : memref<128x128xf32, #tpu.memory_space<vmem>>, vector<1x16xf32>,
        %get3A_920 = vector.shape_cast %get3A_919 : vector<1x16xf32> to vector<16xf32>
        %mul3A_921 = vector.broadcast %squeeze3A_879 : f32 to vector<16xf32>
        %mul3A_922 = arith.mulf %get3A_920, %mul3A_921 : vector<16xf32>
        %swap3A_923 = arith.index_cast %add3A_883 : i32 to index
        %swap3A_924 = arith.constant 48 : index
        %swap3A_925 = tpu.vector_load %arg11[%swap3A_923, %swap3A_924] {strides = array<i32>} : memref<128x128xf32, #tpu.memory_space<vmem>>, vector<1x16xf32>,
        %swap3A_926 = vector.shape_cast %swap3A_925 : vector<1x16xf32> to vector<16xf32>
        %swap3A_927 = vector.shape_cast %mul3A_922 : vector<16xf32> to vector<1x16xf32>
        tpu.vector_store %arg11[%swap3A_923, %swap3A_924], %swap3A_927 {strides = array<i32>} : memref<128x128xf32, #tpu.memory_space<vmem>>, vector<1x16xf32>,
        %get3A_928 = arith.index_cast %add3A_883 : i32 to index
        %get3A_929 = arith.constant 64 : index
        %get3A_930 = tpu.vector_load %arg11[%get3A_928, %get3A_929] {strides = array<i32>} : memref<128x128xf32, #tpu.memory_space<vmem>>, vector<1x16xf32>,
        %get3A_931 = vector.shape_cast %get3A_930 : vector<1x16xf32> to vector<16xf32>
        %mul3A_932 = vector.broadcast %squeeze3A_879 : f32 to vector<16xf32>
        %mul3A_933 = arith.mulf %get3A_931, %mul3A_932 : vector<16xf32>
        %swap3A_934 = arith.index_cast %add3A_883 : i32 to index
        %swap3A_935 = arith.constant 64 : index
        %swap3A_936 = tpu.vector_load %arg11[%swap3A_934, %swap3A_935] {strides = array<i32>} : memref<128x128xf32, #tpu.memory_space<vmem>>, vector<1x16xf32>,
        %swap3A_937 = vector.shape_cast %swap3A_936 : vector<1x16xf32> to vector<16xf32>
        %swap3A_938 = vector.shape_cast %mul3A_933 : vector<16xf32> to vector<1x16xf32>
        tpu.vector_store %arg11[%swap3A_934, %swap3A_935], %swap3A_938 {strides = array<i32>} : memref<128x128xf32, #tpu.memory_space<vmem>>, vector<1x16xf32>,
        %get3A_939 = arith.index_cast %add3A_883 : i32 to index
        %get3A_940 = arith.constant 80 : index
        %get3A_941 = tpu.vector_load %arg11[%get3A_939, %get3A_940] {strides = array<i32>} : memref<128x128xf32, #tpu.memory_space<vmem>>, vector<1x16xf32>,
        %get3A_942 = vector.shape_cast %get3A_941 : vector<1x16xf32> to vector<16xf32>
        %mul3A_943 = vector.broadcast %squeeze3A_879 : f32 to vector<16xf32>
        %mul3A_944 = arith.mulf %get3A_942, %mul3A_943 : vector<16xf32>
        %swap3A_945 = arith.index_cast %add3A_883 : i32 to index
        %swap3A_946 = arith.constant 80 : index
        %swap3A_947 = tpu.vector_load %arg11[%swap3A_945, %swap3A_946] {strides = array<i32>} : memref<128x128xf32, #tpu.memory_space<vmem>>, vector<1x16xf32>,
        %swap3A_948 = vector.shape_cast %swap3A_947 : vector<1x16xf32> to vector<16xf32>
        %swap3A_949 = vector.shape_cast %mul3A_944 : vector<16xf32> to vector<1x16xf32>
        tpu.vector_store %arg11[%swap3A_945, %swap3A_946], %swap3A_949 {strides = array<i32>} : memref<128x128xf32, #tpu.memory_space<vmem>>, vector<1x16xf32>,
        %get3A_950 = arith.index_cast %add3A_883 : i32 to index
        %get3A_951 = arith.constant 96 : index
        %get3A_952 = tpu.vector_load %arg11[%get3A_950, %get3A_951] {strides = array<i32>} : memref<128x128xf32, #tpu.memory_space<vmem>>, vector<1x16xf32>,
        %get3A_953 = vector.shape_cast %get3A_952 : vector<1x16xf32> to vector<16xf32>
        %mul3A_954 = vector.broadcast %squeeze3A_879 : f32 to vector<16xf32>
        %mul3A_955 = arith.mulf %get3A_953, %mul3A_954 : vector<16xf32>
        %swap3A_956 = arith.index_cast %add3A_883 : i32 to index
        %swap3A_957 = arith.constant 96 : index
        %swap3A_958 = tpu.vector_load %arg11[%swap3A_956, %swap3A_957] {strides = array<i32>} : memref<128x128xf32, #tpu.memory_space<vmem>>, vector<1x16xf32>,
        %swap3A_959 = vector.shape_cast %swap3A_958 : vector<1x16xf32> to vector<16xf32>
        %swap3A_960 = vector.shape_cast %mul3A_955 : vector<16xf32> to vector<1x16xf32>
        tpu.vector_store %arg11[%swap3A_956, %swap3A_957], %swap3A_960 {strides = array<i32>} : memref<128x128xf32, #tpu.memory_space<vmem>>, vector<1x16xf32>,
        %get3A_961 = arith.index_cast %add3A_883 : i32 to index
        %get3A_962 = arith.constant 112 : index
        %get3A_963 = tpu.vector_load %arg11[%get3A_961, %get3A_962] {strides = array<i32>} : memref<128x128xf32, #tpu.memory_space<vmem>>, vector<1x16xf32>,
        %get3A_964 = vector.shape_cast %get3A_963 : vector<1x16xf32> to vector<16xf32>
        %mul3A_965 = vector.broadcast %squeeze3A_879 : f32 to vector<16xf32>
        %mul3A_966 = arith.mulf %get3A_964, %mul3A_965 : vector<16xf32>
        %swap3A_967 = arith.index_cast %add3A_883 : i32 to index
        %swap3A_968 = arith.constant 112 : index
        %swap3A_969 = tpu.vector_load %arg11[%swap3A_967, %swap3A_968] {strides = array<i32>} : memref<128x128xf32, #tpu.memory_space<vmem>>, vector<1x16xf32>,
        %swap3A_970 = vector.shape_cast %swap3A_969 : vector<1x16xf32> to vector<16xf32>
        %swap3A_971 = vector.shape_cast %mul3A_966 : vector<16xf32> to vector<1x16xf32>
        tpu.vector_store %arg11[%swap3A_967, %swap3A_968], %swap3A_971 {strides = array<i32>} : memref<128x128xf32, #tpu.memory_space<vmem>>, vector<1x16xf32>,
        %slice3A_972 = vector.extract_strided_slice %get3A_785 {offsets = [2], sizes = [1], strides = [1]} : vector<16xf32> to vector<1xf32>
        %squeeze3A_973 = vector.extract %slice3A_972[0] : f32 from vector<1xf32>
        %mul3A_974 = arith.constant 16 : i32
        %mul3A_975 = arith.muli %scan3A_778, %mul3A_974 : i32
        %add3A_976 = arith.constant 2 : i32
        %add3A_977 = arith.addi %mul3A_975, %add3A_976 : i32
        %get3A_978 = arith.index_cast %add3A_977 : i32 to index
        %get3A_979 = arith.constant 0 : index
        %get3A_980 = tpu.vector_load %arg11[%get3A_978, %get3A_979] {strides = array<i32>} : memref<128x128xf32, #tpu.memory_space<vmem>>, vector<1x16xf32>,
        %get3A_981 = vector.shape_cast %get3A_980 : vector<1x16xf32> to vector<16xf32>
        %mul3A_982 = vector.broadcast %squeeze3A_973 : f32 to vector<16xf32>
        %mul3A_983 = arith.mulf %get3A_981, %mul3A_982 : vector<16xf32>
        %swap3A_984 = arith.index_cast %add3A_977 : i32 to index
        %swap3A_985 = arith.constant 0 : index
        %swap3A_986 = tpu.vector_load %arg11[%swap3A_984, %swap3A_985] {strides = array<i32>} : memref<128x128xf32, #tpu.memory_space<vmem>>, vector<1x16xf32>,
        %swap3A_987 = vector.shape_cast %swap3A_986 : vector<1x16xf32> to vector<16xf32>
        %swap3A_988 = vector.shape_cast %mul3A_983 : vector<16xf32> to vector<1x16xf32>
        tpu.vector_store %arg11[%swap3A_984, %swap3A_985], %swap3A_988 {strides = array<i32>} : memref<128x128xf32, #tpu.memory_space<vmem>>, vector<1x16xf32>,
        %get3A_989 = arith.index_cast %add3A_977 : i32 to index
        %get3A_990 = arith.constant 16 : index
        %get3A_991 = tpu.vector_load %arg11[%get3A_989, %get3A_990] {strides = array<i32>} : memref<128x128xf32, #tpu.memory_space<vmem>>, vector<1x16xf32>,
        %get3A_992 = vector.shape_cast %get3A_991 : vector<1x16xf32> to vector<16xf32>
        %mul3A_993 = vector.broadcast %squeeze3A_973 : f32 to vector<16xf32>
        %mul3A_994 = arith.mulf %get3A_992, %mul3A_993 : vector<16xf32>
        %swap3A_995 = arith.index_cast %add3A_977 : i32 to index
        %swap3A_996 = arith.constant 16 : index
        %swap3A_997 = tpu.vector_load %arg11[%swap3A_995, %swap3A_996] {strides = array<i32>} : memref<128x128xf32, #tpu.memory_space<vmem>>, vector<1x16xf32>,
        %swap3A_998 = vector.shape_cast %swap3A_997 : vector<1x16xf32> to vector<16xf32>
        %swap3A_999 = vector.shape_cast %mul3A_994 : vector<16xf32> to vector<1x16xf32>
        tpu.vector_store %arg11[%swap3A_995, %swap3A_996], %swap3A_999 {strides = array<i32>} : memref<128x128xf32, #tpu.memory_space<vmem>>, vector<1x16xf32>,
        %get3A_1000 = arith.index_cast %add3A_977 : i32 to index
        %get3A_1001 = arith.constant 32 : index
        %get3A_1002 = tpu.vector_load %arg11[%get3A_1000, %get3A_1001] {strides = array<i32>} : memref<128x128xf32, #tpu.memory_space<vmem>>, vector<1x16xf32>,
        %get3A_1003 = vector.shape_cast %get3A_1002 : vector<1x16xf32> to vector<16xf32>
        %mul3A_1004 = vector.broadcast %squeeze3A_973 : f32 to vector<16xf32>
        %mul3A_1005 = arith.mulf %get3A_1003, %mul3A_1004 : vector<16xf32>
        %swap3A_1006 = arith.index_cast %add3A_977 : i32 to index
        %swap3A_1007 = arith.constant 32 : index
        %swap3A_1008 = tpu.vector_load %arg11[%swap3A_1006, %swap3A_1007] {strides = array<i32>} : memref<128x128xf32, #tpu.memory_space<vmem>>, vector<1x16xf32>,
        %swap3A_1009 = vector.shape_cast %swap3A_1008 : vector<1x16xf32> to vector<16xf32>
        %swap3A_1010 = vector.shape_cast %mul3A_1005 : vector<16xf32> to vector<1x16xf32>
        tpu.vector_store %arg11[%swap3A_1006, %swap3A_1007], %swap3A_1010 {strides = array<i32>} : memref<128x128xf32, #tpu.memory_space<vmem>>, vector<1x16xf32>,
        %get3A_1011 = arith.index_cast %add3A_977 : i32 to index
        %get3A_1012 = arith.constant 48 : index
        %get3A_1013 = tpu.vector_load %arg11[%get3A_1011, %get3A_1012] {strides = array<i32>} : memref<128x128xf32, #tpu.memory_space<vmem>>, vector<1x16xf32>,
        %get3A_1014 = vector.shape_cast %get3A_1013 : vector<1x16xf32> to vector<16xf32>
        %mul3A_1015 = vector.broadcast %squeeze3A_973 : f32 to vector<16xf32>
        %mul3A_1016 = arith.mulf %get3A_1014, %mul3A_1015 : vector<16xf32>
        %swap3A_1017 = arith.index_cast %add3A_977 : i32 to index
        %swap3A_1018 = arith.constant 48 : index
        %swap3A_1019 = tpu.vector_load %arg11[%swap3A_1017, %swap3A_1018] {strides = array<i32>} : memref<128x128xf32, #tpu.memory_space<vmem>>, vector<1x16xf32>,
        %swap3A_1020 = vector.shape_cast %swap3A_1019 : vector<1x16xf32> to vector<16xf32>
        %swap3A_1021 = vector.shape_cast %mul3A_1016 : vector<16xf32> to vector<1x16xf32>
        tpu.vector_store %arg11[%swap3A_1017, %swap3A_1018], %swap3A_1021 {strides = array<i32>} : memref<128x128xf32, #tpu.memory_space<vmem>>, vector<1x16xf32>,
        %get3A_1022 = arith.index_cast %add3A_977 : i32 to index
        %get3A_1023 = arith.constant 64 : index
        %get3A_1024 = tpu.vector_load %arg11[%get3A_1022, %get3A_1023] {strides = array<i32>} : memref<128x128xf32, #tpu.memory_space<vmem>>, vector<1x16xf32>,
        %get3A_1025 = vector.shape_cast %get3A_1024 : vector<1x16xf32> to vector<16xf32>
        %mul3A_1026 = vector.broadcast %squeeze3A_973 : f32 to vector<16xf32>
        %mul3A_1027 = arith.mulf %get3A_1025, %mul3A_1026 : vector<16xf32>
        %swap3A_1028 = arith.index_cast %add3A_977 : i32 to index
        %swap3A_1029 = arith.constant 64 : index
        %swap3A_1030 = tpu.vector_load %arg11[%swap3A_1028, %swap3A_1029] {strides = array<i32>} : memref<128x128xf32, #tpu.memory_space<vmem>>, vector<1x16xf32>,
        %swap3A_1031 = vector.shape_cast %swap3A_1030 : vector<1x16xf32> to vector<16xf32>
        %swap3A_1032 = vector.shape_cast %mul3A_1027 : vector<16xf32> to vector<1x16xf32>
        tpu.vector_store %arg11[%swap3A_1028, %swap3A_1029], %swap3A_1032 {strides = array<i32>} : memref<128x128xf32, #tpu.memory_space<vmem>>, vector<1x16xf32>,
        %get3A_1033 = arith.index_cast %add3A_977 : i32 to index
        %get3A_1034 = arith.constant 80 : index
        %get3A_1035 = tpu.vector_load %arg11[%get3A_1033, %get3A_1034] {strides = array<i32>} : memref<128x128xf32, #tpu.memory_space<vmem>>, vector<1x16xf32>,
        %get3A_1036 = vector.shape_cast %get3A_1035 : vector<1x16xf32> to vector<16xf32>
        %mul3A_1037 = vector.broadcast %squeeze3A_973 : f32 to vector<16xf32>
        %mul3A_1038 = arith.mulf %get3A_1036, %mul3A_1037 : vector<16xf32>
        %swap3A_1039 = arith.index_cast %add3A_977 : i32 to index
        %swap3A_1040 = arith.constant 80 : index
        %swap3A_1041 = tpu.vector_load %arg11[%swap3A_1039, %swap3A_1040] {strides = array<i32>} : memref<128x128xf32, #tpu.memory_space<vmem>>, vector<1x16xf32>,
        %swap3A_1042 = vector.shape_cast %swap3A_1041 : vector<1x16xf32> to vector<16xf32>
        %swap3A_1043 = vector.shape_cast %mul3A_1038 : vector<16xf32> to vector<1x16xf32>
        tpu.vector_store %arg11[%swap3A_1039, %swap3A_1040], %swap3A_1043 {strides = array<i32>} : memref<128x128xf32, #tpu.memory_space<vmem>>, vector<1x16xf32>,
        %get3A_1044 = arith.index_cast %add3A_977 : i32 to index
        %get3A_1045 = arith.constant 96 : index
        %get3A_1046 = tpu.vector_load %arg11[%get3A_1044, %get3A_1045] {strides = array<i32>} : memref<128x128xf32, #tpu.memory_space<vmem>>, vector<1x16xf32>,
        %get3A_1047 = vector.shape_cast %get3A_1046 : vector<1x16xf32> to vector<16xf32>
        %mul3A_1048 = vector.broadcast %squeeze3A_973 : f32 to vector<16xf32>
        %mul3A_1049 = arith.mulf %get3A_1047, %mul3A_1048 : vector<16xf32>
        %swap3A_1050 = arith.index_cast %add3A_977 : i32 to index
        %swap3A_1051 = arith.constant 96 : index
        %swap3A_1052 = tpu.vector_load %arg11[%swap3A_1050, %swap3A_1051] {strides = array<i32>} : memref<128x128xf32, #tpu.memory_space<vmem>>, vector<1x16xf32>,
        %swap3A_1053 = vector.shape_cast %swap3A_1052 : vector<1x16xf32> to vector<16xf32>
        %swap3A_1054 = vector.shape_cast %mul3A_1049 : vector<16xf32> to vector<1x16xf32>
        tpu.vector_store %arg11[%swap3A_1050, %swap3A_1051], %swap3A_1054 {strides = array<i32>} : memref<128x128xf32, #tpu.memory_space<vmem>>, vector<1x16xf32>,
        %get3A_1055 = arith.index_cast %add3A_977 : i32 to index
        %get3A_1056 = arith.constant 112 : index
        %get3A_1057 = tpu.vector_load %arg11[%get3A_1055, %get3A_1056] {strides = array<i32>} : memref<128x128xf32, #tpu.memory_space<vmem>>, vector<1x16xf32>,
        %get3A_1058 = vector.shape_cast %get3A_1057 : vector<1x16xf32> to vector<16xf32>
        %mul3A_1059 = vector.broadcast %squeeze3A_973 : f32 to vector<16xf32>
        %mul3A_1060 = arith.mulf %get3A_1058, %mul3A_1059 : vector<16xf32>
        %swap3A_1061 = arith.index_cast %add3A_977 : i32 to index
        %swap3A_1062 = arith.constant 112 : index
        %swap3A_1063 = tpu.vector_load %arg11[%swap3A_1061, %swap3A_1062] {strides = array<i32>} : memref<128x128xf32, #tpu.memory_space<vmem>>, vector<1x16xf32>,
        %swap3A_1064 = vector.shape_cast %swap3A_1063 : vector<1x16xf32> to vector<16xf32>
        %swap3A_1065 = vector.shape_cast %mul3A_1060 : vector<16xf32> to vector<1x16xf32>
        tpu.vector_store %arg11[%swap3A_1061, %swap3A_1062], %swap3A_1065 {strides = array<i32>} : memref<128x128xf32, #tpu.memory_space<vmem>>, vector<1x16xf32>,
        %slice3A_1066 = vector.extract_strided_slice %get3A_785 {offsets = [3], sizes = [1], strides = [1]} : vector<16xf32> to vector<1xf32>
        %squeeze3A_1067 = vector.extract %slice3A_1066[0] : f32 from vector<1xf32>
        %mul3A_1068 = arith.constant 16 : i32
        %mul3A_1069 = arith.muli %scan3A_778, %mul3A_1068 : i32
        %add3A_1070 = arith.constant 3 : i32
        %add3A_1071 = arith.addi %mul3A_1069, %add3A_1070 : i32
        %get3A_1072 = arith.index_cast %add3A_1071 : i32 to index
        %get3A_1073 = arith.constant 0 : index
        %get3A_1074 = tpu.vector_load %arg11[%get3A_1072, %get3A_1073] {strides = array<i32>} : memref<128x128xf32, #tpu.memory_space<vmem>>, vector<1x16xf32>,
        %get3A_1075 = vector.shape_cast %get3A_1074 : vector<1x16xf32> to vector<16xf32>
        %mul3A_1076 = vector.broadcast %squeeze3A_1067 : f32 to vector<16xf32>
        %mul3A_1077 = arith.mulf %get3A_1075, %mul3A_1076 : vector<16xf32>
        %swap3A_1078 = arith.index_cast %add3A_1071 : i32 to index
        %swap3A_1079 = arith.constant 0 : index
        %swap3A_1080 = tpu.vector_load %arg11[%swap3A_1078, %swap3A_1079] {strides = array<i32>} : memref<128x128xf32, #tpu.memory_space<vmem>>, vector<1x16xf32>,
        %swap3A_1081 = vector.shape_cast %swap3A_1080 : vector<1x16xf32> to vector<16xf32>
        %swap3A_1082 = vector.shape_cast %mul3A_1077 : vector<16xf32> to vector<1x16xf32>
        tpu.vector_store %arg11[%swap3A_1078, %swap3A_1079], %swap3A_1082 {strides = array<i32>} : memref<128x128xf32, #tpu.memory_space<vmem>>, vector<1x16xf32>,
        %get3A_1083 = arith.index_cast %add3A_1071 : i32 to index
        %get3A_1084 = arith.constant 16 : index
        %get3A_1085 = tpu.vector_load %arg11[%get3A_1083, %get3A_1084] {strides = array<i32>} : memref<128x128xf32, #tpu.memory_space<vmem>>, vector<1x16xf32>,
        %get3A_1086 = vector.shape_cast %get3A_1085 : vector<1x16xf32> to vector<16xf32>
        %mul3A_1087 = vector.broadcast %squeeze3A_1067 : f32 to vector<16xf32>
        %mul3A_1088 = arith.mulf %get3A_1086, %mul3A_1087 : vector<16xf32>
        %swap3A_1089 = arith.index_cast %add3A_1071 : i32 to index
        %swap3A_1090 = arith.constant 16 : index
        %swap3A_1091 = tpu.vector_load %arg11[%swap3A_1089, %swap3A_1090] {strides = array<i32>} : memref<128x128xf32, #tpu.memory_space<vmem>>, vector<1x16xf32>,
        %swap3A_1092 = vector.shape_cast %swap3A_1091 : vector<1x16xf32> to vector<16xf32>
        %swap3A_1093 = vector.shape_cast %mul3A_1088 : vector<16xf32> to vector<1x16xf32>
        tpu.vector_store %arg11[%swap3A_1089, %swap3A_1090], %swap3A_1093 {strides = array<i32>} : memref<128x128xf32, #tpu.memory_space<vmem>>, vector<1x16xf32>,
        %get3A_1094 = arith.index_cast %add3A_1071 : i32 to index
        %get3A_1095 = arith.constant 32 : index
        %get3A_1096 = tpu.vector_load %arg11[%get3A_1094, %get3A_1095] {strides = array<i32>} : memref<128x128xf32, #tpu.memory_space<vmem>>, vector<1x16xf32>,
        %get3A_1097 = vector.shape_cast %get3A_1096 : vector<1x16xf32> to vector<16xf32>
        %mul3A_1098 = vector.broadcast %squeeze3A_1067 : f32 to vector<16xf32>
        %mul3A_1099 = arith.mulf %get3A_1097, %mul3A_1098 : vector<16xf32>
        %swap3A_1100 = arith.index_cast %add3A_1071 : i32 to index
        %swap3A_1101 = arith.constant 32 : index
        %swap3A_1102 = tpu.vector_load %arg11[%swap3A_1100, %swap3A_1101] {strides = array<i32>} : memref<128x128xf32, #tpu.memory_space<vmem>>, vector<1x16xf32>,
        %swap3A_1103 = vector.shape_cast %swap3A_1102 : vector<1x16xf32> to vector<16xf32>
        %swap3A_1104 = vector.shape_cast %mul3A_1099 : vector<16xf32> to vector<1x16xf32>
        tpu.vector_store %arg11[%swap3A_1100, %swap3A_1101], %swap3A_1104 {strides = array<i32>} : memref<128x128xf32, #tpu.memory_space<vmem>>, vector<1x16xf32>,
        %get3A_1105 = arith.index_cast %add3A_1071 : i32 to index
        %get3A_1106 = arith.constant 48 : index
        %get3A_1107 = tpu.vector_load %arg11[%get3A_1105, %get3A_1106] {strides = array<i32>} : memref<128x128xf32, #tpu.memory_space<vmem>>, vector<1x16xf32>,
        %get3A_1108 = vector.shape_cast %get3A_1107 : vector<1x16xf32> to vector<16xf32>
        %mul3A_1109 = vector.broadcast %squeeze3A_1067 : f32 to vector<16xf32>
        %mul3A_1110 = arith.mulf %get3A_1108, %mul3A_1109 : vector<16xf32>
        %swap3A_1111 = arith.index_cast %add3A_1071 : i32 to index
        %swap3A_1112 = arith.constant 48 : index
        %swap3A_1113 = tpu.vector_load %arg11[%swap3A_1111, %swap3A_1112] {strides = array<i32>} : memref<128x128xf32, #tpu.memory_space<vmem>>, vector<1x16xf32>,
        %swap3A_1114 = vector.shape_cast %swap3A_1113 : vector<1x16xf32> to vector<16xf32>
        %swap3A_1115 = vector.shape_cast %mul3A_1110 : vector<16xf32> to vector<1x16xf32>
        tpu.vector_store %arg11[%swap3A_1111, %swap3A_1112], %swap3A_1115 {strides = array<i32>} : memref<128x128xf32, #tpu.memory_space<vmem>>, vector<1x16xf32>,
        %get3A_1116 = arith.index_cast %add3A_1071 : i32 to index
        %get3A_1117 = arith.constant 64 : index
        %get3A_1118 = tpu.vector_load %arg11[%get3A_1116, %get3A_1117] {strides = array<i32>} : memref<128x128xf32, #tpu.memory_space<vmem>>, vector<1x16xf32>,
        %get3A_1119 = vector.shape_cast %get3A_1118 : vector<1x16xf32> to vector<16xf32>
        %mul3A_1120 = vector.broadcast %squeeze3A_1067 : f32 to vector<16xf32>
        %mul3A_1121 = arith.mulf %get3A_1119, %mul3A_1120 : vector<16xf32>
        %swap3A_1122 = arith.index_cast %add3A_1071 : i32 to index
        %swap3A_1123 = arith.constant 64 : index
        %swap3A_1124 = tpu.vector_load %arg11[%swap3A_1122, %swap3A_1123] {strides = array<i32>} : memref<128x128xf32, #tpu.memory_space<vmem>>, vector<1x16xf32>,
        %swap3A_1125 = vector.shape_cast %swap3A_1124 : vector<1x16xf32> to vector<16xf32>
        %swap3A_1126 = vector.shape_cast %mul3A_1121 : vector<16xf32> to vector<1x16xf32>
        tpu.vector_store %arg11[%swap3A_1122, %swap3A_1123], %swap3A_1126 {strides = array<i32>} : memref<128x128xf32, #tpu.memory_space<vmem>>, vector<1x16xf32>,
        %get3A_1127 = arith.index_cast %add3A_1071 : i32 to index
        %get3A_1128 = arith.constant 80 : index
        %get3A_1129 = tpu.vector_load %arg11[%get3A_1127, %get3A_1128] {strides = array<i32>} : memref<128x128xf32, #tpu.memory_space<vmem>>, vector<1x16xf32>,
        %get3A_1130 = vector.shape_cast %get3A_1129 : vector<1x16xf32> to vector<16xf32>
        %mul3A_1131 = vector.broadcast %squeeze3A_1067 : f32 to vector<16xf32>
        %mul3A_1132 = arith.mulf %get3A_1130, %mul3A_1131 : vector<16xf32>
        %swap3A_1133 = arith.index_cast %add3A_1071 : i32 to index
        %swap3A_1134 = arith.constant 80 : index
        %swap3A_1135 = tpu.vector_load %arg11[%swap3A_1133, %swap3A_1134] {strides = array<i32>} : memref<128x128xf32, #tpu.memory_space<vmem>>, vector<1x16xf32>,
        %swap3A_1136 = vector.shape_cast %swap3A_1135 : vector<1x16xf32> to vector<16xf32>
        %swap3A_1137 = vector.shape_cast %mul3A_1132 : vector<16xf32> to vector<1x16xf32>
        tpu.vector_store %arg11[%swap3A_1133, %swap3A_1134], %swap3A_1137 {strides = array<i32>} : memref<128x128xf32, #tpu.memory_space<vmem>>, vector<1x16xf32>,
        %get3A_1138 = arith.index_cast %add3A_1071 : i32 to index
        %get3A_1139 = arith.constant 96 : index
        %get3A_1140 = tpu.vector_load %arg11[%get3A_1138, %get3A_1139] {strides = array<i32>} : memref<128x128xf32, #tpu.memory_space<vmem>>, vector<1x16xf32>,
        %get3A_1141 = vector.shape_cast %get3A_1140 : vector<1x16xf32> to vector<16xf32>
        %mul3A_1142 = vector.broadcast %squeeze3A_1067 : f32 to vector<16xf32>
        %mul3A_1143 = arith.mulf %get3A_1141, %mul3A_1142 : vector<16xf32>
        %swap3A_1144 = arith.index_cast %add3A_1071 : i32 to index
        %swap3A_1145 = arith.constant 96 : index
        %swap3A_1146 = tpu.vector_load %arg11[%swap3A_1144, %swap3A_1145] {strides = array<i32>} : memref<128x128xf32, #tpu.memory_space<vmem>>, vector<1x16xf32>,
        %swap3A_1147 = vector.shape_cast %swap3A_1146 : vector<1x16xf32> to vector<16xf32>
        %swap3A_1148 = vector.shape_cast %mul3A_1143 : vector<16xf32> to vector<1x16xf32>
        tpu.vector_store %arg11[%swap3A_1144, %swap3A_1145], %swap3A_1148 {strides = array<i32>} : memref<128x128xf32, #tpu.memory_space<vmem>>, vector<1x16xf32>,
        %get3A_1149 = arith.index_cast %add3A_1071 : i32 to index
        %get3A_1150 = arith.constant 112 : index
        %get3A_1151 = tpu.vector_load %arg11[%get3A_1149, %get3A_1150] {strides = array<i32>} : memref<128x128xf32, #tpu.memory_space<vmem>>, vector<1x16xf32>,
        %get3A_1152 = vector.shape_cast %get3A_1151 : vector<1x16xf32> to vector<16xf32>
        %mul3A_1153 = vector.broadcast %squeeze3A_1067 : f32 to vector<16xf32>
        %mul3A_1154 = arith.mulf %get3A_1152, %mul3A_1153 : vector<16xf32>
        %swap3A_1155 = arith.index_cast %add3A_1071 : i32 to index
        %swap3A_1156 = arith.constant 112 : index
        %swap3A_1157 = tpu.vector_load %arg11[%swap3A_1155, %swap3A_1156] {strides = array<i32>} : memref<128x128xf32, #tpu.memory_space<vmem>>, vector<1x16xf32>,
        %swap3A_1158 = vector.shape_cast %swap3A_1157 : vector<1x16xf32> to vector<16xf32>
        %swap3A_1159 = vector.shape_cast %mul3A_1154 : vector<16xf32> to vector<1x16xf32>
        tpu.vector_store %arg11[%swap3A_1155, %swap3A_1156], %swap3A_1159 {strides = array<i32>} : memref<128x128xf32, #tpu.memory_space<vmem>>, vector<1x16xf32>,
        %slice3A_1160 = vector.extract_strided_slice %get3A_785 {offsets = [4], sizes = [1], strides = [1]} : vector<16xf32> to vector<1xf32>
        %squeeze3A_1161 = vector.extract %slice3A_1160[0] : f32 from vector<1xf32>
        %mul3A_1162 = arith.constant 16 : i32
        %mul3A_1163 = arith.muli %scan3A_778, %mul3A_1162 : i32
        %add3A_1164 = arith.constant 4 : i32
        %add3A_1165 = arith.addi %mul3A_1163, %add3A_1164 : i32
        %get3A_1166 = arith.index_cast %add3A_1165 : i32 to index
        %get3A_1167 = arith.constant 0 : index
        %get3A_1168 = tpu.vector_load %arg11[%get3A_1166, %get3A_1167] {strides = array<i32>} : memref<128x128xf32, #tpu.memory_space<vmem>>, vector<1x16xf32>,
        %get3A_1169 = vector.shape_cast %get3A_1168 : vector<1x16xf32> to vector<16xf32>
        %mul3A_1170 = vector.broadcast %squeeze3A_1161 : f32 to vector<16xf32>
        %mul3A_1171 = arith.mulf %get3A_1169, %mul3A_1170 : vector<16xf32>
        %swap3A_1172 = arith.index_cast %add3A_1165 : i32 to index
        %swap3A_1173 = arith.constant 0 : index
        %swap3A_1174 = tpu.vector_load %arg11[%swap3A_1172, %swap3A_1173] {strides = array<i32>} : memref<128x128xf32, #tpu.memory_space<vmem>>, vector<1x16xf32>,
        %swap3A_1175 = vector.shape_cast %swap3A_1174 : vector<1x16xf32> to vector<16xf32>
        %swap3A_1176 = vector.shape_cast %mul3A_1171 : vector<16xf32> to vector<1x16xf32>
        tpu.vector_store %arg11[%swap3A_1172, %swap3A_1173], %swap3A_1176 {strides = array<i32>} : memref<128x128xf32, #tpu.memory_space<vmem>>, vector<1x16xf32>,
        %get3A_1177 = arith.index_cast %add3A_1165 : i32 to index
        %get3A_1178 = arith.constant 16 : index
        %get3A_1179 = tpu.vector_load %arg11[%get3A_1177, %get3A_1178] {strides = array<i32>} : memref<128x128xf32, #tpu.memory_space<vmem>>, vector<1x16xf32>,
        %get3A_1180 = vector.shape_cast %get3A_1179 : vector<1x16xf32> to vector<16xf32>
        %mul3A_1181 = vector.broadcast %squeeze3A_1161 : f32 to vector<16xf32>
        %mul3A_1182 = arith.mulf %get3A_1180, %mul3A_1181 : vector<16xf32>
        %swap3A_1183 = arith.index_cast %add3A_1165 : i32 to index
        %swap3A_1184 = arith.constant 16 : index
        %swap3A_1185 = tpu.vector_load %arg11[%swap3A_1183, %swap3A_1184] {strides = array<i32>} : memref<128x128xf32, #tpu.memory_space<vmem>>, vector<1x16xf32>,
        %swap3A_1186 = vector.shape_cast %swap3A_1185 : vector<1x16xf32> to vector<16xf32>
        %swap3A_1187 = vector.shape_cast %mul3A_1182 : vector<16xf32> to vector<1x16xf32>
        tpu.vector_store %arg11[%swap3A_1183, %swap3A_1184], %swap3A_1187 {strides = array<i32>} : memref<128x128xf32, #tpu.memory_space<vmem>>, vector<1x16xf32>,
        %get3A_1188 = arith.index_cast %add3A_1165 : i32 to index
        %get3A_1189 = arith.constant 32 : index
        %get3A_1190 = tpu.vector_load %arg11[%get3A_1188, %get3A_1189] {strides = array<i32>} : memref<128x128xf32, #tpu.memory_space<vmem>>, vector<1x16xf32>,
        %get3A_1191 = vector.shape_cast %get3A_1190 : vector<1x16xf32> to vector<16xf32>
        %mul3A_1192 = vector.broadcast %squeeze3A_1161 : f32 to vector<16xf32>
        %mul3A_1193 = arith.mulf %get3A_1191, %mul3A_1192 : vector<16xf32>
        %swap3A_1194 = arith.index_cast %add3A_1165 : i32 to index
        %swap3A_1195 = arith.constant 32 : index
        %swap3A_1196 = tpu.vector_load %arg11[%swap3A_1194, %swap3A_1195] {strides = array<i32>} : memref<128x128xf32, #tpu.memory_space<vmem>>, vector<1x16xf32>,
        %swap3A_1197 = vector.shape_cast %swap3A_1196 : vector<1x16xf32> to vector<16xf32>
        %swap3A_1198 = vector.shape_cast %mul3A_1193 : vector<16xf32> to vector<1x16xf32>
        tpu.vector_store %arg11[%swap3A_1194, %swap3A_1195], %swap3A_1198 {strides = array<i32>} : memref<128x128xf32, #tpu.memory_space<vmem>>, vector<1x16xf32>,
        %get3A_1199 = arith.index_cast %add3A_1165 : i32 to index
        %get3A_1200 = arith.constant 48 : index
        %get3A_1201 = tpu.vector_load %arg11[%get3A_1199, %get3A_1200] {strides = array<i32>} : memref<128x128xf32, #tpu.memory_space<vmem>>, vector<1x16xf32>,
        %get3A_1202 = vector.shape_cast %get3A_1201 : vector<1x16xf32> to vector<16xf32>
        %mul3A_1203 = vector.broadcast %squeeze3A_1161 : f32 to vector<16xf32>
        %mul3A_1204 = arith.mulf %get3A_1202, %mul3A_1203 : vector<16xf32>
        %swap3A_1205 = arith.index_cast %add3A_1165 : i32 to index
        %swap3A_1206 = arith.constant 48 : index
        %swap3A_1207 = tpu.vector_load %arg11[%swap3A_1205, %swap3A_1206] {strides = array<i32>} : memref<128x128xf32, #tpu.memory_space<vmem>>, vector<1x16xf32>,
        %swap3A_1208 = vector.shape_cast %swap3A_1207 : vector<1x16xf32> to vector<16xf32>
        %swap3A_1209 = vector.shape_cast %mul3A_1204 : vector<16xf32> to vector<1x16xf32>
        tpu.vector_store %arg11[%swap3A_1205, %swap3A_1206], %swap3A_1209 {strides = array<i32>} : memref<128x128xf32, #tpu.memory_space<vmem>>, vector<1x16xf32>,
        %get3A_1210 = arith.index_cast %add3A_1165 : i32 to index
        %get3A_1211 = arith.constant 64 : index
        %get3A_1212 = tpu.vector_load %arg11[%get3A_1210, %get3A_1211] {strides = array<i32>} : memref<128x128xf32, #tpu.memory_space<vmem>>, vector<1x16xf32>,
        %get3A_1213 = vector.shape_cast %get3A_1212 : vector<1x16xf32> to vector<16xf32>
        %mul3A_1214 = vector.broadcast %squeeze3A_1161 : f32 to vector<16xf32>
        %mul3A_1215 = arith.mulf %get3A_1213, %mul3A_1214 : vector<16xf32>
        %swap3A_1216 = arith.index_cast %add3A_1165 : i32 to index
        %swap3A_1217 = arith.constant 64 : index
        %swap3A_1218 = tpu.vector_load %arg11[%swap3A_1216, %swap3A_1217] {strides = array<i32>} : memref<128x128xf32, #tpu.memory_space<vmem>>, vector<1x16xf32>,
        %swap3A_1219 = vector.shape_cast %swap3A_1218 : vector<1x16xf32> to vector<16xf32>
        %swap3A_1220 = vector.shape_cast %mul3A_1215 : vector<16xf32> to vector<1x16xf32>
        tpu.vector_store %arg11[%swap3A_1216, %swap3A_1217], %swap3A_1220 {strides = array<i32>} : memref<128x128xf32, #tpu.memory_space<vmem>>, vector<1x16xf32>,
        %get3A_1221 = arith.index_cast %add3A_1165 : i32 to index
        %get3A_1222 = arith.constant 80 : index
        %get3A_1223 = tpu.vector_load %arg11[%get3A_1221, %get3A_1222] {strides = array<i32>} : memref<128x128xf32, #tpu.memory_space<vmem>>, vector<1x16xf32>,
        %get3A_1224 = vector.shape_cast %get3A_1223 : vector<1x16xf32> to vector<16xf32>
        %mul3A_1225 = vector.broadcast %squeeze3A_1161 : f32 to vector<16xf32>
        %mul3A_1226 = arith.mulf %get3A_1224, %mul3A_1225 : vector<16xf32>
        %swap3A_1227 = arith.index_cast %add3A_1165 : i32 to index
        %swap3A_1228 = arith.constant 80 : index
        %swap3A_1229 = tpu.vector_load %arg11[%swap3A_1227, %swap3A_1228] {strides = array<i32>} : memref<128x128xf32, #tpu.memory_space<vmem>>, vector<1x16xf32>,
        %swap3A_1230 = vector.shape_cast %swap3A_1229 : vector<1x16xf32> to vector<16xf32>
        %swap3A_1231 = vector.shape_cast %mul3A_1226 : vector<16xf32> to vector<1x16xf32>
        tpu.vector_store %arg11[%swap3A_1227, %swap3A_1228], %swap3A_1231 {strides = array<i32>} : memref<128x128xf32, #tpu.memory_space<vmem>>, vector<1x16xf32>,
        %get3A_1232 = arith.index_cast %add3A_1165 : i32 to index
        %get3A_1233 = arith.constant 96 : index
        %get3A_1234 = tpu.vector_load %arg11[%get3A_1232, %get3A_1233] {strides = array<i32>} : memref<128x128xf32, #tpu.memory_space<vmem>>, vector<1x16xf32>,
        %get3A_1235 = vector.shape_cast %get3A_1234 : vector<1x16xf32> to vector<16xf32>
        %mul3A_1236 = vector.broadcast %squeeze3A_1161 : f32 to vector<16xf32>
        %mul3A_1237 = arith.mulf %get3A_1235, %mul3A_1236 : vector<16xf32>
        %swap3A_1238 = arith.index_cast %add3A_1165 : i32 to index
        %swap3A_1239 = arith.constant 96 : index
        %swap3A_1240 = tpu.vector_load %arg11[%swap3A_1238, %swap3A_1239] {strides = array<i32>} : memref<128x128xf32, #tpu.memory_space<vmem>>, vector<1x16xf32>,
        %swap3A_1241 = vector.shape_cast %swap3A_1240 : vector<1x16xf32> to vector<16xf32>
        %swap3A_1242 = vector.shape_cast %mul3A_1237 : vector<16xf32> to vector<1x16xf32>
        tpu.vector_store %arg11[%swap3A_1238, %swap3A_1239], %swap3A_1242 {strides = array<i32>} : memref<128x128xf32, #tpu.memory_space<vmem>>, vector<1x16xf32>,
        %get3A_1243 = arith.index_cast %add3A_1165 : i32 to index
        %get3A_1244 = arith.constant 112 : index
        %get3A_1245 = tpu.vector_load %arg11[%get3A_1243, %get3A_1244] {strides = array<i32>} : memref<128x128xf32, #tpu.memory_space<vmem>>, vector<1x16xf32>,
        %get3A_1246 = vector.shape_cast %get3A_1245 : vector<1x16xf32> to vector<16xf32>
        %mul3A_1247 = vector.broadcast %squeeze3A_1161 : f32 to vector<16xf32>
        %mul3A_1248 = arith.mulf %get3A_1246, %mul3A_1247 : vector<16xf32>
        %swap3A_1249 = arith.index_cast %add3A_1165 : i32 to index
        %swap3A_1250 = arith.constant 112 : index
        %swap3A_1251 = tpu.vector_load %arg11[%swap3A_1249, %swap3A_1250] {strides = array<i32>} : memref<128x128xf32, #tpu.memory_space<vmem>>, vector<1x16xf32>,
        %swap3A_1252 = vector.shape_cast %swap3A_1251 : vector<1x16xf32> to vector<16xf32>
        %swap3A_1253 = vector.shape_cast %mul3A_1248 : vector<16xf32> to vector<1x16xf32>
        tpu.vector_store %arg11[%swap3A_1249, %swap3A_1250], %swap3A_1253 {strides = array<i32>} : memref<128x128xf32, #tpu.memory_space<vmem>>, vector<1x16xf32>,
        %slice3A_1254 = vector.extract_strided_slice %get3A_785 {offsets = [5], sizes = [1], strides = [1]} : vector<16xf32> to vector<1xf32>
        %squeeze3A_1255 = vector.extract %slice3A_1254[0] : f32 from vector<1xf32>
        %mul3A_1256 = arith.constant 16 : i32
        %mul3A_1257 = arith.muli %scan3A_778, %mul3A_1256 : i32
        %add3A_1258 = arith.constant 5 : i32
        %add3A_1259 = arith.addi %mul3A_1257, %add3A_1258 : i32
        %get3A_1260 = arith.index_cast %add3A_1259 : i32 to index
        %get3A_1261 = arith.constant 0 : index
        %get3A_1262 = tpu.vector_load %arg11[%get3A_1260, %get3A_1261] {strides = array<i32>} : memref<128x128xf32, #tpu.memory_space<vmem>>, vector<1x16xf32>,
        %get3A_1263 = vector.shape_cast %get3A_1262 : vector<1x16xf32> to vector<16xf32>
        %mul3A_1264 = vector.broadcast %squeeze3A_1255 : f32 to vector<16xf32>
        %mul3A_1265 = arith.mulf %get3A_1263, %mul3A_1264 : vector<16xf32>
        %swap3A_1266 = arith.index_cast %add3A_1259 : i32 to index
        %swap3A_1267 = arith.constant 0 : index
        %swap3A_1268 = tpu.vector_load %arg11[%swap3A_1266, %swap3A_1267] {strides = array<i32>} : memref<128x128xf32, #tpu.memory_space<vmem>>, vector<1x16xf32>,
        %swap3A_1269 = vector.shape_cast %swap3A_1268 : vector<1x16xf32> to vector<16xf32>
        %swap3A_1270 = vector.shape_cast %mul3A_1265 : vector<16xf32> to vector<1x16xf32>
        tpu.vector_store %arg11[%swap3A_1266, %swap3A_1267], %swap3A_1270 {strides = array<i32>} : memref<128x128xf32, #tpu.memory_space<vmem>>, vector<1x16xf32>,
        %get3A_1271 = arith.index_cast %add3A_1259 : i32 to index
        %get3A_1272 = arith.constant 16 : index
        %get3A_1273 = tpu.vector_load %arg11[%get3A_1271, %get3A_1272] {strides = array<i32>} : memref<128x128xf32, #tpu.memory_space<vmem>>, vector<1x16xf32>,
        %get3A_1274 = vector.shape_cast %get3A_1273 : vector<1x16xf32> to vector<16xf32>
        %mul3A_1275 = vector.broadcast %squeeze3A_1255 : f32 to vector<16xf32>
        %mul3A_1276 = arith.mulf %get3A_1274, %mul3A_1275 : vector<16xf32>
        %swap3A_1277 = arith.index_cast %add3A_1259 : i32 to index
        %swap3A_1278 = arith.constant 16 : index
        %swap3A_1279 = tpu.vector_load %arg11[%swap3A_1277, %swap3A_1278] {strides = array<i32>} : memref<128x128xf32, #tpu.memory_space<vmem>>, vector<1x16xf32>,
        %swap3A_1280 = vector.shape_cast %swap3A_1279 : vector<1x16xf32> to vector<16xf32>
        %swap3A_1281 = vector.shape_cast %mul3A_1276 : vector<16xf32> to vector<1x16xf32>
        tpu.vector_store %arg11[%swap3A_1277, %swap3A_1278], %swap3A_1281 {strides = array<i32>} : memref<128x128xf32, #tpu.memory_space<vmem>>, vector<1x16xf32>,
        %get3A_1282 = arith.index_cast %add3A_1259 : i32 to index
        %get3A_1283 = arith.constant 32 : index
        %get3A_1284 = tpu.vector_load %arg11[%get3A_1282, %get3A_1283] {strides = array<i32>} : memref<128x128xf32, #tpu.memory_space<vmem>>, vector<1x16xf32>,
        %get3A_1285 = vector.shape_cast %get3A_1284 : vector<1x16xf32> to vector<16xf32>
        %mul3A_1286 = vector.broadcast %squeeze3A_1255 : f32 to vector<16xf32>
        %mul3A_1287 = arith.mulf %get3A_1285, %mul3A_1286 : vector<16xf32>
        %swap3A_1288 = arith.index_cast %add3A_1259 : i32 to index
        %swap3A_1289 = arith.constant 32 : index
        %swap3A_1290 = tpu.vector_load %arg11[%swap3A_1288, %swap3A_1289] {strides = array<i32>} : memref<128x128xf32, #tpu.memory_space<vmem>>, vector<1x16xf32>,
        %swap3A_1291 = vector.shape_cast %swap3A_1290 : vector<1x16xf32> to vector<16xf32>
        %swap3A_1292 = vector.shape_cast %mul3A_1287 : vector<16xf32> to vector<1x16xf32>
        tpu.vector_store %arg11[%swap3A_1288, %swap3A_1289], %swap3A_1292 {strides = array<i32>} : memref<128x128xf32, #tpu.memory_space<vmem>>, vector<1x16xf32>,
        %get3A_1293 = arith.index_cast %add3A_1259 : i32 to index
        %get3A_1294 = arith.constant 48 : index
        %get3A_1295 = tpu.vector_load %arg11[%get3A_1293, %get3A_1294] {strides = array<i32>} : memref<128x128xf32, #tpu.memory_space<vmem>>, vector<1x16xf32>,
        %get3A_1296 = vector.shape_cast %get3A_1295 : vector<1x16xf32> to vector<16xf32>
        %mul3A_1297 = vector.broadcast %squeeze3A_1255 : f32 to vector<16xf32>
        %mul3A_1298 = arith.mulf %get3A_1296, %mul3A_1297 : vector<16xf32>
        %swap3A_1299 = arith.index_cast %add3A_1259 : i32 to index
        %swap3A_1300 = arith.constant 48 : index
        %swap3A_1301 = tpu.vector_load %arg11[%swap3A_1299, %swap3A_1300] {strides = array<i32>} : memref<128x128xf32, #tpu.memory_space<vmem>>, vector<1x16xf32>,
        %swap3A_1302 = vector.shape_cast %swap3A_1301 : vector<1x16xf32> to vector<16xf32>
        %swap3A_1303 = vector.shape_cast %mul3A_1298 : vector<16xf32> to vector<1x16xf32>
        tpu.vector_store %arg11[%swap3A_1299, %swap3A_1300], %swap3A_1303 {strides = array<i32>} : memref<128x128xf32, #tpu.memory_space<vmem>>, vector<1x16xf32>,
        %get3A_1304 = arith.index_cast %add3A_1259 : i32 to index
        %get3A_1305 = arith.constant 64 : index
        %get3A_1306 = tpu.vector_load %arg11[%get3A_1304, %get3A_1305] {strides = array<i32>} : memref<128x128xf32, #tpu.memory_space<vmem>>, vector<1x16xf32>,
        %get3A_1307 = vector.shape_cast %get3A_1306 : vector<1x16xf32> to vector<16xf32>
        %mul3A_1308 = vector.broadcast %squeeze3A_1255 : f32 to vector<16xf32>
        %mul3A_1309 = arith.mulf %get3A_1307, %mul3A_1308 : vector<16xf32>
        %swap3A_1310 = arith.index_cast %add3A_1259 : i32 to index
        %swap3A_1311 = arith.constant 64 : index
        %swap3A_1312 = tpu.vector_load %arg11[%swap3A_1310, %swap3A_1311] {strides = array<i32>} : memref<128x128xf32, #tpu.memory_space<vmem>>, vector<1x16xf32>,
        %swap3A_1313 = vector.shape_cast %swap3A_1312 : vector<1x16xf32> to vector<16xf32>
        %swap3A_1314 = vector.shape_cast %mul3A_1309 : vector<16xf32> to vector<1x16xf32>
        tpu.vector_store %arg11[%swap3A_1310, %swap3A_1311], %swap3A_1314 {strides = array<i32>} : memref<128x128xf32, #tpu.memory_space<vmem>>, vector<1x16xf32>,
        %get3A_1315 = arith.index_cast %add3A_1259 : i32 to index
        %get3A_1316 = arith.constant 80 : index
        %get3A_1317 = tpu.vector_load %arg11[%get3A_1315, %get3A_1316] {strides = array<i32>} : memref<128x128xf32, #tpu.memory_space<vmem>>, vector<1x16xf32>,
        %get3A_1318 = vector.shape_cast %get3A_1317 : vector<1x16xf32> to vector<16xf32>
        %mul3A_1319 = vector.broadcast %squeeze3A_1255 : f32 to vector<16xf32>
        %mul3A_1320 = arith.mulf %get3A_1318, %mul3A_1319 : vector<16xf32>
        %swap3A_1321 = arith.index_cast %add3A_1259 : i32 to index
        %swap3A_1322 = arith.constant 80 : index
        %swap3A_1323 = tpu.vector_load %arg11[%swap3A_1321, %swap3A_1322] {strides = array<i32>} : memref<128x128xf32, #tpu.memory_space<vmem>>, vector<1x16xf32>,
        %swap3A_1324 = vector.shape_cast %swap3A_1323 : vector<1x16xf32> to vector<16xf32>
        %swap3A_1325 = vector.shape_cast %mul3A_1320 : vector<16xf32> to vector<1x16xf32>
        tpu.vector_store %arg11[%swap3A_1321, %swap3A_1322], %swap3A_1325 {strides = array<i32>} : memref<128x128xf32, #tpu.memory_space<vmem>>, vector<1x16xf32>,
        %get3A_1326 = arith.index_cast %add3A_1259 : i32 to index
        %get3A_1327 = arith.constant 96 : index
        %get3A_1328 = tpu.vector_load %arg11[%get3A_1326, %get3A_1327] {strides = array<i32>} : memref<128x128xf32, #tpu.memory_space<vmem>>, vector<1x16xf32>,
        %get3A_1329 = vector.shape_cast %get3A_1328 : vector<1x16xf32> to vector<16xf32>
        %mul3A_1330 = vector.broadcast %squeeze3A_1255 : f32 to vector<16xf32>
        %mul3A_1331 = arith.mulf %get3A_1329, %mul3A_1330 : vector<16xf32>
        %swap3A_1332 = arith.index_cast %add3A_1259 : i32 to index
        %swap3A_1333 = arith.constant 96 : index
        %swap3A_1334 = tpu.vector_load %arg11[%swap3A_1332, %swap3A_1333] {strides = array<i32>} : memref<128x128xf32, #tpu.memory_space<vmem>>, vector<1x16xf32>,
        %swap3A_1335 = vector.shape_cast %swap3A_1334 : vector<1x16xf32> to vector<16xf32>
        %swap3A_1336 = vector.shape_cast %mul3A_1331 : vector<16xf32> to vector<1x16xf32>
        tpu.vector_store %arg11[%swap3A_1332, %swap3A_1333], %swap3A_1336 {strides = array<i32>} : memref<128x128xf32, #tpu.memory_space<vmem>>, vector<1x16xf32>,
        %get3A_1337 = arith.index_cast %add3A_1259 : i32 to index
        %get3A_1338 = arith.constant 112 : index
        %get3A_1339 = tpu.vector_load %arg11[%get3A_1337, %get3A_1338] {strides = array<i32>} : memref<128x128xf32, #tpu.memory_space<vmem>>, vector<1x16xf32>,
        %get3A_1340 = vector.shape_cast %get3A_1339 : vector<1x16xf32> to vector<16xf32>
        %mul3A_1341 = vector.broadcast %squeeze3A_1255 : f32 to vector<16xf32>
        %mul3A_1342 = arith.mulf %get3A_1340, %mul3A_1341 : vector<16xf32>
        %swap3A_1343 = arith.index_cast %add3A_1259 : i32 to index
        %swap3A_1344 = arith.constant 112 : index
        %swap3A_1345 = tpu.vector_load %arg11[%swap3A_1343, %swap3A_1344] {strides = array<i32>} : memref<128x128xf32, #tpu.memory_space<vmem>>, vector<1x16xf32>,
        %swap3A_1346 = vector.shape_cast %swap3A_1345 : vector<1x16xf32> to vector<16xf32>
        %swap3A_1347 = vector.shape_cast %mul3A_1342 : vector<16xf32> to vector<1x16xf32>
        tpu.vector_store %arg11[%swap3A_1343, %swap3A_1344], %swap3A_1347 {strides = array<i32>} : memref<128x128xf32, #tpu.memory_space<vmem>>, vector<1x16xf32>,
        %slice3A_1348 = vector.extract_strided_slice %get3A_785 {offsets = [6], sizes = [1], strides = [1]} : vector<16xf32> to vector<1xf32>
        %squeeze3A_1349 = vector.extract %slice3A_1348[0] : f32 from vector<1xf32>
        %mul3A_1350 = arith.constant 16 : i32
        %mul3A_1351 = arith.muli %scan3A_778, %mul3A_1350 : i32
        %add3A_1352 = arith.constant 6 : i32
        %add3A_1353 = arith.addi %mul3A_1351, %add3A_1352 : i32
        %get3A_1354 = arith.index_cast %add3A_1353 : i32 to index
        %get3A_1355 = arith.constant 0 : index
        %get3A_1356 = tpu.vector_load %arg11[%get3A_1354, %get3A_1355] {strides = array<i32>} : memref<128x128xf32, #tpu.memory_space<vmem>>, vector<1x16xf32>,
        %get3A_1357 = vector.shape_cast %get3A_1356 : vector<1x16xf32> to vector<16xf32>
        %mul3A_1358 = vector.broadcast %squeeze3A_1349 : f32 to vector<16xf32>
        %mul3A_1359 = arith.mulf %get3A_1357, %mul3A_1358 : vector<16xf32>
        %swap3A_1360 = arith.index_cast %add3A_1353 : i32 to index
        %swap3A_1361 = arith.constant 0 : index
        %swap3A_1362 = tpu.vector_load %arg11[%swap3A_1360, %swap3A_1361] {strides = array<i32>} : memref<128x128xf32, #tpu.memory_space<vmem>>, vector<1x16xf32>,
        %swap3A_1363 = vector.shape_cast %swap3A_1362 : vector<1x16xf32> to vector<16xf32>
        %swap3A_1364 = vector.shape_cast %mul3A_1359 : vector<16xf32> to vector<1x16xf32>
        tpu.vector_store %arg11[%swap3A_1360, %swap3A_1361], %swap3A_1364 {strides = array<i32>} : memref<128x128xf32, #tpu.memory_space<vmem>>, vector<1x16xf32>,
        %get3A_1365 = arith.index_cast %add3A_1353 : i32 to index
        %get3A_1366 = arith.constant 16 : index
        %get3A_1367 = tpu.vector_load %arg11[%get3A_1365, %get3A_1366] {strides = array<i32>} : memref<128x128xf32, #tpu.memory_space<vmem>>, vector<1x16xf32>,
        %get3A_1368 = vector.shape_cast %get3A_1367 : vector<1x16xf32> to vector<16xf32>
        %mul3A_1369 = vector.broadcast %squeeze3A_1349 : f32 to vector<16xf32>
        %mul3A_1370 = arith.mulf %get3A_1368, %mul3A_1369 : vector<16xf32>
        %swap3A_1371 = arith.index_cast %add3A_1353 : i32 to index
        %swap3A_1372 = arith.constant 16 : index
        %swap3A_1373 = tpu.vector_load %arg11[%swap3A_1371, %swap3A_1372] {strides = array<i32>} : memref<128x128xf32, #tpu.memory_space<vmem>>, vector<1x16xf32>,
        %swap3A_1374 = vector.shape_cast %swap3A_1373 : vector<1x16xf32> to vector<16xf32>
        %swap3A_1375 = vector.shape_cast %mul3A_1370 : vector<16xf32> to vector<1x16xf32>
        tpu.vector_store %arg11[%swap3A_1371, %swap3A_1372], %swap3A_1375 {strides = array<i32>} : memref<128x128xf32, #tpu.memory_space<vmem>>, vector<1x16xf32>,
        %get3A_1376 = arith.index_cast %add3A_1353 : i32 to index
        %get3A_1377 = arith.constant 32 : index
        %get3A_1378 = tpu.vector_load %arg11[%get3A_1376, %get3A_1377] {strides = array<i32>} : memref<128x128xf32, #tpu.memory_space<vmem>>, vector<1x16xf32>,
        %get3A_1379 = vector.shape_cast %get3A_1378 : vector<1x16xf32> to vector<16xf32>
        %mul3A_1380 = vector.broadcast %squeeze3A_1349 : f32 to vector<16xf32>
        %mul3A_1381 = arith.mulf %get3A_1379, %mul3A_1380 : vector<16xf32>
        %swap3A_1382 = arith.index_cast %add3A_1353 : i32 to index
        %swap3A_1383 = arith.constant 32 : index
        %swap3A_1384 = tpu.vector_load %arg11[%swap3A_1382, %swap3A_1383] {strides = array<i32>} : memref<128x128xf32, #tpu.memory_space<vmem>>, vector<1x16xf32>,
        %swap3A_1385 = vector.shape_cast %swap3A_1384 : vector<1x16xf32> to vector<16xf32>
        %swap3A_1386 = vector.shape_cast %mul3A_1381 : vector<16xf32> to vector<1x16xf32>
        tpu.vector_store %arg11[%swap3A_1382, %swap3A_1383], %swap3A_1386 {strides = array<i32>} : memref<128x128xf32, #tpu.memory_space<vmem>>, vector<1x16xf32>,
        %get3A_1387 = arith.index_cast %add3A_1353 : i32 to index
        %get3A_1388 = arith.constant 48 : index
        %get3A_1389 = tpu.vector_load %arg11[%get3A_1387, %get3A_1388] {strides = array<i32>} : memref<128x128xf32, #tpu.memory_space<vmem>>, vector<1x16xf32>,
        %get3A_1390 = vector.shape_cast %get3A_1389 : vector<1x16xf32> to vector<16xf32>
        %mul3A_1391 = vector.broadcast %squeeze3A_1349 : f32 to vector<16xf32>
        %mul3A_1392 = arith.mulf %get3A_1390, %mul3A_1391 : vector<16xf32>
        %swap3A_1393 = arith.index_cast %add3A_1353 : i32 to index
        %swap3A_1394 = arith.constant 48 : index
        %swap3A_1395 = tpu.vector_load %arg11[%swap3A_1393, %swap3A_1394] {strides = array<i32>} : memref<128x128xf32, #tpu.memory_space<vmem>>, vector<1x16xf32>,
        %swap3A_1396 = vector.shape_cast %swap3A_1395 : vector<1x16xf32> to vector<16xf32>
        %swap3A_1397 = vector.shape_cast %mul3A_1392 : vector<16xf32> to vector<1x16xf32>
        tpu.vector_store %arg11[%swap3A_1393, %swap3A_1394], %swap3A_1397 {strides = array<i32>} : memref<128x128xf32, #tpu.memory_space<vmem>>, vector<1x16xf32>,
        %get3A_1398 = arith.index_cast %add3A_1353 : i32 to index
        %get3A_1399 = arith.constant 64 : index
        %get3A_1400 = tpu.vector_load %arg11[%get3A_1398, %get3A_1399] {strides = array<i32>} : memref<128x128xf32, #tpu.memory_space<vmem>>, vector<1x16xf32>,
        %get3A_1401 = vector.shape_cast %get3A_1400 : vector<1x16xf32> to vector<16xf32>
        %mul3A_1402 = vector.broadcast %squeeze3A_1349 : f32 to vector<16xf32>
        %mul3A_1403 = arith.mulf %get3A_1401, %mul3A_1402 : vector<16xf32>
        %swap3A_1404 = arith.index_cast %add3A_1353 : i32 to index
        %swap3A_1405 = arith.constant 64 : index
        %swap3A_1406 = tpu.vector_load %arg11[%swap3A_1404, %swap3A_1405] {strides = array<i32>} : memref<128x128xf32, #tpu.memory_space<vmem>>, vector<1x16xf32>,
        %swap3A_1407 = vector.shape_cast %swap3A_1406 : vector<1x16xf32> to vector<16xf32>
        %swap3A_1408 = vector.shape_cast %mul3A_1403 : vector<16xf32> to vector<1x16xf32>
        tpu.vector_store %arg11[%swap3A_1404, %swap3A_1405], %swap3A_1408 {strides = array<i32>} : memref<128x128xf32, #tpu.memory_space<vmem>>, vector<1x16xf32>,
        %get3A_1409 = arith.index_cast %add3A_1353 : i32 to index
        %get3A_1410 = arith.constant 80 : index
        %get3A_1411 = tpu.vector_load %arg11[%get3A_1409, %get3A_1410] {strides = array<i32>} : memref<128x128xf32, #tpu.memory_space<vmem>>, vector<1x16xf32>,
        %get3A_1412 = vector.shape_cast %get3A_1411 : vector<1x16xf32> to vector<16xf32>
        %mul3A_1413 = vector.broadcast %squeeze3A_1349 : f32 to vector<16xf32>
        %mul3A_1414 = arith.mulf %get3A_1412, %mul3A_1413 : vector<16xf32>
        %swap3A_1415 = arith.index_cast %add3A_1353 : i32 to index
        %swap3A_1416 = arith.constant 80 : index
        %swap3A_1417 = tpu.vector_load %arg11[%swap3A_1415, %swap3A_1416] {strides = array<i32>} : memref<128x128xf32, #tpu.memory_space<vmem>>, vector<1x16xf32>,
        %swap3A_1418 = vector.shape_cast %swap3A_1417 : vector<1x16xf32> to vector<16xf32>
        %swap3A_1419 = vector.shape_cast %mul3A_1414 : vector<16xf32> to vector<1x16xf32>
        tpu.vector_store %arg11[%swap3A_1415, %swap3A_1416], %swap3A_1419 {strides = array<i32>} : memref<128x128xf32, #tpu.memory_space<vmem>>, vector<1x16xf32>,
        %get3A_1420 = arith.index_cast %add3A_1353 : i32 to index
        %get3A_1421 = arith.constant 96 : index
        %get3A_1422 = tpu.vector_load %arg11[%get3A_1420, %get3A_1421] {strides = array<i32>} : memref<128x128xf32, #tpu.memory_space<vmem>>, vector<1x16xf32>,
        %get3A_1423 = vector.shape_cast %get3A_1422 : vector<1x16xf32> to vector<16xf32>
        %mul3A_1424 = vector.broadcast %squeeze3A_1349 : f32 to vector<16xf32>
        %mul3A_1425 = arith.mulf %get3A_1423, %mul3A_1424 : vector<16xf32>
        %swap3A_1426 = arith.index_cast %add3A_1353 : i32 to index
        %swap3A_1427 = arith.constant 96 : index
        %swap3A_1428 = tpu.vector_load %arg11[%swap3A_1426, %swap3A_1427] {strides = array<i32>} : memref<128x128xf32, #tpu.memory_space<vmem>>, vector<1x16xf32>,
        %swap3A_1429 = vector.shape_cast %swap3A_1428 : vector<1x16xf32> to vector<16xf32>
        %swap3A_1430 = vector.shape_cast %mul3A_1425 : vector<16xf32> to vector<1x16xf32>
        tpu.vector_store %arg11[%swap3A_1426, %swap3A_1427], %swap3A_1430 {strides = array<i32>} : memref<128x128xf32, #tpu.memory_space<vmem>>, vector<1x16xf32>,
        %get3A_1431 = arith.index_cast %add3A_1353 : i32 to index
        %get3A_1432 = arith.constant 112 : index
        %get3A_1433 = tpu.vector_load %arg11[%get3A_1431, %get3A_1432] {strides = array<i32>} : memref<128x128xf32, #tpu.memory_space<vmem>>, vector<1x16xf32>,
        %get3A_1434 = vector.shape_cast %get3A_1433 : vector<1x16xf32> to vector<16xf32>
        %mul3A_1435 = vector.broadcast %squeeze3A_1349 : f32 to vector<16xf32>
        %mul3A_1436 = arith.mulf %get3A_1434, %mul3A_1435 : vector<16xf32>
        %swap3A_1437 = arith.index_cast %add3A_1353 : i32 to index
        %swap3A_1438 = arith.constant 112 : index
        %swap3A_1439 = tpu.vector_load %arg11[%swap3A_1437, %swap3A_1438] {strides = array<i32>} : memref<128x128xf32, #tpu.memory_space<vmem>>, vector<1x16xf32>,
        %swap3A_1440 = vector.shape_cast %swap3A_1439 : vector<1x16xf32> to vector<16xf32>
        %swap3A_1441 = vector.shape_cast %mul3A_1436 : vector<16xf32> to vector<1x16xf32>
        tpu.vector_store %arg11[%swap3A_1437, %swap3A_1438], %swap3A_1441 {strides = array<i32>} : memref<128x128xf32, #tpu.memory_space<vmem>>, vector<1x16xf32>,
        %slice3A_1442 = vector.extract_strided_slice %get3A_785 {offsets = [7], sizes = [1], strides = [1]} : vector<16xf32> to vector<1xf32>
        %squeeze3A_1443 = vector.extract %slice3A_1442[0] : f32 from vector<1xf32>
        %mul3A_1444 = arith.constant 16 : i32
        %mul3A_1445 = arith.muli %scan3A_778, %mul3A_1444 : i32
        %add3A_1446 = arith.constant 7 : i32
        %add3A_1447 = arith.addi %mul3A_1445, %add3A_1446 : i32
        %get3A_1448 = arith.index_cast %add3A_1447 : i32 to index
        %get3A_1449 = arith.constant 0 : index
        %get3A_1450 = tpu.vector_load %arg11[%get3A_1448, %get3A_1449] {strides = array<i32>} : memref<128x128xf32, #tpu.memory_space<vmem>>, vector<1x16xf32>,
        %get3A_1451 = vector.shape_cast %get3A_1450 : vector<1x16xf32> to vector<16xf32>
        %mul3A_1452 = vector.broadcast %squeeze3A_1443 : f32 to vector<16xf32>
        %mul3A_1453 = arith.mulf %get3A_1451, %mul3A_1452 : vector<16xf32>
        %swap3A_1454 = arith.index_cast %add3A_1447 : i32 to index
        %swap3A_1455 = arith.constant 0 : index
        %swap3A_1456 = tpu.vector_load %arg11[%swap3A_1454, %swap3A_1455] {strides = array<i32>} : memref<128x128xf32, #tpu.memory_space<vmem>>, vector<1x16xf32>,
        %swap3A_1457 = vector.shape_cast %swap3A_1456 : vector<1x16xf32> to vector<16xf32>
        %swap3A_1458 = vector.shape_cast %mul3A_1453 : vector<16xf32> to vector<1x16xf32>
        tpu.vector_store %arg11[%swap3A_1454, %swap3A_1455], %swap3A_1458 {strides = array<i32>} : memref<128x128xf32, #tpu.memory_space<vmem>>, vector<1x16xf32>,
        %get3A_1459 = arith.index_cast %add3A_1447 : i32 to index
        %get3A_1460 = arith.constant 16 : index
        %get3A_1461 = tpu.vector_load %arg11[%get3A_1459, %get3A_1460] {strides = array<i32>} : memref<128x128xf32, #tpu.memory_space<vmem>>, vector<1x16xf32>,
        %get3A_1462 = vector.shape_cast %get3A_1461 : vector<1x16xf32> to vector<16xf32>
        %mul3A_1463 = vector.broadcast %squeeze3A_1443 : f32 to vector<16xf32>
        %mul3A_1464 = arith.mulf %get3A_1462, %mul3A_1463 : vector<16xf32>
        %swap3A_1465 = arith.index_cast %add3A_1447 : i32 to index
        %swap3A_1466 = arith.constant 16 : index
        %swap3A_1467 = tpu.vector_load %arg11[%swap3A_1465, %swap3A_1466] {strides = array<i32>} : memref<128x128xf32, #tpu.memory_space<vmem>>, vector<1x16xf32>,
        %swap3A_1468 = vector.shape_cast %swap3A_1467 : vector<1x16xf32> to vector<16xf32>
        %swap3A_1469 = vector.shape_cast %mul3A_1464 : vector<16xf32> to vector<1x16xf32>
        tpu.vector_store %arg11[%swap3A_1465, %swap3A_1466], %swap3A_1469 {strides = array<i32>} : memref<128x128xf32, #tpu.memory_space<vmem>>, vector<1x16xf32>,
        %get3A_1470 = arith.index_cast %add3A_1447 : i32 to index
        %get3A_1471 = arith.constant 32 : index
        %get3A_1472 = tpu.vector_load %arg11[%get3A_1470, %get3A_1471] {strides = array<i32>} : memref<128x128xf32, #tpu.memory_space<vmem>>, vector<1x16xf32>,
        %get3A_1473 = vector.shape_cast %get3A_1472 : vector<1x16xf32> to vector<16xf32>
        %mul3A_1474 = vector.broadcast %squeeze3A_1443 : f32 to vector<16xf32>
        %mul3A_1475 = arith.mulf %get3A_1473, %mul3A_1474 : vector<16xf32>
        %swap3A_1476 = arith.index_cast %add3A_1447 : i32 to index
        %swap3A_1477 = arith.constant 32 : index
        %swap3A_1478 = tpu.vector_load %arg11[%swap3A_1476, %swap3A_1477] {strides = array<i32>} : memref<128x128xf32, #tpu.memory_space<vmem>>, vector<1x16xf32>,
        %swap3A_1479 = vector.shape_cast %swap3A_1478 : vector<1x16xf32> to vector<16xf32>
        %swap3A_1480 = vector.shape_cast %mul3A_1475 : vector<16xf32> to vector<1x16xf32>
        tpu.vector_store %arg11[%swap3A_1476, %swap3A_1477], %swap3A_1480 {strides = array<i32>} : memref<128x128xf32, #tpu.memory_space<vmem>>, vector<1x16xf32>,
        %get3A_1481 = arith.index_cast %add3A_1447 : i32 to index
        %get3A_1482 = arith.constant 48 : index
        %get3A_1483 = tpu.vector_load %arg11[%get3A_1481, %get3A_1482] {strides = array<i32>} : memref<128x128xf32, #tpu.memory_space<vmem>>, vector<1x16xf32>,
        %get3A_1484 = vector.shape_cast %get3A_1483 : vector<1x16xf32> to vector<16xf32>
        %mul3A_1485 = vector.broadcast %squeeze3A_1443 : f32 to vector<16xf32>
        %mul3A_1486 = arith.mulf %get3A_1484, %mul3A_1485 : vector<16xf32>
        %swap3A_1487 = arith.index_cast %add3A_1447 : i32 to index
        %swap3A_1488 = arith.constant 48 : index
        %swap3A_1489 = tpu.vector_load %arg11[%swap3A_1487, %swap3A_1488] {strides = array<i32>} : memref<128x128xf32, #tpu.memory_space<vmem>>, vector<1x16xf32>,
        %swap3A_1490 = vector.shape_cast %swap3A_1489 : vector<1x16xf32> to vector<16xf32>
        %swap3A_1491 = vector.shape_cast %mul3A_1486 : vector<16xf32> to vector<1x16xf32>
        tpu.vector_store %arg11[%swap3A_1487, %swap3A_1488], %swap3A_1491 {strides = array<i32>} : memref<128x128xf32, #tpu.memory_space<vmem>>, vector<1x16xf32>,
        %get3A_1492 = arith.index_cast %add3A_1447 : i32 to index
        %get3A_1493 = arith.constant 64 : index
        %get3A_1494 = tpu.vector_load %arg11[%get3A_1492, %get3A_1493] {strides = array<i32>} : memref<128x128xf32, #tpu.memory_space<vmem>>, vector<1x16xf32>,
        %get3A_1495 = vector.shape_cast %get3A_1494 : vector<1x16xf32> to vector<16xf32>
        %mul3A_1496 = vector.broadcast %squeeze3A_1443 : f32 to vector<16xf32>
        %mul3A_1497 = arith.mulf %get3A_1495, %mul3A_1496 : vector<16xf32>
        %swap3A_1498 = arith.index_cast %add3A_1447 : i32 to index
        %swap3A_1499 = arith.constant 64 : index
        %swap3A_1500 = tpu.vector_load %arg11[%swap3A_1498, %swap3A_1499] {strides = array<i32>} : memref<128x128xf32, #tpu.memory_space<vmem>>, vector<1x16xf32>,
        %swap3A_1501 = vector.shape_cast %swap3A_1500 : vector<1x16xf32> to vector<16xf32>
        %swap3A_1502 = vector.shape_cast %mul3A_1497 : vector<16xf32> to vector<1x16xf32>
        tpu.vector_store %arg11[%swap3A_1498, %swap3A_1499], %swap3A_1502 {strides = array<i32>} : memref<128x128xf32, #tpu.memory_space<vmem>>, vector<1x16xf32>,
        %get3A_1503 = arith.index_cast %add3A_1447 : i32 to index
        %get3A_1504 = arith.constant 80 : index
        %get3A_1505 = tpu.vector_load %arg11[%get3A_1503, %get3A_1504] {strides = array<i32>} : memref<128x128xf32, #tpu.memory_space<vmem>>, vector<1x16xf32>,
        %get3A_1506 = vector.shape_cast %get3A_1505 : vector<1x16xf32> to vector<16xf32>
        %mul3A_1507 = vector.broadcast %squeeze3A_1443 : f32 to vector<16xf32>
        %mul3A_1508 = arith.mulf %get3A_1506, %mul3A_1507 : vector<16xf32>
        %swap3A_1509 = arith.index_cast %add3A_1447 : i32 to index
        %swap3A_1510 = arith.constant 80 : index
        %swap3A_1511 = tpu.vector_load %arg11[%swap3A_1509, %swap3A_1510] {strides = array<i32>} : memref<128x128xf32, #tpu.memory_space<vmem>>, vector<1x16xf32>,
        %swap3A_1512 = vector.shape_cast %swap3A_1511 : vector<1x16xf32> to vector<16xf32>
        %swap3A_1513 = vector.shape_cast %mul3A_1508 : vector<16xf32> to vector<1x16xf32>
        tpu.vector_store %arg11[%swap3A_1509, %swap3A_1510], %swap3A_1513 {strides = array<i32>} : memref<128x128xf32, #tpu.memory_space<vmem>>, vector<1x16xf32>,
        %get3A_1514 = arith.index_cast %add3A_1447 : i32 to index
        %get3A_1515 = arith.constant 96 : index
        %get3A_1516 = tpu.vector_load %arg11[%get3A_1514, %get3A_1515] {strides = array<i32>} : memref<128x128xf32, #tpu.memory_space<vmem>>, vector<1x16xf32>,
        %get3A_1517 = vector.shape_cast %get3A_1516 : vector<1x16xf32> to vector<16xf32>
        %mul3A_1518 = vector.broadcast %squeeze3A_1443 : f32 to vector<16xf32>
        %mul3A_1519 = arith.mulf %get3A_1517, %mul3A_1518 : vector<16xf32>
        %swap3A_1520 = arith.index_cast %add3A_1447 : i32 to index
        %swap3A_1521 = arith.constant 96 : index
        %swap3A_1522 = tpu.vector_load %arg11[%swap3A_1520, %swap3A_1521] {strides = array<i32>} : memref<128x128xf32, #tpu.memory_space<vmem>>, vector<1x16xf32>,
        %swap3A_1523 = vector.shape_cast %swap3A_1522 : vector<1x16xf32> to vector<16xf32>
        %swap3A_1524 = vector.shape_cast %mul3A_1519 : vector<16xf32> to vector<1x16xf32>
        tpu.vector_store %arg11[%swap3A_1520, %swap3A_1521], %swap3A_1524 {strides = array<i32>} : memref<128x128xf32, #tpu.memory_space<vmem>>, vector<1x16xf32>,
        %get3A_1525 = arith.index_cast %add3A_1447 : i32 to index
        %get3A_1526 = arith.constant 112 : index
        %get3A_1527 = tpu.vector_load %arg11[%get3A_1525, %get3A_1526] {strides = array<i32>} : memref<128x128xf32, #tpu.memory_space<vmem>>, vector<1x16xf32>,
        %get3A_1528 = vector.shape_cast %get3A_1527 : vector<1x16xf32> to vector<16xf32>
        %mul3A_1529 = vector.broadcast %squeeze3A_1443 : f32 to vector<16xf32>
        %mul3A_1530 = arith.mulf %get3A_1528, %mul3A_1529 : vector<16xf32>
        %swap3A_1531 = arith.index_cast %add3A_1447 : i32 to index
        %swap3A_1532 = arith.constant 112 : index
        %swap3A_1533 = tpu.vector_load %arg11[%swap3A_1531, %swap3A_1532] {strides = array<i32>} : memref<128x128xf32, #tpu.memory_space<vmem>>, vector<1x16xf32>,
        %swap3A_1534 = vector.shape_cast %swap3A_1533 : vector<1x16xf32> to vector<16xf32>
        %swap3A_1535 = vector.shape_cast %mul3A_1530 : vector<16xf32> to vector<1x16xf32>
        tpu.vector_store %arg11[%swap3A_1531, %swap3A_1532], %swap3A_1535 {strides = array<i32>} : memref<128x128xf32, #tpu.memory_space<vmem>>, vector<1x16xf32>,
        %slice3A_1536 = vector.extract_strided_slice %get3A_785 {offsets = [8], sizes = [1], strides = [1]} : vector<16xf32> to vector<1xf32>
        %squeeze3A_1537 = vector.extract %slice3A_1536[0] : f32 from vector<1xf32>
        %mul3A_1538 = arith.constant 16 : i32
        %mul3A_1539 = arith.muli %scan3A_778, %mul3A_1538 : i32
        %add3A_1540 = arith.constant 8 : i32
        %add3A_1541 = arith.addi %mul3A_1539, %add3A_1540 : i32
        %get3A_1542 = arith.index_cast %add3A_1541 : i32 to index
        %get3A_1543 = arith.constant 0 : index
        %get3A_1544 = tpu.vector_load %arg11[%get3A_1542, %get3A_1543] {strides = array<i32>} : memref<128x128xf32, #tpu.memory_space<vmem>>, vector<1x16xf32>,
        %get3A_1545 = vector.shape_cast %get3A_1544 : vector<1x16xf32> to vector<16xf32>
        %mul3A_1546 = vector.broadcast %squeeze3A_1537 : f32 to vector<16xf32>
        %mul3A_1547 = arith.mulf %get3A_1545, %mul3A_1546 : vector<16xf32>
        %swap3A_1548 = arith.index_cast %add3A_1541 : i32 to index
        %swap3A_1549 = arith.constant 0 : index
        %swap3A_1550 = tpu.vector_load %arg11[%swap3A_1548, %swap3A_1549] {strides = array<i32>} : memref<128x128xf32, #tpu.memory_space<vmem>>, vector<1x16xf32>,
        %swap3A_1551 = vector.shape_cast %swap3A_1550 : vector<1x16xf32> to vector<16xf32>
        %swap3A_1552 = vector.shape_cast %mul3A_1547 : vector<16xf32> to vector<1x16xf32>
        tpu.vector_store %arg11[%swap3A_1548, %swap3A_1549], %swap3A_1552 {strides = array<i32>} : memref<128x128xf32, #tpu.memory_space<vmem>>, vector<1x16xf32>,
        %get3A_1553 = arith.index_cast %add3A_1541 : i32 to index
        %get3A_1554 = arith.constant 16 : index
        %get3A_1555 = tpu.vector_load %arg11[%get3A_1553, %get3A_1554] {strides = array<i32>} : memref<128x128xf32, #tpu.memory_space<vmem>>, vector<1x16xf32>,
        %get3A_1556 = vector.shape_cast %get3A_1555 : vector<1x16xf32> to vector<16xf32>
        %mul3A_1557 = vector.broadcast %squeeze3A_1537 : f32 to vector<16xf32>
        %mul3A_1558 = arith.mulf %get3A_1556, %mul3A_1557 : vector<16xf32>
        %swap3A_1559 = arith.index_cast %add3A_1541 : i32 to index
        %swap3A_1560 = arith.constant 16 : index
        %swap3A_1561 = tpu.vector_load %arg11[%swap3A_1559, %swap3A_1560] {strides = array<i32>} : memref<128x128xf32, #tpu.memory_space<vmem>>, vector<1x16xf32>,
        %swap3A_1562 = vector.shape_cast %swap3A_1561 : vector<1x16xf32> to vector<16xf32>
        %swap3A_1563 = vector.shape_cast %mul3A_1558 : vector<16xf32> to vector<1x16xf32>
        tpu.vector_store %arg11[%swap3A_1559, %swap3A_1560], %swap3A_1563 {strides = array<i32>} : memref<128x128xf32, #tpu.memory_space<vmem>>, vector<1x16xf32>,
        %get3A_1564 = arith.index_cast %add3A_1541 : i32 to index
        %get3A_1565 = arith.constant 32 : index
        %get3A_1566 = tpu.vector_load %arg11[%get3A_1564, %get3A_1565] {strides = array<i32>} : memref<128x128xf32, #tpu.memory_space<vmem>>, vector<1x16xf32>,
        %get3A_1567 = vector.shape_cast %get3A_1566 : vector<1x16xf32> to vector<16xf32>
        %mul3A_1568 = vector.broadcast %squeeze3A_1537 : f32 to vector<16xf32>
        %mul3A_1569 = arith.mulf %get3A_1567, %mul3A_1568 : vector<16xf32>
        %swap3A_1570 = arith.index_cast %add3A_1541 : i32 to index
        %swap3A_1571 = arith.constant 32 : index
        %swap3A_1572 = tpu.vector_load %arg11[%swap3A_1570, %swap3A_1571] {strides = array<i32>} : memref<128x128xf32, #tpu.memory_space<vmem>>, vector<1x16xf32>,
        %swap3A_1573 = vector.shape_cast %swap3A_1572 : vector<1x16xf32> to vector<16xf32>
        %swap3A_1574 = vector.shape_cast %mul3A_1569 : vector<16xf32> to vector<1x16xf32>
        tpu.vector_store %arg11[%swap3A_1570, %swap3A_1571], %swap3A_1574 {strides = array<i32>} : memref<128x128xf32, #tpu.memory_space<vmem>>, vector<1x16xf32>,
        %get3A_1575 = arith.index_cast %add3A_1541 : i32 to index
        %get3A_1576 = arith.constant 48 : index
        %get3A_1577 = tpu.vector_load %arg11[%get3A_1575, %get3A_1576] {strides = array<i32>} : memref<128x128xf32, #tpu.memory_space<vmem>>, vector<1x16xf32>,
        %get3A_1578 = vector.shape_cast %get3A_1577 : vector<1x16xf32> to vector<16xf32>
        %mul3A_1579 = vector.broadcast %squeeze3A_1537 : f32 to vector<16xf32>
        %mul3A_1580 = arith.mulf %get3A_1578, %mul3A_1579 : vector<16xf32>
        %swap3A_1581 = arith.index_cast %add3A_1541 : i32 to index
        %swap3A_1582 = arith.constant 48 : index
        %swap3A_1583 = tpu.vector_load %arg11[%swap3A_1581, %swap3A_1582] {strides = array<i32>} : memref<128x128xf32, #tpu.memory_space<vmem>>, vector<1x16xf32>,
        %swap3A_1584 = vector.shape_cast %swap3A_1583 : vector<1x16xf32> to vector<16xf32>
        %swap3A_1585 = vector.shape_cast %mul3A_1580 : vector<16xf32> to vector<1x16xf32>
        tpu.vector_store %arg11[%swap3A_1581, %swap3A_1582], %swap3A_1585 {strides = array<i32>} : memref<128x128xf32, #tpu.memory_space<vmem>>, vector<1x16xf32>,
        %get3A_1586 = arith.index_cast %add3A_1541 : i32 to index
        %get3A_1587 = arith.constant 64 : index
        %get3A_1588 = tpu.vector_load %arg11[%get3A_1586, %get3A_1587] {strides = array<i32>} : memref<128x128xf32, #tpu.memory_space<vmem>>, vector<1x16xf32>,
        %get3A_1589 = vector.shape_cast %get3A_1588 : vector<1x16xf32> to vector<16xf32>
        %mul3A_1590 = vector.broadcast %squeeze3A_1537 : f32 to vector<16xf32>
        %mul3A_1591 = arith.mulf %get3A_1589, %mul3A_1590 : vector<16xf32>
        %swap3A_1592 = arith.index_cast %add3A_1541 : i32 to index
        %swap3A_1593 = arith.constant 64 : index
        %swap3A_1594 = tpu.vector_load %arg11[%swap3A_1592, %swap3A_1593] {strides = array<i32>} : memref<128x128xf32, #tpu.memory_space<vmem>>, vector<1x16xf32>,
        %swap3A_1595 = vector.shape_cast %swap3A_1594 : vector<1x16xf32> to vector<16xf32>
        %swap3A_1596 = vector.shape_cast %mul3A_1591 : vector<16xf32> to vector<1x16xf32>
        tpu.vector_store %arg11[%swap3A_1592, %swap3A_1593], %swap3A_1596 {strides = array<i32>} : memref<128x128xf32, #tpu.memory_space<vmem>>, vector<1x16xf32>,
        %get3A_1597 = arith.index_cast %add3A_1541 : i32 to index
        %get3A_1598 = arith.constant 80 : index
        %get3A_1599 = tpu.vector_load %arg11[%get3A_1597, %get3A_1598] {strides = array<i32>} : memref<128x128xf32, #tpu.memory_space<vmem>>, vector<1x16xf32>,
        %get3A_1600 = vector.shape_cast %get3A_1599 : vector<1x16xf32> to vector<16xf32>
        %mul3A_1601 = vector.broadcast %squeeze3A_1537 : f32 to vector<16xf32>
        %mul3A_1602 = arith.mulf %get3A_1600, %mul3A_1601 : vector<16xf32>
        %swap3A_1603 = arith.index_cast %add3A_1541 : i32 to index
        %swap3A_1604 = arith.constant 80 : index
        %swap3A_1605 = tpu.vector_load %arg11[%swap3A_1603, %swap3A_1604] {strides = array<i32>} : memref<128x128xf32, #tpu.memory_space<vmem>>, vector<1x16xf32>,
        %swap3A_1606 = vector.shape_cast %swap3A_1605 : vector<1x16xf32> to vector<16xf32>
        %swap3A_1607 = vector.shape_cast %mul3A_1602 : vector<16xf32> to vector<1x16xf32>
        tpu.vector_store %arg11[%swap3A_1603, %swap3A_1604], %swap3A_1607 {strides = array<i32>} : memref<128x128xf32, #tpu.memory_space<vmem>>, vector<1x16xf32>,
        %get3A_1608 = arith.index_cast %add3A_1541 : i32 to index
        %get3A_1609 = arith.constant 96 : index
        %get3A_1610 = tpu.vector_load %arg11[%get3A_1608, %get3A_1609] {strides = array<i32>} : memref<128x128xf32, #tpu.memory_space<vmem>>, vector<1x16xf32>,
        %get3A_1611 = vector.shape_cast %get3A_1610 : vector<1x16xf32> to vector<16xf32>
        %mul3A_1612 = vector.broadcast %squeeze3A_1537 : f32 to vector<16xf32>
        %mul3A_1613 = arith.mulf %get3A_1611, %mul3A_1612 : vector<16xf32>
        %swap3A_1614 = arith.index_cast %add3A_1541 : i32 to index
        %swap3A_1615 = arith.constant 96 : index
        %swap3A_1616 = tpu.vector_load %arg11[%swap3A_1614, %swap3A_1615] {strides = array<i32>} : memref<128x128xf32, #tpu.memory_space<vmem>>, vector<1x16xf32>,
        %swap3A_1617 = vector.shape_cast %swap3A_1616 : vector<1x16xf32> to vector<16xf32>
        %swap3A_1618 = vector.shape_cast %mul3A_1613 : vector<16xf32> to vector<1x16xf32>
        tpu.vector_store %arg11[%swap3A_1614, %swap3A_1615], %swap3A_1618 {strides = array<i32>} : memref<128x128xf32, #tpu.memory_space<vmem>>, vector<1x16xf32>,
        %get3A_1619 = arith.index_cast %add3A_1541 : i32 to index
        %get3A_1620 = arith.constant 112 : index
        %get3A_1621 = tpu.vector_load %arg11[%get3A_1619, %get3A_1620] {strides = array<i32>} : memref<128x128xf32, #tpu.memory_space<vmem>>, vector<1x16xf32>,
        %get3A_1622 = vector.shape_cast %get3A_1621 : vector<1x16xf32> to vector<16xf32>
        %mul3A_1623 = vector.broadcast %squeeze3A_1537 : f32 to vector<16xf32>
        %mul3A_1624 = arith.mulf %get3A_1622, %mul3A_1623 : vector<16xf32>
        %swap3A_1625 = arith.index_cast %add3A_1541 : i32 to index
        %swap3A_1626 = arith.constant 112 : index
        %swap3A_1627 = tpu.vector_load %arg11[%swap3A_1625, %swap3A_1626] {strides = array<i32>} : memref<128x128xf32, #tpu.memory_space<vmem>>, vector<1x16xf32>,
        %swap3A_1628 = vector.shape_cast %swap3A_1627 : vector<1x16xf32> to vector<16xf32>
        %swap3A_1629 = vector.shape_cast %mul3A_1624 : vector<16xf32> to vector<1x16xf32>
        tpu.vector_store %arg11[%swap3A_1625, %swap3A_1626], %swap3A_1629 {strides = array<i32>} : memref<128x128xf32, #tpu.memory_space<vmem>>, vector<1x16xf32>,
        %slice3A_1630 = vector.extract_strided_slice %get3A_785 {offsets = [9], sizes = [1], strides = [1]} : vector<16xf32> to vector<1xf32>
        %squeeze3A_1631 = vector.extract %slice3A_1630[0] : f32 from vector<1xf32>
        %mul3A_1632 = arith.constant 16 : i32
        %mul3A_1633 = arith.muli %scan3A_778, %mul3A_1632 : i32
        %add3A_1634 = arith.constant 9 : i32
        %add3A_1635 = arith.addi %mul3A_1633, %add3A_1634 : i32
        %get3A_1636 = arith.index_cast %add3A_1635 : i32 to index
        %get3A_1637 = arith.constant 0 : index
        %get3A_1638 = tpu.vector_load %arg11[%get3A_1636, %get3A_1637] {strides = array<i32>} : memref<128x128xf32, #tpu.memory_space<vmem>>, vector<1x16xf32>,
        %get3A_1639 = vector.shape_cast %get3A_1638 : vector<1x16xf32> to vector<16xf32>
        %mul3A_1640 = vector.broadcast %squeeze3A_1631 : f32 to vector<16xf32>
        %mul3A_1641 = arith.mulf %get3A_1639, %mul3A_1640 : vector<16xf32>
        %swap3A_1642 = arith.index_cast %add3A_1635 : i32 to index
        %swap3A_1643 = arith.constant 0 : index
        %swap3A_1644 = tpu.vector_load %arg11[%swap3A_1642, %swap3A_1643] {strides = array<i32>} : memref<128x128xf32, #tpu.memory_space<vmem>>, vector<1x16xf32>,
        %swap3A_1645 = vector.shape_cast %swap3A_1644 : vector<1x16xf32> to vector<16xf32>
        %swap3A_1646 = vector.shape_cast %mul3A_1641 : vector<16xf32> to vector<1x16xf32>
        tpu.vector_store %arg11[%swap3A_1642, %swap3A_1643], %swap3A_1646 {strides = array<i32>} : memref<128x128xf32, #tpu.memory_space<vmem>>, vector<1x16xf32>,
        %get3A_1647 = arith.index_cast %add3A_1635 : i32 to index
        %get3A_1648 = arith.constant 16 : index
        %get3A_1649 = tpu.vector_load %arg11[%get3A_1647, %get3A_1648] {strides = array<i32>} : memref<128x128xf32, #tpu.memory_space<vmem>>, vector<1x16xf32>,
        %get3A_1650 = vector.shape_cast %get3A_1649 : vector<1x16xf32> to vector<16xf32>
        %mul3A_1651 = vector.broadcast %squeeze3A_1631 : f32 to vector<16xf32>
        %mul3A_1652 = arith.mulf %get3A_1650, %mul3A_1651 : vector<16xf32>
        %swap3A_1653 = arith.index_cast %add3A_1635 : i32 to index
        %swap3A_1654 = arith.constant 16 : index
        %swap3A_1655 = tpu.vector_load %arg11[%swap3A_1653, %swap3A_1654] {strides = array<i32>} : memref<128x128xf32, #tpu.memory_space<vmem>>, vector<1x16xf32>,
        %swap3A_1656 = vector.shape_cast %swap3A_1655 : vector<1x16xf32> to vector<16xf32>
        %swap3A_1657 = vector.shape_cast %mul3A_1652 : vector<16xf32> to vector<1x16xf32>
        tpu.vector_store %arg11[%swap3A_1653, %swap3A_1654], %swap3A_1657 {strides = array<i32>} : memref<128x128xf32, #tpu.memory_space<vmem>>, vector<1x16xf32>,
        %get3A_1658 = arith.index_cast %add3A_1635 : i32 to index
        %get3A_1659 = arith.constant 32 : index
        %get3A_1660 = tpu.vector_load %arg11[%get3A_1658, %get3A_1659] {strides = array<i32>} : memref<128x128xf32, #tpu.memory_space<vmem>>, vector<1x16xf32>,
        %get3A_1661 = vector.shape_cast %get3A_1660 : vector<1x16xf32> to vector<16xf32>
        %mul3A_1662 = vector.broadcast %squeeze3A_1631 : f32 to vector<16xf32>
        %mul3A_1663 = arith.mulf %get3A_1661, %mul3A_1662 : vector<16xf32>
        %swap3A_1664 = arith.index_cast %add3A_1635 : i32 to index
        %swap3A_1665 = arith.constant 32 : index
        %swap3A_1666 = tpu.vector_load %arg11[%swap3A_1664, %swap3A_1665] {strides = array<i32>} : memref<128x128xf32, #tpu.memory_space<vmem>>, vector<1x16xf32>,
        %swap3A_1667 = vector.shape_cast %swap3A_1666 : vector<1x16xf32> to vector<16xf32>
        %swap3A_1668 = vector.shape_cast %mul3A_1663 : vector<16xf32> to vector<1x16xf32>
        tpu.vector_store %arg11[%swap3A_1664, %swap3A_1665], %swap3A_1668 {strides = array<i32>} : memref<128x128xf32, #tpu.memory_space<vmem>>, vector<1x16xf32>,
        %get3A_1669 = arith.index_cast %add3A_1635 : i32 to index
        %get3A_1670 = arith.constant 48 : index
        %get3A_1671 = tpu.vector_load %arg11[%get3A_1669, %get3A_1670] {strides = array<i32>} : memref<128x128xf32, #tpu.memory_space<vmem>>, vector<1x16xf32>,
        %get3A_1672 = vector.shape_cast %get3A_1671 : vector<1x16xf32> to vector<16xf32>
        %mul3A_1673 = vector.broadcast %squeeze3A_1631 : f32 to vector<16xf32>
        %mul3A_1674 = arith.mulf %get3A_1672, %mul3A_1673 : vector<16xf32>
        %swap3A_1675 = arith.index_cast %add3A_1635 : i32 to index
        %swap3A_1676 = arith.constant 48 : index
        %swap3A_1677 = tpu.vector_load %arg11[%swap3A_1675, %swap3A_1676] {strides = array<i32>} : memref<128x128xf32, #tpu.memory_space<vmem>>, vector<1x16xf32>,
        %swap3A_1678 = vector.shape_cast %swap3A_1677 : vector<1x16xf32> to vector<16xf32>
        %swap3A_1679 = vector.shape_cast %mul3A_1674 : vector<16xf32> to vector<1x16xf32>
        tpu.vector_store %arg11[%swap3A_1675, %swap3A_1676], %swap3A_1679 {strides = array<i32>} : memref<128x128xf32, #tpu.memory_space<vmem>>, vector<1x16xf32>,
        %get3A_1680 = arith.index_cast %add3A_1635 : i32 to index
        %get3A_1681 = arith.constant 64 : index
        %get3A_1682 = tpu.vector_load %arg11[%get3A_1680, %get3A_1681] {strides = array<i32>} : memref<128x128xf32, #tpu.memory_space<vmem>>, vector<1x16xf32>,
        %get3A_1683 = vector.shape_cast %get3A_1682 : vector<1x16xf32> to vector<16xf32>
        %mul3A_1684 = vector.broadcast %squeeze3A_1631 : f32 to vector<16xf32>
        %mul3A_1685 = arith.mulf %get3A_1683, %mul3A_1684 : vector<16xf32>
        %swap3A_1686 = arith.index_cast %add3A_1635 : i32 to index
        %swap3A_1687 = arith.constant 64 : index
        %swap3A_1688 = tpu.vector_load %arg11[%swap3A_1686, %swap3A_1687] {strides = array<i32>} : memref<128x128xf32, #tpu.memory_space<vmem>>, vector<1x16xf32>,
        %swap3A_1689 = vector.shape_cast %swap3A_1688 : vector<1x16xf32> to vector<16xf32>
        %swap3A_1690 = vector.shape_cast %mul3A_1685 : vector<16xf32> to vector<1x16xf32>
        tpu.vector_store %arg11[%swap3A_1686, %swap3A_1687], %swap3A_1690 {strides = array<i32>} : memref<128x128xf32, #tpu.memory_space<vmem>>, vector<1x16xf32>,
        %get3A_1691 = arith.index_cast %add3A_1635 : i32 to index
        %get3A_1692 = arith.constant 80 : index
        %get3A_1693 = tpu.vector_load %arg11[%get3A_1691, %get3A_1692] {strides = array<i32>} : memref<128x128xf32, #tpu.memory_space<vmem>>, vector<1x16xf32>,
        %get3A_1694 = vector.shape_cast %get3A_1693 : vector<1x16xf32> to vector<16xf32>
        %mul3A_1695 = vector.broadcast %squeeze3A_1631 : f32 to vector<16xf32>
        %mul3A_1696 = arith.mulf %get3A_1694, %mul3A_1695 : vector<16xf32>
        %swap3A_1697 = arith.index_cast %add3A_1635 : i32 to index
        %swap3A_1698 = arith.constant 80 : index
        %swap3A_1699 = tpu.vector_load %arg11[%swap3A_1697, %swap3A_1698] {strides = array<i32>} : memref<128x128xf32, #tpu.memory_space<vmem>>, vector<1x16xf32>,
        %swap3A_1700 = vector.shape_cast %swap3A_1699 : vector<1x16xf32> to vector<16xf32>
        %swap3A_1701 = vector.shape_cast %mul3A_1696 : vector<16xf32> to vector<1x16xf32>
        tpu.vector_store %arg11[%swap3A_1697, %swap3A_1698], %swap3A_1701 {strides = array<i32>} : memref<128x128xf32, #tpu.memory_space<vmem>>, vector<1x16xf32>,
        %get3A_1702 = arith.index_cast %add3A_1635 : i32 to index
        %get3A_1703 = arith.constant 96 : index
        %get3A_1704 = tpu.vector_load %arg11[%get3A_1702, %get3A_1703] {strides = array<i32>} : memref<128x128xf32, #tpu.memory_space<vmem>>, vector<1x16xf32>,
        %get3A_1705 = vector.shape_cast %get3A_1704 : vector<1x16xf32> to vector<16xf32>
        %mul3A_1706 = vector.broadcast %squeeze3A_1631 : f32 to vector<16xf32>
        %mul3A_1707 = arith.mulf %get3A_1705, %mul3A_1706 : vector<16xf32>
        %swap3A_1708 = arith.index_cast %add3A_1635 : i32 to index
        %swap3A_1709 = arith.constant 96 : index
        %swap3A_1710 = tpu.vector_load %arg11[%swap3A_1708, %swap3A_1709] {strides = array<i32>} : memref<128x128xf32, #tpu.memory_space<vmem>>, vector<1x16xf32>,
        %swap3A_1711 = vector.shape_cast %swap3A_1710 : vector<1x16xf32> to vector<16xf32>
        %swap3A_1712 = vector.shape_cast %mul3A_1707 : vector<16xf32> to vector<1x16xf32>
        tpu.vector_store %arg11[%swap3A_1708, %swap3A_1709], %swap3A_1712 {strides = array<i32>} : memref<128x128xf32, #tpu.memory_space<vmem>>, vector<1x16xf32>,
        %get3A_1713 = arith.index_cast %add3A_1635 : i32 to index
        %get3A_1714 = arith.constant 112 : index
        %get3A_1715 = tpu.vector_load %arg11[%get3A_1713, %get3A_1714] {strides = array<i32>} : memref<128x128xf32, #tpu.memory_space<vmem>>, vector<1x16xf32>,
        %get3A_1716 = vector.shape_cast %get3A_1715 : vector<1x16xf32> to vector<16xf32>
        %mul3A_1717 = vector.broadcast %squeeze3A_1631 : f32 to vector<16xf32>
        %mul3A_1718 = arith.mulf %get3A_1716, %mul3A_1717 : vector<16xf32>
        %swap3A_1719 = arith.index_cast %add3A_1635 : i32 to index
        %swap3A_1720 = arith.constant 112 : index
        %swap3A_1721 = tpu.vector_load %arg11[%swap3A_1719, %swap3A_1720] {strides = array<i32>} : memref<128x128xf32, #tpu.memory_space<vmem>>, vector<1x16xf32>,
        %swap3A_1722 = vector.shape_cast %swap3A_1721 : vector<1x16xf32> to vector<16xf32>
        %swap3A_1723 = vector.shape_cast %mul3A_1718 : vector<16xf32> to vector<1x16xf32>
        tpu.vector_store %arg11[%swap3A_1719, %swap3A_1720], %swap3A_1723 {strides = array<i32>} : memref<128x128xf32, #tpu.memory_space<vmem>>, vector<1x16xf32>,
        %slice3A_1724 = vector.extract_strided_slice %get3A_785 {offsets = [10], sizes = [1], strides = [1]} : vector<16xf32> to vector<1xf32>
        %squeeze3A_1725 = vector.extract %slice3A_1724[0] : f32 from vector<1xf32>
        %mul3A_1726 = arith.constant 16 : i32
        %mul3A_1727 = arith.muli %scan3A_778, %mul3A_1726 : i32
        %add3A_1728 = arith.constant 10 : i32
        %add3A_1729 = arith.addi %mul3A_1727, %add3A_1728 : i32
        %get3A_1730 = arith.index_cast %add3A_1729 : i32 to index
        %get3A_1731 = arith.constant 0 : index
        %get3A_1732 = tpu.vector_load %arg11[%get3A_1730, %get3A_1731] {strides = array<i32>} : memref<128x128xf32, #tpu.memory_space<vmem>>, vector<1x16xf32>,
        %get3A_1733 = vector.shape_cast %get3A_1732 : vector<1x16xf32> to vector<16xf32>
        %mul3A_1734 = vector.broadcast %squeeze3A_1725 : f32 to vector<16xf32>
        %mul3A_1735 = arith.mulf %get3A_1733, %mul3A_1734 : vector<16xf32>
        %swap3A_1736 = arith.index_cast %add3A_1729 : i32 to index
        %swap3A_1737 = arith.constant 0 : index
        %swap3A_1738 = tpu.vector_load %arg11[%swap3A_1736, %swap3A_1737] {strides = array<i32>} : memref<128x128xf32, #tpu.memory_space<vmem>>, vector<1x16xf32>,
        %swap3A_1739 = vector.shape_cast %swap3A_1738 : vector<1x16xf32> to vector<16xf32>
        %swap3A_1740 = vector.shape_cast %mul3A_1735 : vector<16xf32> to vector<1x16xf32>
        tpu.vector_store %arg11[%swap3A_1736, %swap3A_1737], %swap3A_1740 {strides = array<i32>} : memref<128x128xf32, #tpu.memory_space<vmem>>, vector<1x16xf32>,
        %get3A_1741 = arith.index_cast %add3A_1729 : i32 to index
        %get3A_1742 = arith.constant 16 : index
        %get3A_1743 = tpu.vector_load %arg11[%get3A_1741, %get3A_1742] {strides = array<i32>} : memref<128x128xf32, #tpu.memory_space<vmem>>, vector<1x16xf32>,
        %get3A_1744 = vector.shape_cast %get3A_1743 : vector<1x16xf32> to vector<16xf32>
        %mul3A_1745 = vector.broadcast %squeeze3A_1725 : f32 to vector<16xf32>
        %mul3A_1746 = arith.mulf %get3A_1744, %mul3A_1745 : vector<16xf32>
        %swap3A_1747 = arith.index_cast %add3A_1729 : i32 to index
        %swap3A_1748 = arith.constant 16 : index
        %swap3A_1749 = tpu.vector_load %arg11[%swap3A_1747, %swap3A_1748] {strides = array<i32>} : memref<128x128xf32, #tpu.memory_space<vmem>>, vector<1x16xf32>,
        %swap3A_1750 = vector.shape_cast %swap3A_1749 : vector<1x16xf32> to vector<16xf32>
        %swap3A_1751 = vector.shape_cast %mul3A_1746 : vector<16xf32> to vector<1x16xf32>
        tpu.vector_store %arg11[%swap3A_1747, %swap3A_1748], %swap3A_1751 {strides = array<i32>} : memref<128x128xf32, #tpu.memory_space<vmem>>, vector<1x16xf32>,
        %get3A_1752 = arith.index_cast %add3A_1729 : i32 to index
        %get3A_1753 = arith.constant 32 : index
        %get3A_1754 = tpu.vector_load %arg11[%get3A_1752, %get3A_1753] {strides = array<i32>} : memref<128x128xf32, #tpu.memory_space<vmem>>, vector<1x16xf32>,
        %get3A_1755 = vector.shape_cast %get3A_1754 : vector<1x16xf32> to vector<16xf32>
        %mul3A_1756 = vector.broadcast %squeeze3A_1725 : f32 to vector<16xf32>
        %mul3A_1757 = arith.mulf %get3A_1755, %mul3A_1756 : vector<16xf32>
        %swap3A_1758 = arith.index_cast %add3A_1729 : i32 to index
        %swap3A_1759 = arith.constant 32 : index
        %swap3A_1760 = tpu.vector_load %arg11[%swap3A_1758, %swap3A_1759] {strides = array<i32>} : memref<128x128xf32, #tpu.memory_space<vmem>>, vector<1x16xf32>,
        %swap3A_1761 = vector.shape_cast %swap3A_1760 : vector<1x16xf32> to vector<16xf32>
        %swap3A_1762 = vector.shape_cast %mul3A_1757 : vector<16xf32> to vector<1x16xf32>
        tpu.vector_store %arg11[%swap3A_1758, %swap3A_1759], %swap3A_1762 {strides = array<i32>} : memref<128x128xf32, #tpu.memory_space<vmem>>, vector<1x16xf32>,
        %get3A_1763 = arith.index_cast %add3A_1729 : i32 to index
        %get3A_1764 = arith.constant 48 : index
        %get3A_1765 = tpu.vector_load %arg11[%get3A_1763, %get3A_1764] {strides = array<i32>} : memref<128x128xf32, #tpu.memory_space<vmem>>, vector<1x16xf32>,
        %get3A_1766 = vector.shape_cast %get3A_1765 : vector<1x16xf32> to vector<16xf32>
        %mul3A_1767 = vector.broadcast %squeeze3A_1725 : f32 to vector<16xf32>
        %mul3A_1768 = arith.mulf %get3A_1766, %mul3A_1767 : vector<16xf32>
        %swap3A_1769 = arith.index_cast %add3A_1729 : i32 to index
        %swap3A_1770 = arith.constant 48 : index
        %swap3A_1771 = tpu.vector_load %arg11[%swap3A_1769, %swap3A_1770] {strides = array<i32>} : memref<128x128xf32, #tpu.memory_space<vmem>>, vector<1x16xf32>,
        %swap3A_1772 = vector.shape_cast %swap3A_1771 : vector<1x16xf32> to vector<16xf32>
        %swap3A_1773 = vector.shape_cast %mul3A_1768 : vector<16xf32> to vector<1x16xf32>
        tpu.vector_store %arg11[%swap3A_1769, %swap3A_1770], %swap3A_1773 {strides = array<i32>} : memref<128x128xf32, #tpu.memory_space<vmem>>, vector<1x16xf32>,
        %get3A_1774 = arith.index_cast %add3A_1729 : i32 to index
        %get3A_1775 = arith.constant 64 : index
        %get3A_1776 = tpu.vector_load %arg11[%get3A_1774, %get3A_1775] {strides = array<i32>} : memref<128x128xf32, #tpu.memory_space<vmem>>, vector<1x16xf32>,
        %get3A_1777 = vector.shape_cast %get3A_1776 : vector<1x16xf32> to vector<16xf32>
        %mul3A_1778 = vector.broadcast %squeeze3A_1725 : f32 to vector<16xf32>
        %mul3A_1779 = arith.mulf %get3A_1777, %mul3A_1778 : vector<16xf32>
        %swap3A_1780 = arith.index_cast %add3A_1729 : i32 to index
        %swap3A_1781 = arith.constant 64 : index
        %swap3A_1782 = tpu.vector_load %arg11[%swap3A_1780, %swap3A_1781] {strides = array<i32>} : memref<128x128xf32, #tpu.memory_space<vmem>>, vector<1x16xf32>,
        %swap3A_1783 = vector.shape_cast %swap3A_1782 : vector<1x16xf32> to vector<16xf32>
        %swap3A_1784 = vector.shape_cast %mul3A_1779 : vector<16xf32> to vector<1x16xf32>
        tpu.vector_store %arg11[%swap3A_1780, %swap3A_1781], %swap3A_1784 {strides = array<i32>} : memref<128x128xf32, #tpu.memory_space<vmem>>, vector<1x16xf32>,
        %get3A_1785 = arith.index_cast %add3A_1729 : i32 to index
        %get3A_1786 = arith.constant 80 : index
        %get3A_1787 = tpu.vector_load %arg11[%get3A_1785, %get3A_1786] {strides = array<i32>} : memref<128x128xf32, #tpu.memory_space<vmem>>, vector<1x16xf32>,
        %get3A_1788 = vector.shape_cast %get3A_1787 : vector<1x16xf32> to vector<16xf32>
        %mul3A_1789 = vector.broadcast %squeeze3A_1725 : f32 to vector<16xf32>
        %mul3A_1790 = arith.mulf %get3A_1788, %mul3A_1789 : vector<16xf32>
        %swap3A_1791 = arith.index_cast %add3A_1729 : i32 to index
        %swap3A_1792 = arith.constant 80 : index
        %swap3A_1793 = tpu.vector_load %arg11[%swap3A_1791, %swap3A_1792] {strides = array<i32>} : memref<128x128xf32, #tpu.memory_space<vmem>>, vector<1x16xf32>,
        %swap3A_1794 = vector.shape_cast %swap3A_1793 : vector<1x16xf32> to vector<16xf32>
        %swap3A_1795 = vector.shape_cast %mul3A_1790 : vector<16xf32> to vector<1x16xf32>
        tpu.vector_store %arg11[%swap3A_1791, %swap3A_1792], %swap3A_1795 {strides = array<i32>} : memref<128x128xf32, #tpu.memory_space<vmem>>, vector<1x16xf32>,
        %get3A_1796 = arith.index_cast %add3A_1729 : i32 to index
        %get3A_1797 = arith.constant 96 : index
        %get3A_1798 = tpu.vector_load %arg11[%get3A_1796, %get3A_1797] {strides = array<i32>} : memref<128x128xf32, #tpu.memory_space<vmem>>, vector<1x16xf32>,
        %get3A_1799 = vector.shape_cast %get3A_1798 : vector<1x16xf32> to vector<16xf32>
        %mul3A_1800 = vector.broadcast %squeeze3A_1725 : f32 to vector<16xf32>
        %mul3A_1801 = arith.mulf %get3A_1799, %mul3A_1800 : vector<16xf32>
        %swap3A_1802 = arith.index_cast %add3A_1729 : i32 to index
        %swap3A_1803 = arith.constant 96 : index
        %swap3A_1804 = tpu.vector_load %arg11[%swap3A_1802, %swap3A_1803] {strides = array<i32>} : memref<128x128xf32, #tpu.memory_space<vmem>>, vector<1x16xf32>,
        %swap3A_1805 = vector.shape_cast %swap3A_1804 : vector<1x16xf32> to vector<16xf32>
        %swap3A_1806 = vector.shape_cast %mul3A_1801 : vector<16xf32> to vector<1x16xf32>
        tpu.vector_store %arg11[%swap3A_1802, %swap3A_1803], %swap3A_1806 {strides = array<i32>} : memref<128x128xf32, #tpu.memory_space<vmem>>, vector<1x16xf32>,
        %get3A_1807 = arith.index_cast %add3A_1729 : i32 to index
        %get3A_1808 = arith.constant 112 : index
        %get3A_1809 = tpu.vector_load %arg11[%get3A_1807, %get3A_1808] {strides = array<i32>} : memref<128x128xf32, #tpu.memory_space<vmem>>, vector<1x16xf32>,
        %get3A_1810 = vector.shape_cast %get3A_1809 : vector<1x16xf32> to vector<16xf32>
        %mul3A_1811 = vector.broadcast %squeeze3A_1725 : f32 to vector<16xf32>
        %mul3A_1812 = arith.mulf %get3A_1810, %mul3A_1811 : vector<16xf32>
        %swap3A_1813 = arith.index_cast %add3A_1729 : i32 to index
        %swap3A_1814 = arith.constant 112 : index
        %swap3A_1815 = tpu.vector_load %arg11[%swap3A_1813, %swap3A_1814] {strides = array<i32>} : memref<128x128xf32, #tpu.memory_space<vmem>>, vector<1x16xf32>,
        %swap3A_1816 = vector.shape_cast %swap3A_1815 : vector<1x16xf32> to vector<16xf32>
        %swap3A_1817 = vector.shape_cast %mul3A_1812 : vector<16xf32> to vector<1x16xf32>
        tpu.vector_store %arg11[%swap3A_1813, %swap3A_1814], %swap3A_1817 {strides = array<i32>} : memref<128x128xf32, #tpu.memory_space<vmem>>, vector<1x16xf32>,
        %slice3A_1818 = vector.extract_strided_slice %get3A_785 {offsets = [11], sizes = [1], strides = [1]} : vector<16xf32> to vector<1xf32>
        %squeeze3A_1819 = vector.extract %slice3A_1818[0] : f32 from vector<1xf32>
        %mul3A_1820 = arith.constant 16 : i32
        %mul3A_1821 = arith.muli %scan3A_778, %mul3A_1820 : i32
        %add3A_1822 = arith.constant 11 : i32
        %add3A_1823 = arith.addi %mul3A_1821, %add3A_1822 : i32
        %get3A_1824 = arith.index_cast %add3A_1823 : i32 to index
        %get3A_1825 = arith.constant 0 : index
        %get3A_1826 = tpu.vector_load %arg11[%get3A_1824, %get3A_1825] {strides = array<i32>} : memref<128x128xf32, #tpu.memory_space<vmem>>, vector<1x16xf32>,
        %get3A_1827 = vector.shape_cast %get3A_1826 : vector<1x16xf32> to vector<16xf32>
        %mul3A_1828 = vector.broadcast %squeeze3A_1819 : f32 to vector<16xf32>
        %mul3A_1829 = arith.mulf %get3A_1827, %mul3A_1828 : vector<16xf32>
        %swap3A_1830 = arith.index_cast %add3A_1823 : i32 to index
        %swap3A_1831 = arith.constant 0 : index
        %swap3A_1832 = tpu.vector_load %arg11[%swap3A_1830, %swap3A_1831] {strides = array<i32>} : memref<128x128xf32, #tpu.memory_space<vmem>>, vector<1x16xf32>,
        %swap3A_1833 = vector.shape_cast %swap3A_1832 : vector<1x16xf32> to vector<16xf32>
        %swap3A_1834 = vector.shape_cast %mul3A_1829 : vector<16xf32> to vector<1x16xf32>
        tpu.vector_store %arg11[%swap3A_1830, %swap3A_1831], %swap3A_1834 {strides = array<i32>} : memref<128x128xf32, #tpu.memory_space<vmem>>, vector<1x16xf32>,
        %get3A_1835 = arith.index_cast %add3A_1823 : i32 to index
        %get3A_1836 = arith.constant 16 : index
        %get3A_1837 = tpu.vector_load %arg11[%get3A_1835, %get3A_1836] {strides = array<i32>} : memref<128x128xf32, #tpu.memory_space<vmem>>, vector<1x16xf32>,
        %get3A_1838 = vector.shape_cast %get3A_1837 : vector<1x16xf32> to vector<16xf32>
        %mul3A_1839 = vector.broadcast %squeeze3A_1819 : f32 to vector<16xf32>
        %mul3A_1840 = arith.mulf %get3A_1838, %mul3A_1839 : vector<16xf32>
        %swap3A_1841 = arith.index_cast %add3A_1823 : i32 to index
        %swap3A_1842 = arith.constant 16 : index
        %swap3A_1843 = tpu.vector_load %arg11[%swap3A_1841, %swap3A_1842] {strides = array<i32>} : memref<128x128xf32, #tpu.memory_space<vmem>>, vector<1x16xf32>,
        %swap3A_1844 = vector.shape_cast %swap3A_1843 : vector<1x16xf32> to vector<16xf32>
        %swap3A_1845 = vector.shape_cast %mul3A_1840 : vector<16xf32> to vector<1x16xf32>
        tpu.vector_store %arg11[%swap3A_1841, %swap3A_1842], %swap3A_1845 {strides = array<i32>} : memref<128x128xf32, #tpu.memory_space<vmem>>, vector<1x16xf32>,
        %get3A_1846 = arith.index_cast %add3A_1823 : i32 to index
        %get3A_1847 = arith.constant 32 : index
        %get3A_1848 = tpu.vector_load %arg11[%get3A_1846, %get3A_1847] {strides = array<i32>} : memref<128x128xf32, #tpu.memory_space<vmem>>, vector<1x16xf32>,
        %get3A_1849 = vector.shape_cast %get3A_1848 : vector<1x16xf32> to vector<16xf32>
        %mul3A_1850 = vector.broadcast %squeeze3A_1819 : f32 to vector<16xf32>
        %mul3A_1851 = arith.mulf %get3A_1849, %mul3A_1850 : vector<16xf32>
        %swap3A_1852 = arith.index_cast %add3A_1823 : i32 to index
        %swap3A_1853 = arith.constant 32 : index
        %swap3A_1854 = tpu.vector_load %arg11[%swap3A_1852, %swap3A_1853] {strides = array<i32>} : memref<128x128xf32, #tpu.memory_space<vmem>>, vector<1x16xf32>,
        %swap3A_1855 = vector.shape_cast %swap3A_1854 : vector<1x16xf32> to vector<16xf32>
        %swap3A_1856 = vector.shape_cast %mul3A_1851 : vector<16xf32> to vector<1x16xf32>
        tpu.vector_store %arg11[%swap3A_1852, %swap3A_1853], %swap3A_1856 {strides = array<i32>} : memref<128x128xf32, #tpu.memory_space<vmem>>, vector<1x16xf32>,
        %get3A_1857 = arith.index_cast %add3A_1823 : i32 to index
        %get3A_1858 = arith.constant 48 : index
        %get3A_1859 = tpu.vector_load %arg11[%get3A_1857, %get3A_1858] {strides = array<i32>} : memref<128x128xf32, #tpu.memory_space<vmem>>, vector<1x16xf32>,
        %get3A_1860 = vector.shape_cast %get3A_1859 : vector<1x16xf32> to vector<16xf32>
        %mul3A_1861 = vector.broadcast %squeeze3A_1819 : f32 to vector<16xf32>
        %mul3A_1862 = arith.mulf %get3A_1860, %mul3A_1861 : vector<16xf32>
        %swap3A_1863 = arith.index_cast %add3A_1823 : i32 to index
        %swap3A_1864 = arith.constant 48 : index
        %swap3A_1865 = tpu.vector_load %arg11[%swap3A_1863, %swap3A_1864] {strides = array<i32>} : memref<128x128xf32, #tpu.memory_space<vmem>>, vector<1x16xf32>,
        %swap3A_1866 = vector.shape_cast %swap3A_1865 : vector<1x16xf32> to vector<16xf32>
        %swap3A_1867 = vector.shape_cast %mul3A_1862 : vector<16xf32> to vector<1x16xf32>
        tpu.vector_store %arg11[%swap3A_1863, %swap3A_1864], %swap3A_1867 {strides = array<i32>} : memref<128x128xf32, #tpu.memory_space<vmem>>, vector<1x16xf32>,
        %get3A_1868 = arith.index_cast %add3A_1823 : i32 to index
        %get3A_1869 = arith.constant 64 : index
        %get3A_1870 = tpu.vector_load %arg11[%get3A_1868, %get3A_1869] {strides = array<i32>} : memref<128x128xf32, #tpu.memory_space<vmem>>, vector<1x16xf32>,
        %get3A_1871 = vector.shape_cast %get3A_1870 : vector<1x16xf32> to vector<16xf32>
        %mul3A_1872 = vector.broadcast %squeeze3A_1819 : f32 to vector<16xf32>
        %mul3A_1873 = arith.mulf %get3A_1871, %mul3A_1872 : vector<16xf32>
        %swap3A_1874 = arith.index_cast %add3A_1823 : i32 to index
        %swap3A_1875 = arith.constant 64 : index
        %swap3A_1876 = tpu.vector_load %arg11[%swap3A_1874, %swap3A_1875] {strides = array<i32>} : memref<128x128xf32, #tpu.memory_space<vmem>>, vector<1x16xf32>,
        %swap3A_1877 = vector.shape_cast %swap3A_1876 : vector<1x16xf32> to vector<16xf32>
        %swap3A_1878 = vector.shape_cast %mul3A_1873 : vector<16xf32> to vector<1x16xf32>
        tpu.vector_store %arg11[%swap3A_1874, %swap3A_1875], %swap3A_1878 {strides = array<i32>} : memref<128x128xf32, #tpu.memory_space<vmem>>, vector<1x16xf32>,
        %get3A_1879 = arith.index_cast %add3A_1823 : i32 to index
        %get3A_1880 = arith.constant 80 : index
        %get3A_1881 = tpu.vector_load %arg11[%get3A_1879, %get3A_1880] {strides = array<i32>} : memref<128x128xf32, #tpu.memory_space<vmem>>, vector<1x16xf32>,
        %get3A_1882 = vector.shape_cast %get3A_1881 : vector<1x16xf32> to vector<16xf32>
        %mul3A_1883 = vector.broadcast %squeeze3A_1819 : f32 to vector<16xf32>
        %mul3A_1884 = arith.mulf %get3A_1882, %mul3A_1883 : vector<16xf32>
        %swap3A_1885 = arith.index_cast %add3A_1823 : i32 to index
        %swap3A_1886 = arith.constant 80 : index
        %swap3A_1887 = tpu.vector_load %arg11[%swap3A_1885, %swap3A_1886] {strides = array<i32>} : memref<128x128xf32, #tpu.memory_space<vmem>>, vector<1x16xf32>,
        %swap3A_1888 = vector.shape_cast %swap3A_1887 : vector<1x16xf32> to vector<16xf32>
        %swap3A_1889 = vector.shape_cast %mul3A_1884 : vector<16xf32> to vector<1x16xf32>
        tpu.vector_store %arg11[%swap3A_1885, %swap3A_1886], %swap3A_1889 {strides = array<i32>} : memref<128x128xf32, #tpu.memory_space<vmem>>, vector<1x16xf32>,
        %get3A_1890 = arith.index_cast %add3A_1823 : i32 to index
        %get3A_1891 = arith.constant 96 : index
        %get3A_1892 = tpu.vector_load %arg11[%get3A_1890, %get3A_1891] {strides = array<i32>} : memref<128x128xf32, #tpu.memory_space<vmem>>, vector<1x16xf32>,
        %get3A_1893 = vector.shape_cast %get3A_1892 : vector<1x16xf32> to vector<16xf32>
        %mul3A_1894 = vector.broadcast %squeeze3A_1819 : f32 to vector<16xf32>
        %mul3A_1895 = arith.mulf %get3A_1893, %mul3A_1894 : vector<16xf32>
        %swap3A_1896 = arith.index_cast %add3A_1823 : i32 to index
        %swap3A_1897 = arith.constant 96 : index
        %swap3A_1898 = tpu.vector_load %arg11[%swap3A_1896, %swap3A_1897] {strides = array<i32>} : memref<128x128xf32, #tpu.memory_space<vmem>>, vector<1x16xf32>,
        %swap3A_1899 = vector.shape_cast %swap3A_1898 : vector<1x16xf32> to vector<16xf32>
        %swap3A_1900 = vector.shape_cast %mul3A_1895 : vector<16xf32> to vector<1x16xf32>
        tpu.vector_store %arg11[%swap3A_1896, %swap3A_1897], %swap3A_1900 {strides = array<i32>} : memref<128x128xf32, #tpu.memory_space<vmem>>, vector<1x16xf32>,
        %get3A_1901 = arith.index_cast %add3A_1823 : i32 to index
        %get3A_1902 = arith.constant 112 : index
        %get3A_1903 = tpu.vector_load %arg11[%get3A_1901, %get3A_1902] {strides = array<i32>} : memref<128x128xf32, #tpu.memory_space<vmem>>, vector<1x16xf32>,
        %get3A_1904 = vector.shape_cast %get3A_1903 : vector<1x16xf32> to vector<16xf32>
        %mul3A_1905 = vector.broadcast %squeeze3A_1819 : f32 to vector<16xf32>
        %mul3A_1906 = arith.mulf %get3A_1904, %mul3A_1905 : vector<16xf32>
        %swap3A_1907 = arith.index_cast %add3A_1823 : i32 to index
        %swap3A_1908 = arith.constant 112 : index
        %swap3A_1909 = tpu.vector_load %arg11[%swap3A_1907, %swap3A_1908] {strides = array<i32>} : memref<128x128xf32, #tpu.memory_space<vmem>>, vector<1x16xf32>,
        %swap3A_1910 = vector.shape_cast %swap3A_1909 : vector<1x16xf32> to vector<16xf32>
        %swap3A_1911 = vector.shape_cast %mul3A_1906 : vector<16xf32> to vector<1x16xf32>
        tpu.vector_store %arg11[%swap3A_1907, %swap3A_1908], %swap3A_1911 {strides = array<i32>} : memref<128x128xf32, #tpu.memory_space<vmem>>, vector<1x16xf32>,
        %slice3A_1912 = vector.extract_strided_slice %get3A_785 {offsets = [12], sizes = [1], strides = [1]} : vector<16xf32> to vector<1xf32>
        %squeeze3A_1913 = vector.extract %slice3A_1912[0] : f32 from vector<1xf32>
        %mul3A_1914 = arith.constant 16 : i32
        %mul3A_1915 = arith.muli %scan3A_778, %mul3A_1914 : i32
        %add3A_1916 = arith.constant 12 : i32
        %add3A_1917 = arith.addi %mul3A_1915, %add3A_1916 : i32
        %get3A_1918 = arith.index_cast %add3A_1917 : i32 to index
        %get3A_1919 = arith.constant 0 : index
        %get3A_1920 = tpu.vector_load %arg11[%get3A_1918, %get3A_1919] {strides = array<i32>} : memref<128x128xf32, #tpu.memory_space<vmem>>, vector<1x16xf32>,
        %get3A_1921 = vector.shape_cast %get3A_1920 : vector<1x16xf32> to vector<16xf32>
        %mul3A_1922 = vector.broadcast %squeeze3A_1913 : f32 to vector<16xf32>
        %mul3A_1923 = arith.mulf %get3A_1921, %mul3A_1922 : vector<16xf32>
        %swap3A_1924 = arith.index_cast %add3A_1917 : i32 to index
        %swap3A_1925 = arith.constant 0 : index
        %swap3A_1926 = tpu.vector_load %arg11[%swap3A_1924, %swap3A_1925] {strides = array<i32>} : memref<128x128xf32, #tpu.memory_space<vmem>>, vector<1x16xf32>,
        %swap3A_1927 = vector.shape_cast %swap3A_1926 : vector<1x16xf32> to vector<16xf32>
        %swap3A_1928 = vector.shape_cast %mul3A_1923 : vector<16xf32> to vector<1x16xf32>
        tpu.vector_store %arg11[%swap3A_1924, %swap3A_1925], %swap3A_1928 {strides = array<i32>} : memref<128x128xf32, #tpu.memory_space<vmem>>, vector<1x16xf32>,
        %get3A_1929 = arith.index_cast %add3A_1917 : i32 to index
        %get3A_1930 = arith.constant 16 : index
        %get3A_1931 = tpu.vector_load %arg11[%get3A_1929, %get3A_1930] {strides = array<i32>} : memref<128x128xf32, #tpu.memory_space<vmem>>, vector<1x16xf32>,
        %get3A_1932 = vector.shape_cast %get3A_1931 : vector<1x16xf32> to vector<16xf32>
        %mul3A_1933 = vector.broadcast %squeeze3A_1913 : f32 to vector<16xf32>
        %mul3A_1934 = arith.mulf %get3A_1932, %mul3A_1933 : vector<16xf32>
        %swap3A_1935 = arith.index_cast %add3A_1917 : i32 to index
        %swap3A_1936 = arith.constant 16 : index
        %swap3A_1937 = tpu.vector_load %arg11[%swap3A_1935, %swap3A_1936] {strides = array<i32>} : memref<128x128xf32, #tpu.memory_space<vmem>>, vector<1x16xf32>,
        %swap3A_1938 = vector.shape_cast %swap3A_1937 : vector<1x16xf32> to vector<16xf32>
        %swap3A_1939 = vector.shape_cast %mul3A_1934 : vector<16xf32> to vector<1x16xf32>
        tpu.vector_store %arg11[%swap3A_1935, %swap3A_1936], %swap3A_1939 {strides = array<i32>} : memref<128x128xf32, #tpu.memory_space<vmem>>, vector<1x16xf32>,
        %get3A_1940 = arith.index_cast %add3A_1917 : i32 to index
        %get3A_1941 = arith.constant 32 : index
        %get3A_1942 = tpu.vector_load %arg11[%get3A_1940, %get3A_1941] {strides = array<i32>} : memref<128x128xf32, #tpu.memory_space<vmem>>, vector<1x16xf32>,
        %get3A_1943 = vector.shape_cast %get3A_1942 : vector<1x16xf32> to vector<16xf32>
        %mul3A_1944 = vector.broadcast %squeeze3A_1913 : f32 to vector<16xf32>
        %mul3A_1945 = arith.mulf %get3A_1943, %mul3A_1944 : vector<16xf32>
        %swap3A_1946 = arith.index_cast %add3A_1917 : i32 to index
        %swap3A_1947 = arith.constant 32 : index
        %swap3A_1948 = tpu.vector_load %arg11[%swap3A_1946, %swap3A_1947] {strides = array<i32>} : memref<128x128xf32, #tpu.memory_space<vmem>>, vector<1x16xf32>,
        %swap3A_1949 = vector.shape_cast %swap3A_1948 : vector<1x16xf32> to vector<16xf32>
        %swap3A_1950 = vector.shape_cast %mul3A_1945 : vector<16xf32> to vector<1x16xf32>
        tpu.vector_store %arg11[%swap3A_1946, %swap3A_1947], %swap3A_1950 {strides = array<i32>} : memref<128x128xf32, #tpu.memory_space<vmem>>, vector<1x16xf32>,
        %get3A_1951 = arith.index_cast %add3A_1917 : i32 to index
        %get3A_1952 = arith.constant 48 : index
        %get3A_1953 = tpu.vector_load %arg11[%get3A_1951, %get3A_1952] {strides = array<i32>} : memref<128x128xf32, #tpu.memory_space<vmem>>, vector<1x16xf32>,
        %get3A_1954 = vector.shape_cast %get3A_1953 : vector<1x16xf32> to vector<16xf32>
        %mul3A_1955 = vector.broadcast %squeeze3A_1913 : f32 to vector<16xf32>
        %mul3A_1956 = arith.mulf %get3A_1954, %mul3A_1955 : vector<16xf32>
        %swap3A_1957 = arith.index_cast %add3A_1917 : i32 to index
        %swap3A_1958 = arith.constant 48 : index
        %swap3A_1959 = tpu.vector_load %arg11[%swap3A_1957, %swap3A_1958] {strides = array<i32>} : memref<128x128xf32, #tpu.memory_space<vmem>>, vector<1x16xf32>,
        %swap3A_1960 = vector.shape_cast %swap3A_1959 : vector<1x16xf32> to vector<16xf32>
        %swap3A_1961 = vector.shape_cast %mul3A_1956 : vector<16xf32> to vector<1x16xf32>
        tpu.vector_store %arg11[%swap3A_1957, %swap3A_1958], %swap3A_1961 {strides = array<i32>} : memref<128x128xf32, #tpu.memory_space<vmem>>, vector<1x16xf32>,
        %get3A_1962 = arith.index_cast %add3A_1917 : i32 to index
        %get3A_1963 = arith.constant 64 : index
        %get3A_1964 = tpu.vector_load %arg11[%get3A_1962, %get3A_1963] {strides = array<i32>} : memref<128x128xf32, #tpu.memory_space<vmem>>, vector<1x16xf32>,
        %get3A_1965 = vector.shape_cast %get3A_1964 : vector<1x16xf32> to vector<16xf32>
        %mul3A_1966 = vector.broadcast %squeeze3A_1913 : f32 to vector<16xf32>
        %mul3A_1967 = arith.mulf %get3A_1965, %mul3A_1966 : vector<16xf32>
        %swap3A_1968 = arith.index_cast %add3A_1917 : i32 to index
        %swap3A_1969 = arith.constant 64 : index
        %swap3A_1970 = tpu.vector_load %arg11[%swap3A_1968, %swap3A_1969] {strides = array<i32>} : memref<128x128xf32, #tpu.memory_space<vmem>>, vector<1x16xf32>,
        %swap3A_1971 = vector.shape_cast %swap3A_1970 : vector<1x16xf32> to vector<16xf32>
        %swap3A_1972 = vector.shape_cast %mul3A_1967 : vector<16xf32> to vector<1x16xf32>
        tpu.vector_store %arg11[%swap3A_1968, %swap3A_1969], %swap3A_1972 {strides = array<i32>} : memref<128x128xf32, #tpu.memory_space<vmem>>, vector<1x16xf32>,
        %get3A_1973 = arith.index_cast %add3A_1917 : i32 to index
        %get3A_1974 = arith.constant 80 : index
        %get3A_1975 = tpu.vector_load %arg11[%get3A_1973, %get3A_1974] {strides = array<i32>} : memref<128x128xf32, #tpu.memory_space<vmem>>, vector<1x16xf32>,
        %get3A_1976 = vector.shape_cast %get3A_1975 : vector<1x16xf32> to vector<16xf32>
        %mul3A_1977 = vector.broadcast %squeeze3A_1913 : f32 to vector<16xf32>
        %mul3A_1978 = arith.mulf %get3A_1976, %mul3A_1977 : vector<16xf32>
        %swap3A_1979 = arith.index_cast %add3A_1917 : i32 to index
        %swap3A_1980 = arith.constant 80 : index
        %swap3A_1981 = tpu.vector_load %arg11[%swap3A_1979, %swap3A_1980] {strides = array<i32>} : memref<128x128xf32, #tpu.memory_space<vmem>>, vector<1x16xf32>,
        %swap3A_1982 = vector.shape_cast %swap3A_1981 : vector<1x16xf32> to vector<16xf32>
        %swap3A_1983 = vector.shape_cast %mul3A_1978 : vector<16xf32> to vector<1x16xf32>
        tpu.vector_store %arg11[%swap3A_1979, %swap3A_1980], %swap3A_1983 {strides = array<i32>} : memref<128x128xf32, #tpu.memory_space<vmem>>, vector<1x16xf32>,
        %get3A_1984 = arith.index_cast %add3A_1917 : i32 to index
        %get3A_1985 = arith.constant 96 : index
        %get3A_1986 = tpu.vector_load %arg11[%get3A_1984, %get3A_1985] {strides = array<i32>} : memref<128x128xf32, #tpu.memory_space<vmem>>, vector<1x16xf32>,
        %get3A_1987 = vector.shape_cast %get3A_1986 : vector<1x16xf32> to vector<16xf32>
        %mul3A_1988 = vector.broadcast %squeeze3A_1913 : f32 to vector<16xf32>
        %mul3A_1989 = arith.mulf %get3A_1987, %mul3A_1988 : vector<16xf32>
        %swap3A_1990 = arith.index_cast %add3A_1917 : i32 to index
        %swap3A_1991 = arith.constant 96 : index
        %swap3A_1992 = tpu.vector_load %arg11[%swap3A_1990, %swap3A_1991] {strides = array<i32>} : memref<128x128xf32, #tpu.memory_space<vmem>>, vector<1x16xf32>,
        %swap3A_1993 = vector.shape_cast %swap3A_1992 : vector<1x16xf32> to vector<16xf32>
        %swap3A_1994 = vector.shape_cast %mul3A_1989 : vector<16xf32> to vector<1x16xf32>
        tpu.vector_store %arg11[%swap3A_1990, %swap3A_1991], %swap3A_1994 {strides = array<i32>} : memref<128x128xf32, #tpu.memory_space<vmem>>, vector<1x16xf32>,
        %get3A_1995 = arith.index_cast %add3A_1917 : i32 to index
        %get3A_1996 = arith.constant 112 : index
        %get3A_1997 = tpu.vector_load %arg11[%get3A_1995, %get3A_1996] {strides = array<i32>} : memref<128x128xf32, #tpu.memory_space<vmem>>, vector<1x16xf32>,
        %get3A_1998 = vector.shape_cast %get3A_1997 : vector<1x16xf32> to vector<16xf32>
        %mul3A_1999 = vector.broadcast %squeeze3A_1913 : f32 to vector<16xf32>
        %mul3A_2000 = arith.mulf %get3A_1998, %mul3A_1999 : vector<16xf32>
        %swap3A_2001 = arith.index_cast %add3A_1917 : i32 to index
        %swap3A_2002 = arith.constant 112 : index
        %swap3A_2003 = tpu.vector_load %arg11[%swap3A_2001, %swap3A_2002] {strides = array<i32>} : memref<128x128xf32, #tpu.memory_space<vmem>>, vector<1x16xf32>,
        %swap3A_2004 = vector.shape_cast %swap3A_2003 : vector<1x16xf32> to vector<16xf32>
        %swap3A_2005 = vector.shape_cast %mul3A_2000 : vector<16xf32> to vector<1x16xf32>
        tpu.vector_store %arg11[%swap3A_2001, %swap3A_2002], %swap3A_2005 {strides = array<i32>} : memref<128x128xf32, #tpu.memory_space<vmem>>, vector<1x16xf32>,
        %slice3A_2006 = vector.extract_strided_slice %get3A_785 {offsets = [13], sizes = [1], strides = [1]} : vector<16xf32> to vector<1xf32>
        %squeeze3A_2007 = vector.extract %slice3A_2006[0] : f32 from vector<1xf32>
        %mul3A_2008 = arith.constant 16 : i32
        %mul3A_2009 = arith.muli %scan3A_778, %mul3A_2008 : i32
        %add3A_2010 = arith.constant 13 : i32
        %add3A_2011 = arith.addi %mul3A_2009, %add3A_2010 : i32
        %get3A_2012 = arith.index_cast %add3A_2011 : i32 to index
        %get3A_2013 = arith.constant 0 : index
        %get3A_2014 = tpu.vector_load %arg11[%get3A_2012, %get3A_2013] {strides = array<i32>} : memref<128x128xf32, #tpu.memory_space<vmem>>, vector<1x16xf32>,
        %get3A_2015 = vector.shape_cast %get3A_2014 : vector<1x16xf32> to vector<16xf32>
        %mul3A_2016 = vector.broadcast %squeeze3A_2007 : f32 to vector<16xf32>
        %mul3A_2017 = arith.mulf %get3A_2015, %mul3A_2016 : vector<16xf32>
        %swap3A_2018 = arith.index_cast %add3A_2011 : i32 to index
        %swap3A_2019 = arith.constant 0 : index
        %swap3A_2020 = tpu.vector_load %arg11[%swap3A_2018, %swap3A_2019] {strides = array<i32>} : memref<128x128xf32, #tpu.memory_space<vmem>>, vector<1x16xf32>,
        %swap3A_2021 = vector.shape_cast %swap3A_2020 : vector<1x16xf32> to vector<16xf32>
        %swap3A_2022 = vector.shape_cast %mul3A_2017 : vector<16xf32> to vector<1x16xf32>
        tpu.vector_store %arg11[%swap3A_2018, %swap3A_2019], %swap3A_2022 {strides = array<i32>} : memref<128x128xf32, #tpu.memory_space<vmem>>, vector<1x16xf32>,
        %get3A_2023 = arith.index_cast %add3A_2011 : i32 to index
        %get3A_2024 = arith.constant 16 : index
        %get3A_2025 = tpu.vector_load %arg11[%get3A_2023, %get3A_2024] {strides = array<i32>} : memref<128x128xf32, #tpu.memory_space<vmem>>, vector<1x16xf32>,
        %get3A_2026 = vector.shape_cast %get3A_2025 : vector<1x16xf32> to vector<16xf32>
        %mul3A_2027 = vector.broadcast %squeeze3A_2007 : f32 to vector<16xf32>
        %mul3A_2028 = arith.mulf %get3A_2026, %mul3A_2027 : vector<16xf32>
        %swap3A_2029 = arith.index_cast %add3A_2011 : i32 to index
        %swap3A_2030 = arith.constant 16 : index
        %swap3A_2031 = tpu.vector_load %arg11[%swap3A_2029, %swap3A_2030] {strides = array<i32>} : memref<128x128xf32, #tpu.memory_space<vmem>>, vector<1x16xf32>,
        %swap3A_2032 = vector.shape_cast %swap3A_2031 : vector<1x16xf32> to vector<16xf32>
        %swap3A_2033 = vector.shape_cast %mul3A_2028 : vector<16xf32> to vector<1x16xf32>
        tpu.vector_store %arg11[%swap3A_2029, %swap3A_2030], %swap3A_2033 {strides = array<i32>} : memref<128x128xf32, #tpu.memory_space<vmem>>, vector<1x16xf32>,
        %get3A_2034 = arith.index_cast %add3A_2011 : i32 to index
        %get3A_2035 = arith.constant 32 : index
        %get3A_2036 = tpu.vector_load %arg11[%get3A_2034, %get3A_2035] {strides = array<i32>} : memref<128x128xf32, #tpu.memory_space<vmem>>, vector<1x16xf32>,
        %get3A_2037 = vector.shape_cast %get3A_2036 : vector<1x16xf32> to vector<16xf32>
        %mul3A_2038 = vector.broadcast %squeeze3A_2007 : f32 to vector<16xf32>
        %mul3A_2039 = arith.mulf %get3A_2037, %mul3A_2038 : vector<16xf32>
        %swap3A_2040 = arith.index_cast %add3A_2011 : i32 to index
        %swap3A_2041 = arith.constant 32 : index
        %swap3A_2042 = tpu.vector_load %arg11[%swap3A_2040, %swap3A_2041] {strides = array<i32>} : memref<128x128xf32, #tpu.memory_space<vmem>>, vector<1x16xf32>,
        %swap3A_2043 = vector.shape_cast %swap3A_2042 : vector<1x16xf32> to vector<16xf32>
        %swap3A_2044 = vector.shape_cast %mul3A_2039 : vector<16xf32> to vector<1x16xf32>
        tpu.vector_store %arg11[%swap3A_2040, %swap3A_2041], %swap3A_2044 {strides = array<i32>} : memref<128x128xf32, #tpu.memory_space<vmem>>, vector<1x16xf32>,
        %get3A_2045 = arith.index_cast %add3A_2011 : i32 to index
        %get3A_2046 = arith.constant 48 : index
        %get3A_2047 = tpu.vector_load %arg11[%get3A_2045, %get3A_2046] {strides = array<i32>} : memref<128x128xf32, #tpu.memory_space<vmem>>, vector<1x16xf32>,
        %get3A_2048 = vector.shape_cast %get3A_2047 : vector<1x16xf32> to vector<16xf32>
        %mul3A_2049 = vector.broadcast %squeeze3A_2007 : f32 to vector<16xf32>
        %mul3A_2050 = arith.mulf %get3A_2048, %mul3A_2049 : vector<16xf32>
        %swap3A_2051 = arith.index_cast %add3A_2011 : i32 to index
        %swap3A_2052 = arith.constant 48 : index
        %swap3A_2053 = tpu.vector_load %arg11[%swap3A_2051, %swap3A_2052] {strides = array<i32>} : memref<128x128xf32, #tpu.memory_space<vmem>>, vector<1x16xf32>,
        %swap3A_2054 = vector.shape_cast %swap3A_2053 : vector<1x16xf32> to vector<16xf32>
        %swap3A_2055 = vector.shape_cast %mul3A_2050 : vector<16xf32> to vector<1x16xf32>
        tpu.vector_store %arg11[%swap3A_2051, %swap3A_2052], %swap3A_2055 {strides = array<i32>} : memref<128x128xf32, #tpu.memory_space<vmem>>, vector<1x16xf32>,
        %get3A_2056 = arith.index_cast %add3A_2011 : i32 to index
        %get3A_2057 = arith.constant 64 : index
        %get3A_2058 = tpu.vector_load %arg11[%get3A_2056, %get3A_2057] {strides = array<i32>} : memref<128x128xf32, #tpu.memory_space<vmem>>, vector<1x16xf32>,
        %get3A_2059 = vector.shape_cast %get3A_2058 : vector<1x16xf32> to vector<16xf32>
        %mul3A_2060 = vector.broadcast %squeeze3A_2007 : f32 to vector<16xf32>
        %mul3A_2061 = arith.mulf %get3A_2059, %mul3A_2060 : vector<16xf32>
        %swap3A_2062 = arith.index_cast %add3A_2011 : i32 to index
        %swap3A_2063 = arith.constant 64 : index
        %swap3A_2064 = tpu.vector_load %arg11[%swap3A_2062, %swap3A_2063] {strides = array<i32>} : memref<128x128xf32, #tpu.memory_space<vmem>>, vector<1x16xf32>,
        %swap3A_2065 = vector.shape_cast %swap3A_2064 : vector<1x16xf32> to vector<16xf32>
        %swap3A_2066 = vector.shape_cast %mul3A_2061 : vector<16xf32> to vector<1x16xf32>
        tpu.vector_store %arg11[%swap3A_2062, %swap3A_2063], %swap3A_2066 {strides = array<i32>} : memref<128x128xf32, #tpu.memory_space<vmem>>, vector<1x16xf32>,
        %get3A_2067 = arith.index_cast %add3A_2011 : i32 to index
        %get3A_2068 = arith.constant 80 : index
        %get3A_2069 = tpu.vector_load %arg11[%get3A_2067, %get3A_2068] {strides = array<i32>} : memref<128x128xf32, #tpu.memory_space<vmem>>, vector<1x16xf32>,
        %get3A_2070 = vector.shape_cast %get3A_2069 : vector<1x16xf32> to vector<16xf32>
        %mul3A_2071 = vector.broadcast %squeeze3A_2007 : f32 to vector<16xf32>
        %mul3A_2072 = arith.mulf %get3A_2070, %mul3A_2071 : vector<16xf32>
        %swap3A_2073 = arith.index_cast %add3A_2011 : i32 to index
        %swap3A_2074 = arith.constant 80 : index
        %swap3A_2075 = tpu.vector_load %arg11[%swap3A_2073, %swap3A_2074] {strides = array<i32>} : memref<128x128xf32, #tpu.memory_space<vmem>>, vector<1x16xf32>,
        %swap3A_2076 = vector.shape_cast %swap3A_2075 : vector<1x16xf32> to vector<16xf32>
        %swap3A_2077 = vector.shape_cast %mul3A_2072 : vector<16xf32> to vector<1x16xf32>
        tpu.vector_store %arg11[%swap3A_2073, %swap3A_2074], %swap3A_2077 {strides = array<i32>} : memref<128x128xf32, #tpu.memory_space<vmem>>, vector<1x16xf32>,
        %get3A_2078 = arith.index_cast %add3A_2011 : i32 to index
        %get3A_2079 = arith.constant 96 : index
        %get3A_2080 = tpu.vector_load %arg11[%get3A_2078, %get3A_2079] {strides = array<i32>} : memref<128x128xf32, #tpu.memory_space<vmem>>, vector<1x16xf32>,
        %get3A_2081 = vector.shape_cast %get3A_2080 : vector<1x16xf32> to vector<16xf32>
        %mul3A_2082 = vector.broadcast %squeeze3A_2007 : f32 to vector<16xf32>
        %mul3A_2083 = arith.mulf %get3A_2081, %mul3A_2082 : vector<16xf32>
        %swap3A_2084 = arith.index_cast %add3A_2011 : i32 to index
        %swap3A_2085 = arith.constant 96 : index
        %swap3A_2086 = tpu.vector_load %arg11[%swap3A_2084, %swap3A_2085] {strides = array<i32>} : memref<128x128xf32, #tpu.memory_space<vmem>>, vector<1x16xf32>,
        %swap3A_2087 = vector.shape_cast %swap3A_2086 : vector<1x16xf32> to vector<16xf32>
        %swap3A_2088 = vector.shape_cast %mul3A_2083 : vector<16xf32> to vector<1x16xf32>
        tpu.vector_store %arg11[%swap3A_2084, %swap3A_2085], %swap3A_2088 {strides = array<i32>} : memref<128x128xf32, #tpu.memory_space<vmem>>, vector<1x16xf32>,
        %get3A_2089 = arith.index_cast %add3A_2011 : i32 to index
        %get3A_2090 = arith.constant 112 : index
        %get3A_2091 = tpu.vector_load %arg11[%get3A_2089, %get3A_2090] {strides = array<i32>} : memref<128x128xf32, #tpu.memory_space<vmem>>, vector<1x16xf32>,
        %get3A_2092 = vector.shape_cast %get3A_2091 : vector<1x16xf32> to vector<16xf32>
        %mul3A_2093 = vector.broadcast %squeeze3A_2007 : f32 to vector<16xf32>
        %mul3A_2094 = arith.mulf %get3A_2092, %mul3A_2093 : vector<16xf32>
        %swap3A_2095 = arith.index_cast %add3A_2011 : i32 to index
        %swap3A_2096 = arith.constant 112 : index
        %swap3A_2097 = tpu.vector_load %arg11[%swap3A_2095, %swap3A_2096] {strides = array<i32>} : memref<128x128xf32, #tpu.memory_space<vmem>>, vector<1x16xf32>,
        %swap3A_2098 = vector.shape_cast %swap3A_2097 : vector<1x16xf32> to vector<16xf32>
        %swap3A_2099 = vector.shape_cast %mul3A_2094 : vector<16xf32> to vector<1x16xf32>
        tpu.vector_store %arg11[%swap3A_2095, %swap3A_2096], %swap3A_2099 {strides = array<i32>} : memref<128x128xf32, #tpu.memory_space<vmem>>, vector<1x16xf32>,
        %slice3A_2100 = vector.extract_strided_slice %get3A_785 {offsets = [14], sizes = [1], strides = [1]} : vector<16xf32> to vector<1xf32>
        %squeeze3A_2101 = vector.extract %slice3A_2100[0] : f32 from vector<1xf32>
        %mul3A_2102 = arith.constant 16 : i32
        %mul3A_2103 = arith.muli %scan3A_778, %mul3A_2102 : i32
        %add3A_2104 = arith.constant 14 : i32
        %add3A_2105 = arith.addi %mul3A_2103, %add3A_2104 : i32
        %get3A_2106 = arith.index_cast %add3A_2105 : i32 to index
        %get3A_2107 = arith.constant 0 : index
        %get3A_2108 = tpu.vector_load %arg11[%get3A_2106, %get3A_2107] {strides = array<i32>} : memref<128x128xf32, #tpu.memory_space<vmem>>, vector<1x16xf32>,
        %get3A_2109 = vector.shape_cast %get3A_2108 : vector<1x16xf32> to vector<16xf32>
        %mul3A_2110 = vector.broadcast %squeeze3A_2101 : f32 to vector<16xf32>
        %mul3A_2111 = arith.mulf %get3A_2109, %mul3A_2110 : vector<16xf32>
        %swap3A_2112 = arith.index_cast %add3A_2105 : i32 to index
        %swap3A_2113 = arith.constant 0 : index
        %swap3A_2114 = tpu.vector_load %arg11[%swap3A_2112, %swap3A_2113] {strides = array<i32>} : memref<128x128xf32, #tpu.memory_space<vmem>>, vector<1x16xf32>,
        %swap3A_2115 = vector.shape_cast %swap3A_2114 : vector<1x16xf32> to vector<16xf32>
        %swap3A_2116 = vector.shape_cast %mul3A_2111 : vector<16xf32> to vector<1x16xf32>
        tpu.vector_store %arg11[%swap3A_2112, %swap3A_2113], %swap3A_2116 {strides = array<i32>} : memref<128x128xf32, #tpu.memory_space<vmem>>, vector<1x16xf32>,
        %get3A_2117 = arith.index_cast %add3A_2105 : i32 to index
        %get3A_2118 = arith.constant 16 : index
        %get3A_2119 = tpu.vector_load %arg11[%get3A_2117, %get3A_2118] {strides = array<i32>} : memref<128x128xf32, #tpu.memory_space<vmem>>, vector<1x16xf32>,
        %get3A_2120 = vector.shape_cast %get3A_2119 : vector<1x16xf32> to vector<16xf32>
        %mul3A_2121 = vector.broadcast %squeeze3A_2101 : f32 to vector<16xf32>
        %mul3A_2122 = arith.mulf %get3A_2120, %mul3A_2121 : vector<16xf32>
        %swap3A_2123 = arith.index_cast %add3A_2105 : i32 to index
        %swap3A_2124 = arith.constant 16 : index
        %swap3A_2125 = tpu.vector_load %arg11[%swap3A_2123, %swap3A_2124] {strides = array<i32>} : memref<128x128xf32, #tpu.memory_space<vmem>>, vector<1x16xf32>,
        %swap3A_2126 = vector.shape_cast %swap3A_2125 : vector<1x16xf32> to vector<16xf32>
        %swap3A_2127 = vector.shape_cast %mul3A_2122 : vector<16xf32> to vector<1x16xf32>
        tpu.vector_store %arg11[%swap3A_2123, %swap3A_2124], %swap3A_2127 {strides = array<i32>} : memref<128x128xf32, #tpu.memory_space<vmem>>, vector<1x16xf32>,
        %get3A_2128 = arith.index_cast %add3A_2105 : i32 to index
        %get3A_2129 = arith.constant 32 : index
        %get3A_2130 = tpu.vector_load %arg11[%get3A_2128, %get3A_2129] {strides = array<i32>} : memref<128x128xf32, #tpu.memory_space<vmem>>, vector<1x16xf32>,
        %get3A_2131 = vector.shape_cast %get3A_2130 : vector<1x16xf32> to vector<16xf32>
        %mul3A_2132 = vector.broadcast %squeeze3A_2101 : f32 to vector<16xf32>
        %mul3A_2133 = arith.mulf %get3A_2131, %mul3A_2132 : vector<16xf32>
        %swap3A_2134 = arith.index_cast %add3A_2105 : i32 to index
        %swap3A_2135 = arith.constant 32 : index
        %swap3A_2136 = tpu.vector_load %arg11[%swap3A_2134, %swap3A_2135] {strides = array<i32>} : memref<128x128xf32, #tpu.memory_space<vmem>>, vector<1x16xf32>,
        %swap3A_2137 = vector.shape_cast %swap3A_2136 : vector<1x16xf32> to vector<16xf32>
        %swap3A_2138 = vector.shape_cast %mul3A_2133 : vector<16xf32> to vector<1x16xf32>
        tpu.vector_store %arg11[%swap3A_2134, %swap3A_2135], %swap3A_2138 {strides = array<i32>} : memref<128x128xf32, #tpu.memory_space<vmem>>, vector<1x16xf32>,
        %get3A_2139 = arith.index_cast %add3A_2105 : i32 to index
        %get3A_2140 = arith.constant 48 : index
        %get3A_2141 = tpu.vector_load %arg11[%get3A_2139, %get3A_2140] {strides = array<i32>} : memref<128x128xf32, #tpu.memory_space<vmem>>, vector<1x16xf32>,
        %get3A_2142 = vector.shape_cast %get3A_2141 : vector<1x16xf32> to vector<16xf32>
        %mul3A_2143 = vector.broadcast %squeeze3A_2101 : f32 to vector<16xf32>
        %mul3A_2144 = arith.mulf %get3A_2142, %mul3A_2143 : vector<16xf32>
        %swap3A_2145 = arith.index_cast %add3A_2105 : i32 to index
        %swap3A_2146 = arith.constant 48 : index
        %swap3A_2147 = tpu.vector_load %arg11[%swap3A_2145, %swap3A_2146] {strides = array<i32>} : memref<128x128xf32, #tpu.memory_space<vmem>>, vector<1x16xf32>,
        %swap3A_2148 = vector.shape_cast %swap3A_2147 : vector<1x16xf32> to vector<16xf32>
        %swap3A_2149 = vector.shape_cast %mul3A_2144 : vector<16xf32> to vector<1x16xf32>
        tpu.vector_store %arg11[%swap3A_2145, %swap3A_2146], %swap3A_2149 {strides = array<i32>} : memref<128x128xf32, #tpu.memory_space<vmem>>, vector<1x16xf32>,
        %get3A_2150 = arith.index_cast %add3A_2105 : i32 to index
        %get3A_2151 = arith.constant 64 : index
        %get3A_2152 = tpu.vector_load %arg11[%get3A_2150, %get3A_2151] {strides = array<i32>} : memref<128x128xf32, #tpu.memory_space<vmem>>, vector<1x16xf32>,
        %get3A_2153 = vector.shape_cast %get3A_2152 : vector<1x16xf32> to vector<16xf32>
        %mul3A_2154 = vector.broadcast %squeeze3A_2101 : f32 to vector<16xf32>
        %mul3A_2155 = arith.mulf %get3A_2153, %mul3A_2154 : vector<16xf32>
        %swap3A_2156 = arith.index_cast %add3A_2105 : i32 to index
        %swap3A_2157 = arith.constant 64 : index
        %swap3A_2158 = tpu.vector_load %arg11[%swap3A_2156, %swap3A_2157] {strides = array<i32>} : memref<128x128xf32, #tpu.memory_space<vmem>>, vector<1x16xf32>,
        %swap3A_2159 = vector.shape_cast %swap3A_2158 : vector<1x16xf32> to vector<16xf32>
        %swap3A_2160 = vector.shape_cast %mul3A_2155 : vector<16xf32> to vector<1x16xf32>
        tpu.vector_store %arg11[%swap3A_2156, %swap3A_2157], %swap3A_2160 {strides = array<i32>} : memref<128x128xf32, #tpu.memory_space<vmem>>, vector<1x16xf32>,
        %get3A_2161 = arith.index_cast %add3A_2105 : i32 to index
        %get3A_2162 = arith.constant 80 : index
        %get3A_2163 = tpu.vector_load %arg11[%get3A_2161, %get3A_2162] {strides = array<i32>} : memref<128x128xf32, #tpu.memory_space<vmem>>, vector<1x16xf32>,
        %get3A_2164 = vector.shape_cast %get3A_2163 : vector<1x16xf32> to vector<16xf32>
        %mul3A_2165 = vector.broadcast %squeeze3A_2101 : f32 to vector<16xf32>
        %mul3A_2166 = arith.mulf %get3A_2164, %mul3A_2165 : vector<16xf32>
        %swap3A_2167 = arith.index_cast %add3A_2105 : i32 to index
        %swap3A_2168 = arith.constant 80 : index
        %swap3A_2169 = tpu.vector_load %arg11[%swap3A_2167, %swap3A_2168] {strides = array<i32>} : memref<128x128xf32, #tpu.memory_space<vmem>>, vector<1x16xf32>,
        %swap3A_2170 = vector.shape_cast %swap3A_2169 : vector<1x16xf32> to vector<16xf32>
        %swap3A_2171 = vector.shape_cast %mul3A_2166 : vector<16xf32> to vector<1x16xf32>
        tpu.vector_store %arg11[%swap3A_2167, %swap3A_2168], %swap3A_2171 {strides = array<i32>} : memref<128x128xf32, #tpu.memory_space<vmem>>, vector<1x16xf32>,
        %get3A_2172 = arith.index_cast %add3A_2105 : i32 to index
        %get3A_2173 = arith.constant 96 : index
        %get3A_2174 = tpu.vector_load %arg11[%get3A_2172, %get3A_2173] {strides = array<i32>} : memref<128x128xf32, #tpu.memory_space<vmem>>, vector<1x16xf32>,
        %get3A_2175 = vector.shape_cast %get3A_2174 : vector<1x16xf32> to vector<16xf32>
        %mul3A_2176 = vector.broadcast %squeeze3A_2101 : f32 to vector<16xf32>
        %mul3A_2177 = arith.mulf %get3A_2175, %mul3A_2176 : vector<16xf32>
        %swap3A_2178 = arith.index_cast %add3A_2105 : i32 to index
        %swap3A_2179 = arith.constant 96 : index
        %swap3A_2180 = tpu.vector_load %arg11[%swap3A_2178, %swap3A_2179] {strides = array<i32>} : memref<128x128xf32, #tpu.memory_space<vmem>>, vector<1x16xf32>,
        %swap3A_2181 = vector.shape_cast %swap3A_2180 : vector<1x16xf32> to vector<16xf32>
        %swap3A_2182 = vector.shape_cast %mul3A_2177 : vector<16xf32> to vector<1x16xf32>
        tpu.vector_store %arg11[%swap3A_2178, %swap3A_2179], %swap3A_2182 {strides = array<i32>} : memref<128x128xf32, #tpu.memory_space<vmem>>, vector<1x16xf32>,
        %get3A_2183 = arith.index_cast %add3A_2105 : i32 to index
        %get3A_2184 = arith.constant 112 : index
        %get3A_2185 = tpu.vector_load %arg11[%get3A_2183, %get3A_2184] {strides = array<i32>} : memref<128x128xf32, #tpu.memory_space<vmem>>, vector<1x16xf32>,
        %get3A_2186 = vector.shape_cast %get3A_2185 : vector<1x16xf32> to vector<16xf32>
        %mul3A_2187 = vector.broadcast %squeeze3A_2101 : f32 to vector<16xf32>
        %mul3A_2188 = arith.mulf %get3A_2186, %mul3A_2187 : vector<16xf32>
        %swap3A_2189 = arith.index_cast %add3A_2105 : i32 to index
        %swap3A_2190 = arith.constant 112 : index
        %swap3A_2191 = tpu.vector_load %arg11[%swap3A_2189, %swap3A_2190] {strides = array<i32>} : memref<128x128xf32, #tpu.memory_space<vmem>>, vector<1x16xf32>,
        %swap3A_2192 = vector.shape_cast %swap3A_2191 : vector<1x16xf32> to vector<16xf32>
        %swap3A_2193 = vector.shape_cast %mul3A_2188 : vector<16xf32> to vector<1x16xf32>
        tpu.vector_store %arg11[%swap3A_2189, %swap3A_2190], %swap3A_2193 {strides = array<i32>} : memref<128x128xf32, #tpu.memory_space<vmem>>, vector<1x16xf32>,
        %slice3A_2194 = vector.extract_strided_slice %get3A_785 {offsets = [15], sizes = [1], strides = [1]} : vector<16xf32> to vector<1xf32>
        %squeeze3A_2195 = vector.extract %slice3A_2194[0] : f32 from vector<1xf32>
        %mul3A_2196 = arith.constant 16 : i32
        %mul3A_2197 = arith.muli %scan3A_778, %mul3A_2196 : i32
        %add3A_2198 = arith.constant 15 : i32
        %add3A_2199 = arith.addi %mul3A_2197, %add3A_2198 : i32
        %get3A_2200 = arith.index_cast %add3A_2199 : i32 to index
        %get3A_2201 = arith.constant 0 : index
        %get3A_2202 = tpu.vector_load %arg11[%get3A_2200, %get3A_2201] {strides = array<i32>} : memref<128x128xf32, #tpu.memory_space<vmem>>, vector<1x16xf32>,
        %get3A_2203 = vector.shape_cast %get3A_2202 : vector<1x16xf32> to vector<16xf32>
        %mul3A_2204 = vector.broadcast %squeeze3A_2195 : f32 to vector<16xf32>
        %mul3A_2205 = arith.mulf %get3A_2203, %mul3A_2204 : vector<16xf32>
        %swap3A_2206 = arith.index_cast %add3A_2199 : i32 to index
        %swap3A_2207 = arith.constant 0 : index
        %swap3A_2208 = tpu.vector_load %arg11[%swap3A_2206, %swap3A_2207] {strides = array<i32>} : memref<128x128xf32, #tpu.memory_space<vmem>>, vector<1x16xf32>,
        %swap3A_2209 = vector.shape_cast %swap3A_2208 : vector<1x16xf32> to vector<16xf32>
        %swap3A_2210 = vector.shape_cast %mul3A_2205 : vector<16xf32> to vector<1x16xf32>
        tpu.vector_store %arg11[%swap3A_2206, %swap3A_2207], %swap3A_2210 {strides = array<i32>} : memref<128x128xf32, #tpu.memory_space<vmem>>, vector<1x16xf32>,
        %get3A_2211 = arith.index_cast %add3A_2199 : i32 to index
        %get3A_2212 = arith.constant 16 : index
        %get3A_2213 = tpu.vector_load %arg11[%get3A_2211, %get3A_2212] {strides = array<i32>} : memref<128x128xf32, #tpu.memory_space<vmem>>, vector<1x16xf32>,
        %get3A_2214 = vector.shape_cast %get3A_2213 : vector<1x16xf32> to vector<16xf32>
        %mul3A_2215 = vector.broadcast %squeeze3A_2195 : f32 to vector<16xf32>
        %mul3A_2216 = arith.mulf %get3A_2214, %mul3A_2215 : vector<16xf32>
        %swap3A_2217 = arith.index_cast %add3A_2199 : i32 to index
        %swap3A_2218 = arith.constant 16 : index
        %swap3A_2219 = tpu.vector_load %arg11[%swap3A_2217, %swap3A_2218] {strides = array<i32>} : memref<128x128xf32, #tpu.memory_space<vmem>>, vector<1x16xf32>,
        %swap3A_2220 = vector.shape_cast %swap3A_2219 : vector<1x16xf32> to vector<16xf32>
        %swap3A_2221 = vector.shape_cast %mul3A_2216 : vector<16xf32> to vector<1x16xf32>
        tpu.vector_store %arg11[%swap3A_2217, %swap3A_2218], %swap3A_2221 {strides = array<i32>} : memref<128x128xf32, #tpu.memory_space<vmem>>, vector<1x16xf32>,
        %get3A_2222 = arith.index_cast %add3A_2199 : i32 to index
        %get3A_2223 = arith.constant 32 : index
        %get3A_2224 = tpu.vector_load %arg11[%get3A_2222, %get3A_2223] {strides = array<i32>} : memref<128x128xf32, #tpu.memory_space<vmem>>, vector<1x16xf32>,
        %get3A_2225 = vector.shape_cast %get3A_2224 : vector<1x16xf32> to vector<16xf32>
        %mul3A_2226 = vector.broadcast %squeeze3A_2195 : f32 to vector<16xf32>
        %mul3A_2227 = arith.mulf %get3A_2225, %mul3A_2226 : vector<16xf32>
        %swap3A_2228 = arith.index_cast %add3A_2199 : i32 to index
        %swap3A_2229 = arith.constant 32 : index
        %swap3A_2230 = tpu.vector_load %arg11[%swap3A_2228, %swap3A_2229] {strides = array<i32>} : memref<128x128xf32, #tpu.memory_space<vmem>>, vector<1x16xf32>,
        %swap3A_2231 = vector.shape_cast %swap3A_2230 : vector<1x16xf32> to vector<16xf32>
        %swap3A_2232 = vector.shape_cast %mul3A_2227 : vector<16xf32> to vector<1x16xf32>
        tpu.vector_store %arg11[%swap3A_2228, %swap3A_2229], %swap3A_2232 {strides = array<i32>} : memref<128x128xf32, #tpu.memory_space<vmem>>, vector<1x16xf32>,
        %get3A_2233 = arith.index_cast %add3A_2199 : i32 to index
        %get3A_2234 = arith.constant 48 : index
        %get3A_2235 = tpu.vector_load %arg11[%get3A_2233, %get3A_2234] {strides = array<i32>} : memref<128x128xf32, #tpu.memory_space<vmem>>, vector<1x16xf32>,
        %get3A_2236 = vector.shape_cast %get3A_2235 : vector<1x16xf32> to vector<16xf32>
        %mul3A_2237 = vector.broadcast %squeeze3A_2195 : f32 to vector<16xf32>
        %mul3A_2238 = arith.mulf %get3A_2236, %mul3A_2237 : vector<16xf32>
        %swap3A_2239 = arith.index_cast %add3A_2199 : i32 to index
        %swap3A_2240 = arith.constant 48 : index
        %swap3A_2241 = tpu.vector_load %arg11[%swap3A_2239, %swap3A_2240] {strides = array<i32>} : memref<128x128xf32, #tpu.memory_space<vmem>>, vector<1x16xf32>,
        %swap3A_2242 = vector.shape_cast %swap3A_2241 : vector<1x16xf32> to vector<16xf32>
        %swap3A_2243 = vector.shape_cast %mul3A_2238 : vector<16xf32> to vector<1x16xf32>
        tpu.vector_store %arg11[%swap3A_2239, %swap3A_2240], %swap3A_2243 {strides = array<i32>} : memref<128x128xf32, #tpu.memory_space<vmem>>, vector<1x16xf32>,
        %get3A_2244 = arith.index_cast %add3A_2199 : i32 to index
        %get3A_2245 = arith.constant 64 : index
        %get3A_2246 = tpu.vector_load %arg11[%get3A_2244, %get3A_2245] {strides = array<i32>} : memref<128x128xf32, #tpu.memory_space<vmem>>, vector<1x16xf32>,
        %get3A_2247 = vector.shape_cast %get3A_2246 : vector<1x16xf32> to vector<16xf32>
        %mul3A_2248 = vector.broadcast %squeeze3A_2195 : f32 to vector<16xf32>
        %mul3A_2249 = arith.mulf %get3A_2247, %mul3A_2248 : vector<16xf32>
        %swap3A_2250 = arith.index_cast %add3A_2199 : i32 to index
        %swap3A_2251 = arith.constant 64 : index
        %swap3A_2252 = tpu.vector_load %arg11[%swap3A_2250, %swap3A_2251] {strides = array<i32>} : memref<128x128xf32, #tpu.memory_space<vmem>>, vector<1x16xf32>,
        %swap3A_2253 = vector.shape_cast %swap3A_2252 : vector<1x16xf32> to vector<16xf32>
        %swap3A_2254 = vector.shape_cast %mul3A_2249 : vector<16xf32> to vector<1x16xf32>
        tpu.vector_store %arg11[%swap3A_2250, %swap3A_2251], %swap3A_2254 {strides = array<i32>} : memref<128x128xf32, #tpu.memory_space<vmem>>, vector<1x16xf32>,
        %get3A_2255 = arith.index_cast %add3A_2199 : i32 to index
        %get3A_2256 = arith.constant 80 : index
        %get3A_2257 = tpu.vector_load %arg11[%get3A_2255, %get3A_2256] {strides = array<i32>} : memref<128x128xf32, #tpu.memory_space<vmem>>, vector<1x16xf32>,
        %get3A_2258 = vector.shape_cast %get3A_2257 : vector<1x16xf32> to vector<16xf32>
        %mul3A_2259 = vector.broadcast %squeeze3A_2195 : f32 to vector<16xf32>
        %mul3A_2260 = arith.mulf %get3A_2258, %mul3A_2259 : vector<16xf32>
        %swap3A_2261 = arith.index_cast %add3A_2199 : i32 to index
        %swap3A_2262 = arith.constant 80 : index
        %swap3A_2263 = tpu.vector_load %arg11[%swap3A_2261, %swap3A_2262] {strides = array<i32>} : memref<128x128xf32, #tpu.memory_space<vmem>>, vector<1x16xf32>,
        %swap3A_2264 = vector.shape_cast %swap3A_2263 : vector<1x16xf32> to vector<16xf32>
        %swap3A_2265 = vector.shape_cast %mul3A_2260 : vector<16xf32> to vector<1x16xf32>
        tpu.vector_store %arg11[%swap3A_2261, %swap3A_2262], %swap3A_2265 {strides = array<i32>} : memref<128x128xf32, #tpu.memory_space<vmem>>, vector<1x16xf32>,
        %get3A_2266 = arith.index_cast %add3A_2199 : i32 to index
        %get3A_2267 = arith.constant 96 : index
        %get3A_2268 = tpu.vector_load %arg11[%get3A_2266, %get3A_2267] {strides = array<i32>} : memref<128x128xf32, #tpu.memory_space<vmem>>, vector<1x16xf32>,
        %get3A_2269 = vector.shape_cast %get3A_2268 : vector<1x16xf32> to vector<16xf32>
        %mul3A_2270 = vector.broadcast %squeeze3A_2195 : f32 to vector<16xf32>
        %mul3A_2271 = arith.mulf %get3A_2269, %mul3A_2270 : vector<16xf32>
        %swap3A_2272 = arith.index_cast %add3A_2199 : i32 to index
        %swap3A_2273 = arith.constant 96 : index
        %swap3A_2274 = tpu.vector_load %arg11[%swap3A_2272, %swap3A_2273] {strides = array<i32>} : memref<128x128xf32, #tpu.memory_space<vmem>>, vector<1x16xf32>,
        %swap3A_2275 = vector.shape_cast %swap3A_2274 : vector<1x16xf32> to vector<16xf32>
        %swap3A_2276 = vector.shape_cast %mul3A_2271 : vector<16xf32> to vector<1x16xf32>
        tpu.vector_store %arg11[%swap3A_2272, %swap3A_2273], %swap3A_2276 {strides = array<i32>} : memref<128x128xf32, #tpu.memory_space<vmem>>, vector<1x16xf32>,
        %get3A_2277 = arith.index_cast %add3A_2199 : i32 to index
        %get3A_2278 = arith.constant 112 : index
        %get3A_2279 = tpu.vector_load %arg11[%get3A_2277, %get3A_2278] {strides = array<i32>} : memref<128x128xf32, #tpu.memory_space<vmem>>, vector<1x16xf32>,
        %get3A_2280 = vector.shape_cast %get3A_2279 : vector<1x16xf32> to vector<16xf32>
        %mul3A_2281 = vector.broadcast %squeeze3A_2195 : f32 to vector<16xf32>
        %mul3A_2282 = arith.mulf %get3A_2280, %mul3A_2281 : vector<16xf32>
        %swap3A_2283 = arith.index_cast %add3A_2199 : i32 to index
        %swap3A_2284 = arith.constant 112 : index
        %swap3A_2285 = tpu.vector_load %arg11[%swap3A_2283, %swap3A_2284] {strides = array<i32>} : memref<128x128xf32, #tpu.memory_space<vmem>>, vector<1x16xf32>,
        %swap3A_2286 = vector.shape_cast %swap3A_2285 : vector<1x16xf32> to vector<16xf32>
        %swap3A_2287 = vector.shape_cast %mul3A_2282 : vector<16xf32> to vector<1x16xf32>
        tpu.vector_store %arg11[%swap3A_2283, %swap3A_2284], %swap3A_2287 {strides = array<i32>} : memref<128x128xf32, #tpu.memory_space<vmem>>, vector<1x16xf32>,
        %scan3A_2288 = arith.constant 0 : i32
        scf.yield %scan3A_2288 : i32
      }
      %scan3A_768 = arith.constant 8 : i32
      %lt3A_769 = arith.constant 78 : i32
      %lt3A_770 = arith.cmpi slt, %add3A_677, %lt3A_769 : i32
      %convert_element_type3A_771 = arith.extui %lt3A_770 : i1 to i32
      %cond3A_772 = arith.constant 0 : i32
      %cond3A_773 = arith.cmpi ne, %convert_element_type3A_771, %cond3A_772 : i32
      scf.if %cond3A_773 {
        %add3A_778 = arith.constant 2 : i32
        %add3A_779 = arith.addi %add3A_677, %add3A_778 : i32
        %mul3A_780 = arith.constant 80 : i32
        %mul3A_781 = arith.muli %add3A, %mul3A_780 : i32
        %add3A_782 = arith.addi %mul3A_781, %add3A_779 : i32
        %dma_start3A_783 = arith.constant 0 : i32
        %dma_start3A_784 = arith.constant 0 : i32
        %dma_start3A_785 = tpu.memref_slice %arg3[%add3A_782, %dma_start3A_783, %dma_start3A_784] : memref<2560x2x128xi32, #tpu.memory_space<hbm>> -> memref<1x2x128xi32, #tpu.memory_space<hbm>>
        %dma_start3A_786 = tpu.memref_squeeze %dma_start3A_785 : memref<1x2x128xi32, #tpu.memory_space<hbm>> -> memref<2x128xi32, #tpu.memory_space<hbm>>
        %dma_start3A_787 = arith.constant 0 : i32
        %dma_start3A_788 = arith.constant 0 : i32
        %dma_start3A_789 = tpu.memref_slice %arg3[%add3A_782, %dma_start3A_787, %dma_start3A_788] : memref<2560x2x128xi32, #tpu.memory_space<hbm>> -> memref<1x2x128xi32, #tpu.memory_space<hbm>>
        %dma_start3A_790 = tpu.memref_squeeze %dma_start3A_789 : memref<1x2x128xi32, #tpu.memory_space<hbm>> -> memref<2x128xi32, #tpu.memory_space<hbm>>
        tpu.enqueue_dma source(%dma_start3A_790 : memref<2x128xi32, #tpu.memory_space<hbm>>) target(%arg7 : memref<2x128xi32, #tpu.memory_space<vmem>>) target_semaphore(%arg18 : memref<!tpu.dma_semaphore, #tpu.memory_space<semaphore_mem>>)
      } else {
      }
      %dma_start3A_774 = arith.constant 0 : i32
      %dma_start3A_775 = arith.constant 0 : i32
      %dma_start3A_776 = tpu.memref_slice %arg14[%dma_start3A_774, %dma_start3A_775] : memref<10112x128xf32, #tpu.memory_space<vmem_shared>> -> memref<10112x128xf32, #tpu.memory_space<vmem_shared>>
      tpu.enqueue_indirect_dma source(%arg11 : memref<128x128xf32, #tpu.memory_space<vmem>>) target(%dma_start3A_776 : memref<10112x128xf32, #tpu.memory_space<vmem_shared>>) offsets(%arg9 : memref<128xi32, #tpu.memory_space<vmem>>) semaphore(%arg20 : memref<!tpu.dma_semaphore, #tpu.memory_space<semaphore_mem>>) {add = true}
      %scan3A_777 = arith.constant 0 : i32
      scf.yield %scan3A_777 : i32
    }
    %scan3A_561 = arith.constant 40 : i32
    %dma_wait3A_562 = arith.constant 0 : i32
    %dma_wait3A_563 = arith.constant 0 : i32
    %dma_wait3A_564 = tpu.memref_slice %arg14[%dma_wait3A_562, %dma_wait3A_563] : memref<10112x128xf32, #tpu.memory_space<vmem_shared>> -> memref<10112x128xf32, #tpu.memory_space<vmem_shared>>
    tpu.wait_indirect_dma semaphore(%arg19 : memref<!tpu.dma_semaphore, #tpu.memory_space<semaphore_mem>>) src(%arg10 : memref<128x128xf32, #tpu.memory_space<vmem>>) dst(%dma_wait3A_564 : memref<10112x128xf32, #tpu.memory_space<vmem_shared>>)
    %dma_wait3A_565 = arith.constant 0 : i32
    %dma_wait3A_566 = arith.constant 0 : i32
    %dma_wait3A_567 = tpu.memref_slice %arg14[%dma_wait3A_565, %dma_wait3A_566] : memref<10112x128xf32, #tpu.memory_space<vmem_shared>> -> memref<10112x128xf32, #tpu.memory_space<vmem_shared>>
    tpu.wait_indirect_dma semaphore(%arg20 : memref<!tpu.dma_semaphore, #tpu.memory_space<semaphore_mem>>) src(%arg11 : memref<128x128xf32, #tpu.memory_space<vmem>>) dst(%dma_wait3A_567 : memref<10112x128xf32, #tpu.memory_space<vmem_shared>>)
    %barrier3A_568 = arith.constant 0 : index
    tpu.barrier barrier_id(%barrier3A_568)
    %mul3A_569 = arith.constant 632 : i32
    %mul3A_570 = arith.muli %arg1, %mul3A_569 : i32
    %mul3A_571 = arith.constant 632 : i32
    %mul3A_572 = arith.muli %arg1, %mul3A_571 : i32
    "tpu.region"() ({
      %run_scoped3A = tpu.sem_alloc : memref<!tpu.dma_semaphore, #tpu.memory_space<semaphore_mem>>
      %dma_start3A_573 = arith.constant 0 : i32
      %dma_start3A_574 = tpu.memref_slice %arg5[%arg0, %mul3A_572, %dma_start3A_573] : memref<2x10112x128xf32, #tpu.memory_space<hbm>> -> memref<1x632x128xf32, #tpu.memory_space<hbm>>
      %dma_start3A_575 = tpu.memref_squeeze %dma_start3A_574 : memref<1x632x128xf32, #tpu.memory_space<hbm>> -> memref<632x128xf32, #tpu.memory_space<hbm>>
      %dma_start3A_576 = arith.constant 0 : i32
      %dma_start3A_577 = tpu.memref_slice %arg14[%mul3A_570, %dma_start3A_576] : memref<10112x128xf32, #tpu.memory_space<vmem_shared>> -> memref<632x128xf32, #tpu.memory_space<vmem_shared>>
      tpu.enqueue_dma source(%dma_start3A_577 : memref<632x128xf32, #tpu.memory_space<vmem_shared>>) target(%dma_start3A_575 : memref<632x128xf32, #tpu.memory_space<hbm>>) target_semaphore(%run_scoped3A : memref<!tpu.dma_semaphore, #tpu.memory_space<semaphore_mem>>)
      %dma_wait3A_578 = arith.constant 0 : i32
      %dma_wait3A_579 = tpu.memref_slice %arg5[%arg0, %mul3A_572, %dma_wait3A_578] : memref<2x10112x128xf32, #tpu.memory_space<hbm>> -> memref<1x632x128xf32, #tpu.memory_space<hbm>>
      %dma_wait3A_580 = tpu.memref_squeeze %dma_wait3A_579 : memref<1x632x128xf32, #tpu.memory_space<hbm>> -> memref<632x128xf32, #tpu.memory_space<hbm>>
      %dma_wait3A_581 = arith.constant 0 : i32
      %dma_wait3A_582 = tpu.memref_slice %arg14[%mul3A_570, %dma_wait3A_581] : memref<10112x128xf32, #tpu.memory_space<vmem_shared>> -> memref<632x128xf32, #tpu.memory_space<vmem_shared>>
      tpu.wait_dma2 semaphore(%run_scoped3A : memref<!tpu.dma_semaphore, #tpu.memory_space<semaphore_mem>>) src(%dma_wait3A_582 : memref<632x128xf32, #tpu.memory_space<vmem_shared>>) dst(%dma_wait3A_580 : memref<632x128xf32, #tpu.memory_space<hbm>>)
      tpu.yield
    }) : () -> ()
    return
  }
}

</mosaic_0001>

<sc_bundles>
// kernel: _agg.3.cloned.1.call-start
scs
__scs_entry_jumppad:
0x0: {  	(pc) =	sbr.rel $0x88, $3  }
0x1: {  	(tag) =	ssettag $0x0;
	lr =	simm.s32 $0x1  }
0x2: {  	[smem:$0x3F9E] =	sst lr;
	_ =	strace $0xD0000000  }
0x3: {  	_ = 	snop  }
0x4: {  	_ = 	snop  }
0x5: {  	_ = 	snop  }
0x6: {  	_ = 	snop  }
0x7: {  	_ = 	snop  }
__scs_overlays_trampoline_lowered:
0x8: {  	[smem:$0x3FAD] =	sst s0  }
0x9: {  	[smem:$0x3FAE] =	sst s1  }
0xa: {  	[smem:$0x3FAF] =	sst s2  }
0xb: {  	[smem:$0x3FB0] =	sst s3  }
0xc: {  	[smem:$0x3FB1] =	sst s4  }
0xd: {  	[smem:$0x3FB2] =	sst s5  }
0xe: {  	[smem:$0x3FB3] =	sst s6  }
0xf: {  	[smem:$0x3FB4] =	sst s7  }
0x10: {  	[smem:$0x3FB5] =	sst s8  }
0x11: {  	[smem:$0x3FB6] =	sst s9;
	s0 =	simm.s32 @!p0 $0x0  }
0x12: {  	s1 =	sld [smem:$0x3F9C];
	s0 =	simm.s32 @p0 $0x1  }
0x13: {  	[smem:$0x3FB7] =	sst s0;
	s0 =	simm.s32 @!p1 $0x0  }
0x14: {  	s2 =	sld [smem:$0x3F9B];
	s0 =	simm.s32 @p1 $0x1  }
0x15: {  	[smem:$0x3FB8] =	sst s0;
	s0 =	simm.s32 @!p2 $0x0  }
0x16: {  	s3 =	sld [smem:$0x3FDB];
	s0 =	simm.s32 @p2 $0x1  }
0x17: {  	s4 =	simm.s32 $0x1BF5;
	[smem:$0x3FBA] =	sst s0  }
0x18: {  	s0 =	sld [smem:$0x3F9D];
	_ =	swait.ge [sflag:s4], $0x0  }
0x19: {  	s7 =	sld [smem:$0x3F9E]  }
0x1a: {  	s8 =	sadd.s32 $0xFFFFE003, lr  }
0x1b: {  	s9 =	sadd.s32 $0xFFFFFEF7, lr;
	s5 =	simm.s32 $0xFFFFFFFF;
	p2 =	slt.u32 s8, $0xFFFFF086  }
0x1c: {  	p1 =	slt.u32 s9, $0xF7A;
	s5 =	simm.s32 @!p2 $0x0  }
0x1d: {  	s5 =	simm.s32 @p1 $0x1;
	p0 =	seq.s32 s7, s2  }
0x1e: {  	s7 =	smul.u32 @!p0 $0xF7A, s2;
	p2 =	seq.s32 @!p0 s5, $0x0  }
0x1f: {  	s9 =	smul.u32 $0xF7A, s1;
	s8 =	simm.s32 @!p0 $0x1BF5;
	p2 =	por !p2, p0  }
0x20: {  	[sflag:s8] =	ssyncset.s32 @!p0 $0xFFFFF086;
	s6 =	sadd.s32 @!p0 s3, s7;
	s7 =	simm.s32 @!p0 $0x108  }
0x21: {  	s3 =	sadd.s32 s3, s9;
	s6 =	sadd.s32 @!p0 $0x88, s6;
	s7 =	simm.s32 @p2 $0x1082  }
0x22: {  	[simem:s7], [sflag:s8] =	dma.local @!p0 [hbm:s6], $0xF7A  }
0x23: {  	s9 =	sor.u32 $0xD0000000, s2;
	s6 =	simm.s32 $0x108;
	_ =	swait.ge @!p0 [sflag:s8], $0x0  }
0x24: {  	s3 =	sadd.s32 $0x88, s3;
	s6 =	simm.s32 @!p1 $0x1082;
	[sflag:s4] =	ssyncset.s32 $0xFFFFF086  }
0x25: {  	[simem:s6], [sflag:s4] =	dma.local [hbm:s3], $0xF7A  }
0x26: {  	[smem:$0x3F9E] =	sst s1;
	(tag) =	ssettag s2;
	_ =	strace s9  }
0x27: {  	s1 =	sld [smem:$0x3FAE]  }
0x28: {  	s2 =	sld [smem:$0x3FAF]  }
0x29: {  	s4 =	sld [smem:$0x3FB1]  }
0x2a: {  	p0 =	seq.s32 s5, $0x0;
	s5 =	sld [smem:$0x3FB2]  }
0x2b: {  	s6 =	sld [smem:$0x3FB3]  }
0x2c: {  	s7 =	sld [smem:$0x3FB4]  }
0x2d: {  	s3 =	simm.s32 $0x108;
	s8 =	sld [smem:$0x3FB5]  }
0x2e: {  	s3 =	simm.s32 @!p0 $0x1082;
	s9 =	sld [smem:$0x3FB6]  }
0x2f: {  	lr =	sadd.s32 s0, s3;
	s0 =	sld [smem:$0x3FAD]  }
0x30: {  	s3 =	sld [smem:$0x3FB0]  }
0x31: {  	[smem:$0x3FB9] =	sst s10  }
0x32: {  	s10 =	sld [smem:$0x3FB7];
	_ =	sdelay $0x3  }
0x33: {  	p0 =	seq.s32 s10, $0x1;
	s10 =	sld [smem:$0x3FB9];
	_ =	sdelay $0x3  }
0x34: {  	[smem:$0x3FB9] =	sst s10  }
0x35: {  	s10 =	sld [smem:$0x3FB8];
	_ =	sdelay $0x3  }
0x36: {  	p1 =	seq.s32 s10, $0x1;
	s10 =	sld [smem:$0x3FB9];
	_ =	sdelay $0x3  }
0x37: {  	[smem:$0x3FB9] =	sst s10  }
0x38: {  	s10 =	sld [smem:$0x3FBA]  }
0x39: {  	_ = 	snop;
	(pc) =	sbr.ind lr, $3  }
0x3a: {  	_ = 	snop  }
0x3b: {  	_ = 	snop  }
0x3c: {  	p2 =	seq.s32 s10, $0x1;
	s10 =	sld [smem:$0x3FB9]  }
0x3d: {  	_ =	shalt  }
0x3e: {  	_ =	shalt  }
0x3f: {  	_ =	shalt  }
0x40: {  	_ =	shalt  }
0x41: {  	_ =	shalt  }
0x42: {  	_ =	shalt  }
0x43: {  	_ =	shalt  }
0x44: {  	_ =	shalt  }
0x45: {  	_ =	shalt  }
0x46: {  	_ =	shalt  }
0x47: {  	_ =	shalt  }
0x48: {  	_ =	shalt  }
0x49: {  	_ =	shalt  }
0x4a: {  	_ =	shalt  }
0x4b: {  	_ =	shalt  }
0x4c: {  	_ =	shalt  }
0x4d: {  	_ =	shalt  }
0x4e: {  	_ =	shalt  }
0x4f: {  	_ =	shalt  }
0x50: {  	_ =	shalt  }
0x51: {  	_ =	shalt  }
0x52: {  	_ =	shalt  }
0x53: {  	_ =	shalt  }
0x54: {  	_ =	shalt  }
0x55: {  	_ =	shalt  }
0x56: {  	_ =	shalt  }
0x57: {  	_ =	shalt  }
0x58: {  	_ =	shalt  }
0x59: {  	_ =	shalt  }
0x5a: {  	_ =	shalt  }
0x5b: {  	_ =	shalt  }
0x5c: {  	_ =	shalt  }
0x5d: {  	_ =	shalt  }
0x5e: {  	_ =	shalt  }
0x5f: {  	_ =	shalt  }
0x60: {  	_ =	shalt  }
0x61: {  	_ =	shalt  }
0x62: {  	_ =	shalt  }
0x63: {  	_ =	shalt  }
0x64: {  	_ =	shalt  }
0x65: {  	_ =	shalt  }
0x66: {  	_ =	shalt  }
0x67: {  	_ =	shalt  }
0x68: {  	_ =	shalt  }
0x69: {  	_ =	shalt  }
0x6a: {  	_ =	shalt  }
0x6b: {  	_ =	shalt  }
0x6c: {  	_ =	shalt  }
0x6d: {  	_ =	shalt  }
0x6e: {  	_ =	shalt  }
0x6f: {  	_ =	shalt  }
0x70: {  	_ =	shalt  }
0x71: {  	_ =	shalt  }
0x72: {  	_ =	shalt  }
0x73: {  	_ =	shalt  }
0x74: {  	_ =	shalt  }
0x75: {  	_ =	shalt  }
0x76: {  	_ =	shalt  }
0x77: {  	_ =	shalt  }
0x78: {  	_ =	shalt  }
0x79: {  	_ =	shalt  }
0x7a: {  	_ =	shalt  }
0x7b: {  	_ =	shalt  }
0x7c: {  	_ =	shalt  }
0x7d: {  	_ =	shalt  }
0x7e: {  	_ =	shalt  }
0x7f: {  	_ =	shalt  }
0x80: {  	_ =	shalt  }
0x81: {  	_ =	shalt  }
0x82: {  	_ =	shalt  }
0x83: {  	_ =	shalt  }
0x84: {  	_ =	shalt  }
0x85: {  	_ =	shalt  }
0x86: {  	_ =	shalt  }
0x87: {  	_ =	shalt  }
.Lfunc_end0:
.L_simem_size_0:
called_computation_lowered:
.L_overlay_start_0:
0x88: {  	s2 =	sld [smem:$0x3FD9]  }
0x89: {  	s3 =	sld [smem:$0x3FFE];
	_ =	sdelay $0x1  }
0x8a: {  	s1 =	srdreg.scid  }
0x8b: {  	s0 =	sand.u32 $0x1, s1  }
0x8c: {  	s18 =	sshll.u32 s0, $0xA;
	s2 =	sadd.s32 s3, s2  }
0x8d: {  	s2 =	sadd.s32 s2, s18  }
0x8e: {  	[smem:$0x3FC5] =	sst s2  }
0x8f: {  	_ = 	snop  }
0x90: {  	s2 =	sld [smem:$0x3FC9]  }
0x91: {  	s19 =	sld [smem:$0x3FC8]  }
0x92: {  	s4 =	sld [smem:$0x3FC7]  }
0x93: {  	s5 =	sld [smem:$0x3FD0];
	(tm) =	ssettm $0x1  }
0x94: {  	s6 =	sld [smem:$0x3FFB];
	_ =	sdelay $0x3  }
0x95: {  	_ =	strace s6  }
0x96: {  	s6 =	sld [smem:$0x3FFC];
	_ =	sdelay $0x3  }
0x97: {  	_ =	strace s6  }
0x98: {  	s6 =	sld [smem:$0x3FFD];
	_ =	sdelay $0x3  }
0x99: {  	_ =	strace s6  }
0x9a: {  	_ =	strace $0x8FFFFFFF  }
0x9b: {  	s20 =	sld [smem:$0x3FDB];
	_ =	sdelay $0x1  }
0x9c: {  	s7 =	simm.s32 $_scs_section_size  }
0x9d: {  	s8 =	simm.s32 $_size__tile_overlayer_lowered;
	s9 =	simm.s32 $_tile_overlayer_lowered  }
0x9e: {  	s23 =	simm.s32 $0x1BFF;
	s22 =	sshll.u32 s9, $0x1;
	s6 =	sadd.s32 s7, s20  }
0x9f: {  	s10 =	simm.s32 $0x0;
	s21 =	sshll.u32 s8, $0x1;
	s8 =	sadd.s32 s22, s6  }
0xa0: {  	[timem:s10], [sflag:s23] =	dma.local [hbm:s8], s21  }
0xa1: {  	_ =	swait.ge [sflag:s23], s21  }
0xa2: {  	s7 =	ssub.s32 $0x0, s21;
	[sflag:s23] =	ssyncset.done $0x0  }
0xa3: {  	[sflag:s23] =	ssyncadd.s32 s7;
	_ =	sdelay $0x1  }
0xa4: {  	s24 =	simm.s32 $0x1B8B  }
0xa5: {  	_ =	swait.ge [sflag:s24], $0x1  }
0xa6: {  	[sflag:s24] =	ssyncset.done $0x0  }
0xa7: {  	s25 =	simm.s32 $0x1B8E;
	[sflag:s24] =	ssyncadd.s32 $0xFFFFFFFF  }
0xa8: {  	s26 =	simm.s32 $execute0_lowered;
	[smem:$0x3FD2] =	sst s25  }
0xa9: {  	s7 =	sshll.u32 s26, $0x1;
	_ =	strace $0x80000046;
	[dreg:$0x1] =	wrdreg $0xFFFFFFFF  }
0xaa: {  	s28 =	simm.s32 $_size_execute0_lowered;
	s6 =	sadd.s32 s6, s7;
	[dreg:$0x0] =	wrdreg $0x0  }
0xab: {  	s7 =	sshll.u32 s28, $0x1;
	[dreg:$0x2] =	wrdreg s6  }
0xac: {  	[dreg:$0x3] =	wrdreg s7  }
0xad: {  	[dreg:$0x4] =	wrdreg $0xC0  }
0xae: {  	_ =	task [dreg:s10], $0x5FFFF  }
0xaf: {  	[dreg:$0x1] =	wrdreg $0xFFFFFFFF  }
0xb0: {  	[dreg:$0x0] =	wrdreg $0x60  }
0xb1: {  	[dreg:$0x2] =	wrdreg s2  }
0xb2: {  	[dreg:$0x3] =	wrdreg s19  }
0xb3: {  	[dreg:$0x4] =	wrdreg s4  }
0xb4: {  	[dreg:$0x5] =	wrdreg s5  }
0xb5: {  	[dreg:$0x6] =	wrdreg $0xAF000  }
0xb6: {  	[dreg:$0x7] =	wrdreg $0x9  }
0xb7: {  	_ =	task.clear_ibuf [dreg:s10], $0x8FFFF;
	_ =	strace $0x90000046  }
0xb8: {  	s29 =	simm.s32 $0x9;
	_ =	strace $0x80000048  }
0xb9: {  	_ =	swait.ge [sflag:s29], $0x1  }
0xba: {  	[sflag:s29] =	ssyncadd.s32 $0xFFFFFFFF  }
0xbb: {  	_ =	strace $0x90000048  }
0xbc: {  	_ =	sfence  }
0xbd: {  	s30 =	sld [smem:$0x0];
	_ =	sdelay $0x2  }
0xbe: {  	s31 =	sshll.u32 s1, $0xD;
	s1 =	sshrl.u32 s1, $0x2  }
0xbf: {  	s3 =	sand.u32 $0x4000, s31;
	s1 =	sadd.s32 s1, s30  }
0xc0: {  	s0 =	sor.u32 s3, s0;
	s1 =	sshll.u32 s1, $0x11  }
0xc1: {  	s0 =	sor.u32 s1, s0  }
0xc2: {  	s0 =	sadd.s32 $0x8F2B, s0  }
0xc3: {  	[sflag:s0] =	ssyncadd.remote.s32 $0x1  }
0xc4: {  	_ =	sfence.sel $0xFFFF  }
0xc5: {  	[dreg:$0x0] =	wrdreg $0xFFFFFFFF;
	(pc) =	sbr.abs _section_cstart, $3  }
0xc6: {  	[dreg:$0x1] =	wrdreg $0xFFFFFFFF  }
0xc7: {  	_ =	task.clear_ibuf [dreg:s10], $0x2FFFF;
	_ =	strace $0x9FFFFFFF  }
0xc8: {  	(tm) =	ssettm $0x7FFFFFFF  }
0xc9: {  	_ =	shalt  }
tec
execute0_lowered:
.L_overlay_start_1:
0x0: {  	(tag) =	ssettag $0x1  }
0x1: {  	s0 =	rddreg [dreg:$0x0]  }
0x2: {  	s1 =	rddreg [dreg:$0x1]  }
0x3: {  	s2 =	srdreg.scid;
	s3 =	rddreg [dreg:$0x2]  }
0x4: {  	s12 =	rddreg [dreg:$0x3];
	s14 =	stileid.u32  }
0x5: {  	s4 =	rddreg [dreg:$0x4];
	s15 =	simm.s32 $0x7;
	s17 =	simm.s32 $0x3  }
0x6: {  	s18 =	simm.s32 $0x80;
	s19 =	simm.s32 $0x300;
	s20 =	simm.s32 $0x100  }
0x7: {  	s21 =	simm.s32 $0x1;
	s22 =	simm.s32 $0x4;
	s23 =	simm.s32 $0x4300  }
0x8: {  	s24 =	simm.s32 $0x200;
	s28 =	simm.s32 $0x5;
	s29 =	simm.s32 $0x6  }
0x9: {  	s30 =	simm.s32 $0x0;
	s2 =	sand.u32 $0x1, s2;
	s6 =	smul.u32 $0x4F000, s14  }
0xa: {  	s25 =	smul.u32 $0x13C00, s14;
	s5 =	sshll.u32 s2, $0x4;
	s9 =	ssub.s32 $0x2, s2  }
0xb: {  	s2 =	smul.u32 $0x13C000, s2;
	s7 =	sor.u32 s14, s5;
	s5 =	simm.s32 $0x0  }
0xc: {  	s11 =	sshrl.u32 s9, $0x1;
	s6 =	sshrl.u32 s6, $0x2;
	s8 =	smul.u32 $0x500, s7  }
0xd: {  	s14 =	simm.s32 $0xAB00;
	[smem:$0x7FF] =	sst s5;
	s10 =	smul.u32 $0xA00, s7  }
0xe: {  	s13 =	ssub.s32 s9, s11;
	s6 =	sadd.s32 s6, s4;
	s26 =	smul.u32 $0x50, s7  }
.Ltmp0:
0xf: {  	s2 =	sadd.s32 s25, s2;
	s25 =	simm.s32 $0x2;
	(pc) =	sbr.rel .LBB2_1-.Ltmp0, $4  }
0x10: {  	_ =	strace $0x80000047;
	s2 =	sshrl.u32 s2, $0x3;
	s13 =	smax.u32 s13, $0x1  }
0x11: {  	s7 =	sadd.s32 s1, s10;
	s3 =	sadd.s32 s3, s8;
	s10 =	sor.u32 $0x2, s26  }
0x12: {  	s11 =	sor.u32 $0x3, s26;
	[dreg:$0x6] =	wrdreg s3;
	s31 =	sadd.s32 $0x20, s7  }
0x13: {  	v0 =	vimm.f32 $0.0e+00;
	s12 =	sadd.s32 s12, s2;
	s26 =	simm.s32 $0x280;
	[dreg:$0x7] =	wrdreg s31  }
.LBB2_10:
0x14: {  	[spmem:s4] =	stream.indirect.scatter.add.f32 [tilespmem:s23], [sflag:$0x6], $0x80, s26, s18, $0xb8;
	[tilespmem:$0x1EB00] =	vst v63  }
0x15: {  	_ =	swait.ge [sflag:s28], $0x4000  }
0x16: {  	[sflag:s28] =	ssyncset.done $0x0  }
0x17: {  	[sflag:s28] =	ssyncadd.s32 $0xFFFFC000  }
0x18: {  	s2 =	stileid.u32;
	_ =	swait.ge [sflag:s29], $0x4000  }
0x19: {  	s3 =	sshrl.u32 s6, $0x3;
	s30 =	sadd.s32 $0x1, s30;
	[sflag:s29] =	ssyncset.done $0x0  }
0x1a: {  	s2 =	sshll.u32 s2, $0x6;
	p0 =	sne.s32 s30, s13;
	[sflag:s29] =	ssyncadd.s32 $0xFFFFC000  }
.Ltmp1:
0x1b: {  	s2 =	sor.u32 $0x1C07, s2;
	[bflag:$0x0] =	sbarrier.arrive $0xFFFF;
	(pc) =	sbr.rel @!p0 .LBB2_11-.Ltmp1, $4  }
0x1c: {  	[hbm:s12], [sflag:s2] =	dma.local [spmem:s3], $0x2780  }
0x1d: {  	_ =	swait.ge [sflag:s15], $0x2780  }
0x1e: {  	[sflag:s15] =	ssyncset.done $0x0  }
0x1f: {  	[sflag:s15] =	ssyncadd.s32 $0xFFFFD880  }
.LBB2_1:
0x20: {  	[tilespmem:$0xAB00] =	vst v0  }
0x21: {  	[tilespmem:$0xAB10] =	vst v0  }
0x22: {  	[tilespmem:$0xAB20] =	vst v0  }
0x23: {  	[tilespmem:$0xAB30] =	vst v0  }
0x24: {  	[tilespmem:$0xAB40] =	vst v0  }
0x25: {  	[tilespmem:$0xAB50] =	vst v0  }
0x26: {  	[tilespmem:$0xAB60] =	vst v0  }
0x27: {  	[tilespmem:$0xAB70] =	vst v0  }
0x28: {  	[tilespmem:$0xAB80] =	vst v0  }
0x29: {  	[tilespmem:$0xAB90] =	vst v0  }
0x2a: {  	[tilespmem:$0xABA0] =	vst v0  }
0x2b: {  	[tilespmem:$0xABB0] =	vst v0  }
0x2c: {  	[tilespmem:$0xABC0] =	vst v0  }
0x2d: {  	[tilespmem:$0xABD0] =	vst v0  }
0x2e: {  	[tilespmem:$0xABE0] =	vst v0  }
0x2f: {  	[tilespmem:$0xABF0] =	vst v0  }
0x30: {  	[tilespmem:$0xAC00] =	vst v0  }
0x31: {  	[tilespmem:$0xAC10] =	vst v0  }
0x32: {  	[tilespmem:$0xAC20] =	vst v0  }
0x33: {  	[tilespmem:$0xAC30] =	vst v0  }
0x34: {  	[tilespmem:$0xAC40] =	vst v0  }
0x35: {  	[tilespmem:$0xAC50] =	vst v0  }
0x36: {  	[tilespmem:$0xAC60] =	vst v0  }
0x37: {  	[tilespmem:$0xAC70] =	vst v0  }
0x38: {  	[tilespmem:$0xAC80] =	vst v0  }
0x39: {  	[tilespmem:$0xAC90] =	vst v0  }
0x3a: {  	[tilespmem:$0xACA0] =	vst v0  }
0x3b: {  	[tilespmem:$0xACB0] =	vst v0  }
0x3c: {  	[tilespmem:$0xACC0] =	vst v0  }
0x3d: {  	[tilespmem:$0xACD0] =	vst v0  }
0x3e: {  	[tilespmem:$0xACE0] =	vst v0  }
0x3f: {  	[tilespmem:$0xACF0] =	vst v0  }
0x40: {  	[tilespmem:$0xAD00] =	vst v0  }
0x41: {  	[tilespmem:$0xAD10] =	vst v0  }
0x42: {  	[tilespmem:$0xAD20] =	vst v0  }
0x43: {  	[tilespmem:$0xAD30] =	vst v0  }
0x44: {  	[tilespmem:$0xAD40] =	vst v0  }
0x45: {  	[tilespmem:$0xAD50] =	vst v0  }
0x46: {  	[tilespmem:$0xAD60] =	vst v0  }
0x47: {  	[tilespmem:$0xAD70] =	vst v0  }
0x48: {  	[tilespmem:$0xAD80] =	vst v0  }
0x49: {  	[tilespmem:$0xAD90] =	vst v0  }
0x4a: {  	[tilespmem:$0xADA0] =	vst v0  }
0x4b: {  	[tilespmem:$0xADB0] =	vst v0  }
0x4c: {  	[tilespmem:$0xADC0] =	vst v0  }
0x4d: {  	[tilespmem:$0xADD0] =	vst v0  }
0x4e: {  	[tilespmem:$0xADE0] =	vst v0  }
0x4f: {  	[tilespmem:$0xADF0] =	vst v0  }
0x50: {  	[tilespmem:$0xAE00] =	vst v0  }
0x51: {  	[tilespmem:$0xAE10] =	vst v0  }
0x52: {  	[tilespmem:$0xAE20] =	vst v0  }
0x53: {  	[tilespmem:$0xAE30] =	vst v0  }
0x54: {  	[tilespmem:$0xAE40] =	vst v0  }
0x55: {  	[tilespmem:$0xAE50] =	vst v0  }
0x56: {  	[tilespmem:$0xAE60] =	vst v0  }
0x57: {  	[tilespmem:$0xAE70] =	vst v0  }
0x58: {  	[tilespmem:$0xAE80] =	vst v0  }
0x59: {  	[tilespmem:$0xAE90] =	vst v0  }
0x5a: {  	[tilespmem:$0xAEA0] =	vst v0  }
0x5b: {  	[tilespmem:$0xAEB0] =	vst v0  }
0x5c: {  	[tilespmem:$0xAEC0] =	vst v0  }
0x5d: {  	[tilespmem:$0xAED0] =	vst v0  }
0x5e: {  	[tilespmem:$0xAEE0] =	vst v0  }
0x5f: {  	[tilespmem:$0xAEF0] =	vst v0;
	s2 =	sadd.s32 $0x0, s6  }
0x60: {  	[spmem:s2] =	stream.linear.scatter [tilespmem:s14], [sflag:$0x7], $0x400, $0x38;
	[tilespmem:$0x1EB00] =	vst v63  }
0x61: {  	s2 =	simm.s32 $0x1000;
	_ =	swait.ge [sflag:s15], $0x400  }
.LBB2_2:
0x62: {  	s3 =	sshra.s32 s2, $0x2;
	[sflag:s15] =	ssyncset.done $0x0;
	p0 =	sne.s32 s2, $0x4E000  }
.Ltmp2:
0x63: {  	s3 =	sadd.s32 s3, s6;
	[sflag:s15] =	ssyncadd.s32 $0xFFFFFC00;
	(pc) =	sbr.rel @p0 .LBB2_2-.Ltmp2, $3  }
0x64: {  	[spmem:s3] =	stream.linear.scatter [tilespmem:s14], [sflag:$0x7], $0x400, $0x38;
	[tilespmem:$0x1EB00] =	vst v63  }
0x65: {  	s2 =	sadd.s32 $0x1000, s2;
	_ =	sdelay $0x1  }
0x66: {  	_ =	swait.ge [sflag:s15], $0x400  }
0x67: {  	[sflag:s15] =	ssyncset.done $0x0;
	s31 =	simm.s32 $0x0  }
0x68: {  	s2 =	rddreg [dreg:$0x6];
	s3 =	simm.s32 $0x8300;
	[sflag:s15] =	ssyncadd.s32 $0xFFFFFC00  }
0x69: {  	[tilespmem:s3], [sflag:$0x7] =	stream.linear.gather [hbm4b:s2+s31], $0x2800, $0x38;
	[tilespmem:$0x1EB00] =	vst v63  }
0x6a: {  	_ =	swait.ge [sflag:s15], $0x2800  }
0x6b: {  	[sflag:s15] =	ssyncset.done $0x0  }
0x6c: {  	[sflag:s15] =	ssyncadd.s32 $0xFFFFD800  }
0x6d: {  	[bflag:$0x0] =	sbarrier.arrive $0xFFFF  }
0x6e: {  	[tilespmem:s31], [sflag:$0x3] =	stream.linear.gather [hbm4b:s7+s31], $0x100, $0x38;
	[tilespmem:$0x1EB00] =	vst v63  }
0x6f: {  	_ =	swait.ge [sflag:s17], $0x100  }
0x70: {  	[sflag:s17] =	ssyncset.done $0x0  }
0x71: {  	[sflag:s17] =	ssyncadd.s32 $0xFFFFFF00  }
0x72: {  	[tilespmem:s19], [sflag:$0x1] =	stream.indirect.gather [hbm4b:s0+s18], $0x80, s31, s18, $0xb8;
	[tilespmem:$0x1EB00] =	vst v63  }
0x73: {  	s16 =	rddreg [dreg:$0x7]  }
0x74: {  	[tilespmem:s20], [sflag:$0x4] =	stream.linear.gather [hbm4b:s16+s31], $0x100, $0x38;
	[tilespmem:$0x1EB00] =	vst v63  }
.LBB2_4:
0x75: {  	_ =	swait.ge [sflag:s21], $0x4000  }
0x76: {  	[sflag:s21] =	ssyncset.done $0x0  }
0x77: {  	[sflag:s21] =	ssyncadd.s32 $0xFFFFC000  }
0x78: {  	_ =	swait.ge [sflag:s22], $0x100  }
0x79: {  	p0 =	seq.s32 s31, $0x0;
	[sflag:s22] =	ssyncset.done $0x0  }
0x7a: {  	s2 =	simm.s32 @!p0 $0x6;
	[sflag:s22] =	ssyncadd.s32 $0xFFFFFF00  }
0x7b: {  	_ =	swait.ge @!p0 [sflag:s2], $0x4000  }
0x7c: {  	[sflag:s2] =	ssyncset.done @!p0 $0x0  }
0x7d: {  	[sflag:s2] =	ssyncadd.s32 @!p0 $0xFFFFC000  }
0x7e: {  	[tilespmem:s23], [sflag:$0x2] =	stream.indirect.gather [hbm4b:s0+s18], $0x80, s20, s18, $0xb8;
	[tilespmem:$0x1EB00] =	vst v63  }
0x7f: {  	v1 =	vld [tilespmem:$0x80]  }
0x80: {  	v2 =	vld [tilespmem:$0x90]  }
0x81: {  	v3 =	vld [tilespmem:$0xA0]  }
0x82: {  	v4 =	vld [tilespmem:$0xB0]  }
0x83: {  	v5 =	vld [tilespmem:$0xC0]  }
0x84: {  	s9 =	sshll.u32 s31, $0x8;
	v6 =	vld [tilespmem:$0xD0];
	[tilespmem:$0x200] =	vst v1  }
0x85: {  	s2 =	sand.u32 $0x3FFFFF00, s9;
	[tilespmem:$0x210] =	vst v2;
	v2 =	vld [tilespmem:$0xE0]  }
0x86: {  	s2 =	sadd.s32 $0x8300, s2;
	[tilespmem:$0x220] =	vst v3;
	v3 =	vld [tilespmem:$0xF0]  }
0x87: {  	[tilespmem:$0x230] =	vst v4;
	v1 =	vmov s2  }
0x88: {  	[tilespmem:$0x240] =	vst v5  }
0x89: {  	[tilespmem:$0x250] =	vst v6  }
0x8a: {  	s16 =	simm.s32 $0x0;
	[tilespmem:$0x260] =	vst v2  }
0x8b: {  	s3 =	simm.s32 $0x0;
	s2 =	sand.u32 $0x3FFFFFF0, s16;
	[tilespmem:$0x270] =	vst v3  }
0x8c: {  	s16 =	sand.u32 $0x3FFFF800, s3;
	v2 =	vld.idx.msk [tilespmem:v1+s2+$0x0 ss:$0x1], $0xffff  }
0x8d: {  	v8 =	vld [tilespmem:s16+$0x3C0]  }
0x8e: {  	v4 =	vld [tilespmem:s16+$0x320]  }
0x8f: {  	v5 =	vld [tilespmem:s16+$0x330]  }
0x90: {  	v11 =	vld [tilespmem:s16+$0x360]  }
0x91: {  	v12 =	vld [tilespmem:s16+$0x370];
	v3 =	vbroadcast v2, $0x0  }
0x92: {  	v13 =	vld [tilespmem:s16+$0x380]  }
0x93: {  	v14 =	vld [tilespmem:s16+$0x390];
	v4 =	vmul.f32 v4, v3  }
0x94: {  	v15 =	vld [tilespmem:s16+$0x3A0];
	v5 =	vmul.f32 v5, v3  }
0x95: {  	v10 =	vld [tilespmem:s16+$0x3B0];
	v21 =	vbroadcast v2, $0x1;
	v20 =	vmul.f32 v11, v3;
	[tilespmem:s16+$0x320] =	vst v4  }
0x96: {  	v9 =	vld [tilespmem:s16+$0x3D0];
	v12 =	vmul.f32 v12, v3;
	[tilespmem:s16+$0x330] =	vst v5  }
0x97: {  	v7 =	vld [tilespmem:s16+$0x870];
	v13 =	vmul.f32 v13, v21;
	[tilespmem:s16+$0x360] =	vst v20  }
0x98: {  	v23 =	vld [tilespmem:s16+$0x3F0];
	v14 =	vmul.f32 v14, v21;
	[tilespmem:s16+$0x370] =	vst v12  }
0x99: {  	v24 =	vld [tilespmem:s16+$0x400];
	v15 =	vmul.f32 v15, v21;
	[tilespmem:s16+$0x380] =	vst v13  }
0x9a: {  	v25 =	vld [tilespmem:s16+$0x410];
	v10 =	vmul.f32 v10, v21;
	[tilespmem:s16+$0x390] =	vst v14  }
0x9b: {  	v22 =	vld [tilespmem:s16+$0x3E0];
	v8 =	vmul.f32 v8, v21;
	[tilespmem:s16+$0x3A0] =	vst v15  }
0x9c: {  	v26 =	vld [tilespmem:s16+$0x420];
	v16 =	vbroadcast v2, $0x2;
	v9 =	vmul.f32 v9, v21;
	[tilespmem:s16+$0x3B0] =	vst v10  }
0x9d: {  	v27 =	vld [tilespmem:s16+$0x430];
	v11 =	vmul.f32 v23, v21;
	[tilespmem:s16+$0x3C0] =	vst v8  }
0x9e: {  	v28 =	vld [tilespmem:s16+$0x440];
	v6 =	vbroadcast v2, $0xA;
	v30 =	vmul.f32 v24, v16;
	[tilespmem:s16+$0x3D0] =	vst v9  }
0x9f: {  	v29 =	vld [tilespmem:s16+$0x450];
	v32 =	vmul.f32 v25, v16;
	[tilespmem:s16+$0x3F0] =	vst v11  }
0xa0: {  	v31 =	vld [tilespmem:s16+$0x460];
	v4 =	vmul.f32 v7, v6;
	[tilespmem:s16+$0x400] =	vst v30  }
0xa1: {  	v33 =	vld [tilespmem:s16+$0x470];
	v12 =	vmul.f32 v22, v21;
	[tilespmem:s16+$0x410] =	vst v32  }
0xa2: {  	v34 =	vld [tilespmem:s16+$0x480];
	v10 =	vmul.f32 v26, v16;
	[tilespmem:s16+$0x870] =	vst v4  }
0xa3: {  	v35 =	vld [tilespmem:s16+$0x490];
	v8 =	vmul.f32 v27, v16;
	[tilespmem:s16+$0x3E0] =	vst v12  }
0xa4: {  	v36 =	vld [tilespmem:s16+$0x4A0];
	v9 =	vmul.f32 v28, v16;
	[tilespmem:s16+$0x420] =	vst v10  }
0xa5: {  	v37 =	vld [tilespmem:s16+$0x4B0];
	v39 =	vbroadcast v2, $0x3;
	v11 =	vmul.f32 v31, v16;
	[tilespmem:s16+$0x430] =	vst v8  }
0xa6: {  	v38 =	vld [tilespmem:s16+$0x4C0];
	v13 =	vmul.f32 v33, v16;
	[tilespmem:s16+$0x440] =	vst v9  }
0xa7: {  	v40 =	vld [tilespmem:s16+$0x4D0];
	v14 =	vmul.f32 v34, v39;
	[tilespmem:s16+$0x460] =	vst v11  }
0xa8: {  	v41 =	vld [tilespmem:s16+$0x4E0];
	v12 =	vmul.f32 v29, v16;
	[tilespmem:s16+$0x470] =	vst v13  }
0xa9: {  	v42 =	vld [tilespmem:s16+$0x4F0];
	v10 =	vmul.f32 v35, v39;
	[tilespmem:s16+$0x480] =	vst v14  }
0xaa: {  	v43 =	vld [tilespmem:s16+$0x500];
	v8 =	vmul.f32 v36, v39;
	[tilespmem:s16+$0x450] =	vst v12  }
0xab: {  	v44 =	vld [tilespmem:s16+$0x510];
	v9 =	vmul.f32 v37, v39;
	[tilespmem:s16+$0x490] =	vst v10  }
0xac: {  	v45 =	vld [tilespmem:s16+$0x520];
	v11 =	vmul.f32 v40, v39;
	[tilespmem:s16+$0x4A0] =	vst v8  }
0xad: {  	v46 =	vld [tilespmem:s16+$0x530];
	v13 =	vmul.f32 v41, v39;
	[tilespmem:s16+$0x4B0] =	vst v9  }
0xae: {  	v47 =	vld [tilespmem:s16+$0x540];
	v48 =	vbroadcast v2, $0x4;
	v14 =	vmul.f32 v42, v39;
	[tilespmem:s16+$0x4D0] =	vst v11  }
0xaf: {  	v49 =	vld [tilespmem:s16+$0x550];
	v12 =	vmul.f32 v38, v39;
	[tilespmem:s16+$0x4E0] =	vst v13  }
0xb0: {  	v50 =	vld [tilespmem:s16+$0x560];
	v10 =	vmul.f32 v43, v48;
	[tilespmem:s16+$0x4F0] =	vst v14  }
0xb1: {  	v51 =	vld [tilespmem:s16+$0x570];
	v8 =	vmul.f32 v44, v48;
	[tilespmem:s16+$0x4C0] =	vst v12  }
0xb2: {  	v52 =	vld [tilespmem:s16+$0x580];
	v9 =	vmul.f32 v45, v48;
	[tilespmem:s16+$0x500] =	vst v10  }
0xb3: {  	v53 =	vld [tilespmem:s16+$0x590];
	v11 =	vmul.f32 v47, v48;
	[tilespmem:s16+$0x510] =	vst v8  }
0xb4: {  	v54 =	vld [tilespmem:s16+$0x5A0];
	v13 =	vmul.f32 v49, v48;
	[tilespmem:s16+$0x520] =	vst v9  }
0xb5: {  	v55 =	vld [tilespmem:s16+$0x5B0];
	v14 =	vmul.f32 v50, v48;
	[tilespmem:s16+$0x540] =	vst v11  }
0xb6: {  	v56 =	vld [tilespmem:s16+$0x5C0];
	v57 =	vbroadcast v2, $0x5;
	v12 =	vmul.f32 v46, v48;
	[tilespmem:s16+$0x550] =	vst v13  }
0xb7: {  	v58 =	vld [tilespmem:s16+$0x5D0];
	v10 =	vmul.f32 v51, v48;
	[tilespmem:s16+$0x560] =	vst v14  }
0xb8: {  	v59 =	vld [tilespmem:s16+$0x5E0];
	v8 =	vmul.f32 v52, v57;
	[tilespmem:s16+$0x530] =	vst v12  }
0xb9: {  	v60 =	vld [tilespmem:s16+$0x5F0];
	v9 =	vmul.f32 v53, v57;
	[tilespmem:s16+$0x570] =	vst v10  }
0xba: {  	v61 =	vld [tilespmem:s16+$0x600];
	v11 =	vmul.f32 v55, v57;
	[tilespmem:s16+$0x580] =	vst v8  }
0xbb: {  	v62 =	vld [tilespmem:s16+$0x610];
	v13 =	vmul.f32 v56, v57;
	[tilespmem:s16+$0x590] =	vst v9  }
0xbc: {  	v63 =	vld [tilespmem:s16+$0x620];
	v14 =	vmul.f32 v58, v57;
	[tilespmem:s16+$0x5B0] =	vst v11  }
0xbd: {  	v20 =	vld [tilespmem:s16+$0x630];
	v12 =	vmul.f32 v54, v57;
	[tilespmem:s16+$0x5C0] =	vst v13  }
0xbe: {  	v21 =	vld [tilespmem:s16+$0x640];
	v22 =	vbroadcast v2, $0x6;
	v10 =	vmul.f32 v59, v57;
	[tilespmem:s16+$0x5D0] =	vst v14  }
0xbf: {  	v23 =	vld [tilespmem:s16+$0x650];
	v8 =	vmul.f32 v60, v57;
	[tilespmem:s16+$0x5A0] =	vst v12  }
0xc0: {  	v24 =	vld [tilespmem:s16+$0x660];
	v9 =	vmul.f32 v61, v22;
	[tilespmem:s16+$0x5E0] =	vst v10  }
0xc1: {  	v25 =	vld [tilespmem:s16+$0x670];
	v11 =	vmul.f32 v63, v22;
	[tilespmem:s16+$0x5F0] =	vst v8  }
0xc2: {  	v5 =	vld [tilespmem:s16+$0x880];
	v13 =	vmul.f32 v20, v22;
	[tilespmem:s16+$0x600] =	vst v9  }
0xc3: {  	v27 =	vld [tilespmem:s16+$0x690];
	v14 =	vmul.f32 v21, v22;
	[tilespmem:s16+$0x620] =	vst v11  }
0xc4: {  	v28 =	vld [tilespmem:s16+$0x6A0];
	v12 =	vmul.f32 v62, v22;
	[tilespmem:s16+$0x630] =	vst v13  }
0xc5: {  	v29 =	vld [tilespmem:s16+$0x6B0];
	v10 =	vmul.f32 v23, v22;
	[tilespmem:s16+$0x640] =	vst v14  }
0xc6: {  	v31 =	vbroadcast v2, $0x7;
	v53 =	vld [tilespmem:s16+$0x800];
	v8 =	vmul.f32 v24, v22;
	[tilespmem:s16+$0x610] =	vst v12  }
0xc7: {  	v58 =	vld [tilespmem:s16+$0x850];
	v9 =	vmul.f32 v25, v22;
	[tilespmem:s16+$0x650] =	vst v10  }
0xc8: {  	v26 =	vld [tilespmem:s16+$0x680];
	v11 =	vmul.f32 v27, v31;
	[tilespmem:s16+$0x660] =	vst v8  }
0xc9: {  	v30 =	vld [tilespmem:s16+$0x6C0];
	v13 =	vmul.f32 v28, v31;
	[tilespmem:s16+$0x670] =	vst v9  }
0xca: {  	v32 =	vld [tilespmem:s16+$0x6D0];
	v14 =	vmul.f32 v29, v31;
	[tilespmem:s16+$0x690] =	vst v11  }
0xcb: {  	v33 =	vld [tilespmem:s16+$0x6E0];
	v59 =	vmul.f32 v53, v6;
	[tilespmem:s16+$0x6A0] =	vst v13  }
0xcc: {  	v35 =	vld [tilespmem:s16+$0x700];
	v21 =	vmul.f32 v58, v6;
	[tilespmem:s16+$0x6B0] =	vst v14  }
0xcd: {  	v36 =	vld [tilespmem:s16+$0x710];
	v12 =	vmul.f32 v26, v31;
	[tilespmem:s16+$0x800] =	vst v59  }
0xce: {  	v37 =	vld [tilespmem:s16+$0x720];
	v10 =	vmul.f32 v30, v31;
	[tilespmem:s16+$0x850] =	vst v21  }
0xcf: {  	v7 =	vld [tilespmem:s16+$0x890];
	v40 =	vbroadcast v2, $0x8;
	v8 =	vmul.f32 v32, v31;
	[tilespmem:s16+$0x680] =	vst v12  }
0xd0: {  	v34 =	vld [tilespmem:s16+$0x6F0];
	v9 =	vmul.f32 v33, v31;
	[tilespmem:s16+$0x6C0] =	vst v10  }
0xd1: {  	v57 =	vld [tilespmem:s16+$0x840];
	v11 =	vmul.f32 v35, v40;
	[tilespmem:s16+$0x6D0] =	vst v8  }
0xd2: {  	v61 =	vld [tilespmem:s16+$0x300];
	v24 =	vbroadcast v2, $0xB;
	v13 =	vmul.f32 v36, v40;
	[tilespmem:s16+$0x6E0] =	vst v9  }
0xd3: {  	v4 =	vld [tilespmem:s16+$0xAD0];
	v14 =	vmul.f32 v37, v40;
	[tilespmem:s16+$0x700] =	vst v11  }
0xd4: {  	v38 =	vld [tilespmem:s16+$0x730];
	v5 =	vmul.f32 v5, v24;
	[tilespmem:s16+$0x710] =	vst v13  }
0xd5: {  	v39 =	vld [tilespmem:s16+$0x740];
	v7 =	vmul.f32 v7, v24;
	[tilespmem:s16+$0x720] =	vst v14  }
0xd6: {  	v41 =	vld [tilespmem:s16+$0x750];
	v19 =	vmul.f32 v57, v6;
	[tilespmem:s16+$0x880] =	vst v5  }
0xd7: {  	v43 =	vld [tilespmem:s16+$0x770];
	v25 =	vmul.f32 v3, v61;
	[tilespmem:s16+$0x890] =	vst v7  }
0xd8: {  	v44 =	vld [tilespmem:s16+$0x780];
	v12 =	vmul.f32 v34, v31;
	[tilespmem:s16+$0x840] =	vst v19  }
0xd9: {  	v45 =	vld [tilespmem:s16+$0x790];
	v10 =	vmul.f32 v38, v40;
	[tilespmem:s16+$0x300] =	vst v25  }
0xda: {  	v27 =	vld [tilespmem:s16+$0x8D0];
	v8 =	vmul.f32 v39, v40;
	[tilespmem:s16+$0x6F0] =	vst v12  }
0xdb: {  	v49 =	vbroadcast v2, $0x9;
	v29 =	vld [tilespmem:s16+$0x8F0];
	v9 =	vmul.f32 v41, v40;
	[tilespmem:s16+$0x730] =	vst v10  }
0xdc: {  	v42 =	vld [tilespmem:s16+$0x760];
	v11 =	vmul.f32 v43, v40;
	[tilespmem:s16+$0x740] =	vst v8  }
0xdd: {  	v46 =	vld [tilespmem:s16+$0x7A0];
	v13 =	vmul.f32 v44, v49;
	[tilespmem:s16+$0x750] =	vst v9  }
0xde: {  	v47 =	vld [tilespmem:s16+$0x7B0];
	v14 =	vmul.f32 v45, v49;
	[tilespmem:s16+$0x770] =	vst v11  }
0xdf: {  	v48 =	vld [tilespmem:s16+$0x7C0];
	v32 =	vmul.f32 v27, v24;
	[tilespmem:s16+$0x780] =	vst v13  }
0xe0: {  	v51 =	vld [tilespmem:s16+$0x7E0];
	v7 =	vmul.f32 v29, v24;
	[tilespmem:s16+$0x790] =	vst v14  }
0xe1: {  	v52 =	vld [tilespmem:s16+$0x7F0];
	v12 =	vmul.f32 v42, v40;
	[tilespmem:s16+$0x8D0] =	vst v32  }
0xe2: {  	v10 =	vmul.f32 v46, v49;
	[tilespmem:s16+$0x8F0] =	vst v7  }
0xe3: {  	v28 =	vld [tilespmem:s16+$0x8E0];
	v8 =	vmul.f32 v47, v49;
	[tilespmem:s16+$0x760] =	vst v12  }
0xe4: {  	v30 =	vld [tilespmem:s16+$0x900];
	v9 =	vmul.f32 v48, v49;
	[tilespmem:s16+$0x7A0] =	vst v10  }
0xe5: {  	v50 =	vld [tilespmem:s16+$0x7D0];
	v5 =	vbroadcast v2, $0xF;
	v11 =	vmul.f32 v51, v49;
	[tilespmem:s16+$0x7B0] =	vst v8  }
0xe6: {  	v54 =	vld [tilespmem:s16+$0x810];
	v13 =	vmul.f32 v52, v49;
	[tilespmem:s16+$0x7C0] =	vst v9  }
0xe7: {  	v55 =	vld [tilespmem:s16+$0x820];
	v35 =	vbroadcast v2, $0xC;
	v4 =	vmul.f32 v4, v5;
	[tilespmem:s16+$0x7E0] =	vst v11  }
0xe8: {  	v56 =	vld [tilespmem:s16+$0x830];
	v40 =	vmul.f32 v28, v24;
	[tilespmem:s16+$0x7F0] =	vst v13  }
0xe9: {  	v60 =	vld [tilespmem:s16+$0x860];
	v16 =	vmul.f32 v30, v35;
	[tilespmem:s16+$0xAD0] =	vst v4  }
0xea: {  	v62 =	vld [tilespmem:s16+$0x310];
	v12 =	vmul.f32 v50, v49;
	[tilespmem:s16+$0x8E0] =	vst v40  }
0xeb: {  	v63 =	vld [tilespmem:s16+$0x340];
	v10 =	vmul.f32 v54, v6;
	[tilespmem:s16+$0x900] =	vst v16  }
0xec: {  	v20 =	vld [tilespmem:s16+$0x350];
	v8 =	vmul.f32 v55, v6;
	[tilespmem:s16+$0x7D0] =	vst v12  }
0xed: {  	v33 =	vld [tilespmem:s16+$0x930];
	v9 =	vmul.f32 v56, v6;
	[tilespmem:s16+$0x810] =	vst v10  }
0xee: {  	v61 =	vld [tilespmem:s16+$0xAF0];
	v6 =	vmul.f32 v60, v6;
	[tilespmem:s16+$0x820] =	vst v8  }
0xef: {  	v38 =	vld [tilespmem:s16+$0x970];
	v13 =	vmul.f32 v62, v3;
	[tilespmem:s16+$0x830] =	vst v9  }
0xf0: {  	v22 =	vld [tilespmem:s16+$0x8A0];
	v4 =	vmul.f32 v63, v3;
	[tilespmem:s16+$0x860] =	vst v6  }
0xf1: {  	v23 =	vld [tilespmem:s16+$0x8B0];
	v3 =	vmul.f32 v20, v3;
	[tilespmem:s16+$0x310] =	vst v13  }
0xf2: {  	v26 =	vld [tilespmem:s16+$0x8C0];
	v62 =	vmul.f32 v33, v35;
	[tilespmem:s16+$0x340] =	vst v4  }
0xf3: {  	v31 =	vld [tilespmem:s16+$0x910];
	v63 =	vmul.f32 v61, v5;
	[tilespmem:s16+$0x350] =	vst v3  }
0xf4: {  	v34 =	vld [tilespmem:s16+$0x940];
	v16 =	vmul.f32 v38, v35;
	[tilespmem:s16+$0x930] =	vst v62  }
0xf5: {  	v41 =	vld [tilespmem:s16+$0x9A0];
	v8 =	vmul.f32 v22, v24;
	[tilespmem:s16+$0xAF0] =	vst v63  }
0xf6: {  	v46 =	vld [tilespmem:s16+$0x9E0];
	v9 =	vmul.f32 v23, v24;
	[tilespmem:s16+$0x970] =	vst v16  }
0xf7: {  	v6 =	vmul.f32 v26, v24;
	v3 =	vld [tilespmem:s16+$0x990];
	[tilespmem:s16+$0x8A0] =	vst v8  }
0xf8: {  	v36 =	vld [tilespmem:s16+$0x950];
	v44 =	vbroadcast v2, $0xD;
	v10 =	vmul.f32 v31, v35;
	[tilespmem:s16+$0x8B0] =	vst v9  }
0xf9: {  	v37 =	vld [tilespmem:s16+$0x960];
	v13 =	vmul.f32 v34, v35;
	[tilespmem:s16+$0x8C0] =	vst v6  }
0xfa: {  	v39 =	vld [tilespmem:s16+$0x980];
	v12 =	vmul.f32 v41, v44;
	[tilespmem:s16+$0x910] =	vst v10  }
0xfb: {  	v42 =	vld [tilespmem:s16+$0x9B0];
	v51 =	vmul.f32 v46, v44;
	[tilespmem:s16+$0x940] =	vst v13  }
0xfc: {  	v48 =	vld [tilespmem:s16+$0xA10];
	[tilespmem:s16+$0x9A0] =	vst v12;
	v3 =	vmul.f32 v3, v44  }
0xfd: {  	v49 =	vld [tilespmem:s16+$0xA20];
	v9 =	vmul.f32 v36, v35;
	[tilespmem:s16+$0x9E0] =	vst v51  }
0xfe: {  	v6 =	vmul.f32 v37, v35;
	[tilespmem:s16+$0x990] =	vst v3;
	v3 =	vld [tilespmem:s16+$0xA00]  }
0xff: {  	v2 =	vbroadcast v2, $0xE;
	v50 =	vld [tilespmem:s16+$0xA30];
	v10 =	vmul.f32 v39, v44;
	[tilespmem:s16+$0x950] =	vst v9  }
0x100: {  	v45 =	vld [tilespmem:s16+$0x9D0];
	v13 =	vmul.f32 v42, v44;
	[tilespmem:s16+$0x960] =	vst v6  }
0x101: {  	v47 =	vld [tilespmem:s16+$0x9F0];
	v12 =	vmul.f32 v48, v2;
	[tilespmem:s16+$0x980] =	vst v10  }
0x102: {  	v43 =	vld [tilespmem:s16+$0x9C0];
	v11 =	vmul.f32 v49, v2;
	[tilespmem:s16+$0x9B0] =	vst v13  }
0x103: {  	v55 =	vld [tilespmem:s16+$0xA80];
	[tilespmem:s16+$0xA10] =	vst v12;
	v3 =	vmul.f32 v3, v2  }
0x104: {  	v57 =	vld [tilespmem:s16+$0xAA0];
	v7 =	vmul.f32 v50, v2;
	[tilespmem:s16+$0xA20] =	vst v11  }
0x105: {  	v6 =	vmul.f32 v45, v44;
	[tilespmem:s16+$0xA00] =	vst v3;
	v3 =	vld [tilespmem:s16+$0xA70]  }
0x106: {  	v52 =	vld [tilespmem:s16+$0xA40];
	v10 =	vmul.f32 v47, v44;
	[tilespmem:s16+$0xA30] =	vst v7  }
0x107: {  	v56 =	vld [tilespmem:s16+$0xA90];
	v9 =	vmul.f32 v43, v44;
	[tilespmem:s16+$0x9D0] =	vst v6  }
0x108: {  	v54 =	vld [tilespmem:s16+$0xA60];
	v12 =	vmul.f32 v55, v5;
	[tilespmem:s16+$0x9F0] =	vst v10  }
0x109: {  	v58 =	vld [tilespmem:s16+$0xAB0];
	v7 =	vmul.f32 v57, v5;
	[tilespmem:s16+$0x9C0] =	vst v9  }
0x10a: {  	v53 =	vld [tilespmem:s16+$0xA50];
	[tilespmem:s16+$0xA80] =	vst v12;
	v3 =	vmul.f32 v3, v2  }
0x10b: {  	v59 =	vld [tilespmem:s16+$0xAC0];
	v6 =	vmul.f32 v52, v2;
	[tilespmem:s16+$0xAA0] =	vst v7  }
0x10c: {  	v60 =	vld [tilespmem:s16+$0xAE0];
	[tilespmem:s16+$0xA70] =	vst v3;
	v3 =	vmul.f32 v56, v5  }
0x10d: {  	v10 =	vmul.f32 v54, v2;
	[tilespmem:s16+$0xA40] =	vst v6  }
0x10e: {  	v4 =	vld [tilespmem:s16+$0x920];
	[tilespmem:s16+$0xA90] =	vst v3;
	v3 =	vmul.f32 v58, v5  }
0x10f: {  	[tilespmem:s16+$0xA60] =	vst v10;
	v2 =	vmul.f32 v53, v2  }
0x110: {  	[tilespmem:s16+$0xAB0] =	vst v3;
	v3 =	vmul.f32 v59, v5  }
0x111: {  	[tilespmem:s16+$0xA50] =	vst v2;
	v5 =	vmul.f32 v60, v5  }
0x112: {  	[tilespmem:s16+$0xAC0] =	vst v3  }
0x113: {  	s3 =	sshll.u32 s31, $0x1;
	s2 =	simm.s32 $0x1;
	v3 =	vmul.f32 v4, v35;
	[tilespmem:s16+$0xAE0] =	vst v5  }
.LBB2_5:
0x114: {  	s8 =	sshll.u32 s2, $0x4  }
0x115: {  	p0 =	sne.s32 s2, $0x7;
	[tilespmem:s16+$0x920] =	vst v3;
	s16 =	smov.u32 s2;
	s2 =	sadd.s32 $0x1, s2  }
0x116: {  	s8 =	sand.u32 $0x3FFFFFF0, s8  }
0x117: {  	v2 =	vld.idx.msk [tilespmem:v1+s8+$0x0 ss:$0x1], $0xffff  }
0x118: {  	s8 =	sshll.u32 s16, $0xB  }
0x119: {  	s16 =	sand.u32 $0x3FFFF800, s8  }
0x11a: {  	v9 =	vld [tilespmem:s16+$0x3C0]  }
0x11b: {  	v10 =	vld [tilespmem:s16+$0x3D0]  }
0x11c: {  	v11 =	vld [tilespmem:s16+$0x3B0]  }
0x11d: {  	v3 =	vbroadcast v2, $0x0;
	v8 =	vbroadcast v2, $0x4;
	v4 =	vld [tilespmem:s16+$0x320]  }
0x11e: {  	v6 =	vld [tilespmem:s16+$0x330]  }
0x11f: {  	v7 =	vld [tilespmem:s16+$0x870]  }
0x120: {  	v12 =	vld [tilespmem:s16+$0x360]  }
0x121: {  	v13 =	vld [tilespmem:s16+$0x370]  }
0x122: {  	v5 =	vbroadcast v2, $0xA;
	v4 =	vmul.f32 v4, v3;
	v14 =	vld [tilespmem:s16+$0x380]  }
0x123: {  	v6 =	vmul.f32 v6, v3;
	v15 =	vld [tilespmem:s16+$0x390]  }
0x124: {  	[tilespmem:s16+$0x320] =	vst v4;
	v16 =	vld [tilespmem:s16+$0x3A0];
	v4 =	vmul.f32 v7, v5  }
0x125: {  	[tilespmem:s16+$0x330] =	vst v6;
	v7 =	vmul.f32 v12, v3;
	v12 =	vbroadcast v2, $0x1;
	v6 =	vld [tilespmem:s16+$0x880]  }
0x126: {  	v13 =	vmul.f32 v13, v3;
	[tilespmem:s16+$0x870] =	vst v4;
	v4 =	vld [tilespmem:s16+$0xAD0]  }
0x127: {  	[tilespmem:s16+$0x360] =	vst v7;
	v14 =	vmul.f32 v14, v12;
	v7 =	vld [tilespmem:s16+$0x890]  }
0x128: {  	[tilespmem:s16+$0x370] =	vst v13;
	v13 =	vmul.f32 v15, v12;
	v15 =	vld [tilespmem:s16+$0x3E0]  }
0x129: {  	[tilespmem:s16+$0x380] =	vst v14;
	v14 =	vmul.f32 v16, v12;
	v16 =	vld [tilespmem:s16+$0x3F0]  }
0x12a: {  	v11 =	vmul.f32 v11, v12;
	[tilespmem:s16+$0x390] =	vst v13;
	v13 =	vld [tilespmem:s16+$0x400]  }
0x12b: {  	v9 =	vmul.f32 v9, v12;
	[tilespmem:s16+$0x3A0] =	vst v14;
	v14 =	vld [tilespmem:s16+$0x410]  }
0x12c: {  	v10 =	vmul.f32 v10, v12;
	[tilespmem:s16+$0x3B0] =	vst v11;
	v11 =	vld [tilespmem:s16+$0x420]  }
0x12d: {  	[tilespmem:s16+$0x3C0] =	vst v9;
	v9 =	vmul.f32 v15, v12;
	v15 =	vbroadcast v2, $0x2;
	v17 =	vld [tilespmem:s16+$0x430]  }
0x12e: {  	[tilespmem:s16+$0x3D0] =	vst v10;
	v10 =	vmul.f32 v16, v12;
	v12 =	vld [tilespmem:s16+$0x440]  }
0x12f: {  	[tilespmem:s16+$0x3E0] =	vst v9;
	v9 =	vmul.f32 v13, v15;
	v13 =	vld [tilespmem:s16+$0x450]  }
0x130: {  	[tilespmem:s16+$0x3F0] =	vst v10;
	v10 =	vmul.f32 v14, v15;
	v14 =	vld [tilespmem:s16+$0x460]  }
0x131: {  	[tilespmem:s16+$0x400] =	vst v9;
	v9 =	vmul.f32 v11, v15;
	v11 =	vld [tilespmem:s16+$0x470]  }
0x132: {  	[tilespmem:s16+$0x410] =	vst v10;
	v10 =	vmul.f32 v17, v15;
	v16 =	vld [tilespmem:s16+$0x480]  }
0x133: {  	[tilespmem:s16+$0x420] =	vst v9;
	v9 =	vmul.f32 v12, v15;
	v12 =	vld [tilespmem:s16+$0x490]  }
0x134: {  	[tilespmem:s16+$0x430] =	vst v10;
	v10 =	vmul.f32 v13, v15;
	v13 =	vld [tilespmem:s16+$0x4A0]  }
0x135: {  	[tilespmem:s16+$0x440] =	vst v9;
	v9 =	vmul.f32 v14, v15;
	v14 =	vbroadcast v2, $0x3;
	v17 =	vld [tilespmem:s16+$0x4B0]  }
0x136: {  	[tilespmem:s16+$0x450] =	vst v10;
	v10 =	vmul.f32 v11, v15;
	v11 =	vld [tilespmem:s16+$0x4C0]  }
0x137: {  	[tilespmem:s16+$0x460] =	vst v9;
	v9 =	vmul.f32 v16, v14;
	v15 =	vld [tilespmem:s16+$0x4D0]  }
0x138: {  	[tilespmem:s16+$0x470] =	vst v10;
	v10 =	vmul.f32 v12, v14;
	v12 =	vld [tilespmem:s16+$0x4E0]  }
0x139: {  	[tilespmem:s16+$0x480] =	vst v9;
	v9 =	vmul.f32 v13, v14;
	v13 =	vld [tilespmem:s16+$0x4F0]  }
0x13a: {  	[tilespmem:s16+$0x490] =	vst v10;
	v10 =	vmul.f32 v17, v14;
	v16 =	vld [tilespmem:s16+$0x500]  }
0x13b: {  	[tilespmem:s16+$0x4A0] =	vst v9;
	v9 =	vmul.f32 v11, v14;
	v11 =	vld [tilespmem:s16+$0x510]  }
0x13c: {  	[tilespmem:s16+$0x4B0] =	vst v10;
	v10 =	vmul.f32 v15, v14;
	v15 =	vld [tilespmem:s16+$0x520]  }
0x13d: {  	[tilespmem:s16+$0x4C0] =	vst v9;
	v9 =	vmul.f32 v12, v14;
	v12 =	vld [tilespmem:s16+$0x530]  }
0x13e: {  	[tilespmem:s16+$0x4D0] =	vst v10;
	v10 =	vmul.f32 v13, v14;
	v13 =	vld [tilespmem:s16+$0x540]  }
0x13f: {  	[tilespmem:s16+$0x4E0] =	vst v9;
	v9 =	vmul.f32 v16, v8;
	v14 =	vld [tilespmem:s16+$0x550]  }
0x140: {  	[tilespmem:s16+$0x4F0] =	vst v10;
	v10 =	vmul.f32 v11, v8;
	v11 =	vld [tilespmem:s16+$0x560]  }
0x141: {  	[tilespmem:s16+$0x500] =	vst v9;
	v9 =	vmul.f32 v15, v8;
	v15 =	vld [tilespmem:s16+$0x570]  }
0x142: {  	[tilespmem:s16+$0x510] =	vst v10;
	v10 =	vmul.f32 v12, v8;
	v12 =	vld [tilespmem:s16+$0x580]  }
0x143: {  	[tilespmem:s16+$0x520] =	vst v9;
	v9 =	vmul.f32 v13, v8;
	v13 =	vld [tilespmem:s16+$0x590]  }
0x144: {  	[tilespmem:s16+$0x530] =	vst v10;
	v10 =	vmul.f32 v14, v8;
	v14 =	vld [tilespmem:s16+$0x5A0]  }
0x145: {  	[tilespmem:s16+$0x540] =	vst v9;
	v9 =	vmul.f32 v11, v8;
	v11 =	vbroadcast v2, $0x5;
	v16 =	vld [tilespmem:s16+$0x5B0]  }
0x146: {  	[tilespmem:s16+$0x550] =	vst v10;
	v8 =	vmul.f32 v15, v8;
	v10 =	vld [tilespmem:s16+$0x5C0]  }
0x147: {  	[tilespmem:s16+$0x560] =	vst v9;
	v9 =	vmul.f32 v12, v11;
	v12 =	vld [tilespmem:s16+$0x5D0]  }
0x148: {  	[tilespmem:s16+$0x570] =	vst v8;
	v8 =	vmul.f32 v13, v11;
	v13 =	vld [tilespmem:s16+$0x5E0]  }
0x149: {  	[tilespmem:s16+$0x580] =	vst v9;
	v9 =	vmul.f32 v14, v11;
	v14 =	vld [tilespmem:s16+$0x5F0]  }
0x14a: {  	[tilespmem:s16+$0x590] =	vst v8;
	v8 =	vmul.f32 v16, v11;
	v15 =	vld [tilespmem:s16+$0x600]  }
0x14b: {  	[tilespmem:s16+$0x5A0] =	vst v9;
	v9 =	vmul.f32 v10, v11;
	v10 =	vld [tilespmem:s16+$0x610]  }
0x14c: {  	[tilespmem:s16+$0x5B0] =	vst v8;
	v8 =	vmul.f32 v12, v11;
	v12 =	vld [tilespmem:s16+$0x620]  }
0x14d: {  	[tilespmem:s16+$0x5C0] =	vst v9;
	v9 =	vmul.f32 v13, v11;
	v13 =	vbroadcast v2, $0x6;
	v16 =	vld [tilespmem:s16+$0x630]  }
0x14e: {  	[tilespmem:s16+$0x5D0] =	vst v8;
	v8 =	vmul.f32 v14, v11;
	v11 =	vld [tilespmem:s16+$0x640]  }
0x14f: {  	[tilespmem:s16+$0x5E0] =	vst v9;
	v9 =	vmul.f32 v15, v13;
	v14 =	vld [tilespmem:s16+$0x650]  }
0x150: {  	[tilespmem:s16+$0x5F0] =	vst v8;
	v8 =	vmul.f32 v10, v13;
	v10 =	vld [tilespmem:s16+$0x660]  }
0x151: {  	[tilespmem:s16+$0x600] =	vst v9;
	v9 =	vmul.f32 v12, v13;
	v12 =	vld [tilespmem:s16+$0x670]  }
0x152: {  	[tilespmem:s16+$0x610] =	vst v8;
	v8 =	vmul.f32 v16, v13;
	v15 =	vld [tilespmem:s16+$0x680]  }
0x153: {  	[tilespmem:s16+$0x620] =	vst v9;
	v9 =	vmul.f32 v11, v13;
	v11 =	vld [tilespmem:s16+$0x690]  }
0x154: {  	[tilespmem:s16+$0x630] =	vst v8;
	v8 =	vmul.f32 v14, v13;
	v14 =	vld [tilespmem:s16+$0x6A0]  }
0x155: {  	[tilespmem:s16+$0x640] =	vst v9;
	v9 =	vmul.f32 v10, v13;
	v10 =	vbroadcast v2, $0x7;
	v16 =	vld [tilespmem:s16+$0x6B0]  }
0x156: {  	[tilespmem:s16+$0x650] =	vst v8;
	v8 =	vmul.f32 v12, v13;
	v12 =	vld [tilespmem:s16+$0x6C0]  }
0x157: {  	[tilespmem:s16+$0x660] =	vst v9;
	v9 =	vmul.f32 v15, v10;
	v13 =	vld [tilespmem:s16+$0x6D0]  }
0x158: {  	[tilespmem:s16+$0x670] =	vst v8;
	v8 =	vmul.f32 v11, v10;
	v11 =	vld [tilespmem:s16+$0x6E0]  }
0x159: {  	[tilespmem:s16+$0x680] =	vst v9;
	v9 =	vmul.f32 v14, v10;
	v14 =	vld [tilespmem:s16+$0x6F0]  }
0x15a: {  	[tilespmem:s16+$0x690] =	vst v8;
	v8 =	vmul.f32 v16, v10;
	v15 =	vld [tilespmem:s16+$0x700]  }
0x15b: {  	[tilespmem:s16+$0x6A0] =	vst v9;
	v9 =	vmul.f32 v12, v10;
	v12 =	vld [tilespmem:s16+$0x710]  }
0x15c: {  	[tilespmem:s16+$0x6B0] =	vst v8;
	v8 =	vmul.f32 v13, v10;
	v13 =	vld [tilespmem:s16+$0x720]  }
0x15d: {  	[tilespmem:s16+$0x6C0] =	vst v9;
	v9 =	vmul.f32 v11, v10;
	v11 =	vbroadcast v2, $0x8;
	v16 =	vld [tilespmem:s16+$0x730]  }
0x15e: {  	[tilespmem:s16+$0x6D0] =	vst v8;
	v8 =	vmul.f32 v14, v10;
	v10 =	vld [tilespmem:s16+$0x740]  }
0x15f: {  	[tilespmem:s16+$0x6E0] =	vst v9;
	v9 =	vmul.f32 v15, v11;
	v14 =	vld [tilespmem:s16+$0x750]  }
0x160: {  	[tilespmem:s16+$0x6F0] =	vst v8;
	v8 =	vmul.f32 v12, v11;
	v12 =	vld [tilespmem:s16+$0x760]  }
0x161: {  	[tilespmem:s16+$0x700] =	vst v9;
	v9 =	vmul.f32 v13, v11;
	v13 =	vld [tilespmem:s16+$0x770]  }
0x162: {  	[tilespmem:s16+$0x710] =	vst v8;
	v8 =	vmul.f32 v16, v11;
	v15 =	vld [tilespmem:s16+$0x780]  }
0x163: {  	[tilespmem:s16+$0x720] =	vst v9;
	v9 =	vmul.f32 v10, v11;
	v10 =	vld [tilespmem:s16+$0x790]  }
0x164: {  	[tilespmem:s16+$0x730] =	vst v8;
	v8 =	vmul.f32 v14, v11;
	v14 =	vld [tilespmem:s16+$0x7A0]  }
0x165: {  	[tilespmem:s16+$0x740] =	vst v9;
	v9 =	vmul.f32 v12, v11;
	v12 =	vbroadcast v2, $0x9;
	v16 =	vld [tilespmem:s16+$0x7B0]  }
0x166: {  	[tilespmem:s16+$0x750] =	vst v8;
	v8 =	vmul.f32 v13, v11;
	v11 =	vld [tilespmem:s16+$0x7C0]  }
0x167: {  	[tilespmem:s16+$0x760] =	vst v9;
	v9 =	vmul.f32 v15, v12;
	v13 =	vld [tilespmem:s16+$0x7D0]  }
0x168: {  	[tilespmem:s16+$0x770] =	vst v8;
	v8 =	vmul.f32 v10, v12;
	v10 =	vld [tilespmem:s16+$0x7E0]  }
0x169: {  	[tilespmem:s16+$0x780] =	vst v9;
	v9 =	vmul.f32 v14, v12;
	v14 =	vld [tilespmem:s16+$0x7F0]  }
0x16a: {  	[tilespmem:s16+$0x790] =	vst v8;
	v8 =	vmul.f32 v16, v12;
	v15 =	vld [tilespmem:s16+$0x800]  }
0x16b: {  	[tilespmem:s16+$0x7A0] =	vst v9;
	v9 =	vmul.f32 v11, v12;
	v11 =	vld [tilespmem:s16+$0x810]  }
0x16c: {  	[tilespmem:s16+$0x7B0] =	vst v8;
	v8 =	vmul.f32 v13, v12;
	v13 =	vld [tilespmem:s16+$0x820]  }
0x16d: {  	[tilespmem:s16+$0x7C0] =	vst v9;
	v9 =	vmul.f32 v10, v12;
	v10 =	vld [tilespmem:s16+$0x830]  }
0x16e: {  	[tilespmem:s16+$0x7D0] =	vst v8;
	v8 =	vmul.f32 v14, v12;
	v12 =	vld [tilespmem:s16+$0x840]  }
0x16f: {  	[tilespmem:s16+$0x7E0] =	vst v9;
	v9 =	vmul.f32 v15, v5;
	v14 =	vld [tilespmem:s16+$0x850]  }
0x170: {  	[tilespmem:s16+$0x7F0] =	vst v8;
	v8 =	vmul.f32 v11, v5;
	v11 =	vld [tilespmem:s16+$0x860]  }
0x171: {  	v15 =	vld [tilespmem:s16+$0x300];
	[tilespmem:s16+$0x800] =	vst v9;
	v9 =	vmul.f32 v13, v5  }
0x172: {  	v13 =	vld [tilespmem:s16+$0x310];
	[tilespmem:s16+$0x810] =	vst v8;
	v8 =	vmul.f32 v10, v5  }
0x173: {  	v10 =	vld [tilespmem:s16+$0x340];
	[tilespmem:s16+$0x820] =	vst v9;
	v9 =	vmul.f32 v12, v5  }
0x174: {  	v12 =	vld [tilespmem:s16+$0x350];
	[tilespmem:s16+$0x830] =	vst v8;
	v8 =	vmul.f32 v14, v5  }
0x175: {  	[tilespmem:s16+$0x840] =	vst v9;
	v9 =	vmul.f32 v11, v5;
	v11 =	vbroadcast v2, $0xB;
	v14 =	vld [tilespmem:s16+$0x8A0]  }
0x176: {  	v5 =	vbroadcast v2, $0xF;
	v15 =	vmul.f32 v3, v15;
	[tilespmem:s16+$0x850] =	vst v8;
	v8 =	vld [tilespmem:s16+$0x8B0]  }
0x177: {  	v13 =	vmul.f32 v13, v3;
	[tilespmem:s16+$0x860] =	vst v9;
	v6 =	vmul.f32 v6, v11;
	v9 =	vld [tilespmem:s16+$0x8C0]  }
0x178: {  	v7 =	vmul.f32 v7, v11;
	[tilespmem:s16+$0x300] =	vst v15;
	v10 =	vmul.f32 v10, v3;
	v15 =	vld [tilespmem:s16+$0x8D0]  }
0x179: {  	v4 =	vmul.f32 v4, v5;
	v12 =	vmul.f32 v12, v3;
	[tilespmem:s16+$0x880] =	vst v6;
	v3 =	vld [tilespmem:s16+$0x8E0]  }
0x17a: {  	[tilespmem:s16+$0x890] =	vst v7;
	v6 =	vmul.f32 v14, v11;
	v7 =	vld [tilespmem:s16+$0x8F0]  }
0x17b: {  	v8 =	vmul.f32 v8, v11;
	v14 =	vld [tilespmem:s16+$0x900];
	[tilespmem:s16+$0xAD0] =	vst v4  }
0x17c: {  	[tilespmem:s16+$0x310] =	vst v13;
	v4 =	vmul.f32 v9, v11;
	v9 =	vld [tilespmem:s16+$0x910]  }
0x17d: {  	[tilespmem:s16+$0x340] =	vst v10;
	v10 =	vmul.f32 v15, v11;
	v13 =	vld [tilespmem:s16+$0x920]  }
0x17e: {  	v15 =	vbroadcast v2, $0xC;
	[tilespmem:s16+$0x8A0] =	vst v6;
	v6 =	vmul.f32 v3, v11;
	v16 =	vld [tilespmem:s16+$0x930]  }
0x17f: {  	[tilespmem:s16+$0x8D0] =	vst v10;
	v7 =	vmul.f32 v7, v11;
	v10 =	vld [tilespmem:s16+$0x940]  }
0x180: {  	[tilespmem:s16+$0x8B0] =	vst v8;
	v3 =	vmul.f32 v14, v15;
	v8 =	vld [tilespmem:s16+$0x950]  }
0x181: {  	[tilespmem:s16+$0x8C0] =	vst v4;
	v4 =	vmul.f32 v9, v15;
	v9 =	vld [tilespmem:s16+$0x960]  }
0x182: {  	[tilespmem:s16+$0x900] =	vst v3;
	v3 =	vmul.f32 v13, v15;
	v11 =	vld [tilespmem:s16+$0x970]  }
0x183: {  	[tilespmem:s16+$0x910] =	vst v4;
	v4 =	vld [tilespmem:s16+$0x980]  }
0x184: {  	[tilespmem:s16+$0x350] =	vst v12;
	v10 =	vmul.f32 v10, v15;
	v12 =	vld [tilespmem:s16+$0x990]  }
0x185: {  	[tilespmem:s16+$0x8E0] =	vst v6;
	v6 =	vmul.f32 v8, v15;
	v8 =	vld [tilespmem:s16+$0x9A0]  }
0x186: {  	[tilespmem:s16+$0x940] =	vst v10;
	v9 =	vmul.f32 v9, v15;
	v10 =	vbroadcast v2, $0xD;
	v13 =	vld [tilespmem:s16+$0x9B0]  }
0x187: {  	[tilespmem:s16+$0x950] =	vst v6;
	v6 =	vmul.f32 v11, v15;
	v11 =	vld [tilespmem:s16+$0x9C0]  }
0x188: {  	[tilespmem:s16+$0x960] =	vst v9;
	v4 =	vmul.f32 v4, v10;
	v9 =	vld [tilespmem:s16+$0x9D0]  }
0x189: {  	[tilespmem:s16+$0x970] =	vst v6;
	v6 =	vmul.f32 v12, v10;
	v12 =	vld [tilespmem:s16+$0x9E0]  }
0x18a: {  	[tilespmem:s16+$0x980] =	vst v4;
	v4 =	vmul.f32 v8, v10;
	v8 =	vld [tilespmem:s16+$0x9F0]  }
0x18b: {  	[tilespmem:s16+$0x990] =	vst v6;
	v6 =	vmul.f32 v13, v10;
	v13 =	vld [tilespmem:s16+$0xA00]  }
0x18c: {  	[tilespmem:s16+$0x9A0] =	vst v4;
	v4 =	vmul.f32 v11, v10;
	v11 =	vld [tilespmem:s16+$0xA10]  }
0x18d: {  	[tilespmem:s16+$0x9B0] =	vst v6;
	v6 =	vmul.f32 v9, v10;
	v9 =	vld [tilespmem:s16+$0xA20]  }
0x18e: {  	v2 =	vbroadcast v2, $0xE;
	[tilespmem:s16+$0x8F0] =	vst v7;
	v7 =	vmul.f32 v12, v10;
	v12 =	vld [tilespmem:s16+$0xA30]  }
0x18f: {  	[tilespmem:s16+$0x9D0] =	vst v6;
	v6 =	vmul.f32 v8, v10;
	v8 =	vld [tilespmem:s16+$0xA40]  }
0x190: {  	[tilespmem:s16+$0x9E0] =	vst v7;
	v7 =	vmul.f32 v13, v2;
	v10 =	vld [tilespmem:s16+$0xA50]  }
0x191: {  	[tilespmem:s16+$0x9F0] =	vst v6;
	v6 =	vmul.f32 v11, v2;
	v11 =	vld [tilespmem:s16+$0xA60]  }
0x192: {  	[tilespmem:s16+$0xA00] =	vst v7;
	v7 =	vmul.f32 v9, v2;
	v9 =	vld [tilespmem:s16+$0xA70]  }
0x193: {  	[tilespmem:s16+$0xA10] =	vst v6;
	v6 =	vmul.f32 v12, v2;
	v12 =	vld [tilespmem:s16+$0xA80]  }
0x194: {  	[tilespmem:s16+$0xA20] =	vst v7;
	v7 =	vmul.f32 v8, v2;
	v8 =	vld [tilespmem:s16+$0xA90]  }
0x195: {  	[tilespmem:s16+$0xA30] =	vst v6;
	v6 =	vmul.f32 v10, v2;
	v10 =	vld [tilespmem:s16+$0xAA0]  }
0x196: {  	[tilespmem:s16+$0xA40] =	vst v7;
	v7 =	vmul.f32 v11, v2;
	v11 =	vld [tilespmem:s16+$0xAB0]  }
0x197: {  	[tilespmem:s16+$0x9C0] =	vst v4;
	v2 =	vmul.f32 v9, v2;
	v4 =	vld [tilespmem:s16+$0xAC0]  }
0x198: {  	[tilespmem:s16+$0xA60] =	vst v7;
	v7 =	vmul.f32 v12, v5;
	v9 =	vld [tilespmem:s16+$0xAE0]  }
0x199: {  	[tilespmem:s16+$0xA70] =	vst v2;
	v2 =	vmul.f32 v8, v5;
	v8 =	vld [tilespmem:s16+$0xAF0]  }
0x19a: {  	[tilespmem:s16+$0xA80] =	vst v7;
	v7 =	vmul.f32 v10, v5  }
0x19b: {  	[tilespmem:s16+$0xA90] =	vst v2;
	v2 =	vmul.f32 v11, v5  }
0x19c: {  	v10 =	vmul.f32 v16, v15;
	[tilespmem:s16+$0xAA0] =	vst v7  }
0x19d: {  	[tilespmem:s16+$0xAB0] =	vst v2;
	v2 =	vmul.f32 v4, v5  }
.Ltmp3:
0x19e: {  	[tilespmem:s16+$0x930] =	vst v10;
	v4 =	vmul.f32 v8, v5;
	(pc) =	sbr.rel @p0 .LBB2_5-.Ltmp3, $4  }
0x19f: {  	[tilespmem:s16+$0xAC0] =	vst v2  }
0x1a0: {  	v2 =	vmul.f32 v9, v5;
	[tilespmem:s16+$0xAF0] =	vst v4  }
0x1a1: {  	[tilespmem:s16+$0xA50] =	vst v6  }
0x1a2: {  	[tilespmem:s16+$0xAE0] =	vst v2  }
0x1a3: {  	p0 =	seq.s32 s31, $0x27  }
0x1a4: {  	s2 =	sadd.s32 @!p0 s3, s10  }
0x1a5: {  	s2 =	sshll.u32 @!p0 s2, $0x5  }
0x1a6: {  	s2 =	sand.u32 @!p0 $0x1FFFFFC0, s2  }
0x1a7: {  	[tilespmem:s16+$0x920] =	vst v3;
	s8 =	simm.s32 @!p0 $0x0;
	s2 =	sadd.s32 @!p0 s1, s2  }
0x1a8: {  	[tilespmem:s8], [sflag:$0x3] =	stream.linear.gather @!p0 [hbm4b:s2+s8], $0x100, $0x38;
	[tilespmem:$0x1EB00] =	vst v63  }
0x1a9: {  	_ = 	snop  }
0x1aa: {  	[spmem:s4] =	stream.indirect.scatter.add.f32 [tilespmem:s19], [sflag:$0x5], $0x80, s24, s18, $0xb8;
	[tilespmem:$0x1EB00] =	vst v63  }
0x1ab: {  	s2 =	sor.u32 $0x1, s3;
	_ =	swait.ge [sflag:s25], $0x4000  }
0x1ac: {  	p1 =	sgt.u32 s2, $0x4E;
	[sflag:s25] =	ssyncset.done $0x0  }
0x1ad: {  	s8 =	simm.s32 @!p1 $0x3;
	[sflag:s25] =	ssyncadd.s32 $0xFFFFC000  }
0x1ae: {  	_ =	swait.ge @!p1 [sflag:s8], $0x100  }
0x1af: {  	[sflag:s8] =	ssyncset.done @!p1 $0x0  }
0x1b0: {  	[sflag:s8] =	ssyncadd.s32 @!p1 $0xFFFFFF00;
	s8 =	simm.s32 @!p1 $0x5  }
0x1b1: {  	_ =	swait.ge @!p1 [sflag:s8], $0x4000  }
0x1b2: {  	s16 =	simm.s32 @!p1 $0x0;
	[sflag:s8] =	ssyncset.done @!p1 $0x0  }
0x1b3: {  	s9 =	simm.s32 @!p1 $0x300;
	[sflag:s8] =	ssyncadd.s32 @!p1 $0xFFFFC000;
	s8 =	simm.s32 @!p1 $0x80  }
0x1b4: {  	[tilespmem:s9], [sflag:$0x1] =	stream.indirect.gather @!p1 [hbm4b:s0+s8], $0x80, s16, s8, $0xb8;
	[tilespmem:$0x1EB00] =	vst v63  }
0x1b5: {  	v1 =	vld [tilespmem:$0x180]  }
0x1b6: {  	v2 =	vld [tilespmem:$0x190]  }
0x1b7: {  	v3 =	vld [tilespmem:$0x1A0]  }
0x1b8: {  	v4 =	vld [tilespmem:$0x1B0]  }
0x1b9: {  	v5 =	vld [tilespmem:$0x1C0]  }
0x1ba: {  	s2 =	sshll.u32 s2, $0x7;
	v6 =	vld [tilespmem:$0x1D0];
	[tilespmem:$0x280] =	vst v1  }
0x1bb: {  	s2 =	sand.u32 $0x3FFFFF80, s2;
	[tilespmem:$0x290] =	vst v2;
	v2 =	vld [tilespmem:$0x1E0]  }
0x1bc: {  	s2 =	sadd.s32 $0x8300, s2;
	[tilespmem:$0x2A0] =	vst v3;
	v3 =	vld [tilespmem:$0x1F0]  }
0x1bd: {  	[tilespmem:$0x2B0] =	vst v4;
	v1 =	vmov s2  }
0x1be: {  	[tilespmem:$0x2C0] =	vst v5  }
0x1bf: {  	[tilespmem:$0x2D0] =	vst v6  }
0x1c0: {  	s9 =	simm.s32 $0x0;
	[tilespmem:$0x2E0] =	vst v2  }
0x1c1: {  	s16 =	simm.s32 $0x0;
	s2 =	sand.u32 $0x3FFFFFF0, s9;
	[tilespmem:$0x2F0] =	vst v3  }
0x1c2: {  	s16 =	sand.u32 $0x3FFFF800, s16;
	v2 =	vld.idx.msk [tilespmem:v1+s2+$0x0 ss:$0x1], $0xffff  }
0x1c3: {  	v8 =	vld [tilespmem:s16+$0x43C0]  }
0x1c4: {  	v4 =	vld [tilespmem:s16+$0x4320]  }
0x1c5: {  	v5 =	vld [tilespmem:s16+$0x4330]  }
0x1c6: {  	v11 =	vld [tilespmem:s16+$0x4360]  }
0x1c7: {  	v12 =	vld [tilespmem:s16+$0x4370];
	v3 =	vbroadcast v2, $0x0  }
0x1c8: {  	v13 =	vld [tilespmem:s16+$0x4380]  }
0x1c9: {  	v14 =	vld [tilespmem:s16+$0x4390];
	v4 =	vmul.f32 v4, v3  }
0x1ca: {  	v15 =	vld [tilespmem:s16+$0x43A0];
	v5 =	vmul.f32 v5, v3  }
0x1cb: {  	v10 =	vld [tilespmem:s16+$0x43B0];
	v21 =	vbroadcast v2, $0x1;
	v20 =	vmul.f32 v11, v3;
	[tilespmem:s16+$0x4320] =	vst v4  }
0x1cc: {  	v9 =	vld [tilespmem:s16+$0x43D0];
	v12 =	vmul.f32 v12, v3;
	[tilespmem:s16+$0x4330] =	vst v5  }
0x1cd: {  	v7 =	vld [tilespmem:s16+$0x4870];
	v13 =	vmul.f32 v13, v21;
	[tilespmem:s16+$0x4360] =	vst v20  }
0x1ce: {  	v23 =	vld [tilespmem:s16+$0x43F0];
	v14 =	vmul.f32 v14, v21;
	[tilespmem:s16+$0x4370] =	vst v12  }
0x1cf: {  	v24 =	vld [tilespmem:s16+$0x4400];
	v15 =	vmul.f32 v15, v21;
	[tilespmem:s16+$0x4380] =	vst v13  }
0x1d0: {  	v25 =	vld [tilespmem:s16+$0x4410];
	v10 =	vmul.f32 v10, v21;
	[tilespmem:s16+$0x4390] =	vst v14  }
0x1d1: {  	v22 =	vld [tilespmem:s16+$0x43E0];
	v8 =	vmul.f32 v8, v21;
	[tilespmem:s16+$0x43A0] =	vst v15  }
0x1d2: {  	v26 =	vld [tilespmem:s16+$0x4420];
	v16 =	vbroadcast v2, $0x2;
	v9 =	vmul.f32 v9, v21;
	[tilespmem:s16+$0x43B0] =	vst v10  }
0x1d3: {  	v27 =	vld [tilespmem:s16+$0x4430];
	v11 =	vmul.f32 v23, v21;
	[tilespmem:s16+$0x43C0] =	vst v8  }
0x1d4: {  	v28 =	vld [tilespmem:s16+$0x4440];
	v6 =	vbroadcast v2, $0xA;
	v30 =	vmul.f32 v24, v16;
	[tilespmem:s16+$0x43D0] =	vst v9  }
0x1d5: {  	v29 =	vld [tilespmem:s16+$0x4450];
	v32 =	vmul.f32 v25, v16;
	[tilespmem:s16+$0x43F0] =	vst v11  }
0x1d6: {  	v31 =	vld [tilespmem:s16+$0x4460];
	v4 =	vmul.f32 v7, v6;
	[tilespmem:s16+$0x4400] =	vst v30  }
0x1d7: {  	v33 =	vld [tilespmem:s16+$0x4470];
	v12 =	vmul.f32 v22, v21;
	[tilespmem:s16+$0x4410] =	vst v32  }
0x1d8: {  	v34 =	vld [tilespmem:s16+$0x4480];
	v10 =	vmul.f32 v26, v16;
	[tilespmem:s16+$0x4870] =	vst v4  }
0x1d9: {  	v35 =	vld [tilespmem:s16+$0x4490];
	v8 =	vmul.f32 v27, v16;
	[tilespmem:s16+$0x43E0] =	vst v12  }
0x1da: {  	v36 =	vld [tilespmem:s16+$0x44A0];
	v9 =	vmul.f32 v28, v16;
	[tilespmem:s16+$0x4420] =	vst v10  }
0x1db: {  	v37 =	vld [tilespmem:s16+$0x44B0];
	v39 =	vbroadcast v2, $0x3;
	v11 =	vmul.f32 v31, v16;
	[tilespmem:s16+$0x4430] =	vst v8  }
0x1dc: {  	v38 =	vld [tilespmem:s16+$0x44C0];
	v13 =	vmul.f32 v33, v16;
	[tilespmem:s16+$0x4440] =	vst v9  }
0x1dd: {  	v40 =	vld [tilespmem:s16+$0x44D0];
	v14 =	vmul.f32 v34, v39;
	[tilespmem:s16+$0x4460] =	vst v11  }
0x1de: {  	v41 =	vld [tilespmem:s16+$0x44E0];
	v12 =	vmul.f32 v29, v16;
	[tilespmem:s16+$0x4470] =	vst v13  }
0x1df: {  	v42 =	vld [tilespmem:s16+$0x44F0];
	v10 =	vmul.f32 v35, v39;
	[tilespmem:s16+$0x4480] =	vst v14  }
0x1e0: {  	v43 =	vld [tilespmem:s16+$0x4500];
	v8 =	vmul.f32 v36, v39;
	[tilespmem:s16+$0x4450] =	vst v12  }
0x1e1: {  	v44 =	vld [tilespmem:s16+$0x4510];
	v9 =	vmul.f32 v37, v39;
	[tilespmem:s16+$0x4490] =	vst v10  }
0x1e2: {  	v45 =	vld [tilespmem:s16+$0x4520];
	v11 =	vmul.f32 v40, v39;
	[tilespmem:s16+$0x44A0] =	vst v8  }
0x1e3: {  	v46 =	vld [tilespmem:s16+$0x4530];
	v13 =	vmul.f32 v41, v39;
	[tilespmem:s16+$0x44B0] =	vst v9  }
0x1e4: {  	v47 =	vld [tilespmem:s16+$0x4540];
	v48 =	vbroadcast v2, $0x4;
	v14 =	vmul.f32 v42, v39;
	[tilespmem:s16+$0x44D0] =	vst v11  }
0x1e5: {  	v49 =	vld [tilespmem:s16+$0x4550];
	v12 =	vmul.f32 v38, v39;
	[tilespmem:s16+$0x44E0] =	vst v13  }
0x1e6: {  	v50 =	vld [tilespmem:s16+$0x4560];
	v10 =	vmul.f32 v43, v48;
	[tilespmem:s16+$0x44F0] =	vst v14  }
0x1e7: {  	v51 =	vld [tilespmem:s16+$0x4570];
	v8 =	vmul.f32 v44, v48;
	[tilespmem:s16+$0x44C0] =	vst v12  }
0x1e8: {  	v52 =	vld [tilespmem:s16+$0x4580];
	v9 =	vmul.f32 v45, v48;
	[tilespmem:s16+$0x4500] =	vst v10  }
0x1e9: {  	v53 =	vld [tilespmem:s16+$0x4590];
	v11 =	vmul.f32 v47, v48;
	[tilespmem:s16+$0x4510] =	vst v8  }
0x1ea: {  	v54 =	vld [tilespmem:s16+$0x45A0];
	v13 =	vmul.f32 v49, v48;
	[tilespmem:s16+$0x4520] =	vst v9  }
0x1eb: {  	v55 =	vld [tilespmem:s16+$0x45B0];
	v14 =	vmul.f32 v50, v48;
	[tilespmem:s16+$0x4540] =	vst v11  }
0x1ec: {  	v56 =	vld [tilespmem:s16+$0x45C0];
	v57 =	vbroadcast v2, $0x5;
	v12 =	vmul.f32 v46, v48;
	[tilespmem:s16+$0x4550] =	vst v13  }
0x1ed: {  	v58 =	vld [tilespmem:s16+$0x45D0];
	v10 =	vmul.f32 v51, v48;
	[tilespmem:s16+$0x4560] =	vst v14  }
0x1ee: {  	v59 =	vld [tilespmem:s16+$0x45E0];
	v8 =	vmul.f32 v52, v57;
	[tilespmem:s16+$0x4530] =	vst v12  }
0x1ef: {  	v60 =	vld [tilespmem:s16+$0x45F0];
	v9 =	vmul.f32 v53, v57;
	[tilespmem:s16+$0x4570] =	vst v10  }
0x1f0: {  	v61 =	vld [tilespmem:s16+$0x4600];
	v11 =	vmul.f32 v55, v57;
	[tilespmem:s16+$0x4580] =	vst v8  }
0x1f1: {  	v62 =	vld [tilespmem:s16+$0x4610];
	v13 =	vmul.f32 v56, v57;
	[tilespmem:s16+$0x4590] =	vst v9  }
0x1f2: {  	v63 =	vld [tilespmem:s16+$0x4620];
	v14 =	vmul.f32 v58, v57;
	[tilespmem:s16+$0x45B0] =	vst v11  }
0x1f3: {  	v20 =	vld [tilespmem:s16+$0x4630];
	v12 =	vmul.f32 v54, v57;
	[tilespmem:s16+$0x45C0] =	vst v13  }
0x1f4: {  	v21 =	vld [tilespmem:s16+$0x4640];
	v22 =	vbroadcast v2, $0x6;
	v10 =	vmul.f32 v59, v57;
	[tilespmem:s16+$0x45D0] =	vst v14  }
0x1f5: {  	v23 =	vld [tilespmem:s16+$0x4650];
	v8 =	vmul.f32 v60, v57;
	[tilespmem:s16+$0x45A0] =	vst v12  }
0x1f6: {  	v24 =	vld [tilespmem:s16+$0x4660];
	v9 =	vmul.f32 v61, v22;
	[tilespmem:s16+$0x45E0] =	vst v10  }
0x1f7: {  	v25 =	vld [tilespmem:s16+$0x4670];
	v11 =	vmul.f32 v63, v22;
	[tilespmem:s16+$0x45F0] =	vst v8  }
0x1f8: {  	v5 =	vld [tilespmem:s16+$0x4880];
	v13 =	vmul.f32 v20, v22;
	[tilespmem:s16+$0x4600] =	vst v9  }
0x1f9: {  	v27 =	vld [tilespmem:s16+$0x4690];
	v14 =	vmul.f32 v21, v22;
	[tilespmem:s16+$0x4620] =	vst v11  }
0x1fa: {  	v28 =	vld [tilespmem:s16+$0x46A0];
	v12 =	vmul.f32 v62, v22;
	[tilespmem:s16+$0x4630] =	vst v13  }
0x1fb: {  	v29 =	vld [tilespmem:s16+$0x46B0];
	v10 =	vmul.f32 v23, v22;
	[tilespmem:s16+$0x4640] =	vst v14  }
0x1fc: {  	v31 =	vbroadcast v2, $0x7;
	v53 =	vld [tilespmem:s16+$0x4800];
	v8 =	vmul.f32 v24, v22;
	[tilespmem:s16+$0x4610] =	vst v12  }
0x1fd: {  	v58 =	vld [tilespmem:s16+$0x4850];
	v9 =	vmul.f32 v25, v22;
	[tilespmem:s16+$0x4650] =	vst v10  }
0x1fe: {  	v26 =	vld [tilespmem:s16+$0x4680];
	v11 =	vmul.f32 v27, v31;
	[tilespmem:s16+$0x4660] =	vst v8  }
0x1ff: {  	v30 =	vld [tilespmem:s16+$0x46C0];
	v13 =	vmul.f32 v28, v31;
	[tilespmem:s16+$0x4670] =	vst v9  }
0x200: {  	v32 =	vld [tilespmem:s16+$0x46D0];
	v14 =	vmul.f32 v29, v31;
	[tilespmem:s16+$0x4690] =	vst v11  }
0x201: {  	v33 =	vld [tilespmem:s16+$0x46E0];
	v59 =	vmul.f32 v53, v6;
	[tilespmem:s16+$0x46A0] =	vst v13  }
0x202: {  	v35 =	vld [tilespmem:s16+$0x4700];
	v21 =	vmul.f32 v58, v6;
	[tilespmem:s16+$0x46B0] =	vst v14  }
0x203: {  	v36 =	vld [tilespmem:s16+$0x4710];
	v12 =	vmul.f32 v26, v31;
	[tilespmem:s16+$0x4800] =	vst v59  }
0x204: {  	v37 =	vld [tilespmem:s16+$0x4720];
	v10 =	vmul.f32 v30, v31;
	[tilespmem:s16+$0x4850] =	vst v21  }
0x205: {  	v7 =	vld [tilespmem:s16+$0x4890];
	v40 =	vbroadcast v2, $0x8;
	v8 =	vmul.f32 v32, v31;
	[tilespmem:s16+$0x4680] =	vst v12  }
0x206: {  	v34 =	vld [tilespmem:s16+$0x46F0];
	v9 =	vmul.f32 v33, v31;
	[tilespmem:s16+$0x46C0] =	vst v10  }
0x207: {  	v57 =	vld [tilespmem:s16+$0x4840];
	v11 =	vmul.f32 v35, v40;
	[tilespmem:s16+$0x46D0] =	vst v8  }
0x208: {  	v61 =	vld [tilespmem:s16+$0x4300];
	v24 =	vbroadcast v2, $0xB;
	v13 =	vmul.f32 v36, v40;
	[tilespmem:s16+$0x46E0] =	vst v9  }
0x209: {  	v4 =	vld [tilespmem:s16+$0x4AD0];
	v14 =	vmul.f32 v37, v40;
	[tilespmem:s16+$0x4700] =	vst v11  }
0x20a: {  	v38 =	vld [tilespmem:s16+$0x4730];
	v5 =	vmul.f32 v5, v24;
	[tilespmem:s16+$0x4710] =	vst v13  }
0x20b: {  	v39 =	vld [tilespmem:s16+$0x4740];
	v7 =	vmul.f32 v7, v24;
	[tilespmem:s16+$0x4720] =	vst v14  }
0x20c: {  	v41 =	vld [tilespmem:s16+$0x4750];
	v19 =	vmul.f32 v57, v6;
	[tilespmem:s16+$0x4880] =	vst v5  }
0x20d: {  	v43 =	vld [tilespmem:s16+$0x4770];
	v25 =	vmul.f32 v3, v61;
	[tilespmem:s16+$0x4890] =	vst v7  }
0x20e: {  	v44 =	vld [tilespmem:s16+$0x4780];
	v12 =	vmul.f32 v34, v31;
	[tilespmem:s16+$0x4840] =	vst v19  }
0x20f: {  	v45 =	vld [tilespmem:s16+$0x4790];
	v10 =	vmul.f32 v38, v40;
	[tilespmem:s16+$0x4300] =	vst v25  }
0x210: {  	v27 =	vld [tilespmem:s16+$0x48D0];
	v8 =	vmul.f32 v39, v40;
	[tilespmem:s16+$0x46F0] =	vst v12  }
0x211: {  	v49 =	vbroadcast v2, $0x9;
	v29 =	vld [tilespmem:s16+$0x48F0];
	v9 =	vmul.f32 v41, v40;
	[tilespmem:s16+$0x4730] =	vst v10  }
0x212: {  	v42 =	vld [tilespmem:s16+$0x4760];
	v11 =	vmul.f32 v43, v40;
	[tilespmem:s16+$0x4740] =	vst v8  }
0x213: {  	v46 =	vld [tilespmem:s16+$0x47A0];
	v13 =	vmul.f32 v44, v49;
	[tilespmem:s16+$0x4750] =	vst v9  }
0x214: {  	v47 =	vld [tilespmem:s16+$0x47B0];
	v14 =	vmul.f32 v45, v49;
	[tilespmem:s16+$0x4770] =	vst v11  }
0x215: {  	v48 =	vld [tilespmem:s16+$0x47C0];
	v32 =	vmul.f32 v27, v24;
	[tilespmem:s16+$0x4780] =	vst v13  }
0x216: {  	v51 =	vld [tilespmem:s16+$0x47E0];
	v7 =	vmul.f32 v29, v24;
	[tilespmem:s16+$0x4790] =	vst v14  }
0x217: {  	v52 =	vld [tilespmem:s16+$0x47F0];
	v12 =	vmul.f32 v42, v40;
	[tilespmem:s16+$0x48D0] =	vst v32  }
0x218: {  	v10 =	vmul.f32 v46, v49;
	[tilespmem:s16+$0x48F0] =	vst v7  }
0x219: {  	v28 =	vld [tilespmem:s16+$0x48E0];
	v8 =	vmul.f32 v47, v49;
	[tilespmem:s16+$0x4760] =	vst v12  }
0x21a: {  	v30 =	vld [tilespmem:s16+$0x4900];
	v9 =	vmul.f32 v48, v49;
	[tilespmem:s16+$0x47A0] =	vst v10  }
0x21b: {  	v50 =	vld [tilespmem:s16+$0x47D0];
	v5 =	vbroadcast v2, $0xF;
	v11 =	vmul.f32 v51, v49;
	[tilespmem:s16+$0x47B0] =	vst v8  }
0x21c: {  	v54 =	vld [tilespmem:s16+$0x4810];
	v13 =	vmul.f32 v52, v49;
	[tilespmem:s16+$0x47C0] =	vst v9  }
0x21d: {  	v55 =	vld [tilespmem:s16+$0x4820];
	v35 =	vbroadcast v2, $0xC;
	v4 =	vmul.f32 v4, v5;
	[tilespmem:s16+$0x47E0] =	vst v11  }
0x21e: {  	v56 =	vld [tilespmem:s16+$0x4830];
	v40 =	vmul.f32 v28, v24;
	[tilespmem:s16+$0x47F0] =	vst v13  }
0x21f: {  	v60 =	vld [tilespmem:s16+$0x4860];
	v16 =	vmul.f32 v30, v35;
	[tilespmem:s16+$0x4AD0] =	vst v4  }
0x220: {  	v62 =	vld [tilespmem:s16+$0x4310];
	v12 =	vmul.f32 v50, v49;
	[tilespmem:s16+$0x48E0] =	vst v40  }
0x221: {  	v63 =	vld [tilespmem:s16+$0x4340];
	v10 =	vmul.f32 v54, v6;
	[tilespmem:s16+$0x4900] =	vst v16  }
0x222: {  	v20 =	vld [tilespmem:s16+$0x4350];
	v8 =	vmul.f32 v55, v6;
	[tilespmem:s16+$0x47D0] =	vst v12  }
0x223: {  	v33 =	vld [tilespmem:s16+$0x4930];
	v9 =	vmul.f32 v56, v6;
	[tilespmem:s16+$0x4810] =	vst v10  }
0x224: {  	v61 =	vld [tilespmem:s16+$0x4AF0];
	v6 =	vmul.f32 v60, v6;
	[tilespmem:s16+$0x4820] =	vst v8  }
0x225: {  	v38 =	vld [tilespmem:s16+$0x4970];
	v13 =	vmul.f32 v62, v3;
	[tilespmem:s16+$0x4830] =	vst v9  }
0x226: {  	v22 =	vld [tilespmem:s16+$0x48A0];
	v4 =	vmul.f32 v63, v3;
	[tilespmem:s16+$0x4860] =	vst v6  }
0x227: {  	v23 =	vld [tilespmem:s16+$0x48B0];
	v3 =	vmul.f32 v20, v3;
	[tilespmem:s16+$0x4310] =	vst v13  }
0x228: {  	v26 =	vld [tilespmem:s16+$0x48C0];
	v62 =	vmul.f32 v33, v35;
	[tilespmem:s16+$0x4340] =	vst v4  }
0x229: {  	v31 =	vld [tilespmem:s16+$0x4910];
	v63 =	vmul.f32 v61, v5;
	[tilespmem:s16+$0x4350] =	vst v3  }
0x22a: {  	v34 =	vld [tilespmem:s16+$0x4940];
	v16 =	vmul.f32 v38, v35;
	[tilespmem:s16+$0x4930] =	vst v62  }
0x22b: {  	v41 =	vld [tilespmem:s16+$0x49A0];
	v8 =	vmul.f32 v22, v24;
	[tilespmem:s16+$0x4AF0] =	vst v63  }
0x22c: {  	v46 =	vld [tilespmem:s16+$0x49E0];
	v9 =	vmul.f32 v23, v24;
	[tilespmem:s16+$0x4970] =	vst v16  }
0x22d: {  	v6 =	vmul.f32 v26, v24;
	v3 =	vld [tilespmem:s16+$0x4990];
	[tilespmem:s16+$0x48A0] =	vst v8  }
0x22e: {  	v36 =	vld [tilespmem:s16+$0x4950];
	v44 =	vbroadcast v2, $0xD;
	v10 =	vmul.f32 v31, v35;
	[tilespmem:s16+$0x48B0] =	vst v9  }
0x22f: {  	v37 =	vld [tilespmem:s16+$0x4960];
	v13 =	vmul.f32 v34, v35;
	[tilespmem:s16+$0x48C0] =	vst v6  }
0x230: {  	v39 =	vld [tilespmem:s16+$0x4980];
	v12 =	vmul.f32 v41, v44;
	[tilespmem:s16+$0x4910] =	vst v10  }
0x231: {  	v42 =	vld [tilespmem:s16+$0x49B0];
	v51 =	vmul.f32 v46, v44;
	[tilespmem:s16+$0x4940] =	vst v13  }
0x232: {  	v48 =	vld [tilespmem:s16+$0x4A10];
	[tilespmem:s16+$0x49A0] =	vst v12;
	v3 =	vmul.f32 v3, v44  }
0x233: {  	v49 =	vld [tilespmem:s16+$0x4A20];
	v9 =	vmul.f32 v36, v35;
	[tilespmem:s16+$0x49E0] =	vst v51  }
0x234: {  	v6 =	vmul.f32 v37, v35;
	[tilespmem:s16+$0x4990] =	vst v3;
	v3 =	vld [tilespmem:s16+$0x4A00]  }
0x235: {  	v2 =	vbroadcast v2, $0xE;
	v50 =	vld [tilespmem:s16+$0x4A30];
	v10 =	vmul.f32 v39, v44;
	[tilespmem:s16+$0x4950] =	vst v9  }
0x236: {  	v45 =	vld [tilespmem:s16+$0x49D0];
	v13 =	vmul.f32 v42, v44;
	[tilespmem:s16+$0x4960] =	vst v6  }
0x237: {  	v47 =	vld [tilespmem:s16+$0x49F0];
	v12 =	vmul.f32 v48, v2;
	[tilespmem:s16+$0x4980] =	vst v10  }
0x238: {  	v43 =	vld [tilespmem:s16+$0x49C0];
	v11 =	vmul.f32 v49, v2;
	[tilespmem:s16+$0x49B0] =	vst v13  }
0x239: {  	v55 =	vld [tilespmem:s16+$0x4A80];
	[tilespmem:s16+$0x4A10] =	vst v12;
	v3 =	vmul.f32 v3, v2  }
0x23a: {  	v57 =	vld [tilespmem:s16+$0x4AA0];
	v7 =	vmul.f32 v50, v2;
	[tilespmem:s16+$0x4A20] =	vst v11  }
0x23b: {  	v6 =	vmul.f32 v45, v44;
	[tilespmem:s16+$0x4A00] =	vst v3;
	v3 =	vld [tilespmem:s16+$0x4A70]  }
0x23c: {  	v52 =	vld [tilespmem:s16+$0x4A40];
	v10 =	vmul.f32 v47, v44;
	[tilespmem:s16+$0x4A30] =	vst v7  }
0x23d: {  	v56 =	vld [tilespmem:s16+$0x4A90];
	v9 =	vmul.f32 v43, v44;
	[tilespmem:s16+$0x49D0] =	vst v6  }
0x23e: {  	v54 =	vld [tilespmem:s16+$0x4A60];
	v12 =	vmul.f32 v55, v5;
	[tilespmem:s16+$0x49F0] =	vst v10  }
0x23f: {  	v58 =	vld [tilespmem:s16+$0x4AB0];
	v7 =	vmul.f32 v57, v5;
	[tilespmem:s16+$0x49C0] =	vst v9  }
0x240: {  	v53 =	vld [tilespmem:s16+$0x4A50];
	[tilespmem:s16+$0x4A80] =	vst v12;
	v3 =	vmul.f32 v3, v2  }
0x241: {  	v59 =	vld [tilespmem:s16+$0x4AC0];
	v6 =	vmul.f32 v52, v2;
	[tilespmem:s16+$0x4AA0] =	vst v7  }
0x242: {  	v60 =	vld [tilespmem:s16+$0x4AE0];
	[tilespmem:s16+$0x4A70] =	vst v3;
	v3 =	vmul.f32 v56, v5  }
0x243: {  	v10 =	vmul.f32 v54, v2;
	[tilespmem:s16+$0x4A40] =	vst v6  }
0x244: {  	v4 =	vld [tilespmem:s16+$0x4920];
	[tilespmem:s16+$0x4A90] =	vst v3;
	v3 =	vmul.f32 v58, v5  }
0x245: {  	[tilespmem:s16+$0x4A60] =	vst v10;
	v2 =	vmul.f32 v53, v2  }
0x246: {  	[tilespmem:s16+$0x4AB0] =	vst v3;
	v3 =	vmul.f32 v59, v5  }
0x247: {  	[tilespmem:s16+$0x4A50] =	vst v2;
	v5 =	vmul.f32 v60, v5  }
0x248: {  	[tilespmem:s16+$0x4AC0] =	vst v3  }
0x249: {  	s2 =	simm.s32 $0x1;
	v3 =	vmul.f32 v4, v35;
	[tilespmem:s16+$0x4AE0] =	vst v5  }
.LBB2_7:
0x24a: {  	s8 =	sshll.u32 s2, $0x4  }
0x24b: {  	p1 =	sne.s32 s2, $0x7;
	[tilespmem:s16+$0x4920] =	vst v3;
	s9 =	smov.u32 s2;
	s2 =	sadd.s32 $0x1, s2  }
0x24c: {  	s8 =	sand.u32 $0x3FFFFFF0, s8  }
0x24d: {  	v2 =	vld.idx.msk [tilespmem:v1+s8+$0x0 ss:$0x1], $0xffff  }
0x24e: {  	s8 =	sshll.u32 s9, $0xB  }
0x24f: {  	s16 =	sand.u32 $0x3FFFF800, s8  }
0x250: {  	v9 =	vld [tilespmem:s16+$0x43C0]  }
0x251: {  	v10 =	vld [tilespmem:s16+$0x43D0]  }
0x252: {  	v11 =	vld [tilespmem:s16+$0x43B0]  }
0x253: {  	v3 =	vbroadcast v2, $0x0;
	v8 =	vbroadcast v2, $0x4;
	v4 =	vld [tilespmem:s16+$0x4320]  }
0x254: {  	v6 =	vld [tilespmem:s16+$0x4330]  }
0x255: {  	v7 =	vld [tilespmem:s16+$0x4870]  }
0x256: {  	v12 =	vld [tilespmem:s16+$0x4360]  }
0x257: {  	v13 =	vld [tilespmem:s16+$0x4370]  }
0x258: {  	v5 =	vbroadcast v2, $0xA;
	v4 =	vmul.f32 v4, v3;
	v14 =	vld [tilespmem:s16+$0x4380]  }
0x259: {  	v6 =	vmul.f32 v6, v3;
	v15 =	vld [tilespmem:s16+$0x4390]  }
0x25a: {  	[tilespmem:s16+$0x4320] =	vst v4;
	v16 =	vld [tilespmem:s16+$0x43A0];
	v4 =	vmul.f32 v7, v5  }
0x25b: {  	[tilespmem:s16+$0x4330] =	vst v6;
	v7 =	vmul.f32 v12, v3;
	v12 =	vbroadcast v2, $0x1;
	v6 =	vld [tilespmem:s16+$0x4880]  }
0x25c: {  	v13 =	vmul.f32 v13, v3;
	[tilespmem:s16+$0x4870] =	vst v4;
	v4 =	vld [tilespmem:s16+$0x4AD0]  }
0x25d: {  	[tilespmem:s16+$0x4360] =	vst v7;
	v14 =	vmul.f32 v14, v12;
	v7 =	vld [tilespmem:s16+$0x4890]  }
0x25e: {  	[tilespmem:s16+$0x4370] =	vst v13;
	v13 =	vmul.f32 v15, v12;
	v15 =	vld [tilespmem:s16+$0x43E0]  }
0x25f: {  	[tilespmem:s16+$0x4380] =	vst v14;
	v14 =	vmul.f32 v16, v12;
	v16 =	vld [tilespmem:s16+$0x43F0]  }
0x260: {  	v11 =	vmul.f32 v11, v12;
	[tilespmem:s16+$0x4390] =	vst v13;
	v13 =	vld [tilespmem:s16+$0x4400]  }
0x261: {  	v9 =	vmul.f32 v9, v12;
	[tilespmem:s16+$0x43A0] =	vst v14;
	v14 =	vld [tilespmem:s16+$0x4410]  }
0x262: {  	v10 =	vmul.f32 v10, v12;
	[tilespmem:s16+$0x43B0] =	vst v11;
	v11 =	vld [tilespmem:s16+$0x4420]  }
0x263: {  	[tilespmem:s16+$0x43C0] =	vst v9;
	v9 =	vmul.f32 v15, v12;
	v15 =	vbroadcast v2, $0x2;
	v17 =	vld [tilespmem:s16+$0x4430]  }
0x264: {  	[tilespmem:s16+$0x43D0] =	vst v10;
	v10 =	vmul.f32 v16, v12;
	v12 =	vld [tilespmem:s16+$0x4440]  }
0x265: {  	[tilespmem:s16+$0x43E0] =	vst v9;
	v9 =	vmul.f32 v13, v15;
	v13 =	vld [tilespmem:s16+$0x4450]  }
0x266: {  	[tilespmem:s16+$0x43F0] =	vst v10;
	v10 =	vmul.f32 v14, v15;
	v14 =	vld [tilespmem:s16+$0x4460]  }
0x267: {  	[tilespmem:s16+$0x4400] =	vst v9;
	v9 =	vmul.f32 v11, v15;
	v11 =	vld [tilespmem:s16+$0x4470]  }
0x268: {  	[tilespmem:s16+$0x4410] =	vst v10;
	v10 =	vmul.f32 v17, v15;
	v16 =	vld [tilespmem:s16+$0x4480]  }
0x269: {  	[tilespmem:s16+$0x4420] =	vst v9;
	v9 =	vmul.f32 v12, v15;
	v12 =	vld [tilespmem:s16+$0x4490]  }
0x26a: {  	[tilespmem:s16+$0x4430] =	vst v10;
	v10 =	vmul.f32 v13, v15;
	v13 =	vld [tilespmem:s16+$0x44A0]  }
0x26b: {  	[tilespmem:s16+$0x4440] =	vst v9;
	v9 =	vmul.f32 v14, v15;
	v14 =	vbroadcast v2, $0x3;
	v17 =	vld [tilespmem:s16+$0x44B0]  }
0x26c: {  	[tilespmem:s16+$0x4450] =	vst v10;
	v10 =	vmul.f32 v11, v15;
	v11 =	vld [tilespmem:s16+$0x44C0]  }
0x26d: {  	[tilespmem:s16+$0x4460] =	vst v9;
	v9 =	vmul.f32 v16, v14;
	v15 =	vld [tilespmem:s16+$0x44D0]  }
0x26e: {  	[tilespmem:s16+$0x4470] =	vst v10;
	v10 =	vmul.f32 v12, v14;
	v12 =	vld [tilespmem:s16+$0x44E0]  }
0x26f: {  	[tilespmem:s16+$0x4480] =	vst v9;
	v9 =	vmul.f32 v13, v14;
	v13 =	vld [tilespmem:s16+$0x44F0]  }
0x270: {  	[tilespmem:s16+$0x4490] =	vst v10;
	v10 =	vmul.f32 v17, v14;
	v16 =	vld [tilespmem:s16+$0x4500]  }
0x271: {  	[tilespmem:s16+$0x44A0] =	vst v9;
	v9 =	vmul.f32 v11, v14;
	v11 =	vld [tilespmem:s16+$0x4510]  }
0x272: {  	[tilespmem:s16+$0x44B0] =	vst v10;
	v10 =	vmul.f32 v15, v14;
	v15 =	vld [tilespmem:s16+$0x4520]  }
0x273: {  	[tilespmem:s16+$0x44C0] =	vst v9;
	v9 =	vmul.f32 v12, v14;
	v12 =	vld [tilespmem:s16+$0x4530]  }
0x274: {  	[tilespmem:s16+$0x44D0] =	vst v10;
	v10 =	vmul.f32 v13, v14;
	v13 =	vld [tilespmem:s16+$0x4540]  }
0x275: {  	[tilespmem:s16+$0x44E0] =	vst v9;
	v9 =	vmul.f32 v16, v8;
	v14 =	vld [tilespmem:s16+$0x4550]  }
0x276: {  	[tilespmem:s16+$0x44F0] =	vst v10;
	v10 =	vmul.f32 v11, v8;
	v11 =	vld [tilespmem:s16+$0x4560]  }
0x277: {  	[tilespmem:s16+$0x4500] =	vst v9;
	v9 =	vmul.f32 v15, v8;
	v15 =	vld [tilespmem:s16+$0x4570]  }
0x278: {  	[tilespmem:s16+$0x4510] =	vst v10;
	v10 =	vmul.f32 v12, v8;
	v12 =	vld [tilespmem:s16+$0x4580]  }
0x279: {  	[tilespmem:s16+$0x4520] =	vst v9;
	v9 =	vmul.f32 v13, v8;
	v13 =	vld [tilespmem:s16+$0x4590]  }
0x27a: {  	[tilespmem:s16+$0x4530] =	vst v10;
	v10 =	vmul.f32 v14, v8;
	v14 =	vld [tilespmem:s16+$0x45A0]  }
0x27b: {  	[tilespmem:s16+$0x4540] =	vst v9;
	v9 =	vmul.f32 v11, v8;
	v11 =	vbroadcast v2, $0x5;
	v16 =	vld [tilespmem:s16+$0x45B0]  }
0x27c: {  	[tilespmem:s16+$0x4550] =	vst v10;
	v8 =	vmul.f32 v15, v8;
	v10 =	vld [tilespmem:s16+$0x45C0]  }
0x27d: {  	[tilespmem:s16+$0x4560] =	vst v9;
	v9 =	vmul.f32 v12, v11;
	v12 =	vld [tilespmem:s16+$0x45D0]  }
0x27e: {  	[tilespmem:s16+$0x4570] =	vst v8;
	v8 =	vmul.f32 v13, v11;
	v13 =	vld [tilespmem:s16+$0x45E0]  }
0x27f: {  	[tilespmem:s16+$0x4580] =	vst v9;
	v9 =	vmul.f32 v14, v11;
	v14 =	vld [tilespmem:s16+$0x45F0]  }
0x280: {  	[tilespmem:s16+$0x4590] =	vst v8;
	v8 =	vmul.f32 v16, v11;
	v15 =	vld [tilespmem:s16+$0x4600]  }
0x281: {  	[tilespmem:s16+$0x45A0] =	vst v9;
	v9 =	vmul.f32 v10, v11;
	v10 =	vld [tilespmem:s16+$0x4610]  }
0x282: {  	[tilespmem:s16+$0x45B0] =	vst v8;
	v8 =	vmul.f32 v12, v11;
	v12 =	vld [tilespmem:s16+$0x4620]  }
0x283: {  	[tilespmem:s16+$0x45C0] =	vst v9;
	v9 =	vmul.f32 v13, v11;
	v13 =	vbroadcast v2, $0x6;
	v16 =	vld [tilespmem:s16+$0x4630]  }
0x284: {  	[tilespmem:s16+$0x45D0] =	vst v8;
	v8 =	vmul.f32 v14, v11;
	v11 =	vld [tilespmem:s16+$0x4640]  }
0x285: {  	[tilespmem:s16+$0x45E0] =	vst v9;
	v9 =	vmul.f32 v15, v13;
	v14 =	vld [tilespmem:s16+$0x4650]  }
0x286: {  	[tilespmem:s16+$0x45F0] =	vst v8;
	v8 =	vmul.f32 v10, v13;
	v10 =	vld [tilespmem:s16+$0x4660]  }
0x287: {  	[tilespmem:s16+$0x4600] =	vst v9;
	v9 =	vmul.f32 v12, v13;
	v12 =	vld [tilespmem:s16+$0x4670]  }
0x288: {  	[tilespmem:s16+$0x4610] =	vst v8;
	v8 =	vmul.f32 v16, v13;
	v15 =	vld [tilespmem:s16+$0x4680]  }
0x289: {  	[tilespmem:s16+$0x4620] =	vst v9;
	v9 =	vmul.f32 v11, v13;
	v11 =	vld [tilespmem:s16+$0x4690]  }
0x28a: {  	[tilespmem:s16+$0x4630] =	vst v8;
	v8 =	vmul.f32 v14, v13;
	v14 =	vld [tilespmem:s16+$0x46A0]  }
0x28b: {  	[tilespmem:s16+$0x4640] =	vst v9;
	v9 =	vmul.f32 v10, v13;
	v10 =	vbroadcast v2, $0x7;
	v16 =	vld [tilespmem:s16+$0x46B0]  }
0x28c: {  	[tilespmem:s16+$0x4650] =	vst v8;
	v8 =	vmul.f32 v12, v13;
	v12 =	vld [tilespmem:s16+$0x46C0]  }
0x28d: {  	[tilespmem:s16+$0x4660] =	vst v9;
	v9 =	vmul.f32 v15, v10;
	v13 =	vld [tilespmem:s16+$0x46D0]  }
0x28e: {  	[tilespmem:s16+$0x4670] =	vst v8;
	v8 =	vmul.f32 v11, v10;
	v11 =	vld [tilespmem:s16+$0x46E0]  }
0x28f: {  	[tilespmem:s16+$0x4680] =	vst v9;
	v9 =	vmul.f32 v14, v10;
	v14 =	vld [tilespmem:s16+$0x46F0]  }
0x290: {  	[tilespmem:s16+$0x4690] =	vst v8;
	v8 =	vmul.f32 v16, v10;
	v15 =	vld [tilespmem:s16+$0x4700]  }
0x291: {  	[tilespmem:s16+$0x46A0] =	vst v9;
	v9 =	vmul.f32 v12, v10;
	v12 =	vld [tilespmem:s16+$0x4710]  }
0x292: {  	[tilespmem:s16+$0x46B0] =	vst v8;
	v8 =	vmul.f32 v13, v10;
	v13 =	vld [tilespmem:s16+$0x4720]  }
0x293: {  	[tilespmem:s16+$0x46C0] =	vst v9;
	v9 =	vmul.f32 v11, v10;
	v11 =	vbroadcast v2, $0x8;
	v16 =	vld [tilespmem:s16+$0x4730]  }
0x294: {  	[tilespmem:s16+$0x46D0] =	vst v8;
	v8 =	vmul.f32 v14, v10;
	v10 =	vld [tilespmem:s16+$0x4740]  }
0x295: {  	[tilespmem:s16+$0x46E0] =	vst v9;
	v9 =	vmul.f32 v15, v11;
	v14 =	vld [tilespmem:s16+$0x4750]  }
0x296: {  	[tilespmem:s16+$0x46F0] =	vst v8;
	v8 =	vmul.f32 v12, v11;
	v12 =	vld [tilespmem:s16+$0x4760]  }
0x297: {  	[tilespmem:s16+$0x4700] =	vst v9;
	v9 =	vmul.f32 v13, v11;
	v13 =	vld [tilespmem:s16+$0x4770]  }
0x298: {  	[tilespmem:s16+$0x4710] =	vst v8;
	v8 =	vmul.f32 v16, v11;
	v15 =	vld [tilespmem:s16+$0x4780]  }
0x299: {  	[tilespmem:s16+$0x4720] =	vst v9;
	v9 =	vmul.f32 v10, v11;
	v10 =	vld [tilespmem:s16+$0x4790]  }
0x29a: {  	[tilespmem:s16+$0x4730] =	vst v8;
	v8 =	vmul.f32 v14, v11;
	v14 =	vld [tilespmem:s16+$0x47A0]  }
0x29b: {  	[tilespmem:s16+$0x4740] =	vst v9;
	v9 =	vmul.f32 v12, v11;
	v12 =	vbroadcast v2, $0x9;
	v16 =	vld [tilespmem:s16+$0x47B0]  }
0x29c: {  	[tilespmem:s16+$0x4750] =	vst v8;
	v8 =	vmul.f32 v13, v11;
	v11 =	vld [tilespmem:s16+$0x47C0]  }
0x29d: {  	[tilespmem:s16+$0x4760] =	vst v9;
	v9 =	vmul.f32 v15, v12;
	v13 =	vld [tilespmem:s16+$0x47D0]  }
0x29e: {  	[tilespmem:s16+$0x4770] =	vst v8;
	v8 =	vmul.f32 v10, v12;
	v10 =	vld [tilespmem:s16+$0x47E0]  }
0x29f: {  	[tilespmem:s16+$0x4780] =	vst v9;
	v9 =	vmul.f32 v14, v12;
	v14 =	vld [tilespmem:s16+$0x47F0]  }
0x2a0: {  	[tilespmem:s16+$0x4790] =	vst v8;
	v8 =	vmul.f32 v16, v12;
	v15 =	vld [tilespmem:s16+$0x4800]  }
0x2a1: {  	[tilespmem:s16+$0x47A0] =	vst v9;
	v9 =	vmul.f32 v11, v12;
	v11 =	vld [tilespmem:s16+$0x4810]  }
0x2a2: {  	[tilespmem:s16+$0x47B0] =	vst v8;
	v8 =	vmul.f32 v13, v12;
	v13 =	vld [tilespmem:s16+$0x4820]  }
0x2a3: {  	[tilespmem:s16+$0x47C0] =	vst v9;
	v9 =	vmul.f32 v10, v12;
	v10 =	vld [tilespmem:s16+$0x4830]  }
0x2a4: {  	[tilespmem:s16+$0x47D0] =	vst v8;
	v8 =	vmul.f32 v14, v12;
	v12 =	vld [tilespmem:s16+$0x4840]  }
0x2a5: {  	[tilespmem:s16+$0x47E0] =	vst v9;
	v9 =	vmul.f32 v15, v5;
	v14 =	vld [tilespmem:s16+$0x4850]  }
0x2a6: {  	[tilespmem:s16+$0x47F0] =	vst v8;
	v8 =	vmul.f32 v11, v5;
	v11 =	vld [tilespmem:s16+$0x4860]  }
0x2a7: {  	v15 =	vld [tilespmem:s16+$0x4300];
	[tilespmem:s16+$0x4800] =	vst v9;
	v9 =	vmul.f32 v13, v5  }
0x2a8: {  	v13 =	vld [tilespmem:s16+$0x4310];
	[tilespmem:s16+$0x4810] =	vst v8;
	v8 =	vmul.f32 v10, v5  }
0x2a9: {  	v10 =	vld [tilespmem:s16+$0x4340];
	[tilespmem:s16+$0x4820] =	vst v9;
	v9 =	vmul.f32 v12, v5  }
0x2aa: {  	v12 =	vld [tilespmem:s16+$0x4350];
	[tilespmem:s16+$0x4830] =	vst v8;
	v8 =	vmul.f32 v14, v5  }
0x2ab: {  	[tilespmem:s16+$0x4840] =	vst v9;
	v9 =	vmul.f32 v11, v5;
	v11 =	vbroadcast v2, $0xB;
	v14 =	vld [tilespmem:s16+$0x48A0]  }
0x2ac: {  	v5 =	vbroadcast v2, $0xF;
	v15 =	vmul.f32 v3, v15;
	[tilespmem:s16+$0x4850] =	vst v8;
	v8 =	vld [tilespmem:s16+$0x48B0]  }
0x2ad: {  	v13 =	vmul.f32 v13, v3;
	[tilespmem:s16+$0x4860] =	vst v9;
	v6 =	vmul.f32 v6, v11;
	v9 =	vld [tilespmem:s16+$0x48C0]  }
0x2ae: {  	v7 =	vmul.f32 v7, v11;
	[tilespmem:s16+$0x4300] =	vst v15;
	v10 =	vmul.f32 v10, v3;
	v15 =	vld [tilespmem:s16+$0x48D0]  }
0x2af: {  	v4 =	vmul.f32 v4, v5;
	v12 =	vmul.f32 v12, v3;
	[tilespmem:s16+$0x4880] =	vst v6;
	v3 =	vld [tilespmem:s16+$0x48E0]  }
0x2b0: {  	[tilespmem:s16+$0x4890] =	vst v7;
	v6 =	vmul.f32 v14, v11;
	v7 =	vld [tilespmem:s16+$0x48F0]  }
0x2b1: {  	v8 =	vmul.f32 v8, v11;
	v14 =	vld [tilespmem:s16+$0x4900];
	[tilespmem:s16+$0x4AD0] =	vst v4  }
0x2b2: {  	[tilespmem:s16+$0x4310] =	vst v13;
	v4 =	vmul.f32 v9, v11;
	v9 =	vld [tilespmem:s16+$0x4910]  }
0x2b3: {  	[tilespmem:s16+$0x4340] =	vst v10;
	v10 =	vmul.f32 v15, v11;
	v13 =	vld [tilespmem:s16+$0x4920]  }
0x2b4: {  	v15 =	vbroadcast v2, $0xC;
	[tilespmem:s16+$0x48A0] =	vst v6;
	v6 =	vmul.f32 v3, v11;
	v16 =	vld [tilespmem:s16+$0x4930]  }
0x2b5: {  	[tilespmem:s16+$0x48D0] =	vst v10;
	v7 =	vmul.f32 v7, v11;
	v10 =	vld [tilespmem:s16+$0x4940]  }
0x2b6: {  	[tilespmem:s16+$0x48B0] =	vst v8;
	v3 =	vmul.f32 v14, v15;
	v8 =	vld [tilespmem:s16+$0x4950]  }
0x2b7: {  	[tilespmem:s16+$0x48C0] =	vst v4;
	v4 =	vmul.f32 v9, v15;
	v9 =	vld [tilespmem:s16+$0x4960]  }
0x2b8: {  	[tilespmem:s16+$0x4900] =	vst v3;
	v3 =	vmul.f32 v13, v15;
	v11 =	vld [tilespmem:s16+$0x4970]  }
0x2b9: {  	[tilespmem:s16+$0x4910] =	vst v4;
	v4 =	vld [tilespmem:s16+$0x4980]  }
0x2ba: {  	[tilespmem:s16+$0x4350] =	vst v12;
	v10 =	vmul.f32 v10, v15;
	v12 =	vld [tilespmem:s16+$0x4990]  }
0x2bb: {  	[tilespmem:s16+$0x48E0] =	vst v6;
	v6 =	vmul.f32 v8, v15;
	v8 =	vld [tilespmem:s16+$0x49A0]  }
0x2bc: {  	[tilespmem:s16+$0x4940] =	vst v10;
	v9 =	vmul.f32 v9, v15;
	v10 =	vbroadcast v2, $0xD;
	v13 =	vld [tilespmem:s16+$0x49B0]  }
0x2bd: {  	[tilespmem:s16+$0x4950] =	vst v6;
	v6 =	vmul.f32 v11, v15;
	v11 =	vld [tilespmem:s16+$0x49C0]  }
0x2be: {  	[tilespmem:s16+$0x4960] =	vst v9;
	v4 =	vmul.f32 v4, v10;
	v9 =	vld [tilespmem:s16+$0x49D0]  }
0x2bf: {  	[tilespmem:s16+$0x4970] =	vst v6;
	v6 =	vmul.f32 v12, v10;
	v12 =	vld [tilespmem:s16+$0x49E0]  }
0x2c0: {  	[tilespmem:s16+$0x4980] =	vst v4;
	v4 =	vmul.f32 v8, v10;
	v8 =	vld [tilespmem:s16+$0x49F0]  }
0x2c1: {  	[tilespmem:s16+$0x4990] =	vst v6;
	v6 =	vmul.f32 v13, v10;
	v13 =	vld [tilespmem:s16+$0x4A00]  }
0x2c2: {  	[tilespmem:s16+$0x49A0] =	vst v4;
	v4 =	vmul.f32 v11, v10;
	v11 =	vld [tilespmem:s16+$0x4A10]  }
0x2c3: {  	[tilespmem:s16+$0x49B0] =	vst v6;
	v6 =	vmul.f32 v9, v10;
	v9 =	vld [tilespmem:s16+$0x4A20]  }
0x2c4: {  	v2 =	vbroadcast v2, $0xE;
	[tilespmem:s16+$0x48F0] =	vst v7;
	v7 =	vmul.f32 v12, v10;
	v12 =	vld [tilespmem:s16+$0x4A30]  }
0x2c5: {  	[tilespmem:s16+$0x49D0] =	vst v6;
	v6 =	vmul.f32 v8, v10;
	v8 =	vld [tilespmem:s16+$0x4A40]  }
0x2c6: {  	[tilespmem:s16+$0x49E0] =	vst v7;
	v7 =	vmul.f32 v13, v2;
	v10 =	vld [tilespmem:s16+$0x4A50]  }
0x2c7: {  	[tilespmem:s16+$0x49F0] =	vst v6;
	v6 =	vmul.f32 v11, v2;
	v11 =	vld [tilespmem:s16+$0x4A60]  }
0x2c8: {  	[tilespmem:s16+$0x4A00] =	vst v7;
	v7 =	vmul.f32 v9, v2;
	v9 =	vld [tilespmem:s16+$0x4A70]  }
0x2c9: {  	[tilespmem:s16+$0x4A10] =	vst v6;
	v6 =	vmul.f32 v12, v2;
	v12 =	vld [tilespmem:s16+$0x4A80]  }
0x2ca: {  	[tilespmem:s16+$0x4A20] =	vst v7;
	v7 =	vmul.f32 v8, v2;
	v8 =	vld [tilespmem:s16+$0x4A90]  }
0x2cb: {  	[tilespmem:s16+$0x4A30] =	vst v6;
	v6 =	vmul.f32 v10, v2;
	v10 =	vld [tilespmem:s16+$0x4AA0]  }
0x2cc: {  	[tilespmem:s16+$0x4A40] =	vst v7;
	v7 =	vmul.f32 v11, v2;
	v11 =	vld [tilespmem:s16+$0x4AB0]  }
0x2cd: {  	[tilespmem:s16+$0x49C0] =	vst v4;
	v2 =	vmul.f32 v9, v2;
	v4 =	vld [tilespmem:s16+$0x4AC0]  }
0x2ce: {  	[tilespmem:s16+$0x4A60] =	vst v7;
	v7 =	vmul.f32 v12, v5;
	v9 =	vld [tilespmem:s16+$0x4AE0]  }
0x2cf: {  	[tilespmem:s16+$0x4A70] =	vst v2;
	v2 =	vmul.f32 v8, v5;
	v8 =	vld [tilespmem:s16+$0x4AF0]  }
0x2d0: {  	[tilespmem:s16+$0x4A80] =	vst v7;
	v7 =	vmul.f32 v10, v5  }
0x2d1: {  	[tilespmem:s16+$0x4A90] =	vst v2;
	v2 =	vmul.f32 v11, v5  }
0x2d2: {  	v10 =	vmul.f32 v16, v15;
	[tilespmem:s16+$0x4AA0] =	vst v7  }
0x2d3: {  	[tilespmem:s16+$0x4AB0] =	vst v2;
	v2 =	vmul.f32 v4, v5  }
.Ltmp4:
0x2d4: {  	[tilespmem:s16+$0x4930] =	vst v10;
	v4 =	vmul.f32 v8, v5;
	(pc) =	sbr.rel @p1 .LBB2_7-.Ltmp4, $4  }
0x2d5: {  	[tilespmem:s16+$0x4AC0] =	vst v2  }
0x2d6: {  	v2 =	vmul.f32 v9, v5;
	[tilespmem:s16+$0x4AF0] =	vst v4  }
0x2d7: {  	[tilespmem:s16+$0x4A50] =	vst v6  }
0x2d8: {  	[tilespmem:s16+$0x4AE0] =	vst v2  }
.Ltmp5:
0x2d9: {  	(pc) =	sbr.rel @p0 .LBB2_10-.Ltmp5, $2  }
0x2da: {  	_ =	sdelay $0x2  }
0x2db: {  	[tilespmem:s16+$0x4920] =	vst v3  }
0x2dc: {  	s2 =	sadd.s32 s3, s11  }
0x2dd: {  	s2 =	sshll.u32 s2, $0x5  }
.Ltmp6:
0x2de: {  	s2 =	sand.u32 $0x1FFFFFE0, s2;
	(pc) =	sbr.rel .LBB2_4-.Ltmp6, $4  }
0x2df: {  	s2 =	sadd.s32 s1, s2  }
0x2e0: {  	[tilespmem:s20], [sflag:$0x4] =	stream.linear.gather [hbm4b:s2+s5], $0x100, $0x38;
	[tilespmem:$0x1EB00] =	vst v63  }
0x2e1: {  	s31 =	sadd.s32 $0x1, s31  }
0x2e2: {  	[spmem:s4] =	stream.indirect.scatter.add.f32 [tilespmem:s23], [sflag:$0x6], $0x80, s26, s18, $0xb8;
	[tilespmem:$0x1EB00] =	vst v63  }
.LBB2_11:
0x2e3: {  	_ =	sfence.sel $0x180000  }
0x2e4: {  	[bflag:$0x0] =	sbarrier.arrive $0xFFFF  }
0x2e5: {  	_ =	strace $0x90000047  }
0x2e6: {  	s0 =	stileid.u32;
	[bflag:$0x2] =	sbarrier.arrive $0xFFFF  }
0x2e7: {  	p0 =	sne.s32 s0, $0x0;
	s0 =	rddreg [dreg:$0x5]  }
0x2e8: {  	s0 =	sadd.s32 @!p0 $0x100000, s0  }
0x2e9: {  	[sflag:s0] =	ssyncadd.tile.s32 @!p0 $0x1;
	_ =	shalt  }
.Lfunc_end2:
_tile_overlayer_lowered:
.L_overlay_start_2:
0x2ea: {  	(tag) =	ssettag $0x2  }
0x2eb: {  	s0 =	rddreg [dreg:$0x0];
	s2 =	stileid.u32  }
0x2ec: {  	s1 =	rddreg [dreg:$0x1];
	p0 =	sne.s32 s2, $0x0  }
0x2ed: {  	s3 =	rddreg [dreg:$0x2];
	[bflag:$0x3] =	sbarrier.arrive $0xFFFF;
	s2 =	simm.s32 @!p0 $0x1C07  }
0x2ee: {  	[timem:s3], [sflag:s2] =	dma.local @!p0 [hbm:s0], s1  }
0x2ef: {  	s0 =	simm.s32 @!p0 $0x7  }
0x2f0: {  	_ =	swait.ge @!p0 [sflag:s0], s1  }
0x2f1: {  	s1 =	ssub.s32 @!p0 $0x0, s1;
	[sflag:s0] =	ssyncset.done @!p0 $0x0  }
0x2f2: {  	[sflag:s0] =	ssyncadd.s32 @!p0 s1  }
0x2f3: {  	[bflag:$0x3] =	sbarrier.arrive $0xFFFF  }
0x2f4: {  	_ =	shalt  }

</sc_bundles>
